<compile_context>
chip_gen: v7x
topology: tpu7x:2x2x1
jax: 0.10.2.dev20260603
libtpu: 0.0.44.dev20260713+nightly
codegen_flags: <defaults>
</compile_context>

<pallas_src>
import functools

import jax
import jax.numpy as jnp
from jax import lax
from jax.experimental import pallas as pl
from jax.experimental.pallas import tpu as pltpu
from jax.experimental.pallas import tpu_sc as plsc

_NC = 2
_NS = 16
_NW = _NC * _NS
_BB = 128
_LANES = 16


@functools.lru_cache(maxsize=None)
def _build(batch, hist, d_model):
  assert batch == _NW * _BB and d_model % 8 == 0 and hist % 2 == 0
  d_tiles = d_model // 8
  mesh = plsc.VectorSubcoreMesh(core_axis_name="c", subcore_axis_name="s")

  @functools.partial(
      pl.kernel,
      out_type=jax.ShapeDtypeStruct((hist, d_tiles, _NW, 8, 128),
                                    jnp.float32),
      mesh=mesh,
      scratch_types=[
          pltpu.VMEM((_BB // 2 * hist,), jnp.int32),
          pltpu.VMEM((hist, _BB), jnp.int32),
          pltpu.VMEM((4, _BB, d_model), jnp.float32),
          pltpu.VMEM((4, d_tiles, 8, 128), jnp.float32),
      ] + [pltpu.SemaphoreType.DMA] * 8,
      compiler_params=pltpu.CompilerParams(
          use_tc_tiling_on_sc=False, needs_layout_passes=False),
  )
  def gather_kernel(idx_hbm, table_hbm, out_hbm, idx_raw, ids_v,
                    rows_v, outw_v, *sems):
    gsems = sems[:4]
    osems = sems[4:]
    wid = lax.axis_index("s") * _NC + lax.axis_index("c")
    iota = lax.iota(jnp.int32, _LANES)

    for half in range(2):
      b0 = half * (_BB // 2)
      pltpu.sync_copy(
          idx_hbm.at[pl.ds((wid * _BB + b0) * hist, _BB // 2 * hist)],
          idx_raw)

      @pl.loop(0, hist)
      def _(h):
        for bc in range(_BB // 2 // _LANES):
          flat = (bc * _LANES + iota) * hist + h
          v = plsc.load_gather(idx_raw, [flat])
          ids_v[h, pl.ds(b0 + bc * _LANES, _LANES)] = v

    def start_gather(h, buf):
      pltpu.async_copy(table_hbm.at[ids_v.at[h]], rows_v.at[buf],
                       gsems[buf])

    def wait_gather(h, buf):
      pltpu.make_async_copy(table_hbm.at[ids_v.at[h]], rows_v.at[buf],
                            gsems[buf]).wait()

    def start_out(h, buf):
      pltpu.async_copy(outw_v.at[buf], out_hbm.at[h, :, wid], osems[buf])

    def wait_out(h, buf):
      pltpu.make_async_copy(outw_v.at[buf], out_hbm.at[h, :, wid],
                            osems[buf]).wait()

    def build(h, buf):
      nbc = _BB // _LANES
      rows16 = [bc * _LANES + iota for bc in range(nbc)]
      zero = jnp.zeros((_LANES,), jnp.int32)

      @plsc.parallel_loop(0, d_model, unroll=4)
      def _(dd):
        t = lax.shift_right_logical(dd, 3)
        d = lax.bitwise_and(dd, 7)
        cols = zero + dd
        for bc in range(nbc):
          vals = plsc.load_gather(rows_v.at[buf], [rows16[bc], cols])
          outw_v[buf, t, d, pl.ds(bc * _LANES, _LANES)] = vals

    nbuf = 4
    for b in range(nbuf):
      start_gather(b, b)

    @pl.loop(0, hist // nbuf - 1)
    def _(hh):
      for b in range(nbuf):
        h = hh * nbuf + b

        @pl.when(hh >= 1)
        def _():
          wait_out(h - nbuf, b)

        wait_gather(h, b)
        build(h, b)
        start_out(h, b)
        start_gather(h + nbuf, b)

    for b in range(nbuf):
      h = hist - nbuf + b
      wait_out(h - nbuf, b)
      wait_gather(h, b)
      build(h, b)
      start_out(h, b)
    for b in range(nbuf):
      wait_out(hist - nbuf + b, b)

  return gather_kernel


def kernel(token_ids, W):
  batch, hist = token_ids.shape
  d_model = W.shape[1]
  ids = token_ids.reshape(-1).astype(jnp.int32)
  x = _build(batch, hist, d_model)(ids, W)
  return x.transpose(2, 4, 0, 1, 3).reshape(batch, hist, d_model)

# --- scband reference (transcript-rebuilt; emitter-appended) ---
"""Pipeline reference for scband-embedding-38001870635039 (READ-ONLY COPY).

The authoritative reference and input builder live on the scoring server;
editing this copy changes nothing except your own understanding.
"""

import jax, jax.numpy as jnp
import numpy as np

VOCAB_SIZE = 1000000
D_MODEL = 64
BATCH = 4096
HIST_LEN = 200


def setup_inputs(seed: int = 0) -> dict:
    key = jax.random.key(seed)
    k_idx, k_w = jax.random.split(key)
    token_ids = jax.random.randint(k_idx, (BATCH, HIST_LEN), 0, VOCAB_SIZE, dtype=jnp.int64 if jax.config.jax_enable_x64 else jnp.int32)
    # trunc_normal_(mean=0, std=1, a=-3, b=3)
    W = jax.random.truncated_normal(k_w, -3.0, 3.0, (VOCAB_SIZE, D_MODEL), dtype=jnp.float32)
    return {"token_ids": token_ids, "W": W}


def reference(token_ids, W):
    # Embedding lookup: W[token_ids]
    return jnp.take(W, token_ids, axis=0)

if __name__ == "__main__":
    import jax
    _d = setup_inputs()
    print(jax.jit(kernel)(*tuple(_d.values())))

</pallas_src>

<mosaic_0001>
#map = affine_map<(d0, d1) -> (0)>
#map1 = affine_map<(d0, d1) -> (0, 0)>
#map2 = affine_map<(d0, d1) -> (0, 0, 0, 0, 0)>
module attributes {stable_mosaic.version = 14 : i64} {
  func.func @gather_kernel(%arg0: i32, %arg1: i32, %arg2: memref<819200xi32, #tpu.memory_space<hbm>>, %arg3: memref<1000000x64xf32, #tpu.memory_space<hbm>>, %arg4: memref<200x8x32x8x128xf32, #tpu.memory_space<hbm>>, %arg5: memref<12800xi32, #tpu.memory_space<vmem>>, %arg6: memref<200x128xi32, #tpu.memory_space<vmem>>, %arg7: memref<4x128x64xf32, #tpu.memory_space<vmem>>, %arg8: memref<4x8x8x128xf32, #tpu.memory_space<vmem>>, %arg9: memref<!tpu.dma_semaphore, #tpu.memory_space<semaphore_mem>>, %arg10: memref<!tpu.dma_semaphore, #tpu.memory_space<semaphore_mem>>, %arg11: memref<!tpu.dma_semaphore, #tpu.memory_space<semaphore_mem>>, %arg12: memref<!tpu.dma_semaphore, #tpu.memory_space<semaphore_mem>>, %arg13: memref<!tpu.dma_semaphore, #tpu.memory_space<semaphore_mem>>, %arg14: memref<!tpu.dma_semaphore, #tpu.memory_space<semaphore_mem>>, %arg15: memref<!tpu.dma_semaphore, #tpu.memory_space<semaphore_mem>>, %arg16: memref<!tpu.dma_semaphore, #tpu.memory_space<semaphore_mem>>) attributes {dimension_semantics = [#tpu.dimension_semantics<core_parallel>, #tpu.dimension_semantics<subcore_parallel>], iteration_bounds = array<i64: 2, 16>, scalar_prefetch = 0 : i64, scratch_operands = 12 : i64, tpu.core_type = #tpu.core_type<sc_vector_subcore>, window_params = [{transform_indices = #map}, {transform_indices = #map1}, {transform_indices = #map2}]} {
    %mul3A = arith.constant 2 : i32
    %mul3A_0 = arith.muli %arg1, %mul3A : i32
    %add3A = arith.addi %mul3A_0, %arg0 : i32
    %iota3A = tpu.iota {dimensions = array<i32: 0>} : vector<16xi32>
    %mul3A_1 = arith.constant 128 : i32
    %mul3A_2 = arith.muli %add3A, %mul3A_1 : i32
    %add3A_3 = arith.constant 0 : i32
    %add3A_4 = arith.addi %mul3A_2, %add3A_3 : i32
    %mul3A_5 = arith.constant 200 : i32
    %mul3A_6 = arith.muli %add3A_4, %mul3A_5 : i32
    "tpu.region"() ({
      %run_scoped3A = tpu.sem_alloc : memref<!tpu.dma_semaphore, #tpu.memory_space<semaphore_mem>>
      %dma_start3A_499 = tpu.memref_slice %arg2[%mul3A_6] : memref<819200xi32, #tpu.memory_space<hbm>> -> memref<12800xi32, #tpu.memory_space<hbm>>
      %dma_start3A_500 = tpu.memref_slice %arg2[%mul3A_6] : memref<819200xi32, #tpu.memory_space<hbm>> -> memref<12800xi32, #tpu.memory_space<hbm>>
      tpu.enqueue_dma source(%dma_start3A_500 : memref<12800xi32, #tpu.memory_space<hbm>>) target(%arg5 : memref<12800xi32, #tpu.memory_space<vmem>>) target_semaphore(%run_scoped3A : memref<!tpu.dma_semaphore, #tpu.memory_space<semaphore_mem>>)
      %dma_wait3A_501 = tpu.memref_slice %arg2[%mul3A_6] : memref<819200xi32, #tpu.memory_space<hbm>> -> memref<12800xi32, #tpu.memory_space<hbm>>
      %dma_wait3A_502 = tpu.memref_slice %arg2[%mul3A_6] : memref<819200xi32, #tpu.memory_space<hbm>> -> memref<12800xi32, #tpu.memory_space<hbm>>
      tpu.wait_dma2 semaphore(%run_scoped3A : memref<!tpu.dma_semaphore, #tpu.memory_space<semaphore_mem>>) src(%dma_wait3A_502 : memref<12800xi32, #tpu.memory_space<hbm>>) dst(%arg5 : memref<12800xi32, #tpu.memory_space<vmem>>)
      tpu.yield
    }) : () -> ()
    %scan3A = arith.constant 0 : i32
    %scan3A_7 = arith.constant 200 : i32
    %scan3A_8 = arith.addi %scan3A, %scan3A_7 : i32
    %scan3A_9 = arith.constant 1 : i32
    scf.for %scan3A_499 = %scan3A to %scan3A_8 step %scan3A_9  : i32 {
      %mul3A_500 = arith.constant 1 : i32
      %mul3A_501 = arith.muli %scan3A_499, %mul3A_500 : i32
      %add3A_502 = arith.constant 0 : i32
      %add3A_503 = arith.addi %add3A_502, %mul3A_501 : i32
      %add3A_504 = arith.constant 0 : i32
      %add3A_505 = vector.broadcast %add3A_504 : i32 to vector<16xi32>
      %add3A_506 = arith.addi %add3A_505, %iota3A : vector<16xi32>
      %mul3A_507 = arith.constant 200 : i32
      %mul3A_508 = vector.broadcast %mul3A_507 : i32 to vector<16xi32>
      %mul3A_509 = arith.muli %add3A_506, %mul3A_508 : vector<16xi32>
      %add3A_510 = vector.broadcast %add3A_503 : i32 to vector<16xi32>
      %add3A_511 = arith.addi %mul3A_509, %add3A_510 : vector<16xi32>
      %gather3A = tpu.vector_load_idx %arg5[%add3A_511] : memref<12800xi32, #tpu.memory_space<vmem>>[vector<16xi32>], vector<16xi32>,
      %swap3A = arith.index_cast %add3A_503 : i32 to index
      %swap3A_512 = arith.constant 0 : index
      %swap3A_513 = tpu.vector_load %arg6[%swap3A, %swap3A_512] {strides = array<i32>} : memref<200x128xi32, #tpu.memory_space<vmem>>, vector<16xi32>,
      tpu.vector_store %arg6[%swap3A, %swap3A_512], %gather3A {strides = array<i32>} : memref<200x128xi32, #tpu.memory_space<vmem>>, vector<16xi32>,
      %add3A_514 = arith.constant 16 : i32
      %add3A_515 = vector.broadcast %add3A_514 : i32 to vector<16xi32>
      %add3A_516 = arith.addi %add3A_515, %iota3A : vector<16xi32>
      %mul3A_517 = arith.constant 200 : i32
      %mul3A_518 = vector.broadcast %mul3A_517 : i32 to vector<16xi32>
      %mul3A_519 = arith.muli %add3A_516, %mul3A_518 : vector<16xi32>
      %add3A_520 = vector.broadcast %add3A_503 : i32 to vector<16xi32>
      %add3A_521 = arith.addi %mul3A_519, %add3A_520 : vector<16xi32>
      %gather3A_522 = tpu.vector_load_idx %arg5[%add3A_521] : memref<12800xi32, #tpu.memory_space<vmem>>[vector<16xi32>], vector<16xi32>,
      %swap3A_523 = arith.index_cast %add3A_503 : i32 to index
      %swap3A_524 = arith.constant 16 : index
      %swap3A_525 = tpu.vector_load %arg6[%swap3A_523, %swap3A_524] {strides = array<i32>} : memref<200x128xi32, #tpu.memory_space<vmem>>, vector<16xi32>,
      tpu.vector_store %arg6[%swap3A_523, %swap3A_524], %gather3A_522 {strides = array<i32>} : memref<200x128xi32, #tpu.memory_space<vmem>>, vector<16xi32>,
      %add3A_526 = arith.constant 32 : i32
      %add3A_527 = vector.broadcast %add3A_526 : i32 to vector<16xi32>
      %add3A_528 = arith.addi %add3A_527, %iota3A : vector<16xi32>
      %mul3A_529 = arith.constant 200 : i32
      %mul3A_530 = vector.broadcast %mul3A_529 : i32 to vector<16xi32>
      %mul3A_531 = arith.muli %add3A_528, %mul3A_530 : vector<16xi32>
      %add3A_532 = vector.broadcast %add3A_503 : i32 to vector<16xi32>
      %add3A_533 = arith.addi %mul3A_531, %add3A_532 : vector<16xi32>
      %gather3A_534 = tpu.vector_load_idx %arg5[%add3A_533] : memref<12800xi32, #tpu.memory_space<vmem>>[vector<16xi32>], vector<16xi32>,
      %swap3A_535 = arith.index_cast %add3A_503 : i32 to index
      %swap3A_536 = arith.constant 32 : index
      %swap3A_537 = tpu.vector_load %arg6[%swap3A_535, %swap3A_536] {strides = array<i32>} : memref<200x128xi32, #tpu.memory_space<vmem>>, vector<16xi32>,
      tpu.vector_store %arg6[%swap3A_535, %swap3A_536], %gather3A_534 {strides = array<i32>} : memref<200x128xi32, #tpu.memory_space<vmem>>, vector<16xi32>,
      %add3A_538 = arith.constant 48 : i32
      %add3A_539 = vector.broadcast %add3A_538 : i32 to vector<16xi32>
      %add3A_540 = arith.addi %add3A_539, %iota3A : vector<16xi32>
      %mul3A_541 = arith.constant 200 : i32
      %mul3A_542 = vector.broadcast %mul3A_541 : i32 to vector<16xi32>
      %mul3A_543 = arith.muli %add3A_540, %mul3A_542 : vector<16xi32>
      %add3A_544 = vector.broadcast %add3A_503 : i32 to vector<16xi32>
      %add3A_545 = arith.addi %mul3A_543, %add3A_544 : vector<16xi32>
      %gather3A_546 = tpu.vector_load_idx %arg5[%add3A_545] : memref<12800xi32, #tpu.memory_space<vmem>>[vector<16xi32>], vector<16xi32>,
      %swap3A_547 = arith.index_cast %add3A_503 : i32 to index
      %swap3A_548 = arith.constant 48 : index
      %swap3A_549 = tpu.vector_load %arg6[%swap3A_547, %swap3A_548] {strides = array<i32>} : memref<200x128xi32, #tpu.memory_space<vmem>>, vector<16xi32>,
      tpu.vector_store %arg6[%swap3A_547, %swap3A_548], %gather3A_546 {strides = array<i32>} : memref<200x128xi32, #tpu.memory_space<vmem>>, vector<16xi32>,
    }
    %scan3A_10 = arith.constant 200 : i32
    %mul3A_11 = arith.constant 128 : i32
    %mul3A_12 = arith.muli %add3A, %mul3A_11 : i32
    %add3A_13 = arith.constant 64 : i32
    %add3A_14 = arith.addi %mul3A_12, %add3A_13 : i32
    %mul3A_15 = arith.constant 200 : i32
    %mul3A_16 = arith.muli %add3A_14, %mul3A_15 : i32
    "tpu.region"() ({
      %run_scoped3A = tpu.sem_alloc : memref<!tpu.dma_semaphore, #tpu.memory_space<semaphore_mem>>
      %dma_start3A_499 = tpu.memref_slice %arg2[%mul3A_16] : memref<819200xi32, #tpu.memory_space<hbm>> -> memref<12800xi32, #tpu.memory_space<hbm>>
      %dma_start3A_500 = tpu.memref_slice %arg2[%mul3A_16] : memref<819200xi32, #tpu.memory_space<hbm>> -> memref<12800xi32, #tpu.memory_space<hbm>>
      tpu.enqueue_dma source(%dma_start3A_500 : memref<12800xi32, #tpu.memory_space<hbm>>) target(%arg5 : memref<12800xi32, #tpu.memory_space<vmem>>) target_semaphore(%run_scoped3A : memref<!tpu.dma_semaphore, #tpu.memory_space<semaphore_mem>>)
      %dma_wait3A_501 = tpu.memref_slice %arg2[%mul3A_16] : memref<819200xi32, #tpu.memory_space<hbm>> -> memref<12800xi32, #tpu.memory_space<hbm>>
      %dma_wait3A_502 = tpu.memref_slice %arg2[%mul3A_16] : memref<819200xi32, #tpu.memory_space<hbm>> -> memref<12800xi32, #tpu.memory_space<hbm>>
      tpu.wait_dma2 semaphore(%run_scoped3A : memref<!tpu.dma_semaphore, #tpu.memory_space<semaphore_mem>>) src(%dma_wait3A_502 : memref<12800xi32, #tpu.memory_space<hbm>>) dst(%arg5 : memref<12800xi32, #tpu.memory_space<vmem>>)
      tpu.yield
    }) : () -> ()
    %scan3A_17 = arith.constant 0 : i32
    %scan3A_18 = arith.constant 200 : i32
    %scan3A_19 = arith.addi %scan3A_17, %scan3A_18 : i32
    %scan3A_20 = arith.constant 1 : i32
    scf.for %scan3A_499 = %scan3A_17 to %scan3A_19 step %scan3A_20  : i32 {
      %mul3A_500 = arith.constant 1 : i32
      %mul3A_501 = arith.muli %scan3A_499, %mul3A_500 : i32
      %add3A_502 = arith.constant 0 : i32
      %add3A_503 = arith.addi %add3A_502, %mul3A_501 : i32
      %add3A_504 = arith.constant 0 : i32
      %add3A_505 = vector.broadcast %add3A_504 : i32 to vector<16xi32>
      %add3A_506 = arith.addi %add3A_505, %iota3A : vector<16xi32>
      %mul3A_507 = arith.constant 200 : i32
      %mul3A_508 = vector.broadcast %mul3A_507 : i32 to vector<16xi32>
      %mul3A_509 = arith.muli %add3A_506, %mul3A_508 : vector<16xi32>
      %add3A_510 = vector.broadcast %add3A_503 : i32 to vector<16xi32>
      %add3A_511 = arith.addi %mul3A_509, %add3A_510 : vector<16xi32>
      %gather3A = tpu.vector_load_idx %arg5[%add3A_511] : memref<12800xi32, #tpu.memory_space<vmem>>[vector<16xi32>], vector<16xi32>,
      %swap3A = arith.index_cast %add3A_503 : i32 to index
      %swap3A_512 = arith.constant 64 : index
      %swap3A_513 = tpu.vector_load %arg6[%swap3A, %swap3A_512] {strides = array<i32>} : memref<200x128xi32, #tpu.memory_space<vmem>>, vector<16xi32>,
      tpu.vector_store %arg6[%swap3A, %swap3A_512], %gather3A {strides = array<i32>} : memref<200x128xi32, #tpu.memory_space<vmem>>, vector<16xi32>,
      %add3A_514 = arith.constant 16 : i32
      %add3A_515 = vector.broadcast %add3A_514 : i32 to vector<16xi32>
      %add3A_516 = arith.addi %add3A_515, %iota3A : vector<16xi32>
      %mul3A_517 = arith.constant 200 : i32
      %mul3A_518 = vector.broadcast %mul3A_517 : i32 to vector<16xi32>
      %mul3A_519 = arith.muli %add3A_516, %mul3A_518 : vector<16xi32>
      %add3A_520 = vector.broadcast %add3A_503 : i32 to vector<16xi32>
      %add3A_521 = arith.addi %mul3A_519, %add3A_520 : vector<16xi32>
      %gather3A_522 = tpu.vector_load_idx %arg5[%add3A_521] : memref<12800xi32, #tpu.memory_space<vmem>>[vector<16xi32>], vector<16xi32>,
      %swap3A_523 = arith.index_cast %add3A_503 : i32 to index
      %swap3A_524 = arith.constant 80 : index
      %swap3A_525 = tpu.vector_load %arg6[%swap3A_523, %swap3A_524] {strides = array<i32>} : memref<200x128xi32, #tpu.memory_space<vmem>>, vector<16xi32>,
      tpu.vector_store %arg6[%swap3A_523, %swap3A_524], %gather3A_522 {strides = array<i32>} : memref<200x128xi32, #tpu.memory_space<vmem>>, vector<16xi32>,
      %add3A_526 = arith.constant 32 : i32
      %add3A_527 = vector.broadcast %add3A_526 : i32 to vector<16xi32>
      %add3A_528 = arith.addi %add3A_527, %iota3A : vector<16xi32>
      %mul3A_529 = arith.constant 200 : i32
      %mul3A_530 = vector.broadcast %mul3A_529 : i32 to vector<16xi32>
      %mul3A_531 = arith.muli %add3A_528, %mul3A_530 : vector<16xi32>
      %add3A_532 = vector.broadcast %add3A_503 : i32 to vector<16xi32>
      %add3A_533 = arith.addi %mul3A_531, %add3A_532 : vector<16xi32>
      %gather3A_534 = tpu.vector_load_idx %arg5[%add3A_533] : memref<12800xi32, #tpu.memory_space<vmem>>[vector<16xi32>], vector<16xi32>,
      %swap3A_535 = arith.index_cast %add3A_503 : i32 to index
      %swap3A_536 = arith.constant 96 : index
      %swap3A_537 = tpu.vector_load %arg6[%swap3A_535, %swap3A_536] {strides = array<i32>} : memref<200x128xi32, #tpu.memory_space<vmem>>, vector<16xi32>,
      tpu.vector_store %arg6[%swap3A_535, %swap3A_536], %gather3A_534 {strides = array<i32>} : memref<200x128xi32, #tpu.memory_space<vmem>>, vector<16xi32>,
      %add3A_538 = arith.constant 48 : i32
      %add3A_539 = vector.broadcast %add3A_538 : i32 to vector<16xi32>
      %add3A_540 = arith.addi %add3A_539, %iota3A : vector<16xi32>
      %mul3A_541 = arith.constant 200 : i32
      %mul3A_542 = vector.broadcast %mul3A_541 : i32 to vector<16xi32>
      %mul3A_543 = arith.muli %add3A_540, %mul3A_542 : vector<16xi32>
      %add3A_544 = vector.broadcast %add3A_503 : i32 to vector<16xi32>
      %add3A_545 = arith.addi %mul3A_543, %add3A_544 : vector<16xi32>
      %gather3A_546 = tpu.vector_load_idx %arg5[%add3A_545] : memref<12800xi32, #tpu.memory_space<vmem>>[vector<16xi32>], vector<16xi32>,
      %swap3A_547 = arith.index_cast %add3A_503 : i32 to index
      %swap3A_548 = arith.constant 112 : index
      %swap3A_549 = tpu.vector_load %arg6[%swap3A_547, %swap3A_548] {strides = array<i32>} : memref<200x128xi32, #tpu.memory_space<vmem>>, vector<16xi32>,
      tpu.vector_store %arg6[%swap3A_547, %swap3A_548], %gather3A_546 {strides = array<i32>} : memref<200x128xi32, #tpu.memory_space<vmem>>, vector<16xi32>,
    }
    %scan3A_21 = arith.constant 200 : i32
    %dma_start3A = arith.constant 0 : i32
    %dma_start3A_22 = arith.constant 0 : i32
    %dma_start3A_23 = arith.constant 0 : i32
    %dma_start3A_24 = arith.constant 0 : i32
    %dma_start3A_25 = tpu.memref_slice %arg7[%dma_start3A_22, %dma_start3A_23, %dma_start3A_24] : memref<4x128x64xf32, #tpu.memory_space<vmem>> -> memref<1x128x64xf32, #tpu.memory_space<vmem>>
    %dma_start3A_26 = tpu.memref_squeeze %dma_start3A_25 : memref<1x128x64xf32, #tpu.memory_space<vmem>> -> memref<128x64xf32, #tpu.memory_space<vmem>>
    %dma_start3A_27 = arith.constant 0 : i32
    %dma_start3A_28 = tpu.memref_slice %arg6[%dma_start3A, %dma_start3A_27] : memref<200x128xi32, #tpu.memory_space<vmem>> -> memref<1x128xi32, #tpu.memory_space<vmem>>
    %dma_start3A_29 = tpu.memref_squeeze %dma_start3A_28 : memref<1x128xi32, #tpu.memory_space<vmem>> -> memref<128xi32, #tpu.memory_space<vmem>>
    %dma_start3A_30 = arith.constant 0 : i32
    %dma_start3A_31 = arith.constant 0 : i32
    %dma_start3A_32 = tpu.memref_slice %arg3[%dma_start3A_30, %dma_start3A_31] : memref<1000000x64xf32, #tpu.memory_space<hbm>> -> memref<1000000x64xf32, #tpu.memory_space<hbm>>
    tpu.enqueue_indirect_dma source(%dma_start3A_32 : memref<1000000x64xf32, #tpu.memory_space<hbm>>) target(%dma_start3A_26 : memref<128x64xf32, #tpu.memory_space<vmem>>) offsets(%dma_start3A_29 : memref<128xi32, #tpu.memory_space<vmem>>) semaphore(%arg9 : memref<!tpu.dma_semaphore, #tpu.memory_space<semaphore_mem>>)
    %dma_start3A_33 = arith.constant 1 : i32
    %dma_start3A_34 = arith.constant 1 : i32
    %dma_start3A_35 = arith.constant 0 : i32
    %dma_start3A_36 = arith.constant 0 : i32
    %dma_start3A_37 = tpu.memref_slice %arg7[%dma_start3A_34, %dma_start3A_35, %dma_start3A_36] : memref<4x128x64xf32, #tpu.memory_space<vmem>> -> memref<1x128x64xf32, #tpu.memory_space<vmem>>
    %dma_start3A_38 = tpu.memref_squeeze %dma_start3A_37 : memref<1x128x64xf32, #tpu.memory_space<vmem>> -> memref<128x64xf32, #tpu.memory_space<vmem>>
    %dma_start3A_39 = arith.constant 0 : i32
    %dma_start3A_40 = tpu.memref_slice %arg6[%dma_start3A_33, %dma_start3A_39] : memref<200x128xi32, #tpu.memory_space<vmem>> -> memref<1x128xi32, #tpu.memory_space<vmem>>
    %dma_start3A_41 = tpu.memref_squeeze %dma_start3A_40 : memref<1x128xi32, #tpu.memory_space<vmem>> -> memref<128xi32, #tpu.memory_space<vmem>>
    %dma_start3A_42 = arith.constant 0 : i32
    %dma_start3A_43 = arith.constant 0 : i32
    %dma_start3A_44 = tpu.memref_slice %arg3[%dma_start3A_42, %dma_start3A_43] : memref<1000000x64xf32, #tpu.memory_space<hbm>> -> memref<1000000x64xf32, #tpu.memory_space<hbm>>
    tpu.enqueue_indirect_dma source(%dma_start3A_44 : memref<1000000x64xf32, #tpu.memory_space<hbm>>) target(%dma_start3A_38 : memref<128x64xf32, #tpu.memory_space<vmem>>) offsets(%dma_start3A_41 : memref<128xi32, #tpu.memory_space<vmem>>) semaphore(%arg10 : memref<!tpu.dma_semaphore, #tpu.memory_space<semaphore_mem>>)
    %dma_start3A_45 = arith.constant 2 : i32
    %dma_start3A_46 = arith.constant 2 : i32
    %dma_start3A_47 = arith.constant 0 : i32
    %dma_start3A_48 = arith.constant 0 : i32
    %dma_start3A_49 = tpu.memref_slice %arg7[%dma_start3A_46, %dma_start3A_47, %dma_start3A_48] : memref<4x128x64xf32, #tpu.memory_space<vmem>> -> memref<1x128x64xf32, #tpu.memory_space<vmem>>
    %dma_start3A_50 = tpu.memref_squeeze %dma_start3A_49 : memref<1x128x64xf32, #tpu.memory_space<vmem>> -> memref<128x64xf32, #tpu.memory_space<vmem>>
    %dma_start3A_51 = arith.constant 0 : i32
    %dma_start3A_52 = tpu.memref_slice %arg6[%dma_start3A_45, %dma_start3A_51] : memref<200x128xi32, #tpu.memory_space<vmem>> -> memref<1x128xi32, #tpu.memory_space<vmem>>
    %dma_start3A_53 = tpu.memref_squeeze %dma_start3A_52 : memref<1x128xi32, #tpu.memory_space<vmem>> -> memref<128xi32, #tpu.memory_space<vmem>>
    %dma_start3A_54 = arith.constant 0 : i32
    %dma_start3A_55 = arith.constant 0 : i32
    %dma_start3A_56 = tpu.memref_slice %arg3[%dma_start3A_54, %dma_start3A_55] : memref<1000000x64xf32, #tpu.memory_space<hbm>> -> memref<1000000x64xf32, #tpu.memory_space<hbm>>
    tpu.enqueue_indirect_dma source(%dma_start3A_56 : memref<1000000x64xf32, #tpu.memory_space<hbm>>) target(%dma_start3A_50 : memref<128x64xf32, #tpu.memory_space<vmem>>) offsets(%dma_start3A_53 : memref<128xi32, #tpu.memory_space<vmem>>) semaphore(%arg11 : memref<!tpu.dma_semaphore, #tpu.memory_space<semaphore_mem>>)
    %dma_start3A_57 = arith.constant 3 : i32
    %dma_start3A_58 = arith.constant 3 : i32
    %dma_start3A_59 = arith.constant 0 : i32
    %dma_start3A_60 = arith.constant 0 : i32
    %dma_start3A_61 = tpu.memref_slice %arg7[%dma_start3A_58, %dma_start3A_59, %dma_start3A_60] : memref<4x128x64xf32, #tpu.memory_space<vmem>> -> memref<1x128x64xf32, #tpu.memory_space<vmem>>
    %dma_start3A_62 = tpu.memref_squeeze %dma_start3A_61 : memref<1x128x64xf32, #tpu.memory_space<vmem>> -> memref<128x64xf32, #tpu.memory_space<vmem>>
    %dma_start3A_63 = arith.constant 0 : i32
    %dma_start3A_64 = tpu.memref_slice %arg6[%dma_start3A_57, %dma_start3A_63] : memref<200x128xi32, #tpu.memory_space<vmem>> -> memref<1x128xi32, #tpu.memory_space<vmem>>
    %dma_start3A_65 = tpu.memref_squeeze %dma_start3A_64 : memref<1x128xi32, #tpu.memory_space<vmem>> -> memref<128xi32, #tpu.memory_space<vmem>>
    %dma_start3A_66 = arith.constant 0 : i32
    %dma_start3A_67 = arith.constant 0 : i32
    %dma_start3A_68 = tpu.memref_slice %arg3[%dma_start3A_66, %dma_start3A_67] : memref<1000000x64xf32, #tpu.memory_space<hbm>> -> memref<1000000x64xf32, #tpu.memory_space<hbm>>
    tpu.enqueue_indirect_dma source(%dma_start3A_68 : memref<1000000x64xf32, #tpu.memory_space<hbm>>) target(%dma_start3A_62 : memref<128x64xf32, #tpu.memory_space<vmem>>) offsets(%dma_start3A_65 : memref<128xi32, #tpu.memory_space<vmem>>) semaphore(%arg12 : memref<!tpu.dma_semaphore, #tpu.memory_space<semaphore_mem>>)
    %scan3A_69 = arith.constant 0 : i32
    %scan3A_70 = arith.constant 49 : i32
    %scan3A_71 = arith.addi %scan3A_69, %scan3A_70 : i32
    %scan3A_72 = arith.constant 1 : i32
    scf.for %scan3A_499 = %scan3A_69 to %scan3A_71 step %scan3A_72  : i32 {
      %mul3A_500 = arith.constant 1 : i32
      %mul3A_501 = arith.muli %scan3A_499, %mul3A_500 : i32
      %add3A_502 = arith.constant 0 : i32
      %add3A_503 = arith.addi %add3A_502, %mul3A_501 : i32
      %mul3A_504 = arith.constant 4 : i32
      %mul3A_505 = arith.muli %add3A_503, %mul3A_504 : i32
      %add3A_506 = arith.constant 0 : i32
      %add3A_507 = arith.addi %mul3A_505, %add3A_506 : i32
      %ge3A = arith.constant 1 : i32
      %ge3A_508 = arith.cmpi sge, %add3A_503, %ge3A : i32
      %convert_element_type3A = arith.extui %ge3A_508 : i1 to i32
      %cond3A = arith.constant 0 : i32
      %cond3A_509 = arith.cmpi ne, %convert_element_type3A, %cond3A : i32
      scf.if %cond3A_509 {
        %sub3A = arith.constant 4 : i32
        %sub3A_833 = arith.subi %add3A_507, %sub3A : i32
        %dma_wait3A_834 = arith.constant 0 : i32
        %dma_wait3A_835 = arith.constant 0 : i32
        %dma_wait3A_836 = arith.constant 0 : i32
        %dma_wait3A_837 = arith.constant 0 : i32
        %dma_wait3A_838 = tpu.memref_slice %arg8[%dma_wait3A_834, %dma_wait3A_835, %dma_wait3A_836, %dma_wait3A_837] : memref<4x8x8x128xf32, #tpu.memory_space<vmem>> -> memref<1x8x8x128xf32, #tpu.memory_space<vmem>>
        %dma_wait3A_839 = tpu.memref_squeeze %dma_wait3A_838 : memref<1x8x8x128xf32, #tpu.memory_space<vmem>> -> memref<8x8x128xf32, #tpu.memory_space<vmem>>
        %dma_wait3A_840 = arith.constant 0 : i32
        %dma_wait3A_841 = arith.constant 0 : i32
        %dma_wait3A_842 = arith.constant 0 : i32
        %dma_wait3A_843 = tpu.memref_slice %arg4[%sub3A_833, %dma_wait3A_840, %add3A, %dma_wait3A_841, %dma_wait3A_842] : memref<200x8x32x8x128xf32, #tpu.memory_space<hbm>> -> memref<1x8x1x8x128xf32, #tpu.memory_space<hbm>>
        %dma_wait3A_844 = tpu.memref_squeeze %dma_wait3A_843 : memref<1x8x1x8x128xf32, #tpu.memory_space<hbm>> -> memref<8x8x128xf32, #tpu.memory_space<hbm>>
        %dma_wait3A_845 = arith.constant 0 : i32
        %dma_wait3A_846 = arith.constant 0 : i32
        %dma_wait3A_847 = arith.constant 0 : i32
        %dma_wait3A_848 = tpu.memref_slice %arg4[%sub3A_833, %dma_wait3A_845, %add3A, %dma_wait3A_846, %dma_wait3A_847] : memref<200x8x32x8x128xf32, #tpu.memory_space<hbm>> -> memref<1x8x1x8x128xf32, #tpu.memory_space<hbm>>
        %dma_wait3A_849 = tpu.memref_squeeze %dma_wait3A_848 : memref<1x8x1x8x128xf32, #tpu.memory_space<hbm>> -> memref<8x8x128xf32, #tpu.memory_space<hbm>>
        %dma_wait3A_850 = arith.constant 0 : i32
        %dma_wait3A_851 = arith.constant 0 : i32
        %dma_wait3A_852 = arith.constant 0 : i32
        %dma_wait3A_853 = tpu.memref_slice %arg8[%dma_wait3A_834, %dma_wait3A_850, %dma_wait3A_851, %dma_wait3A_852] : memref<4x8x8x128xf32, #tpu.memory_space<vmem>> -> memref<1x8x8x128xf32, #tpu.memory_space<vmem>>
        %dma_wait3A_854 = tpu.memref_squeeze %dma_wait3A_853 : memref<1x8x8x128xf32, #tpu.memory_space<vmem>> -> memref<8x8x128xf32, #tpu.memory_space<vmem>>
        tpu.wait_dma2 semaphore(%arg13 : memref<!tpu.dma_semaphore, #tpu.memory_space<semaphore_mem>>) src(%dma_wait3A_854 : memref<8x8x128xf32, #tpu.memory_space<vmem>>) dst(%dma_wait3A_849 : memref<8x8x128xf32, #tpu.memory_space<hbm>>)
      } else {
      }
      %dma_wait3A_510 = arith.constant 0 : i32
      %dma_wait3A_511 = arith.constant 0 : i32
      %dma_wait3A_512 = arith.constant 0 : i32
      %dma_wait3A_513 = tpu.memref_slice %arg7[%dma_wait3A_510, %dma_wait3A_511, %dma_wait3A_512] : memref<4x128x64xf32, #tpu.memory_space<vmem>> -> memref<1x128x64xf32, #tpu.memory_space<vmem>>
      %dma_wait3A_514 = tpu.memref_squeeze %dma_wait3A_513 : memref<1x128x64xf32, #tpu.memory_space<vmem>> -> memref<128x64xf32, #tpu.memory_space<vmem>>
      %dma_wait3A_515 = arith.constant 0 : i32
      %dma_wait3A_516 = tpu.memref_slice %arg6[%add3A_507, %dma_wait3A_515] : memref<200x128xi32, #tpu.memory_space<vmem>> -> memref<1x128xi32, #tpu.memory_space<vmem>>
      %dma_wait3A_517 = tpu.memref_squeeze %dma_wait3A_516 : memref<1x128xi32, #tpu.memory_space<vmem>> -> memref<128xi32, #tpu.memory_space<vmem>>
      %dma_wait3A_518 = arith.constant 0 : i32
      %dma_wait3A_519 = arith.constant 0 : i32
      %dma_wait3A_520 = tpu.memref_slice %arg3[%dma_wait3A_518, %dma_wait3A_519] : memref<1000000x64xf32, #tpu.memory_space<hbm>> -> memref<1000000x64xf32, #tpu.memory_space<hbm>>
      tpu.wait_indirect_dma semaphore(%arg9 : memref<!tpu.dma_semaphore, #tpu.memory_space<semaphore_mem>>) src(%dma_wait3A_520 : memref<1000000x64xf32, #tpu.memory_space<hbm>>) dst(%dma_wait3A_514 : memref<128x64xf32, #tpu.memory_space<vmem>>)
      %add3A_521 = arith.constant 0 : i32
      %add3A_522 = vector.broadcast %add3A_521 : i32 to vector<16xi32>
      %add3A_523 = arith.addi %add3A_522, %iota3A : vector<16xi32>
      %add3A_524 = arith.constant 16 : i32
      %add3A_525 = vector.broadcast %add3A_524 : i32 to vector<16xi32>
      %add3A_526 = arith.addi %add3A_525, %iota3A : vector<16xi32>
      %add3A_527 = arith.constant 32 : i32
      %add3A_528 = vector.broadcast %add3A_527 : i32 to vector<16xi32>
      %add3A_529 = arith.addi %add3A_528, %iota3A : vector<16xi32>
      %add3A_530 = arith.constant 48 : i32
      %add3A_531 = vector.broadcast %add3A_530 : i32 to vector<16xi32>
      %add3A_532 = arith.addi %add3A_531, %iota3A : vector<16xi32>
      %add3A_533 = arith.constant 64 : i32
      %add3A_534 = vector.broadcast %add3A_533 : i32 to vector<16xi32>
      %add3A_535 = arith.addi %add3A_534, %iota3A : vector<16xi32>
      %add3A_536 = arith.constant 80 : i32
      %add3A_537 = vector.broadcast %add3A_536 : i32 to vector<16xi32>
      %add3A_538 = arith.addi %add3A_537, %iota3A : vector<16xi32>
      %add3A_539 = arith.constant 96 : i32
      %add3A_540 = vector.broadcast %add3A_539 : i32 to vector<16xi32>
      %add3A_541 = arith.addi %add3A_540, %iota3A : vector<16xi32>
      %add3A_542 = arith.constant 112 : i32
      %add3A_543 = vector.broadcast %add3A_542 : i32 to vector<16xi32>
      %add3A_544 = arith.addi %add3A_543, %iota3A : vector<16xi32>
      %broadcast_in_dim3A_545 = arith.constant 0 : i32
      %broadcast_in_dim3A_546 = vector.broadcast %broadcast_in_dim3A_545 : i32 to vector<16xi32>
      %parallel_loop3A_547 = arith.constant 0 : i32
      %parallel_loop3A_548 = arith.constant 64 : i32
      %parallel_loop3A_549 = arith.constant 1 : i32
      scf.for %parallel_loop3A_833 = %parallel_loop3A_547 to %parallel_loop3A_548 step %parallel_loop3A_549  : i32 {
        %parallel_loop3A_834 = arith.constant 3 : i32
        %parallel_loop3A_835 = arith.shrui %parallel_loop3A_833, %parallel_loop3A_834 : i32
        %parallel_loop3A_836 = arith.constant 7 : i32
        %parallel_loop3A_837 = arith.andi %parallel_loop3A_833, %parallel_loop3A_836 : i32
        %parallel_loop3A_838 = vector.broadcast %parallel_loop3A_833 : i32 to vector<16xi32>
        %parallel_loop3A_839 = arith.addi %broadcast_in_dim3A_546, %parallel_loop3A_838 : vector<16xi32>
        %parallel_loop3A_840 = arith.constant 0 : i32
        %parallel_loop3A_841 = arith.constant 0 : i32
        %parallel_loop3A_842 = arith.constant 0 : i32
        %parallel_loop3A_843 = tpu.memref_slice %arg7[%parallel_loop3A_840, %parallel_loop3A_841, %parallel_loop3A_842] : memref<4x128x64xf32, #tpu.memory_space<vmem>> -> memref<1x128x64xf32, #tpu.memory_space<vmem>>
        %parallel_loop3A_844 = tpu.memref_squeeze %parallel_loop3A_843 : memref<1x128x64xf32, #tpu.memory_space<vmem>> -> memref<128x64xf32, #tpu.memory_space<vmem>>
        %parallel_loop3A_845 = tpu.vector_load_idx %parallel_loop3A_844[%add3A_523, %parallel_loop3A_839] : memref<128x64xf32, #tpu.memory_space<vmem>>[vector<16xi32>, vector<16xi32>], vector<16xf32>,
        %parallel_loop3A_846 = arith.constant 0 : i32
        %parallel_loop3A_847 = arith.index_cast %parallel_loop3A_846 : i32 to index
        %parallel_loop3A_848 = arith.index_cast %parallel_loop3A_835 : i32 to index
        %parallel_loop3A_849 = arith.index_cast %parallel_loop3A_837 : i32 to index
        %parallel_loop3A_850 = arith.constant 0 : index
        %parallel_loop3A_851 = tpu.vector_load %arg8[%parallel_loop3A_847, %parallel_loop3A_848, %parallel_loop3A_849, %parallel_loop3A_850] {strides = array<i32>} : memref<4x8x8x128xf32, #tpu.memory_space<vmem>>, vector<16xf32>,
        tpu.vector_store %arg8[%parallel_loop3A_847, %parallel_loop3A_848, %parallel_loop3A_849, %parallel_loop3A_850], %parallel_loop3A_845 {strides = array<i32>} : memref<4x8x8x128xf32, #tpu.memory_space<vmem>>, vector<16xf32>,
        %parallel_loop3A_852 = arith.constant 0 : i32
        %parallel_loop3A_853 = arith.constant 0 : i32
        %parallel_loop3A_854 = arith.constant 0 : i32
        %parallel_loop3A_855 = tpu.memref_slice %arg7[%parallel_loop3A_852, %parallel_loop3A_853, %parallel_loop3A_854] : memref<4x128x64xf32, #tpu.memory_space<vmem>> -> memref<1x128x64xf32, #tpu.memory_space<vmem>>
        %parallel_loop3A_856 = tpu.memref_squeeze %parallel_loop3A_855 : memref<1x128x64xf32, #tpu.memory_space<vmem>> -> memref<128x64xf32, #tpu.memory_space<vmem>>
        %parallel_loop3A_857 = tpu.vector_load_idx %parallel_loop3A_856[%add3A_526, %parallel_loop3A_839] : memref<128x64xf32, #tpu.memory_space<vmem>>[vector<16xi32>, vector<16xi32>], vector<16xf32>,
        %parallel_loop3A_858 = arith.constant 0 : i32
        %parallel_loop3A_859 = arith.index_cast %parallel_loop3A_858 : i32 to index
        %parallel_loop3A_860 = arith.index_cast %parallel_loop3A_835 : i32 to index
        %parallel_loop3A_861 = arith.index_cast %parallel_loop3A_837 : i32 to index
        %parallel_loop3A_862 = arith.constant 16 : index
        %parallel_loop3A_863 = tpu.vector_load %arg8[%parallel_loop3A_859, %parallel_loop3A_860, %parallel_loop3A_861, %parallel_loop3A_862] {strides = array<i32>} : memref<4x8x8x128xf32, #tpu.memory_space<vmem>>, vector<16xf32>,
        tpu.vector_store %arg8[%parallel_loop3A_859, %parallel_loop3A_860, %parallel_loop3A_861, %parallel_loop3A_862], %parallel_loop3A_857 {strides = array<i32>} : memref<4x8x8x128xf32, #tpu.memory_space<vmem>>, vector<16xf32>,
        %parallel_loop3A_864 = arith.constant 0 : i32
        %parallel_loop3A_865 = arith.constant 0 : i32
        %parallel_loop3A_866 = arith.constant 0 : i32
        %parallel_loop3A_867 = tpu.memref_slice %arg7[%parallel_loop3A_864, %parallel_loop3A_865, %parallel_loop3A_866] : memref<4x128x64xf32, #tpu.memory_space<vmem>> -> memref<1x128x64xf32, #tpu.memory_space<vmem>>
        %parallel_loop3A_868 = tpu.memref_squeeze %parallel_loop3A_867 : memref<1x128x64xf32, #tpu.memory_space<vmem>> -> memref<128x64xf32, #tpu.memory_space<vmem>>
        %parallel_loop3A_869 = tpu.vector_load_idx %parallel_loop3A_868[%add3A_529, %parallel_loop3A_839] : memref<128x64xf32, #tpu.memory_space<vmem>>[vector<16xi32>, vector<16xi32>], vector<16xf32>,
        %parallel_loop3A_870 = arith.constant 0 : i32
        %parallel_loop3A_871 = arith.index_cast %parallel_loop3A_870 : i32 to index
        %parallel_loop3A_872 = arith.index_cast %parallel_loop3A_835 : i32 to index
        %parallel_loop3A_873 = arith.index_cast %parallel_loop3A_837 : i32 to index
        %parallel_loop3A_874 = arith.constant 32 : index
        %parallel_loop3A_875 = tpu.vector_load %arg8[%parallel_loop3A_871, %parallel_loop3A_872, %parallel_loop3A_873, %parallel_loop3A_874] {strides = array<i32>} : memref<4x8x8x128xf32, #tpu.memory_space<vmem>>, vector<16xf32>,
        tpu.vector_store %arg8[%parallel_loop3A_871, %parallel_loop3A_872, %parallel_loop3A_873, %parallel_loop3A_874], %parallel_loop3A_869 {strides = array<i32>} : memref<4x8x8x128xf32, #tpu.memory_space<vmem>>, vector<16xf32>,
        %parallel_loop3A_876 = arith.constant 0 : i32
        %parallel_loop3A_877 = arith.constant 0 : i32
        %parallel_loop3A_878 = arith.constant 0 : i32
        %parallel_loop3A_879 = tpu.memref_slice %arg7[%parallel_loop3A_876, %parallel_loop3A_877, %parallel_loop3A_878] : memref<4x128x64xf32, #tpu.memory_space<vmem>> -> memref<1x128x64xf32, #tpu.memory_space<vmem>>
        %parallel_loop3A_880 = tpu.memref_squeeze %parallel_loop3A_879 : memref<1x128x64xf32, #tpu.memory_space<vmem>> -> memref<128x64xf32, #tpu.memory_space<vmem>>
        %parallel_loop3A_881 = tpu.vector_load_idx %parallel_loop3A_880[%add3A_532, %parallel_loop3A_839] : memref<128x64xf32, #tpu.memory_space<vmem>>[vector<16xi32>, vector<16xi32>], vector<16xf32>,
        %parallel_loop3A_882 = arith.constant 0 : i32
        %parallel_loop3A_883 = arith.index_cast %parallel_loop3A_882 : i32 to index
        %parallel_loop3A_884 = arith.index_cast %parallel_loop3A_835 : i32 to index
        %parallel_loop3A_885 = arith.index_cast %parallel_loop3A_837 : i32 to index
        %parallel_loop3A_886 = arith.constant 48 : index
        %parallel_loop3A_887 = tpu.vector_load %arg8[%parallel_loop3A_883, %parallel_loop3A_884, %parallel_loop3A_885, %parallel_loop3A_886] {strides = array<i32>} : memref<4x8x8x128xf32, #tpu.memory_space<vmem>>, vector<16xf32>,
        tpu.vector_store %arg8[%parallel_loop3A_883, %parallel_loop3A_884, %parallel_loop3A_885, %parallel_loop3A_886], %parallel_loop3A_881 {strides = array<i32>} : memref<4x8x8x128xf32, #tpu.memory_space<vmem>>, vector<16xf32>,
        %parallel_loop3A_888 = arith.constant 0 : i32
        %parallel_loop3A_889 = arith.constant 0 : i32
        %parallel_loop3A_890 = arith.constant 0 : i32
        %parallel_loop3A_891 = tpu.memref_slice %arg7[%parallel_loop3A_888, %parallel_loop3A_889, %parallel_loop3A_890] : memref<4x128x64xf32, #tpu.memory_space<vmem>> -> memref<1x128x64xf32, #tpu.memory_space<vmem>>
        %parallel_loop3A_892 = tpu.memref_squeeze %parallel_loop3A_891 : memref<1x128x64xf32, #tpu.memory_space<vmem>> -> memref<128x64xf32, #tpu.memory_space<vmem>>
        %parallel_loop3A_893 = tpu.vector_load_idx %parallel_loop3A_892[%add3A_535, %parallel_loop3A_839] : memref<128x64xf32, #tpu.memory_space<vmem>>[vector<16xi32>, vector<16xi32>], vector<16xf32>,
        %parallel_loop3A_894 = arith.constant 0 : i32
        %parallel_loop3A_895 = arith.index_cast %parallel_loop3A_894 : i32 to index
        %parallel_loop3A_896 = arith.index_cast %parallel_loop3A_835 : i32 to index
        %parallel_loop3A_897 = arith.index_cast %parallel_loop3A_837 : i32 to index
        %parallel_loop3A_898 = arith.constant 64 : index
        %parallel_loop3A_899 = tpu.vector_load %arg8[%parallel_loop3A_895, %parallel_loop3A_896, %parallel_loop3A_897, %parallel_loop3A_898] {strides = array<i32>} : memref<4x8x8x128xf32, #tpu.memory_space<vmem>>, vector<16xf32>,
        tpu.vector_store %arg8[%parallel_loop3A_895, %parallel_loop3A_896, %parallel_loop3A_897, %parallel_loop3A_898], %parallel_loop3A_893 {strides = array<i32>} : memref<4x8x8x128xf32, #tpu.memory_space<vmem>>, vector<16xf32>,
        %parallel_loop3A_900 = arith.constant 0 : i32
        %parallel_loop3A_901 = arith.constant 0 : i32
        %parallel_loop3A_902 = arith.constant 0 : i32
        %parallel_loop3A_903 = tpu.memref_slice %arg7[%parallel_loop3A_900, %parallel_loop3A_901, %parallel_loop3A_902] : memref<4x128x64xf32, #tpu.memory_space<vmem>> -> memref<1x128x64xf32, #tpu.memory_space<vmem>>
        %parallel_loop3A_904 = tpu.memref_squeeze %parallel_loop3A_903 : memref<1x128x64xf32, #tpu.memory_space<vmem>> -> memref<128x64xf32, #tpu.memory_space<vmem>>
        %parallel_loop3A_905 = tpu.vector_load_idx %parallel_loop3A_904[%add3A_538, %parallel_loop3A_839] : memref<128x64xf32, #tpu.memory_space<vmem>>[vector<16xi32>, vector<16xi32>], vector<16xf32>,
        %parallel_loop3A_906 = arith.constant 0 : i32
        %parallel_loop3A_907 = arith.index_cast %parallel_loop3A_906 : i32 to index
        %parallel_loop3A_908 = arith.index_cast %parallel_loop3A_835 : i32 to index
        %parallel_loop3A_909 = arith.index_cast %parallel_loop3A_837 : i32 to index
        %parallel_loop3A_910 = arith.constant 80 : index
        %parallel_loop3A_911 = tpu.vector_load %arg8[%parallel_loop3A_907, %parallel_loop3A_908, %parallel_loop3A_909, %parallel_loop3A_910] {strides = array<i32>} : memref<4x8x8x128xf32, #tpu.memory_space<vmem>>, vector<16xf32>,
        tpu.vector_store %arg8[%parallel_loop3A_907, %parallel_loop3A_908, %parallel_loop3A_909, %parallel_loop3A_910], %parallel_loop3A_905 {strides = array<i32>} : memref<4x8x8x128xf32, #tpu.memory_space<vmem>>, vector<16xf32>,
        %parallel_loop3A_912 = arith.constant 0 : i32
        %parallel_loop3A_913 = arith.constant 0 : i32
        %parallel_loop3A_914 = arith.constant 0 : i32
        %parallel_loop3A_915 = tpu.memref_slice %arg7[%parallel_loop3A_912, %parallel_loop3A_913, %parallel_loop3A_914] : memref<4x128x64xf32, #tpu.memory_space<vmem>> -> memref<1x128x64xf32, #tpu.memory_space<vmem>>
        %parallel_loop3A_916 = tpu.memref_squeeze %parallel_loop3A_915 : memref<1x128x64xf32, #tpu.memory_space<vmem>> -> memref<128x64xf32, #tpu.memory_space<vmem>>
        %parallel_loop3A_917 = tpu.vector_load_idx %parallel_loop3A_916[%add3A_541, %parallel_loop3A_839] : memref<128x64xf32, #tpu.memory_space<vmem>>[vector<16xi32>, vector<16xi32>], vector<16xf32>,
        %parallel_loop3A_918 = arith.constant 0 : i32
        %parallel_loop3A_919 = arith.index_cast %parallel_loop3A_918 : i32 to index
        %parallel_loop3A_920 = arith.index_cast %parallel_loop3A_835 : i32 to index
        %parallel_loop3A_921 = arith.index_cast %parallel_loop3A_837 : i32 to index
        %parallel_loop3A_922 = arith.constant 96 : index
        %parallel_loop3A_923 = tpu.vector_load %arg8[%parallel_loop3A_919, %parallel_loop3A_920, %parallel_loop3A_921, %parallel_loop3A_922] {strides = array<i32>} : memref<4x8x8x128xf32, #tpu.memory_space<vmem>>, vector<16xf32>,
        tpu.vector_store %arg8[%parallel_loop3A_919, %parallel_loop3A_920, %parallel_loop3A_921, %parallel_loop3A_922], %parallel_loop3A_917 {strides = array<i32>} : memref<4x8x8x128xf32, #tpu.memory_space<vmem>>, vector<16xf32>,
        %parallel_loop3A_924 = arith.constant 0 : i32
        %parallel_loop3A_925 = arith.constant 0 : i32
        %parallel_loop3A_926 = arith.constant 0 : i32
        %parallel_loop3A_927 = tpu.memref_slice %arg7[%parallel_loop3A_924, %parallel_loop3A_925, %parallel_loop3A_926] : memref<4x128x64xf32, #tpu.memory_space<vmem>> -> memref<1x128x64xf32, #tpu.memory_space<vmem>>
        %parallel_loop3A_928 = tpu.memref_squeeze %parallel_loop3A_927 : memref<1x128x64xf32, #tpu.memory_space<vmem>> -> memref<128x64xf32, #tpu.memory_space<vmem>>
        %parallel_loop3A_929 = tpu.vector_load_idx %parallel_loop3A_928[%add3A_544, %parallel_loop3A_839] : memref<128x64xf32, #tpu.memory_space<vmem>>[vector<16xi32>, vector<16xi32>], vector<16xf32>,
        %parallel_loop3A_930 = arith.constant 0 : i32
        %parallel_loop3A_931 = arith.index_cast %parallel_loop3A_930 : i32 to index
        %parallel_loop3A_932 = arith.index_cast %parallel_loop3A_835 : i32 to index
        %parallel_loop3A_933 = arith.index_cast %parallel_loop3A_837 : i32 to index
        %parallel_loop3A_934 = arith.constant 112 : index
        %parallel_loop3A_935 = tpu.vector_load %arg8[%parallel_loop3A_931, %parallel_loop3A_932, %parallel_loop3A_933, %parallel_loop3A_934] {strides = array<i32>} : memref<4x8x8x128xf32, #tpu.memory_space<vmem>>, vector<16xf32>,
        tpu.vector_store %arg8[%parallel_loop3A_931, %parallel_loop3A_932, %parallel_loop3A_933, %parallel_loop3A_934], %parallel_loop3A_929 {strides = array<i32>} : memref<4x8x8x128xf32, #tpu.memory_space<vmem>>, vector<16xf32>,
      } {sc.loop_unroll_factor = 4 : i64, sc.parallel_access}
      %dma_start3A_550 = arith.constant 0 : i32
      %dma_start3A_551 = arith.constant 0 : i32
      %dma_start3A_552 = arith.constant 0 : i32
      %dma_start3A_553 = arith.constant 0 : i32
      %dma_start3A_554 = tpu.memref_slice %arg8[%dma_start3A_550, %dma_start3A_551, %dma_start3A_552, %dma_start3A_553] : memref<4x8x8x128xf32, #tpu.memory_space<vmem>> -> memref<1x8x8x128xf32, #tpu.memory_space<vmem>>
      %dma_start3A_555 = tpu.memref_squeeze %dma_start3A_554 : memref<1x8x8x128xf32, #tpu.memory_space<vmem>> -> memref<8x8x128xf32, #tpu.memory_space<vmem>>
      %dma_start3A_556 = arith.constant 0 : i32
      %dma_start3A_557 = arith.constant 0 : i32
      %dma_start3A_558 = arith.constant 0 : i32
      %dma_start3A_559 = tpu.memref_slice %arg4[%add3A_507, %dma_start3A_556, %add3A, %dma_start3A_557, %dma_start3A_558] : memref<200x8x32x8x128xf32, #tpu.memory_space<hbm>> -> memref<1x8x1x8x128xf32, #tpu.memory_space<hbm>>
      %dma_start3A_560 = tpu.memref_squeeze %dma_start3A_559 : memref<1x8x1x8x128xf32, #tpu.memory_space<hbm>> -> memref<8x8x128xf32, #tpu.memory_space<hbm>>
      %dma_start3A_561 = arith.constant 0 : i32
      %dma_start3A_562 = arith.constant 0 : i32
      %dma_start3A_563 = arith.constant 0 : i32
      %dma_start3A_564 = tpu.memref_slice %arg4[%add3A_507, %dma_start3A_561, %add3A, %dma_start3A_562, %dma_start3A_563] : memref<200x8x32x8x128xf32, #tpu.memory_space<hbm>> -> memref<1x8x1x8x128xf32, #tpu.memory_space<hbm>>
      %dma_start3A_565 = tpu.memref_squeeze %dma_start3A_564 : memref<1x8x1x8x128xf32, #tpu.memory_space<hbm>> -> memref<8x8x128xf32, #tpu.memory_space<hbm>>
      %dma_start3A_566 = arith.constant 0 : i32
      %dma_start3A_567 = arith.constant 0 : i32
      %dma_start3A_568 = arith.constant 0 : i32
      %dma_start3A_569 = tpu.memref_slice %arg8[%dma_start3A_550, %dma_start3A_566, %dma_start3A_567, %dma_start3A_568] : memref<4x8x8x128xf32, #tpu.memory_space<vmem>> -> memref<1x8x8x128xf32, #tpu.memory_space<vmem>>
      %dma_start3A_570 = tpu.memref_squeeze %dma_start3A_569 : memref<1x8x8x128xf32, #tpu.memory_space<vmem>> -> memref<8x8x128xf32, #tpu.memory_space<vmem>>
      tpu.enqueue_dma source(%dma_start3A_570 : memref<8x8x128xf32, #tpu.memory_space<vmem>>) target(%dma_start3A_565 : memref<8x8x128xf32, #tpu.memory_space<hbm>>) target_semaphore(%arg13 : memref<!tpu.dma_semaphore, #tpu.memory_space<semaphore_mem>>)
      %add3A_571 = arith.constant 4 : i32
      %add3A_572 = arith.addi %add3A_507, %add3A_571 : i32
      %dma_start3A_573 = arith.constant 0 : i32
      %dma_start3A_574 = arith.constant 0 : i32
      %dma_start3A_575 = arith.constant 0 : i32
      %dma_start3A_576 = tpu.memref_slice %arg7[%dma_start3A_573, %dma_start3A_574, %dma_start3A_575] : memref<4x128x64xf32, #tpu.memory_space<vmem>> -> memref<1x128x64xf32, #tpu.memory_space<vmem>>
      %dma_start3A_577 = tpu.memref_squeeze %dma_start3A_576 : memref<1x128x64xf32, #tpu.memory_space<vmem>> -> memref<128x64xf32, #tpu.memory_space<vmem>>
      %dma_start3A_578 = arith.constant 0 : i32
      %dma_start3A_579 = tpu.memref_slice %arg6[%add3A_572, %dma_start3A_578] : memref<200x128xi32, #tpu.memory_space<vmem>> -> memref<1x128xi32, #tpu.memory_space<vmem>>
      %dma_start3A_580 = tpu.memref_squeeze %dma_start3A_579 : memref<1x128xi32, #tpu.memory_space<vmem>> -> memref<128xi32, #tpu.memory_space<vmem>>
      %dma_start3A_581 = arith.constant 0 : i32
      %dma_start3A_582 = arith.constant 0 : i32
      %dma_start3A_583 = tpu.memref_slice %arg3[%dma_start3A_581, %dma_start3A_582] : memref<1000000x64xf32, #tpu.memory_space<hbm>> -> memref<1000000x64xf32, #tpu.memory_space<hbm>>
      tpu.enqueue_indirect_dma source(%dma_start3A_583 : memref<1000000x64xf32, #tpu.memory_space<hbm>>) target(%dma_start3A_577 : memref<128x64xf32, #tpu.memory_space<vmem>>) offsets(%dma_start3A_580 : memref<128xi32, #tpu.memory_space<vmem>>) semaphore(%arg9 : memref<!tpu.dma_semaphore, #tpu.memory_space<semaphore_mem>>)
      %mul3A_584 = arith.constant 4 : i32
      %mul3A_585 = arith.muli %add3A_503, %mul3A_584 : i32
      %add3A_586 = arith.constant 1 : i32
      %add3A_587 = arith.addi %mul3A_585, %add3A_586 : i32
      %ge3A_588 = arith.constant 1 : i32
      %ge3A_589 = arith.cmpi sge, %add3A_503, %ge3A_588 : i32
      %convert_element_type3A_590 = arith.extui %ge3A_589 : i1 to i32
      %cond3A_591 = arith.constant 0 : i32
      %cond3A_592 = arith.cmpi ne, %convert_element_type3A_590, %cond3A_591 : i32
      scf.if %cond3A_592 {
        %sub3A = arith.constant 4 : i32
        %sub3A_833 = arith.subi %add3A_587, %sub3A : i32
        %dma_wait3A_834 = arith.constant 1 : i32
        %dma_wait3A_835 = arith.constant 0 : i32
        %dma_wait3A_836 = arith.constant 0 : i32
        %dma_wait3A_837 = arith.constant 0 : i32
        %dma_wait3A_838 = tpu.memref_slice %arg8[%dma_wait3A_834, %dma_wait3A_835, %dma_wait3A_836, %dma_wait3A_837] : memref<4x8x8x128xf32, #tpu.memory_space<vmem>> -> memref<1x8x8x128xf32, #tpu.memory_space<vmem>>
        %dma_wait3A_839 = tpu.memref_squeeze %dma_wait3A_838 : memref<1x8x8x128xf32, #tpu.memory_space<vmem>> -> memref<8x8x128xf32, #tpu.memory_space<vmem>>
        %dma_wait3A_840 = arith.constant 0 : i32
        %dma_wait3A_841 = arith.constant 0 : i32
        %dma_wait3A_842 = arith.constant 0 : i32
        %dma_wait3A_843 = tpu.memref_slice %arg4[%sub3A_833, %dma_wait3A_840, %add3A, %dma_wait3A_841, %dma_wait3A_842] : memref<200x8x32x8x128xf32, #tpu.memory_space<hbm>> -> memref<1x8x1x8x128xf32, #tpu.memory_space<hbm>>
        %dma_wait3A_844 = tpu.memref_squeeze %dma_wait3A_843 : memref<1x8x1x8x128xf32, #tpu.memory_space<hbm>> -> memref<8x8x128xf32, #tpu.memory_space<hbm>>
        %dma_wait3A_845 = arith.constant 0 : i32
        %dma_wait3A_846 = arith.constant 0 : i32
        %dma_wait3A_847 = arith.constant 0 : i32
        %dma_wait3A_848 = tpu.memref_slice %arg4[%sub3A_833, %dma_wait3A_845, %add3A, %dma_wait3A_846, %dma_wait3A_847] : memref<200x8x32x8x128xf32, #tpu.memory_space<hbm>> -> memref<1x8x1x8x128xf32, #tpu.memory_space<hbm>>
        %dma_wait3A_849 = tpu.memref_squeeze %dma_wait3A_848 : memref<1x8x1x8x128xf32, #tpu.memory_space<hbm>> -> memref<8x8x128xf32, #tpu.memory_space<hbm>>
        %dma_wait3A_850 = arith.constant 0 : i32
        %dma_wait3A_851 = arith.constant 0 : i32
        %dma_wait3A_852 = arith.constant 0 : i32
        %dma_wait3A_853 = tpu.memref_slice %arg8[%dma_wait3A_834, %dma_wait3A_850, %dma_wait3A_851, %dma_wait3A_852] : memref<4x8x8x128xf32, #tpu.memory_space<vmem>> -> memref<1x8x8x128xf32, #tpu.memory_space<vmem>>
        %dma_wait3A_854 = tpu.memref_squeeze %dma_wait3A_853 : memref<1x8x8x128xf32, #tpu.memory_space<vmem>> -> memref<8x8x128xf32, #tpu.memory_space<vmem>>
        tpu.wait_dma2 semaphore(%arg14 : memref<!tpu.dma_semaphore, #tpu.memory_space<semaphore_mem>>) src(%dma_wait3A_854 : memref<8x8x128xf32, #tpu.memory_space<vmem>>) dst(%dma_wait3A_849 : memref<8x8x128xf32, #tpu.memory_space<hbm>>)
      } else {
      }
      %dma_wait3A_593 = arith.constant 1 : i32
      %dma_wait3A_594 = arith.constant 0 : i32
      %dma_wait3A_595 = arith.constant 0 : i32
      %dma_wait3A_596 = tpu.memref_slice %arg7[%dma_wait3A_593, %dma_wait3A_594, %dma_wait3A_595] : memref<4x128x64xf32, #tpu.memory_space<vmem>> -> memref<1x128x64xf32, #tpu.memory_space<vmem>>
      %dma_wait3A_597 = tpu.memref_squeeze %dma_wait3A_596 : memref<1x128x64xf32, #tpu.memory_space<vmem>> -> memref<128x64xf32, #tpu.memory_space<vmem>>
      %dma_wait3A_598 = arith.constant 0 : i32
      %dma_wait3A_599 = tpu.memref_slice %arg6[%add3A_587, %dma_wait3A_598] : memref<200x128xi32, #tpu.memory_space<vmem>> -> memref<1x128xi32, #tpu.memory_space<vmem>>
      %dma_wait3A_600 = tpu.memref_squeeze %dma_wait3A_599 : memref<1x128xi32, #tpu.memory_space<vmem>> -> memref<128xi32, #tpu.memory_space<vmem>>
      %dma_wait3A_601 = arith.constant 0 : i32
      %dma_wait3A_602 = arith.constant 0 : i32
      %dma_wait3A_603 = tpu.memref_slice %arg3[%dma_wait3A_601, %dma_wait3A_602] : memref<1000000x64xf32, #tpu.memory_space<hbm>> -> memref<1000000x64xf32, #tpu.memory_space<hbm>>
      tpu.wait_indirect_dma semaphore(%arg10 : memref<!tpu.dma_semaphore, #tpu.memory_space<semaphore_mem>>) src(%dma_wait3A_603 : memref<1000000x64xf32, #tpu.memory_space<hbm>>) dst(%dma_wait3A_597 : memref<128x64xf32, #tpu.memory_space<vmem>>)
      %add3A_604 = arith.constant 0 : i32
      %add3A_605 = vector.broadcast %add3A_604 : i32 to vector<16xi32>
      %add3A_606 = arith.addi %add3A_605, %iota3A : vector<16xi32>
      %add3A_607 = arith.constant 16 : i32
      %add3A_608 = vector.broadcast %add3A_607 : i32 to vector<16xi32>
      %add3A_609 = arith.addi %add3A_608, %iota3A : vector<16xi32>
      %add3A_610 = arith.constant 32 : i32
      %add3A_611 = vector.broadcast %add3A_610 : i32 to vector<16xi32>
      %add3A_612 = arith.addi %add3A_611, %iota3A : vector<16xi32>
      %add3A_613 = arith.constant 48 : i32
      %add3A_614 = vector.broadcast %add3A_613 : i32 to vector<16xi32>
      %add3A_615 = arith.addi %add3A_614, %iota3A : vector<16xi32>
      %add3A_616 = arith.constant 64 : i32
      %add3A_617 = vector.broadcast %add3A_616 : i32 to vector<16xi32>
      %add3A_618 = arith.addi %add3A_617, %iota3A : vector<16xi32>
      %add3A_619 = arith.constant 80 : i32
      %add3A_620 = vector.broadcast %add3A_619 : i32 to vector<16xi32>
      %add3A_621 = arith.addi %add3A_620, %iota3A : vector<16xi32>
      %add3A_622 = arith.constant 96 : i32
      %add3A_623 = vector.broadcast %add3A_622 : i32 to vector<16xi32>
      %add3A_624 = arith.addi %add3A_623, %iota3A : vector<16xi32>
      %add3A_625 = arith.constant 112 : i32
      %add3A_626 = vector.broadcast %add3A_625 : i32 to vector<16xi32>
      %add3A_627 = arith.addi %add3A_626, %iota3A : vector<16xi32>
      %broadcast_in_dim3A_628 = arith.constant 0 : i32
      %broadcast_in_dim3A_629 = vector.broadcast %broadcast_in_dim3A_628 : i32 to vector<16xi32>
      %parallel_loop3A_630 = arith.constant 0 : i32
      %parallel_loop3A_631 = arith.constant 64 : i32
      %parallel_loop3A_632 = arith.constant 1 : i32
      scf.for %parallel_loop3A_833 = %parallel_loop3A_630 to %parallel_loop3A_631 step %parallel_loop3A_632  : i32 {
        %parallel_loop3A_834 = arith.constant 3 : i32
        %parallel_loop3A_835 = arith.shrui %parallel_loop3A_833, %parallel_loop3A_834 : i32
        %parallel_loop3A_836 = arith.constant 7 : i32
        %parallel_loop3A_837 = arith.andi %parallel_loop3A_833, %parallel_loop3A_836 : i32
        %parallel_loop3A_838 = vector.broadcast %parallel_loop3A_833 : i32 to vector<16xi32>
        %parallel_loop3A_839 = arith.addi %broadcast_in_dim3A_629, %parallel_loop3A_838 : vector<16xi32>
        %parallel_loop3A_840 = arith.constant 1 : i32
        %parallel_loop3A_841 = arith.constant 0 : i32
        %parallel_loop3A_842 = arith.constant 0 : i32
        %parallel_loop3A_843 = tpu.memref_slice %arg7[%parallel_loop3A_840, %parallel_loop3A_841, %parallel_loop3A_842] : memref<4x128x64xf32, #tpu.memory_space<vmem>> -> memref<1x128x64xf32, #tpu.memory_space<vmem>>
        %parallel_loop3A_844 = tpu.memref_squeeze %parallel_loop3A_843 : memref<1x128x64xf32, #tpu.memory_space<vmem>> -> memref<128x64xf32, #tpu.memory_space<vmem>>
        %parallel_loop3A_845 = tpu.vector_load_idx %parallel_loop3A_844[%add3A_606, %parallel_loop3A_839] : memref<128x64xf32, #tpu.memory_space<vmem>>[vector<16xi32>, vector<16xi32>], vector<16xf32>,
        %parallel_loop3A_846 = arith.constant 1 : i32
        %parallel_loop3A_847 = arith.index_cast %parallel_loop3A_846 : i32 to index
        %parallel_loop3A_848 = arith.index_cast %parallel_loop3A_835 : i32 to index
        %parallel_loop3A_849 = arith.index_cast %parallel_loop3A_837 : i32 to index
        %parallel_loop3A_850 = arith.constant 0 : index
        %parallel_loop3A_851 = tpu.vector_load %arg8[%parallel_loop3A_847, %parallel_loop3A_848, %parallel_loop3A_849, %parallel_loop3A_850] {strides = array<i32>} : memref<4x8x8x128xf32, #tpu.memory_space<vmem>>, vector<16xf32>,
        tpu.vector_store %arg8[%parallel_loop3A_847, %parallel_loop3A_848, %parallel_loop3A_849, %parallel_loop3A_850], %parallel_loop3A_845 {strides = array<i32>} : memref<4x8x8x128xf32, #tpu.memory_space<vmem>>, vector<16xf32>,
        %parallel_loop3A_852 = arith.constant 1 : i32
        %parallel_loop3A_853 = arith.constant 0 : i32
        %parallel_loop3A_854 = arith.constant 0 : i32
        %parallel_loop3A_855 = tpu.memref_slice %arg7[%parallel_loop3A_852, %parallel_loop3A_853, %parallel_loop3A_854] : memref<4x128x64xf32, #tpu.memory_space<vmem>> -> memref<1x128x64xf32, #tpu.memory_space<vmem>>
        %parallel_loop3A_856 = tpu.memref_squeeze %parallel_loop3A_855 : memref<1x128x64xf32, #tpu.memory_space<vmem>> -> memref<128x64xf32, #tpu.memory_space<vmem>>
        %parallel_loop3A_857 = tpu.vector_load_idx %parallel_loop3A_856[%add3A_609, %parallel_loop3A_839] : memref<128x64xf32, #tpu.memory_space<vmem>>[vector<16xi32>, vector<16xi32>], vector<16xf32>,
        %parallel_loop3A_858 = arith.constant 1 : i32
        %parallel_loop3A_859 = arith.index_cast %parallel_loop3A_858 : i32 to index
        %parallel_loop3A_860 = arith.index_cast %parallel_loop3A_835 : i32 to index
        %parallel_loop3A_861 = arith.index_cast %parallel_loop3A_837 : i32 to index
        %parallel_loop3A_862 = arith.constant 16 : index
        %parallel_loop3A_863 = tpu.vector_load %arg8[%parallel_loop3A_859, %parallel_loop3A_860, %parallel_loop3A_861, %parallel_loop3A_862] {strides = array<i32>} : memref<4x8x8x128xf32, #tpu.memory_space<vmem>>, vector<16xf32>,
        tpu.vector_store %arg8[%parallel_loop3A_859, %parallel_loop3A_860, %parallel_loop3A_861, %parallel_loop3A_862], %parallel_loop3A_857 {strides = array<i32>} : memref<4x8x8x128xf32, #tpu.memory_space<vmem>>, vector<16xf32>,
        %parallel_loop3A_864 = arith.constant 1 : i32
        %parallel_loop3A_865 = arith.constant 0 : i32
        %parallel_loop3A_866 = arith.constant 0 : i32
        %parallel_loop3A_867 = tpu.memref_slice %arg7[%parallel_loop3A_864, %parallel_loop3A_865, %parallel_loop3A_866] : memref<4x128x64xf32, #tpu.memory_space<vmem>> -> memref<1x128x64xf32, #tpu.memory_space<vmem>>
        %parallel_loop3A_868 = tpu.memref_squeeze %parallel_loop3A_867 : memref<1x128x64xf32, #tpu.memory_space<vmem>> -> memref<128x64xf32, #tpu.memory_space<vmem>>
        %parallel_loop3A_869 = tpu.vector_load_idx %parallel_loop3A_868[%add3A_612, %parallel_loop3A_839] : memref<128x64xf32, #tpu.memory_space<vmem>>[vector<16xi32>, vector<16xi32>], vector<16xf32>,
        %parallel_loop3A_870 = arith.constant 1 : i32
        %parallel_loop3A_871 = arith.index_cast %parallel_loop3A_870 : i32 to index
        %parallel_loop3A_872 = arith.index_cast %parallel_loop3A_835 : i32 to index
        %parallel_loop3A_873 = arith.index_cast %parallel_loop3A_837 : i32 to index
        %parallel_loop3A_874 = arith.constant 32 : index
        %parallel_loop3A_875 = tpu.vector_load %arg8[%parallel_loop3A_871, %parallel_loop3A_872, %parallel_loop3A_873, %parallel_loop3A_874] {strides = array<i32>} : memref<4x8x8x128xf32, #tpu.memory_space<vmem>>, vector<16xf32>,
        tpu.vector_store %arg8[%parallel_loop3A_871, %parallel_loop3A_872, %parallel_loop3A_873, %parallel_loop3A_874], %parallel_loop3A_869 {strides = array<i32>} : memref<4x8x8x128xf32, #tpu.memory_space<vmem>>, vector<16xf32>,
        %parallel_loop3A_876 = arith.constant 1 : i32
        %parallel_loop3A_877 = arith.constant 0 : i32
        %parallel_loop3A_878 = arith.constant 0 : i32
        %parallel_loop3A_879 = tpu.memref_slice %arg7[%parallel_loop3A_876, %parallel_loop3A_877, %parallel_loop3A_878] : memref<4x128x64xf32, #tpu.memory_space<vmem>> -> memref<1x128x64xf32, #tpu.memory_space<vmem>>
        %parallel_loop3A_880 = tpu.memref_squeeze %parallel_loop3A_879 : memref<1x128x64xf32, #tpu.memory_space<vmem>> -> memref<128x64xf32, #tpu.memory_space<vmem>>
        %parallel_loop3A_881 = tpu.vector_load_idx %parallel_loop3A_880[%add3A_615, %parallel_loop3A_839] : memref<128x64xf32, #tpu.memory_space<vmem>>[vector<16xi32>, vector<16xi32>], vector<16xf32>,
        %parallel_loop3A_882 = arith.constant 1 : i32
        %parallel_loop3A_883 = arith.index_cast %parallel_loop3A_882 : i32 to index
        %parallel_loop3A_884 = arith.index_cast %parallel_loop3A_835 : i32 to index
        %parallel_loop3A_885 = arith.index_cast %parallel_loop3A_837 : i32 to index
        %parallel_loop3A_886 = arith.constant 48 : index
        %parallel_loop3A_887 = tpu.vector_load %arg8[%parallel_loop3A_883, %parallel_loop3A_884, %parallel_loop3A_885, %parallel_loop3A_886] {strides = array<i32>} : memref<4x8x8x128xf32, #tpu.memory_space<vmem>>, vector<16xf32>,
        tpu.vector_store %arg8[%parallel_loop3A_883, %parallel_loop3A_884, %parallel_loop3A_885, %parallel_loop3A_886], %parallel_loop3A_881 {strides = array<i32>} : memref<4x8x8x128xf32, #tpu.memory_space<vmem>>, vector<16xf32>,
        %parallel_loop3A_888 = arith.constant 1 : i32
        %parallel_loop3A_889 = arith.constant 0 : i32
        %parallel_loop3A_890 = arith.constant 0 : i32
        %parallel_loop3A_891 = tpu.memref_slice %arg7[%parallel_loop3A_888, %parallel_loop3A_889, %parallel_loop3A_890] : memref<4x128x64xf32, #tpu.memory_space<vmem>> -> memref<1x128x64xf32, #tpu.memory_space<vmem>>
        %parallel_loop3A_892 = tpu.memref_squeeze %parallel_loop3A_891 : memref<1x128x64xf32, #tpu.memory_space<vmem>> -> memref<128x64xf32, #tpu.memory_space<vmem>>
        %parallel_loop3A_893 = tpu.vector_load_idx %parallel_loop3A_892[%add3A_618, %parallel_loop3A_839] : memref<128x64xf32, #tpu.memory_space<vmem>>[vector<16xi32>, vector<16xi32>], vector<16xf32>,
        %parallel_loop3A_894 = arith.constant 1 : i32
        %parallel_loop3A_895 = arith.index_cast %parallel_loop3A_894 : i32 to index
        %parallel_loop3A_896 = arith.index_cast %parallel_loop3A_835 : i32 to index
        %parallel_loop3A_897 = arith.index_cast %parallel_loop3A_837 : i32 to index
        %parallel_loop3A_898 = arith.constant 64 : index
        %parallel_loop3A_899 = tpu.vector_load %arg8[%parallel_loop3A_895, %parallel_loop3A_896, %parallel_loop3A_897, %parallel_loop3A_898] {strides = array<i32>} : memref<4x8x8x128xf32, #tpu.memory_space<vmem>>, vector<16xf32>,
        tpu.vector_store %arg8[%parallel_loop3A_895, %parallel_loop3A_896, %parallel_loop3A_897, %parallel_loop3A_898], %parallel_loop3A_893 {strides = array<i32>} : memref<4x8x8x128xf32, #tpu.memory_space<vmem>>, vector<16xf32>,
        %parallel_loop3A_900 = arith.constant 1 : i32
        %parallel_loop3A_901 = arith.constant 0 : i32
        %parallel_loop3A_902 = arith.constant 0 : i32
        %parallel_loop3A_903 = tpu.memref_slice %arg7[%parallel_loop3A_900, %parallel_loop3A_901, %parallel_loop3A_902] : memref<4x128x64xf32, #tpu.memory_space<vmem>> -> memref<1x128x64xf32, #tpu.memory_space<vmem>>
        %parallel_loop3A_904 = tpu.memref_squeeze %parallel_loop3A_903 : memref<1x128x64xf32, #tpu.memory_space<vmem>> -> memref<128x64xf32, #tpu.memory_space<vmem>>
        %parallel_loop3A_905 = tpu.vector_load_idx %parallel_loop3A_904[%add3A_621, %parallel_loop3A_839] : memref<128x64xf32, #tpu.memory_space<vmem>>[vector<16xi32>, vector<16xi32>], vector<16xf32>,
        %parallel_loop3A_906 = arith.constant 1 : i32
        %parallel_loop3A_907 = arith.index_cast %parallel_loop3A_906 : i32 to index
        %parallel_loop3A_908 = arith.index_cast %parallel_loop3A_835 : i32 to index
        %parallel_loop3A_909 = arith.index_cast %parallel_loop3A_837 : i32 to index
        %parallel_loop3A_910 = arith.constant 80 : index
        %parallel_loop3A_911 = tpu.vector_load %arg8[%parallel_loop3A_907, %parallel_loop3A_908, %parallel_loop3A_909, %parallel_loop3A_910] {strides = array<i32>} : memref<4x8x8x128xf32, #tpu.memory_space<vmem>>, vector<16xf32>,
        tpu.vector_store %arg8[%parallel_loop3A_907, %parallel_loop3A_908, %parallel_loop3A_909, %parallel_loop3A_910], %parallel_loop3A_905 {strides = array<i32>} : memref<4x8x8x128xf32, #tpu.memory_space<vmem>>, vector<16xf32>,
        %parallel_loop3A_912 = arith.constant 1 : i32
        %parallel_loop3A_913 = arith.constant 0 : i32
        %parallel_loop3A_914 = arith.constant 0 : i32
        %parallel_loop3A_915 = tpu.memref_slice %arg7[%parallel_loop3A_912, %parallel_loop3A_913, %parallel_loop3A_914] : memref<4x128x64xf32, #tpu.memory_space<vmem>> -> memref<1x128x64xf32, #tpu.memory_space<vmem>>
        %parallel_loop3A_916 = tpu.memref_squeeze %parallel_loop3A_915 : memref<1x128x64xf32, #tpu.memory_space<vmem>> -> memref<128x64xf32, #tpu.memory_space<vmem>>
        %parallel_loop3A_917 = tpu.vector_load_idx %parallel_loop3A_916[%add3A_624, %parallel_loop3A_839] : memref<128x64xf32, #tpu.memory_space<vmem>>[vector<16xi32>, vector<16xi32>], vector<16xf32>,
        %parallel_loop3A_918 = arith.constant 1 : i32
        %parallel_loop3A_919 = arith.index_cast %parallel_loop3A_918 : i32 to index
        %parallel_loop3A_920 = arith.index_cast %parallel_loop3A_835 : i32 to index
        %parallel_loop3A_921 = arith.index_cast %parallel_loop3A_837 : i32 to index
        %parallel_loop3A_922 = arith.constant 96 : index
        %parallel_loop3A_923 = tpu.vector_load %arg8[%parallel_loop3A_919, %parallel_loop3A_920, %parallel_loop3A_921, %parallel_loop3A_922] {strides = array<i32>} : memref<4x8x8x128xf32, #tpu.memory_space<vmem>>, vector<16xf32>,
        tpu.vector_store %arg8[%parallel_loop3A_919, %parallel_loop3A_920, %parallel_loop3A_921, %parallel_loop3A_922], %parallel_loop3A_917 {strides = array<i32>} : memref<4x8x8x128xf32, #tpu.memory_space<vmem>>, vector<16xf32>,
        %parallel_loop3A_924 = arith.constant 1 : i32
        %parallel_loop3A_925 = arith.constant 0 : i32
        %parallel_loop3A_926 = arith.constant 0 : i32
        %parallel_loop3A_927 = tpu.memref_slice %arg7[%parallel_loop3A_924, %parallel_loop3A_925, %parallel_loop3A_926] : memref<4x128x64xf32, #tpu.memory_space<vmem>> -> memref<1x128x64xf32, #tpu.memory_space<vmem>>
        %parallel_loop3A_928 = tpu.memref_squeeze %parallel_loop3A_927 : memref<1x128x64xf32, #tpu.memory_space<vmem>> -> memref<128x64xf32, #tpu.memory_space<vmem>>
        %parallel_loop3A_929 = tpu.vector_load_idx %parallel_loop3A_928[%add3A_627, %parallel_loop3A_839] : memref<128x64xf32, #tpu.memory_space<vmem>>[vector<16xi32>, vector<16xi32>], vector<16xf32>,
        %parallel_loop3A_930 = arith.constant 1 : i32
        %parallel_loop3A_931 = arith.index_cast %parallel_loop3A_930 : i32 to index
        %parallel_loop3A_932 = arith.index_cast %parallel_loop3A_835 : i32 to index
        %parallel_loop3A_933 = arith.index_cast %parallel_loop3A_837 : i32 to index
        %parallel_loop3A_934 = arith.constant 112 : index
        %parallel_loop3A_935 = tpu.vector_load %arg8[%parallel_loop3A_931, %parallel_loop3A_932, %parallel_loop3A_933, %parallel_loop3A_934] {strides = array<i32>} : memref<4x8x8x128xf32, #tpu.memory_space<vmem>>, vector<16xf32>,
        tpu.vector_store %arg8[%parallel_loop3A_931, %parallel_loop3A_932, %parallel_loop3A_933, %parallel_loop3A_934], %parallel_loop3A_929 {strides = array<i32>} : memref<4x8x8x128xf32, #tpu.memory_space<vmem>>, vector<16xf32>,
      } {sc.loop_unroll_factor = 4 : i64, sc.parallel_access}
      %dma_start3A_633 = arith.constant 1 : i32
      %dma_start3A_634 = arith.constant 0 : i32
      %dma_start3A_635 = arith.constant 0 : i32
      %dma_start3A_636 = arith.constant 0 : i32
      %dma_start3A_637 = tpu.memref_slice %arg8[%dma_start3A_633, %dma_start3A_634, %dma_start3A_635, %dma_start3A_636] : memref<4x8x8x128xf32, #tpu.memory_space<vmem>> -> memref<1x8x8x128xf32, #tpu.memory_space<vmem>>
      %dma_start3A_638 = tpu.memref_squeeze %dma_start3A_637 : memref<1x8x8x128xf32, #tpu.memory_space<vmem>> -> memref<8x8x128xf32, #tpu.memory_space<vmem>>
      %dma_start3A_639 = arith.constant 0 : i32
      %dma_start3A_640 = arith.constant 0 : i32
      %dma_start3A_641 = arith.constant 0 : i32
      %dma_start3A_642 = tpu.memref_slice %arg4[%add3A_587, %dma_start3A_639, %add3A, %dma_start3A_640, %dma_start3A_641] : memref<200x8x32x8x128xf32, #tpu.memory_space<hbm>> -> memref<1x8x1x8x128xf32, #tpu.memory_space<hbm>>
      %dma_start3A_643 = tpu.memref_squeeze %dma_start3A_642 : memref<1x8x1x8x128xf32, #tpu.memory_space<hbm>> -> memref<8x8x128xf32, #tpu.memory_space<hbm>>
      %dma_start3A_644 = arith.constant 0 : i32
      %dma_start3A_645 = arith.constant 0 : i32
      %dma_start3A_646 = arith.constant 0 : i32
      %dma_start3A_647 = tpu.memref_slice %arg4[%add3A_587, %dma_start3A_644, %add3A, %dma_start3A_645, %dma_start3A_646] : memref<200x8x32x8x128xf32, #tpu.memory_space<hbm>> -> memref<1x8x1x8x128xf32, #tpu.memory_space<hbm>>
      %dma_start3A_648 = tpu.memref_squeeze %dma_start3A_647 : memref<1x8x1x8x128xf32, #tpu.memory_space<hbm>> -> memref<8x8x128xf32, #tpu.memory_space<hbm>>
      %dma_start3A_649 = arith.constant 0 : i32
      %dma_start3A_650 = arith.constant 0 : i32
      %dma_start3A_651 = arith.constant 0 : i32
      %dma_start3A_652 = tpu.memref_slice %arg8[%dma_start3A_633, %dma_start3A_649, %dma_start3A_650, %dma_start3A_651] : memref<4x8x8x128xf32, #tpu.memory_space<vmem>> -> memref<1x8x8x128xf32, #tpu.memory_space<vmem>>
      %dma_start3A_653 = tpu.memref_squeeze %dma_start3A_652 : memref<1x8x8x128xf32, #tpu.memory_space<vmem>> -> memref<8x8x128xf32, #tpu.memory_space<vmem>>
      tpu.enqueue_dma source(%dma_start3A_653 : memref<8x8x128xf32, #tpu.memory_space<vmem>>) target(%dma_start3A_648 : memref<8x8x128xf32, #tpu.memory_space<hbm>>) target_semaphore(%arg14 : memref<!tpu.dma_semaphore, #tpu.memory_space<semaphore_mem>>)
      %add3A_654 = arith.constant 4 : i32
      %add3A_655 = arith.addi %add3A_587, %add3A_654 : i32
      %dma_start3A_656 = arith.constant 1 : i32
      %dma_start3A_657 = arith.constant 0 : i32
      %dma_start3A_658 = arith.constant 0 : i32
      %dma_start3A_659 = tpu.memref_slice %arg7[%dma_start3A_656, %dma_start3A_657, %dma_start3A_658] : memref<4x128x64xf32, #tpu.memory_space<vmem>> -> memref<1x128x64xf32, #tpu.memory_space<vmem>>
      %dma_start3A_660 = tpu.memref_squeeze %dma_start3A_659 : memref<1x128x64xf32, #tpu.memory_space<vmem>> -> memref<128x64xf32, #tpu.memory_space<vmem>>
      %dma_start3A_661 = arith.constant 0 : i32
      %dma_start3A_662 = tpu.memref_slice %arg6[%add3A_655, %dma_start3A_661] : memref<200x128xi32, #tpu.memory_space<vmem>> -> memref<1x128xi32, #tpu.memory_space<vmem>>
      %dma_start3A_663 = tpu.memref_squeeze %dma_start3A_662 : memref<1x128xi32, #tpu.memory_space<vmem>> -> memref<128xi32, #tpu.memory_space<vmem>>
      %dma_start3A_664 = arith.constant 0 : i32
      %dma_start3A_665 = arith.constant 0 : i32
      %dma_start3A_666 = tpu.memref_slice %arg3[%dma_start3A_664, %dma_start3A_665] : memref<1000000x64xf32, #tpu.memory_space<hbm>> -> memref<1000000x64xf32, #tpu.memory_space<hbm>>
      tpu.enqueue_indirect_dma source(%dma_start3A_666 : memref<1000000x64xf32, #tpu.memory_space<hbm>>) target(%dma_start3A_660 : memref<128x64xf32, #tpu.memory_space<vmem>>) offsets(%dma_start3A_663 : memref<128xi32, #tpu.memory_space<vmem>>) semaphore(%arg10 : memref<!tpu.dma_semaphore, #tpu.memory_space<semaphore_mem>>)
      %mul3A_667 = arith.constant 4 : i32
      %mul3A_668 = arith.muli %add3A_503, %mul3A_667 : i32
      %add3A_669 = arith.constant 2 : i32
      %add3A_670 = arith.addi %mul3A_668, %add3A_669 : i32
      %ge3A_671 = arith.constant 1 : i32
      %ge3A_672 = arith.cmpi sge, %add3A_503, %ge3A_671 : i32
      %convert_element_type3A_673 = arith.extui %ge3A_672 : i1 to i32
      %cond3A_674 = arith.constant 0 : i32
      %cond3A_675 = arith.cmpi ne, %convert_element_type3A_673, %cond3A_674 : i32
      scf.if %cond3A_675 {
        %sub3A = arith.constant 4 : i32
        %sub3A_833 = arith.subi %add3A_670, %sub3A : i32
        %dma_wait3A_834 = arith.constant 2 : i32
        %dma_wait3A_835 = arith.constant 0 : i32
        %dma_wait3A_836 = arith.constant 0 : i32
        %dma_wait3A_837 = arith.constant 0 : i32
        %dma_wait3A_838 = tpu.memref_slice %arg8[%dma_wait3A_834, %dma_wait3A_835, %dma_wait3A_836, %dma_wait3A_837] : memref<4x8x8x128xf32, #tpu.memory_space<vmem>> -> memref<1x8x8x128xf32, #tpu.memory_space<vmem>>
        %dma_wait3A_839 = tpu.memref_squeeze %dma_wait3A_838 : memref<1x8x8x128xf32, #tpu.memory_space<vmem>> -> memref<8x8x128xf32, #tpu.memory_space<vmem>>
        %dma_wait3A_840 = arith.constant 0 : i32
        %dma_wait3A_841 = arith.constant 0 : i32
        %dma_wait3A_842 = arith.constant 0 : i32
        %dma_wait3A_843 = tpu.memref_slice %arg4[%sub3A_833, %dma_wait3A_840, %add3A, %dma_wait3A_841, %dma_wait3A_842] : memref<200x8x32x8x128xf32, #tpu.memory_space<hbm>> -> memref<1x8x1x8x128xf32, #tpu.memory_space<hbm>>
        %dma_wait3A_844 = tpu.memref_squeeze %dma_wait3A_843 : memref<1x8x1x8x128xf32, #tpu.memory_space<hbm>> -> memref<8x8x128xf32, #tpu.memory_space<hbm>>
        %dma_wait3A_845 = arith.constant 0 : i32
        %dma_wait3A_846 = arith.constant 0 : i32
        %dma_wait3A_847 = arith.constant 0 : i32
        %dma_wait3A_848 = tpu.memref_slice %arg4[%sub3A_833, %dma_wait3A_845, %add3A, %dma_wait3A_846, %dma_wait3A_847] : memref<200x8x32x8x128xf32, #tpu.memory_space<hbm>> -> memref<1x8x1x8x128xf32, #tpu.memory_space<hbm>>
        %dma_wait3A_849 = tpu.memref_squeeze %dma_wait3A_848 : memref<1x8x1x8x128xf32, #tpu.memory_space<hbm>> -> memref<8x8x128xf32, #tpu.memory_space<hbm>>
        %dma_wait3A_850 = arith.constant 0 : i32
        %dma_wait3A_851 = arith.constant 0 : i32
        %dma_wait3A_852 = arith.constant 0 : i32
        %dma_wait3A_853 = tpu.memref_slice %arg8[%dma_wait3A_834, %dma_wait3A_850, %dma_wait3A_851, %dma_wait3A_852] : memref<4x8x8x128xf32, #tpu.memory_space<vmem>> -> memref<1x8x8x128xf32, #tpu.memory_space<vmem>>
        %dma_wait3A_854 = tpu.memref_squeeze %dma_wait3A_853 : memref<1x8x8x128xf32, #tpu.memory_space<vmem>> -> memref<8x8x128xf32, #tpu.memory_space<vmem>>
        tpu.wait_dma2 semaphore(%arg15 : memref<!tpu.dma_semaphore, #tpu.memory_space<semaphore_mem>>) src(%dma_wait3A_854 : memref<8x8x128xf32, #tpu.memory_space<vmem>>) dst(%dma_wait3A_849 : memref<8x8x128xf32, #tpu.memory_space<hbm>>)
      } else {
      }
      %dma_wait3A_676 = arith.constant 2 : i32
      %dma_wait3A_677 = arith.constant 0 : i32
      %dma_wait3A_678 = arith.constant 0 : i32
      %dma_wait3A_679 = tpu.memref_slice %arg7[%dma_wait3A_676, %dma_wait3A_677, %dma_wait3A_678] : memref<4x128x64xf32, #tpu.memory_space<vmem>> -> memref<1x128x64xf32, #tpu.memory_space<vmem>>
      %dma_wait3A_680 = tpu.memref_squeeze %dma_wait3A_679 : memref<1x128x64xf32, #tpu.memory_space<vmem>> -> memref<128x64xf32, #tpu.memory_space<vmem>>
      %dma_wait3A_681 = arith.constant 0 : i32
      %dma_wait3A_682 = tpu.memref_slice %arg6[%add3A_670, %dma_wait3A_681] : memref<200x128xi32, #tpu.memory_space<vmem>> -> memref<1x128xi32, #tpu.memory_space<vmem>>
      %dma_wait3A_683 = tpu.memref_squeeze %dma_wait3A_682 : memref<1x128xi32, #tpu.memory_space<vmem>> -> memref<128xi32, #tpu.memory_space<vmem>>
      %dma_wait3A_684 = arith.constant 0 : i32
      %dma_wait3A_685 = arith.constant 0 : i32
      %dma_wait3A_686 = tpu.memref_slice %arg3[%dma_wait3A_684, %dma_wait3A_685] : memref<1000000x64xf32, #tpu.memory_space<hbm>> -> memref<1000000x64xf32, #tpu.memory_space<hbm>>
      tpu.wait_indirect_dma semaphore(%arg11 : memref<!tpu.dma_semaphore, #tpu.memory_space<semaphore_mem>>) src(%dma_wait3A_686 : memref<1000000x64xf32, #tpu.memory_space<hbm>>) dst(%dma_wait3A_680 : memref<128x64xf32, #tpu.memory_space<vmem>>)
      %add3A_687 = arith.constant 0 : i32
      %add3A_688 = vector.broadcast %add3A_687 : i32 to vector<16xi32>
      %add3A_689 = arith.addi %add3A_688, %iota3A : vector<16xi32>
      %add3A_690 = arith.constant 16 : i32
      %add3A_691 = vector.broadcast %add3A_690 : i32 to vector<16xi32>
      %add3A_692 = arith.addi %add3A_691, %iota3A : vector<16xi32>
      %add3A_693 = arith.constant 32 : i32
      %add3A_694 = vector.broadcast %add3A_693 : i32 to vector<16xi32>
      %add3A_695 = arith.addi %add3A_694, %iota3A : vector<16xi32>
      %add3A_696 = arith.constant 48 : i32
      %add3A_697 = vector.broadcast %add3A_696 : i32 to vector<16xi32>
      %add3A_698 = arith.addi %add3A_697, %iota3A : vector<16xi32>
      %add3A_699 = arith.constant 64 : i32
      %add3A_700 = vector.broadcast %add3A_699 : i32 to vector<16xi32>
      %add3A_701 = arith.addi %add3A_700, %iota3A : vector<16xi32>
      %add3A_702 = arith.constant 80 : i32
      %add3A_703 = vector.broadcast %add3A_702 : i32 to vector<16xi32>
      %add3A_704 = arith.addi %add3A_703, %iota3A : vector<16xi32>
      %add3A_705 = arith.constant 96 : i32
      %add3A_706 = vector.broadcast %add3A_705 : i32 to vector<16xi32>
      %add3A_707 = arith.addi %add3A_706, %iota3A : vector<16xi32>
      %add3A_708 = arith.constant 112 : i32
      %add3A_709 = vector.broadcast %add3A_708 : i32 to vector<16xi32>
      %add3A_710 = arith.addi %add3A_709, %iota3A : vector<16xi32>
      %broadcast_in_dim3A_711 = arith.constant 0 : i32
      %broadcast_in_dim3A_712 = vector.broadcast %broadcast_in_dim3A_711 : i32 to vector<16xi32>
      %parallel_loop3A_713 = arith.constant 0 : i32
      %parallel_loop3A_714 = arith.constant 64 : i32
      %parallel_loop3A_715 = arith.constant 1 : i32
      scf.for %parallel_loop3A_833 = %parallel_loop3A_713 to %parallel_loop3A_714 step %parallel_loop3A_715  : i32 {
        %parallel_loop3A_834 = arith.constant 3 : i32
        %parallel_loop3A_835 = arith.shrui %parallel_loop3A_833, %parallel_loop3A_834 : i32
        %parallel_loop3A_836 = arith.constant 7 : i32
        %parallel_loop3A_837 = arith.andi %parallel_loop3A_833, %parallel_loop3A_836 : i32
        %parallel_loop3A_838 = vector.broadcast %parallel_loop3A_833 : i32 to vector<16xi32>
        %parallel_loop3A_839 = arith.addi %broadcast_in_dim3A_712, %parallel_loop3A_838 : vector<16xi32>
        %parallel_loop3A_840 = arith.constant 2 : i32
        %parallel_loop3A_841 = arith.constant 0 : i32
        %parallel_loop3A_842 = arith.constant 0 : i32
        %parallel_loop3A_843 = tpu.memref_slice %arg7[%parallel_loop3A_840, %parallel_loop3A_841, %parallel_loop3A_842] : memref<4x128x64xf32, #tpu.memory_space<vmem>> -> memref<1x128x64xf32, #tpu.memory_space<vmem>>
        %parallel_loop3A_844 = tpu.memref_squeeze %parallel_loop3A_843 : memref<1x128x64xf32, #tpu.memory_space<vmem>> -> memref<128x64xf32, #tpu.memory_space<vmem>>
        %parallel_loop3A_845 = tpu.vector_load_idx %parallel_loop3A_844[%add3A_689, %parallel_loop3A_839] : memref<128x64xf32, #tpu.memory_space<vmem>>[vector<16xi32>, vector<16xi32>], vector<16xf32>,
        %parallel_loop3A_846 = arith.constant 2 : i32
        %parallel_loop3A_847 = arith.index_cast %parallel_loop3A_846 : i32 to index
        %parallel_loop3A_848 = arith.index_cast %parallel_loop3A_835 : i32 to index
        %parallel_loop3A_849 = arith.index_cast %parallel_loop3A_837 : i32 to index
        %parallel_loop3A_850 = arith.constant 0 : index
        %parallel_loop3A_851 = tpu.vector_load %arg8[%parallel_loop3A_847, %parallel_loop3A_848, %parallel_loop3A_849, %parallel_loop3A_850] {strides = array<i32>} : memref<4x8x8x128xf32, #tpu.memory_space<vmem>>, vector<16xf32>,
        tpu.vector_store %arg8[%parallel_loop3A_847, %parallel_loop3A_848, %parallel_loop3A_849, %parallel_loop3A_850], %parallel_loop3A_845 {strides = array<i32>} : memref<4x8x8x128xf32, #tpu.memory_space<vmem>>, vector<16xf32>,
        %parallel_loop3A_852 = arith.constant 2 : i32
        %parallel_loop3A_853 = arith.constant 0 : i32
        %parallel_loop3A_854 = arith.constant 0 : i32
        %parallel_loop3A_855 = tpu.memref_slice %arg7[%parallel_loop3A_852, %parallel_loop3A_853, %parallel_loop3A_854] : memref<4x128x64xf32, #tpu.memory_space<vmem>> -> memref<1x128x64xf32, #tpu.memory_space<vmem>>
        %parallel_loop3A_856 = tpu.memref_squeeze %parallel_loop3A_855 : memref<1x128x64xf32, #tpu.memory_space<vmem>> -> memref<128x64xf32, #tpu.memory_space<vmem>>
        %parallel_loop3A_857 = tpu.vector_load_idx %parallel_loop3A_856[%add3A_692, %parallel_loop3A_839] : memref<128x64xf32, #tpu.memory_space<vmem>>[vector<16xi32>, vector<16xi32>], vector<16xf32>,
        %parallel_loop3A_858 = arith.constant 2 : i32
        %parallel_loop3A_859 = arith.index_cast %parallel_loop3A_858 : i32 to index
        %parallel_loop3A_860 = arith.index_cast %parallel_loop3A_835 : i32 to index
        %parallel_loop3A_861 = arith.index_cast %parallel_loop3A_837 : i32 to index
        %parallel_loop3A_862 = arith.constant 16 : index
        %parallel_loop3A_863 = tpu.vector_load %arg8[%parallel_loop3A_859, %parallel_loop3A_860, %parallel_loop3A_861, %parallel_loop3A_862] {strides = array<i32>} : memref<4x8x8x128xf32, #tpu.memory_space<vmem>>, vector<16xf32>,
        tpu.vector_store %arg8[%parallel_loop3A_859, %parallel_loop3A_860, %parallel_loop3A_861, %parallel_loop3A_862], %parallel_loop3A_857 {strides = array<i32>} : memref<4x8x8x128xf32, #tpu.memory_space<vmem>>, vector<16xf32>,
        %parallel_loop3A_864 = arith.constant 2 : i32
        %parallel_loop3A_865 = arith.constant 0 : i32
        %parallel_loop3A_866 = arith.constant 0 : i32
        %parallel_loop3A_867 = tpu.memref_slice %arg7[%parallel_loop3A_864, %parallel_loop3A_865, %parallel_loop3A_866] : memref<4x128x64xf32, #tpu.memory_space<vmem>> -> memref<1x128x64xf32, #tpu.memory_space<vmem>>
        %parallel_loop3A_868 = tpu.memref_squeeze %parallel_loop3A_867 : memref<1x128x64xf32, #tpu.memory_space<vmem>> -> memref<128x64xf32, #tpu.memory_space<vmem>>
        %parallel_loop3A_869 = tpu.vector_load_idx %parallel_loop3A_868[%add3A_695, %parallel_loop3A_839] : memref<128x64xf32, #tpu.memory_space<vmem>>[vector<16xi32>, vector<16xi32>], vector<16xf32>,
        %parallel_loop3A_870 = arith.constant 2 : i32
        %parallel_loop3A_871 = arith.index_cast %parallel_loop3A_870 : i32 to index
        %parallel_loop3A_872 = arith.index_cast %parallel_loop3A_835 : i32 to index
        %parallel_loop3A_873 = arith.index_cast %parallel_loop3A_837 : i32 to index
        %parallel_loop3A_874 = arith.constant 32 : index
        %parallel_loop3A_875 = tpu.vector_load %arg8[%parallel_loop3A_871, %parallel_loop3A_872, %parallel_loop3A_873, %parallel_loop3A_874] {strides = array<i32>} : memref<4x8x8x128xf32, #tpu.memory_space<vmem>>, vector<16xf32>,
        tpu.vector_store %arg8[%parallel_loop3A_871, %parallel_loop3A_872, %parallel_loop3A_873, %parallel_loop3A_874], %parallel_loop3A_869 {strides = array<i32>} : memref<4x8x8x128xf32, #tpu.memory_space<vmem>>, vector<16xf32>,
        %parallel_loop3A_876 = arith.constant 2 : i32
        %parallel_loop3A_877 = arith.constant 0 : i32
        %parallel_loop3A_878 = arith.constant 0 : i32
        %parallel_loop3A_879 = tpu.memref_slice %arg7[%parallel_loop3A_876, %parallel_loop3A_877, %parallel_loop3A_878] : memref<4x128x64xf32, #tpu.memory_space<vmem>> -> memref<1x128x64xf32, #tpu.memory_space<vmem>>
        %parallel_loop3A_880 = tpu.memref_squeeze %parallel_loop3A_879 : memref<1x128x64xf32, #tpu.memory_space<vmem>> -> memref<128x64xf32, #tpu.memory_space<vmem>>
        %parallel_loop3A_881 = tpu.vector_load_idx %parallel_loop3A_880[%add3A_698, %parallel_loop3A_839] : memref<128x64xf32, #tpu.memory_space<vmem>>[vector<16xi32>, vector<16xi32>], vector<16xf32>,
        %parallel_loop3A_882 = arith.constant 2 : i32
        %parallel_loop3A_883 = arith.index_cast %parallel_loop3A_882 : i32 to index
        %parallel_loop3A_884 = arith.index_cast %parallel_loop3A_835 : i32 to index
        %parallel_loop3A_885 = arith.index_cast %parallel_loop3A_837 : i32 to index
        %parallel_loop3A_886 = arith.constant 48 : index
        %parallel_loop3A_887 = tpu.vector_load %arg8[%parallel_loop3A_883, %parallel_loop3A_884, %parallel_loop3A_885, %parallel_loop3A_886] {strides = array<i32>} : memref<4x8x8x128xf32, #tpu.memory_space<vmem>>, vector<16xf32>,
        tpu.vector_store %arg8[%parallel_loop3A_883, %parallel_loop3A_884, %parallel_loop3A_885, %parallel_loop3A_886], %parallel_loop3A_881 {strides = array<i32>} : memref<4x8x8x128xf32, #tpu.memory_space<vmem>>, vector<16xf32>,
        %parallel_loop3A_888 = arith.constant 2 : i32
        %parallel_loop3A_889 = arith.constant 0 : i32
        %parallel_loop3A_890 = arith.constant 0 : i32
        %parallel_loop3A_891 = tpu.memref_slice %arg7[%parallel_loop3A_888, %parallel_loop3A_889, %parallel_loop3A_890] : memref<4x128x64xf32, #tpu.memory_space<vmem>> -> memref<1x128x64xf32, #tpu.memory_space<vmem>>
        %parallel_loop3A_892 = tpu.memref_squeeze %parallel_loop3A_891 : memref<1x128x64xf32, #tpu.memory_space<vmem>> -> memref<128x64xf32, #tpu.memory_space<vmem>>
        %parallel_loop3A_893 = tpu.vector_load_idx %parallel_loop3A_892[%add3A_701, %parallel_loop3A_839] : memref<128x64xf32, #tpu.memory_space<vmem>>[vector<16xi32>, vector<16xi32>], vector<16xf32>,
        %parallel_loop3A_894 = arith.constant 2 : i32
        %parallel_loop3A_895 = arith.index_cast %parallel_loop3A_894 : i32 to index
        %parallel_loop3A_896 = arith.index_cast %parallel_loop3A_835 : i32 to index
        %parallel_loop3A_897 = arith.index_cast %parallel_loop3A_837 : i32 to index
        %parallel_loop3A_898 = arith.constant 64 : index
        %parallel_loop3A_899 = tpu.vector_load %arg8[%parallel_loop3A_895, %parallel_loop3A_896, %parallel_loop3A_897, %parallel_loop3A_898] {strides = array<i32>} : memref<4x8x8x128xf32, #tpu.memory_space<vmem>>, vector<16xf32>,
        tpu.vector_store %arg8[%parallel_loop3A_895, %parallel_loop3A_896, %parallel_loop3A_897, %parallel_loop3A_898], %parallel_loop3A_893 {strides = array<i32>} : memref<4x8x8x128xf32, #tpu.memory_space<vmem>>, vector<16xf32>,
        %parallel_loop3A_900 = arith.constant 2 : i32
        %parallel_loop3A_901 = arith.constant 0 : i32
        %parallel_loop3A_902 = arith.constant 0 : i32
        %parallel_loop3A_903 = tpu.memref_slice %arg7[%parallel_loop3A_900, %parallel_loop3A_901, %parallel_loop3A_902] : memref<4x128x64xf32, #tpu.memory_space<vmem>> -> memref<1x128x64xf32, #tpu.memory_space<vmem>>
        %parallel_loop3A_904 = tpu.memref_squeeze %parallel_loop3A_903 : memref<1x128x64xf32, #tpu.memory_space<vmem>> -> memref<128x64xf32, #tpu.memory_space<vmem>>
        %parallel_loop3A_905 = tpu.vector_load_idx %parallel_loop3A_904[%add3A_704, %parallel_loop3A_839] : memref<128x64xf32, #tpu.memory_space<vmem>>[vector<16xi32>, vector<16xi32>], vector<16xf32>,
        %parallel_loop3A_906 = arith.constant 2 : i32
        %parallel_loop3A_907 = arith.index_cast %parallel_loop3A_906 : i32 to index
        %parallel_loop3A_908 = arith.index_cast %parallel_loop3A_835 : i32 to index
        %parallel_loop3A_909 = arith.index_cast %parallel_loop3A_837 : i32 to index
        %parallel_loop3A_910 = arith.constant 80 : index
        %parallel_loop3A_911 = tpu.vector_load %arg8[%parallel_loop3A_907, %parallel_loop3A_908, %parallel_loop3A_909, %parallel_loop3A_910] {strides = array<i32>} : memref<4x8x8x128xf32, #tpu.memory_space<vmem>>, vector<16xf32>,
        tpu.vector_store %arg8[%parallel_loop3A_907, %parallel_loop3A_908, %parallel_loop3A_909, %parallel_loop3A_910], %parallel_loop3A_905 {strides = array<i32>} : memref<4x8x8x128xf32, #tpu.memory_space<vmem>>, vector<16xf32>,
        %parallel_loop3A_912 = arith.constant 2 : i32
        %parallel_loop3A_913 = arith.constant 0 : i32
        %parallel_loop3A_914 = arith.constant 0 : i32
        %parallel_loop3A_915 = tpu.memref_slice %arg7[%parallel_loop3A_912, %parallel_loop3A_913, %parallel_loop3A_914] : memref<4x128x64xf32, #tpu.memory_space<vmem>> -> memref<1x128x64xf32, #tpu.memory_space<vmem>>
        %parallel_loop3A_916 = tpu.memref_squeeze %parallel_loop3A_915 : memref<1x128x64xf32, #tpu.memory_space<vmem>> -> memref<128x64xf32, #tpu.memory_space<vmem>>
        %parallel_loop3A_917 = tpu.vector_load_idx %parallel_loop3A_916[%add3A_707, %parallel_loop3A_839] : memref<128x64xf32, #tpu.memory_space<vmem>>[vector<16xi32>, vector<16xi32>], vector<16xf32>,
        %parallel_loop3A_918 = arith.constant 2 : i32
        %parallel_loop3A_919 = arith.index_cast %parallel_loop3A_918 : i32 to index
        %parallel_loop3A_920 = arith.index_cast %parallel_loop3A_835 : i32 to index
        %parallel_loop3A_921 = arith.index_cast %parallel_loop3A_837 : i32 to index
        %parallel_loop3A_922 = arith.constant 96 : index
        %parallel_loop3A_923 = tpu.vector_load %arg8[%parallel_loop3A_919, %parallel_loop3A_920, %parallel_loop3A_921, %parallel_loop3A_922] {strides = array<i32>} : memref<4x8x8x128xf32, #tpu.memory_space<vmem>>, vector<16xf32>,
        tpu.vector_store %arg8[%parallel_loop3A_919, %parallel_loop3A_920, %parallel_loop3A_921, %parallel_loop3A_922], %parallel_loop3A_917 {strides = array<i32>} : memref<4x8x8x128xf32, #tpu.memory_space<vmem>>, vector<16xf32>,
        %parallel_loop3A_924 = arith.constant 2 : i32
        %parallel_loop3A_925 = arith.constant 0 : i32
        %parallel_loop3A_926 = arith.constant 0 : i32
        %parallel_loop3A_927 = tpu.memref_slice %arg7[%parallel_loop3A_924, %parallel_loop3A_925, %parallel_loop3A_926] : memref<4x128x64xf32, #tpu.memory_space<vmem>> -> memref<1x128x64xf32, #tpu.memory_space<vmem>>
        %parallel_loop3A_928 = tpu.memref_squeeze %parallel_loop3A_927 : memref<1x128x64xf32, #tpu.memory_space<vmem>> -> memref<128x64xf32, #tpu.memory_space<vmem>>
        %parallel_loop3A_929 = tpu.vector_load_idx %parallel_loop3A_928[%add3A_710, %parallel_loop3A_839] : memref<128x64xf32, #tpu.memory_space<vmem>>[vector<16xi32>, vector<16xi32>], vector<16xf32>,
        %parallel_loop3A_930 = arith.constant 2 : i32
        %parallel_loop3A_931 = arith.index_cast %parallel_loop3A_930 : i32 to index
        %parallel_loop3A_932 = arith.index_cast %parallel_loop3A_835 : i32 to index
        %parallel_loop3A_933 = arith.index_cast %parallel_loop3A_837 : i32 to index
        %parallel_loop3A_934 = arith.constant 112 : index
        %parallel_loop3A_935 = tpu.vector_load %arg8[%parallel_loop3A_931, %parallel_loop3A_932, %parallel_loop3A_933, %parallel_loop3A_934] {strides = array<i32>} : memref<4x8x8x128xf32, #tpu.memory_space<vmem>>, vector<16xf32>,
        tpu.vector_store %arg8[%parallel_loop3A_931, %parallel_loop3A_932, %parallel_loop3A_933, %parallel_loop3A_934], %parallel_loop3A_929 {strides = array<i32>} : memref<4x8x8x128xf32, #tpu.memory_space<vmem>>, vector<16xf32>,
      } {sc.loop_unroll_factor = 4 : i64, sc.parallel_access}
      %dma_start3A_716 = arith.constant 2 : i32
      %dma_start3A_717 = arith.constant 0 : i32
      %dma_start3A_718 = arith.constant 0 : i32
      %dma_start3A_719 = arith.constant 0 : i32
      %dma_start3A_720 = tpu.memref_slice %arg8[%dma_start3A_716, %dma_start3A_717, %dma_start3A_718, %dma_start3A_719] : memref<4x8x8x128xf32, #tpu.memory_space<vmem>> -> memref<1x8x8x128xf32, #tpu.memory_space<vmem>>
      %dma_start3A_721 = tpu.memref_squeeze %dma_start3A_720 : memref<1x8x8x128xf32, #tpu.memory_space<vmem>> -> memref<8x8x128xf32, #tpu.memory_space<vmem>>
      %dma_start3A_722 = arith.constant 0 : i32
      %dma_start3A_723 = arith.constant 0 : i32
      %dma_start3A_724 = arith.constant 0 : i32
      %dma_start3A_725 = tpu.memref_slice %arg4[%add3A_670, %dma_start3A_722, %add3A, %dma_start3A_723, %dma_start3A_724] : memref<200x8x32x8x128xf32, #tpu.memory_space<hbm>> -> memref<1x8x1x8x128xf32, #tpu.memory_space<hbm>>
      %dma_start3A_726 = tpu.memref_squeeze %dma_start3A_725 : memref<1x8x1x8x128xf32, #tpu.memory_space<hbm>> -> memref<8x8x128xf32, #tpu.memory_space<hbm>>
      %dma_start3A_727 = arith.constant 0 : i32
      %dma_start3A_728 = arith.constant 0 : i32
      %dma_start3A_729 = arith.constant 0 : i32
      %dma_start3A_730 = tpu.memref_slice %arg4[%add3A_670, %dma_start3A_727, %add3A, %dma_start3A_728, %dma_start3A_729] : memref<200x8x32x8x128xf32, #tpu.memory_space<hbm>> -> memref<1x8x1x8x128xf32, #tpu.memory_space<hbm>>
      %dma_start3A_731 = tpu.memref_squeeze %dma_start3A_730 : memref<1x8x1x8x128xf32, #tpu.memory_space<hbm>> -> memref<8x8x128xf32, #tpu.memory_space<hbm>>
      %dma_start3A_732 = arith.constant 0 : i32
      %dma_start3A_733 = arith.constant 0 : i32
      %dma_start3A_734 = arith.constant 0 : i32
      %dma_start3A_735 = tpu.memref_slice %arg8[%dma_start3A_716, %dma_start3A_732, %dma_start3A_733, %dma_start3A_734] : memref<4x8x8x128xf32, #tpu.memory_space<vmem>> -> memref<1x8x8x128xf32, #tpu.memory_space<vmem>>
      %dma_start3A_736 = tpu.memref_squeeze %dma_start3A_735 : memref<1x8x8x128xf32, #tpu.memory_space<vmem>> -> memref<8x8x128xf32, #tpu.memory_space<vmem>>
      tpu.enqueue_dma source(%dma_start3A_736 : memref<8x8x128xf32, #tpu.memory_space<vmem>>) target(%dma_start3A_731 : memref<8x8x128xf32, #tpu.memory_space<hbm>>) target_semaphore(%arg15 : memref<!tpu.dma_semaphore, #tpu.memory_space<semaphore_mem>>)
      %add3A_737 = arith.constant 4 : i32
      %add3A_738 = arith.addi %add3A_670, %add3A_737 : i32
      %dma_start3A_739 = arith.constant 2 : i32
      %dma_start3A_740 = arith.constant 0 : i32
      %dma_start3A_741 = arith.constant 0 : i32
      %dma_start3A_742 = tpu.memref_slice %arg7[%dma_start3A_739, %dma_start3A_740, %dma_start3A_741] : memref<4x128x64xf32, #tpu.memory_space<vmem>> -> memref<1x128x64xf32, #tpu.memory_space<vmem>>
      %dma_start3A_743 = tpu.memref_squeeze %dma_start3A_742 : memref<1x128x64xf32, #tpu.memory_space<vmem>> -> memref<128x64xf32, #tpu.memory_space<vmem>>
      %dma_start3A_744 = arith.constant 0 : i32
      %dma_start3A_745 = tpu.memref_slice %arg6[%add3A_738, %dma_start3A_744] : memref<200x128xi32, #tpu.memory_space<vmem>> -> memref<1x128xi32, #tpu.memory_space<vmem>>
      %dma_start3A_746 = tpu.memref_squeeze %dma_start3A_745 : memref<1x128xi32, #tpu.memory_space<vmem>> -> memref<128xi32, #tpu.memory_space<vmem>>
      %dma_start3A_747 = arith.constant 0 : i32
      %dma_start3A_748 = arith.constant 0 : i32
      %dma_start3A_749 = tpu.memref_slice %arg3[%dma_start3A_747, %dma_start3A_748] : memref<1000000x64xf32, #tpu.memory_space<hbm>> -> memref<1000000x64xf32, #tpu.memory_space<hbm>>
      tpu.enqueue_indirect_dma source(%dma_start3A_749 : memref<1000000x64xf32, #tpu.memory_space<hbm>>) target(%dma_start3A_743 : memref<128x64xf32, #tpu.memory_space<vmem>>) offsets(%dma_start3A_746 : memref<128xi32, #tpu.memory_space<vmem>>) semaphore(%arg11 : memref<!tpu.dma_semaphore, #tpu.memory_space<semaphore_mem>>)
      %mul3A_750 = arith.constant 4 : i32
      %mul3A_751 = arith.muli %add3A_503, %mul3A_750 : i32
      %add3A_752 = arith.constant 3 : i32
      %add3A_753 = arith.addi %mul3A_751, %add3A_752 : i32
      %ge3A_754 = arith.constant 1 : i32
      %ge3A_755 = arith.cmpi sge, %add3A_503, %ge3A_754 : i32
      %convert_element_type3A_756 = arith.extui %ge3A_755 : i1 to i32
      %cond3A_757 = arith.constant 0 : i32
      %cond3A_758 = arith.cmpi ne, %convert_element_type3A_756, %cond3A_757 : i32
      scf.if %cond3A_758 {
        %sub3A = arith.constant 4 : i32
        %sub3A_833 = arith.subi %add3A_753, %sub3A : i32
        %dma_wait3A_834 = arith.constant 3 : i32
        %dma_wait3A_835 = arith.constant 0 : i32
        %dma_wait3A_836 = arith.constant 0 : i32
        %dma_wait3A_837 = arith.constant 0 : i32
        %dma_wait3A_838 = tpu.memref_slice %arg8[%dma_wait3A_834, %dma_wait3A_835, %dma_wait3A_836, %dma_wait3A_837] : memref<4x8x8x128xf32, #tpu.memory_space<vmem>> -> memref<1x8x8x128xf32, #tpu.memory_space<vmem>>
        %dma_wait3A_839 = tpu.memref_squeeze %dma_wait3A_838 : memref<1x8x8x128xf32, #tpu.memory_space<vmem>> -> memref<8x8x128xf32, #tpu.memory_space<vmem>>
        %dma_wait3A_840 = arith.constant 0 : i32
        %dma_wait3A_841 = arith.constant 0 : i32
        %dma_wait3A_842 = arith.constant 0 : i32
        %dma_wait3A_843 = tpu.memref_slice %arg4[%sub3A_833, %dma_wait3A_840, %add3A, %dma_wait3A_841, %dma_wait3A_842] : memref<200x8x32x8x128xf32, #tpu.memory_space<hbm>> -> memref<1x8x1x8x128xf32, #tpu.memory_space<hbm>>
        %dma_wait3A_844 = tpu.memref_squeeze %dma_wait3A_843 : memref<1x8x1x8x128xf32, #tpu.memory_space<hbm>> -> memref<8x8x128xf32, #tpu.memory_space<hbm>>
        %dma_wait3A_845 = arith.constant 0 : i32
        %dma_wait3A_846 = arith.constant 0 : i32
        %dma_wait3A_847 = arith.constant 0 : i32
        %dma_wait3A_848 = tpu.memref_slice %arg4[%sub3A_833, %dma_wait3A_845, %add3A, %dma_wait3A_846, %dma_wait3A_847] : memref<200x8x32x8x128xf32, #tpu.memory_space<hbm>> -> memref<1x8x1x8x128xf32, #tpu.memory_space<hbm>>
        %dma_wait3A_849 = tpu.memref_squeeze %dma_wait3A_848 : memref<1x8x1x8x128xf32, #tpu.memory_space<hbm>> -> memref<8x8x128xf32, #tpu.memory_space<hbm>>
        %dma_wait3A_850 = arith.constant 0 : i32
        %dma_wait3A_851 = arith.constant 0 : i32
        %dma_wait3A_852 = arith.constant 0 : i32
        %dma_wait3A_853 = tpu.memref_slice %arg8[%dma_wait3A_834, %dma_wait3A_850, %dma_wait3A_851, %dma_wait3A_852] : memref<4x8x8x128xf32, #tpu.memory_space<vmem>> -> memref<1x8x8x128xf32, #tpu.memory_space<vmem>>
        %dma_wait3A_854 = tpu.memref_squeeze %dma_wait3A_853 : memref<1x8x8x128xf32, #tpu.memory_space<vmem>> -> memref<8x8x128xf32, #tpu.memory_space<vmem>>
        tpu.wait_dma2 semaphore(%arg16 : memref<!tpu.dma_semaphore, #tpu.memory_space<semaphore_mem>>) src(%dma_wait3A_854 : memref<8x8x128xf32, #tpu.memory_space<vmem>>) dst(%dma_wait3A_849 : memref<8x8x128xf32, #tpu.memory_space<hbm>>)
      } else {
      }
      %dma_wait3A_759 = arith.constant 3 : i32
      %dma_wait3A_760 = arith.constant 0 : i32
      %dma_wait3A_761 = arith.constant 0 : i32
      %dma_wait3A_762 = tpu.memref_slice %arg7[%dma_wait3A_759, %dma_wait3A_760, %dma_wait3A_761] : memref<4x128x64xf32, #tpu.memory_space<vmem>> -> memref<1x128x64xf32, #tpu.memory_space<vmem>>
      %dma_wait3A_763 = tpu.memref_squeeze %dma_wait3A_762 : memref<1x128x64xf32, #tpu.memory_space<vmem>> -> memref<128x64xf32, #tpu.memory_space<vmem>>
      %dma_wait3A_764 = arith.constant 0 : i32
      %dma_wait3A_765 = tpu.memref_slice %arg6[%add3A_753, %dma_wait3A_764] : memref<200x128xi32, #tpu.memory_space<vmem>> -> memref<1x128xi32, #tpu.memory_space<vmem>>
      %dma_wait3A_766 = tpu.memref_squeeze %dma_wait3A_765 : memref<1x128xi32, #tpu.memory_space<vmem>> -> memref<128xi32, #tpu.memory_space<vmem>>
      %dma_wait3A_767 = arith.constant 0 : i32
      %dma_wait3A_768 = arith.constant 0 : i32
      %dma_wait3A_769 = tpu.memref_slice %arg3[%dma_wait3A_767, %dma_wait3A_768] : memref<1000000x64xf32, #tpu.memory_space<hbm>> -> memref<1000000x64xf32, #tpu.memory_space<hbm>>
      tpu.wait_indirect_dma semaphore(%arg12 : memref<!tpu.dma_semaphore, #tpu.memory_space<semaphore_mem>>) src(%dma_wait3A_769 : memref<1000000x64xf32, #tpu.memory_space<hbm>>) dst(%dma_wait3A_763 : memref<128x64xf32, #tpu.memory_space<vmem>>)
      %add3A_770 = arith.constant 0 : i32
      %add3A_771 = vector.broadcast %add3A_770 : i32 to vector<16xi32>
      %add3A_772 = arith.addi %add3A_771, %iota3A : vector<16xi32>
      %add3A_773 = arith.constant 16 : i32
      %add3A_774 = vector.broadcast %add3A_773 : i32 to vector<16xi32>
      %add3A_775 = arith.addi %add3A_774, %iota3A : vector<16xi32>
      %add3A_776 = arith.constant 32 : i32
      %add3A_777 = vector.broadcast %add3A_776 : i32 to vector<16xi32>
      %add3A_778 = arith.addi %add3A_777, %iota3A : vector<16xi32>
      %add3A_779 = arith.constant 48 : i32
      %add3A_780 = vector.broadcast %add3A_779 : i32 to vector<16xi32>
      %add3A_781 = arith.addi %add3A_780, %iota3A : vector<16xi32>
      %add3A_782 = arith.constant 64 : i32
      %add3A_783 = vector.broadcast %add3A_782 : i32 to vector<16xi32>
      %add3A_784 = arith.addi %add3A_783, %iota3A : vector<16xi32>
      %add3A_785 = arith.constant 80 : i32
      %add3A_786 = vector.broadcast %add3A_785 : i32 to vector<16xi32>
      %add3A_787 = arith.addi %add3A_786, %iota3A : vector<16xi32>
      %add3A_788 = arith.constant 96 : i32
      %add3A_789 = vector.broadcast %add3A_788 : i32 to vector<16xi32>
      %add3A_790 = arith.addi %add3A_789, %iota3A : vector<16xi32>
      %add3A_791 = arith.constant 112 : i32
      %add3A_792 = vector.broadcast %add3A_791 : i32 to vector<16xi32>
      %add3A_793 = arith.addi %add3A_792, %iota3A : vector<16xi32>
      %broadcast_in_dim3A_794 = arith.constant 0 : i32
      %broadcast_in_dim3A_795 = vector.broadcast %broadcast_in_dim3A_794 : i32 to vector<16xi32>
      %parallel_loop3A_796 = arith.constant 0 : i32
      %parallel_loop3A_797 = arith.constant 64 : i32
      %parallel_loop3A_798 = arith.constant 1 : i32
      scf.for %parallel_loop3A_833 = %parallel_loop3A_796 to %parallel_loop3A_797 step %parallel_loop3A_798  : i32 {
        %parallel_loop3A_834 = arith.constant 3 : i32
        %parallel_loop3A_835 = arith.shrui %parallel_loop3A_833, %parallel_loop3A_834 : i32
        %parallel_loop3A_836 = arith.constant 7 : i32
        %parallel_loop3A_837 = arith.andi %parallel_loop3A_833, %parallel_loop3A_836 : i32
        %parallel_loop3A_838 = vector.broadcast %parallel_loop3A_833 : i32 to vector<16xi32>
        %parallel_loop3A_839 = arith.addi %broadcast_in_dim3A_795, %parallel_loop3A_838 : vector<16xi32>
        %parallel_loop3A_840 = arith.constant 3 : i32
        %parallel_loop3A_841 = arith.constant 0 : i32
        %parallel_loop3A_842 = arith.constant 0 : i32
        %parallel_loop3A_843 = tpu.memref_slice %arg7[%parallel_loop3A_840, %parallel_loop3A_841, %parallel_loop3A_842] : memref<4x128x64xf32, #tpu.memory_space<vmem>> -> memref<1x128x64xf32, #tpu.memory_space<vmem>>
        %parallel_loop3A_844 = tpu.memref_squeeze %parallel_loop3A_843 : memref<1x128x64xf32, #tpu.memory_space<vmem>> -> memref<128x64xf32, #tpu.memory_space<vmem>>
        %parallel_loop3A_845 = tpu.vector_load_idx %parallel_loop3A_844[%add3A_772, %parallel_loop3A_839] : memref<128x64xf32, #tpu.memory_space<vmem>>[vector<16xi32>, vector<16xi32>], vector<16xf32>,
        %parallel_loop3A_846 = arith.constant 3 : i32
        %parallel_loop3A_847 = arith.index_cast %parallel_loop3A_846 : i32 to index
        %parallel_loop3A_848 = arith.index_cast %parallel_loop3A_835 : i32 to index
        %parallel_loop3A_849 = arith.index_cast %parallel_loop3A_837 : i32 to index
        %parallel_loop3A_850 = arith.constant 0 : index
        %parallel_loop3A_851 = tpu.vector_load %arg8[%parallel_loop3A_847, %parallel_loop3A_848, %parallel_loop3A_849, %parallel_loop3A_850] {strides = array<i32>} : memref<4x8x8x128xf32, #tpu.memory_space<vmem>>, vector<16xf32>,
        tpu.vector_store %arg8[%parallel_loop3A_847, %parallel_loop3A_848, %parallel_loop3A_849, %parallel_loop3A_850], %parallel_loop3A_845 {strides = array<i32>} : memref<4x8x8x128xf32, #tpu.memory_space<vmem>>, vector<16xf32>,
        %parallel_loop3A_852 = arith.constant 3 : i32
        %parallel_loop3A_853 = arith.constant 0 : i32
        %parallel_loop3A_854 = arith.constant 0 : i32
        %parallel_loop3A_855 = tpu.memref_slice %arg7[%parallel_loop3A_852, %parallel_loop3A_853, %parallel_loop3A_854] : memref<4x128x64xf32, #tpu.memory_space<vmem>> -> memref<1x128x64xf32, #tpu.memory_space<vmem>>
        %parallel_loop3A_856 = tpu.memref_squeeze %parallel_loop3A_855 : memref<1x128x64xf32, #tpu.memory_space<vmem>> -> memref<128x64xf32, #tpu.memory_space<vmem>>
        %parallel_loop3A_857 = tpu.vector_load_idx %parallel_loop3A_856[%add3A_775, %parallel_loop3A_839] : memref<128x64xf32, #tpu.memory_space<vmem>>[vector<16xi32>, vector<16xi32>], vector<16xf32>,
        %parallel_loop3A_858 = arith.constant 3 : i32
        %parallel_loop3A_859 = arith.index_cast %parallel_loop3A_858 : i32 to index
        %parallel_loop3A_860 = arith.index_cast %parallel_loop3A_835 : i32 to index
        %parallel_loop3A_861 = arith.index_cast %parallel_loop3A_837 : i32 to index
        %parallel_loop3A_862 = arith.constant 16 : index
        %parallel_loop3A_863 = tpu.vector_load %arg8[%parallel_loop3A_859, %parallel_loop3A_860, %parallel_loop3A_861, %parallel_loop3A_862] {strides = array<i32>} : memref<4x8x8x128xf32, #tpu.memory_space<vmem>>, vector<16xf32>,
        tpu.vector_store %arg8[%parallel_loop3A_859, %parallel_loop3A_860, %parallel_loop3A_861, %parallel_loop3A_862], %parallel_loop3A_857 {strides = array<i32>} : memref<4x8x8x128xf32, #tpu.memory_space<vmem>>, vector<16xf32>,
        %parallel_loop3A_864 = arith.constant 3 : i32
        %parallel_loop3A_865 = arith.constant 0 : i32
        %parallel_loop3A_866 = arith.constant 0 : i32
        %parallel_loop3A_867 = tpu.memref_slice %arg7[%parallel_loop3A_864, %parallel_loop3A_865, %parallel_loop3A_866] : memref<4x128x64xf32, #tpu.memory_space<vmem>> -> memref<1x128x64xf32, #tpu.memory_space<vmem>>
        %parallel_loop3A_868 = tpu.memref_squeeze %parallel_loop3A_867 : memref<1x128x64xf32, #tpu.memory_space<vmem>> -> memref<128x64xf32, #tpu.memory_space<vmem>>
        %parallel_loop3A_869 = tpu.vector_load_idx %parallel_loop3A_868[%add3A_778, %parallel_loop3A_839] : memref<128x64xf32, #tpu.memory_space<vmem>>[vector<16xi32>, vector<16xi32>], vector<16xf32>,
        %parallel_loop3A_870 = arith.constant 3 : i32
        %parallel_loop3A_871 = arith.index_cast %parallel_loop3A_870 : i32 to index
        %parallel_loop3A_872 = arith.index_cast %parallel_loop3A_835 : i32 to index
        %parallel_loop3A_873 = arith.index_cast %parallel_loop3A_837 : i32 to index
        %parallel_loop3A_874 = arith.constant 32 : index
        %parallel_loop3A_875 = tpu.vector_load %arg8[%parallel_loop3A_871, %parallel_loop3A_872, %parallel_loop3A_873, %parallel_loop3A_874] {strides = array<i32>} : memref<4x8x8x128xf32, #tpu.memory_space<vmem>>, vector<16xf32>,
        tpu.vector_store %arg8[%parallel_loop3A_871, %parallel_loop3A_872, %parallel_loop3A_873, %parallel_loop3A_874], %parallel_loop3A_869 {strides = array<i32>} : memref<4x8x8x128xf32, #tpu.memory_space<vmem>>, vector<16xf32>,
        %parallel_loop3A_876 = arith.constant 3 : i32
        %parallel_loop3A_877 = arith.constant 0 : i32
        %parallel_loop3A_878 = arith.constant 0 : i32
        %parallel_loop3A_879 = tpu.memref_slice %arg7[%parallel_loop3A_876, %parallel_loop3A_877, %parallel_loop3A_878] : memref<4x128x64xf32, #tpu.memory_space<vmem>> -> memref<1x128x64xf32, #tpu.memory_space<vmem>>
        %parallel_loop3A_880 = tpu.memref_squeeze %parallel_loop3A_879 : memref<1x128x64xf32, #tpu.memory_space<vmem>> -> memref<128x64xf32, #tpu.memory_space<vmem>>
        %parallel_loop3A_881 = tpu.vector_load_idx %parallel_loop3A_880[%add3A_781, %parallel_loop3A_839] : memref<128x64xf32, #tpu.memory_space<vmem>>[vector<16xi32>, vector<16xi32>], vector<16xf32>,
        %parallel_loop3A_882 = arith.constant 3 : i32
        %parallel_loop3A_883 = arith.index_cast %parallel_loop3A_882 : i32 to index
        %parallel_loop3A_884 = arith.index_cast %parallel_loop3A_835 : i32 to index
        %parallel_loop3A_885 = arith.index_cast %parallel_loop3A_837 : i32 to index
        %parallel_loop3A_886 = arith.constant 48 : index
        %parallel_loop3A_887 = tpu.vector_load %arg8[%parallel_loop3A_883, %parallel_loop3A_884, %parallel_loop3A_885, %parallel_loop3A_886] {strides = array<i32>} : memref<4x8x8x128xf32, #tpu.memory_space<vmem>>, vector<16xf32>,
        tpu.vector_store %arg8[%parallel_loop3A_883, %parallel_loop3A_884, %parallel_loop3A_885, %parallel_loop3A_886], %parallel_loop3A_881 {strides = array<i32>} : memref<4x8x8x128xf32, #tpu.memory_space<vmem>>, vector<16xf32>,
        %parallel_loop3A_888 = arith.constant 3 : i32
        %parallel_loop3A_889 = arith.constant 0 : i32
        %parallel_loop3A_890 = arith.constant 0 : i32
        %parallel_loop3A_891 = tpu.memref_slice %arg7[%parallel_loop3A_888, %parallel_loop3A_889, %parallel_loop3A_890] : memref<4x128x64xf32, #tpu.memory_space<vmem>> -> memref<1x128x64xf32, #tpu.memory_space<vmem>>
        %parallel_loop3A_892 = tpu.memref_squeeze %parallel_loop3A_891 : memref<1x128x64xf32, #tpu.memory_space<vmem>> -> memref<128x64xf32, #tpu.memory_space<vmem>>
        %parallel_loop3A_893 = tpu.vector_load_idx %parallel_loop3A_892[%add3A_784, %parallel_loop3A_839] : memref<128x64xf32, #tpu.memory_space<vmem>>[vector<16xi32>, vector<16xi32>], vector<16xf32>,
        %parallel_loop3A_894 = arith.constant 3 : i32
        %parallel_loop3A_895 = arith.index_cast %parallel_loop3A_894 : i32 to index
        %parallel_loop3A_896 = arith.index_cast %parallel_loop3A_835 : i32 to index
        %parallel_loop3A_897 = arith.index_cast %parallel_loop3A_837 : i32 to index
        %parallel_loop3A_898 = arith.constant 64 : index
        %parallel_loop3A_899 = tpu.vector_load %arg8[%parallel_loop3A_895, %parallel_loop3A_896, %parallel_loop3A_897, %parallel_loop3A_898] {strides = array<i32>} : memref<4x8x8x128xf32, #tpu.memory_space<vmem>>, vector<16xf32>,
        tpu.vector_store %arg8[%parallel_loop3A_895, %parallel_loop3A_896, %parallel_loop3A_897, %parallel_loop3A_898], %parallel_loop3A_893 {strides = array<i32>} : memref<4x8x8x128xf32, #tpu.memory_space<vmem>>, vector<16xf32>,
        %parallel_loop3A_900 = arith.constant 3 : i32
        %parallel_loop3A_901 = arith.constant 0 : i32
        %parallel_loop3A_902 = arith.constant 0 : i32
        %parallel_loop3A_903 = tpu.memref_slice %arg7[%parallel_loop3A_900, %parallel_loop3A_901, %parallel_loop3A_902] : memref<4x128x64xf32, #tpu.memory_space<vmem>> -> memref<1x128x64xf32, #tpu.memory_space<vmem>>
        %parallel_loop3A_904 = tpu.memref_squeeze %parallel_loop3A_903 : memref<1x128x64xf32, #tpu.memory_space<vmem>> -> memref<128x64xf32, #tpu.memory_space<vmem>>
        %parallel_loop3A_905 = tpu.vector_load_idx %parallel_loop3A_904[%add3A_787, %parallel_loop3A_839] : memref<128x64xf32, #tpu.memory_space<vmem>>[vector<16xi32>, vector<16xi32>], vector<16xf32>,
        %parallel_loop3A_906 = arith.constant 3 : i32
        %parallel_loop3A_907 = arith.index_cast %parallel_loop3A_906 : i32 to index
        %parallel_loop3A_908 = arith.index_cast %parallel_loop3A_835 : i32 to index
        %parallel_loop3A_909 = arith.index_cast %parallel_loop3A_837 : i32 to index
        %parallel_loop3A_910 = arith.constant 80 : index
        %parallel_loop3A_911 = tpu.vector_load %arg8[%parallel_loop3A_907, %parallel_loop3A_908, %parallel_loop3A_909, %parallel_loop3A_910] {strides = array<i32>} : memref<4x8x8x128xf32, #tpu.memory_space<vmem>>, vector<16xf32>,
        tpu.vector_store %arg8[%parallel_loop3A_907, %parallel_loop3A_908, %parallel_loop3A_909, %parallel_loop3A_910], %parallel_loop3A_905 {strides = array<i32>} : memref<4x8x8x128xf32, #tpu.memory_space<vmem>>, vector<16xf32>,
        %parallel_loop3A_912 = arith.constant 3 : i32
        %parallel_loop3A_913 = arith.constant 0 : i32
        %parallel_loop3A_914 = arith.constant 0 : i32
        %parallel_loop3A_915 = tpu.memref_slice %arg7[%parallel_loop3A_912, %parallel_loop3A_913, %parallel_loop3A_914] : memref<4x128x64xf32, #tpu.memory_space<vmem>> -> memref<1x128x64xf32, #tpu.memory_space<vmem>>
        %parallel_loop3A_916 = tpu.memref_squeeze %parallel_loop3A_915 : memref<1x128x64xf32, #tpu.memory_space<vmem>> -> memref<128x64xf32, #tpu.memory_space<vmem>>
        %parallel_loop3A_917 = tpu.vector_load_idx %parallel_loop3A_916[%add3A_790, %parallel_loop3A_839] : memref<128x64xf32, #tpu.memory_space<vmem>>[vector<16xi32>, vector<16xi32>], vector<16xf32>,
        %parallel_loop3A_918 = arith.constant 3 : i32
        %parallel_loop3A_919 = arith.index_cast %parallel_loop3A_918 : i32 to index
        %parallel_loop3A_920 = arith.index_cast %parallel_loop3A_835 : i32 to index
        %parallel_loop3A_921 = arith.index_cast %parallel_loop3A_837 : i32 to index
        %parallel_loop3A_922 = arith.constant 96 : index
        %parallel_loop3A_923 = tpu.vector_load %arg8[%parallel_loop3A_919, %parallel_loop3A_920, %parallel_loop3A_921, %parallel_loop3A_922] {strides = array<i32>} : memref<4x8x8x128xf32, #tpu.memory_space<vmem>>, vector<16xf32>,
        tpu.vector_store %arg8[%parallel_loop3A_919, %parallel_loop3A_920, %parallel_loop3A_921, %parallel_loop3A_922], %parallel_loop3A_917 {strides = array<i32>} : memref<4x8x8x128xf32, #tpu.memory_space<vmem>>, vector<16xf32>,
        %parallel_loop3A_924 = arith.constant 3 : i32
        %parallel_loop3A_925 = arith.constant 0 : i32
        %parallel_loop3A_926 = arith.constant 0 : i32
        %parallel_loop3A_927 = tpu.memref_slice %arg7[%parallel_loop3A_924, %parallel_loop3A_925, %parallel_loop3A_926] : memref<4x128x64xf32, #tpu.memory_space<vmem>> -> memref<1x128x64xf32, #tpu.memory_space<vmem>>
        %parallel_loop3A_928 = tpu.memref_squeeze %parallel_loop3A_927 : memref<1x128x64xf32, #tpu.memory_space<vmem>> -> memref<128x64xf32, #tpu.memory_space<vmem>>
        %parallel_loop3A_929 = tpu.vector_load_idx %parallel_loop3A_928[%add3A_793, %parallel_loop3A_839] : memref<128x64xf32, #tpu.memory_space<vmem>>[vector<16xi32>, vector<16xi32>], vector<16xf32>,
        %parallel_loop3A_930 = arith.constant 3 : i32
        %parallel_loop3A_931 = arith.index_cast %parallel_loop3A_930 : i32 to index
        %parallel_loop3A_932 = arith.index_cast %parallel_loop3A_835 : i32 to index
        %parallel_loop3A_933 = arith.index_cast %parallel_loop3A_837 : i32 to index
        %parallel_loop3A_934 = arith.constant 112 : index
        %parallel_loop3A_935 = tpu.vector_load %arg8[%parallel_loop3A_931, %parallel_loop3A_932, %parallel_loop3A_933, %parallel_loop3A_934] {strides = array<i32>} : memref<4x8x8x128xf32, #tpu.memory_space<vmem>>, vector<16xf32>,
        tpu.vector_store %arg8[%parallel_loop3A_931, %parallel_loop3A_932, %parallel_loop3A_933, %parallel_loop3A_934], %parallel_loop3A_929 {strides = array<i32>} : memref<4x8x8x128xf32, #tpu.memory_space<vmem>>, vector<16xf32>,
      } {sc.loop_unroll_factor = 4 : i64, sc.parallel_access}
      %dma_start3A_799 = arith.constant 3 : i32
      %dma_start3A_800 = arith.constant 0 : i32
      %dma_start3A_801 = arith.constant 0 : i32
      %dma_start3A_802 = arith.constant 0 : i32
      %dma_start3A_803 = tpu.memref_slice %arg8[%dma_start3A_799, %dma_start3A_800, %dma_start3A_801, %dma_start3A_802] : memref<4x8x8x128xf32, #tpu.memory_space<vmem>> -> memref<1x8x8x128xf32, #tpu.memory_space<vmem>>
      %dma_start3A_804 = tpu.memref_squeeze %dma_start3A_803 : memref<1x8x8x128xf32, #tpu.memory_space<vmem>> -> memref<8x8x128xf32, #tpu.memory_space<vmem>>
      %dma_start3A_805 = arith.constant 0 : i32
      %dma_start3A_806 = arith.constant 0 : i32
      %dma_start3A_807 = arith.constant 0 : i32
      %dma_start3A_808 = tpu.memref_slice %arg4[%add3A_753, %dma_start3A_805, %add3A, %dma_start3A_806, %dma_start3A_807] : memref<200x8x32x8x128xf32, #tpu.memory_space<hbm>> -> memref<1x8x1x8x128xf32, #tpu.memory_space<hbm>>
      %dma_start3A_809 = tpu.memref_squeeze %dma_start3A_808 : memref<1x8x1x8x128xf32, #tpu.memory_space<hbm>> -> memref<8x8x128xf32, #tpu.memory_space<hbm>>
      %dma_start3A_810 = arith.constant 0 : i32
      %dma_start3A_811 = arith.constant 0 : i32
      %dma_start3A_812 = arith.constant 0 : i32
      %dma_start3A_813 = tpu.memref_slice %arg4[%add3A_753, %dma_start3A_810, %add3A, %dma_start3A_811, %dma_start3A_812] : memref<200x8x32x8x128xf32, #tpu.memory_space<hbm>> -> memref<1x8x1x8x128xf32, #tpu.memory_space<hbm>>
      %dma_start3A_814 = tpu.memref_squeeze %dma_start3A_813 : memref<1x8x1x8x128xf32, #tpu.memory_space<hbm>> -> memref<8x8x128xf32, #tpu.memory_space<hbm>>
      %dma_start3A_815 = arith.constant 0 : i32
      %dma_start3A_816 = arith.constant 0 : i32
      %dma_start3A_817 = arith.constant 0 : i32
      %dma_start3A_818 = tpu.memref_slice %arg8[%dma_start3A_799, %dma_start3A_815, %dma_start3A_816, %dma_start3A_817] : memref<4x8x8x128xf32, #tpu.memory_space<vmem>> -> memref<1x8x8x128xf32, #tpu.memory_space<vmem>>
      %dma_start3A_819 = tpu.memref_squeeze %dma_start3A_818 : memref<1x8x8x128xf32, #tpu.memory_space<vmem>> -> memref<8x8x128xf32, #tpu.memory_space<vmem>>
      tpu.enqueue_dma source(%dma_start3A_819 : memref<8x8x128xf32, #tpu.memory_space<vmem>>) target(%dma_start3A_814 : memref<8x8x128xf32, #tpu.memory_space<hbm>>) target_semaphore(%arg16 : memref<!tpu.dma_semaphore, #tpu.memory_space<semaphore_mem>>)
      %add3A_820 = arith.constant 4 : i32
      %add3A_821 = arith.addi %add3A_753, %add3A_820 : i32
      %dma_start3A_822 = arith.constant 3 : i32
      %dma_start3A_823 = arith.constant 0 : i32
      %dma_start3A_824 = arith.constant 0 : i32
      %dma_start3A_825 = tpu.memref_slice %arg7[%dma_start3A_822, %dma_start3A_823, %dma_start3A_824] : memref<4x128x64xf32, #tpu.memory_space<vmem>> -> memref<1x128x64xf32, #tpu.memory_space<vmem>>
      %dma_start3A_826 = tpu.memref_squeeze %dma_start3A_825 : memref<1x128x64xf32, #tpu.memory_space<vmem>> -> memref<128x64xf32, #tpu.memory_space<vmem>>
      %dma_start3A_827 = arith.constant 0 : i32
      %dma_start3A_828 = tpu.memref_slice %arg6[%add3A_821, %dma_start3A_827] : memref<200x128xi32, #tpu.memory_space<vmem>> -> memref<1x128xi32, #tpu.memory_space<vmem>>
      %dma_start3A_829 = tpu.memref_squeeze %dma_start3A_828 : memref<1x128xi32, #tpu.memory_space<vmem>> -> memref<128xi32, #tpu.memory_space<vmem>>
      %dma_start3A_830 = arith.constant 0 : i32
      %dma_start3A_831 = arith.constant 0 : i32
      %dma_start3A_832 = tpu.memref_slice %arg3[%dma_start3A_830, %dma_start3A_831] : memref<1000000x64xf32, #tpu.memory_space<hbm>> -> memref<1000000x64xf32, #tpu.memory_space<hbm>>
      tpu.enqueue_indirect_dma source(%dma_start3A_832 : memref<1000000x64xf32, #tpu.memory_space<hbm>>) target(%dma_start3A_826 : memref<128x64xf32, #tpu.memory_space<vmem>>) offsets(%dma_start3A_829 : memref<128xi32, #tpu.memory_space<vmem>>) semaphore(%arg12 : memref<!tpu.dma_semaphore, #tpu.memory_space<semaphore_mem>>)
    }
    %scan3A_73 = arith.constant 49 : i32
    %dma_wait3A = arith.constant 0 : i32
    %dma_wait3A_74 = arith.constant 192 : i32
    %dma_wait3A_75 = arith.constant 0 : i32
    %dma_wait3A_76 = arith.constant 0 : i32
    %dma_wait3A_77 = arith.constant 0 : i32
    %dma_wait3A_78 = tpu.memref_slice %arg8[%dma_wait3A, %dma_wait3A_75, %dma_wait3A_76, %dma_wait3A_77] : memref<4x8x8x128xf32, #tpu.memory_space<vmem>> -> memref<1x8x8x128xf32, #tpu.memory_space<vmem>>
    %dma_wait3A_79 = tpu.memref_squeeze %dma_wait3A_78 : memref<1x8x8x128xf32, #tpu.memory_space<vmem>> -> memref<8x8x128xf32, #tpu.memory_space<vmem>>
    %dma_wait3A_80 = arith.constant 0 : i32
    %dma_wait3A_81 = arith.constant 0 : i32
    %dma_wait3A_82 = arith.constant 0 : i32
    %dma_wait3A_83 = tpu.memref_slice %arg4[%dma_wait3A_74, %dma_wait3A_80, %add3A, %dma_wait3A_81, %dma_wait3A_82] : memref<200x8x32x8x128xf32, #tpu.memory_space<hbm>> -> memref<1x8x1x8x128xf32, #tpu.memory_space<hbm>>
    %dma_wait3A_84 = tpu.memref_squeeze %dma_wait3A_83 : memref<1x8x1x8x128xf32, #tpu.memory_space<hbm>> -> memref<8x8x128xf32, #tpu.memory_space<hbm>>
    %dma_wait3A_85 = arith.constant 0 : i32
    %dma_wait3A_86 = arith.constant 0 : i32
    %dma_wait3A_87 = arith.constant 0 : i32
    %dma_wait3A_88 = tpu.memref_slice %arg4[%dma_wait3A_74, %dma_wait3A_85, %add3A, %dma_wait3A_86, %dma_wait3A_87] : memref<200x8x32x8x128xf32, #tpu.memory_space<hbm>> -> memref<1x8x1x8x128xf32, #tpu.memory_space<hbm>>
    %dma_wait3A_89 = tpu.memref_squeeze %dma_wait3A_88 : memref<1x8x1x8x128xf32, #tpu.memory_space<hbm>> -> memref<8x8x128xf32, #tpu.memory_space<hbm>>
    %dma_wait3A_90 = arith.constant 0 : i32
    %dma_wait3A_91 = arith.constant 0 : i32
    %dma_wait3A_92 = arith.constant 0 : i32
    %dma_wait3A_93 = tpu.memref_slice %arg8[%dma_wait3A, %dma_wait3A_90, %dma_wait3A_91, %dma_wait3A_92] : memref<4x8x8x128xf32, #tpu.memory_space<vmem>> -> memref<1x8x8x128xf32, #tpu.memory_space<vmem>>
    %dma_wait3A_94 = tpu.memref_squeeze %dma_wait3A_93 : memref<1x8x8x128xf32, #tpu.memory_space<vmem>> -> memref<8x8x128xf32, #tpu.memory_space<vmem>>
    tpu.wait_dma2 semaphore(%arg13 : memref<!tpu.dma_semaphore, #tpu.memory_space<semaphore_mem>>) src(%dma_wait3A_94 : memref<8x8x128xf32, #tpu.memory_space<vmem>>) dst(%dma_wait3A_89 : memref<8x8x128xf32, #tpu.memory_space<hbm>>)
    %dma_wait3A_95 = arith.constant 196 : i32
    %dma_wait3A_96 = arith.constant 0 : i32
    %dma_wait3A_97 = arith.constant 0 : i32
    %dma_wait3A_98 = arith.constant 0 : i32
    %dma_wait3A_99 = tpu.memref_slice %arg7[%dma_wait3A_96, %dma_wait3A_97, %dma_wait3A_98] : memref<4x128x64xf32, #tpu.memory_space<vmem>> -> memref<1x128x64xf32, #tpu.memory_space<vmem>>
    %dma_wait3A_100 = tpu.memref_squeeze %dma_wait3A_99 : memref<1x128x64xf32, #tpu.memory_space<vmem>> -> memref<128x64xf32, #tpu.memory_space<vmem>>
    %dma_wait3A_101 = arith.constant 0 : i32
    %dma_wait3A_102 = tpu.memref_slice %arg6[%dma_wait3A_95, %dma_wait3A_101] : memref<200x128xi32, #tpu.memory_space<vmem>> -> memref<1x128xi32, #tpu.memory_space<vmem>>
    %dma_wait3A_103 = tpu.memref_squeeze %dma_wait3A_102 : memref<1x128xi32, #tpu.memory_space<vmem>> -> memref<128xi32, #tpu.memory_space<vmem>>
    %dma_wait3A_104 = arith.constant 0 : i32
    %dma_wait3A_105 = arith.constant 0 : i32
    %dma_wait3A_106 = tpu.memref_slice %arg3[%dma_wait3A_104, %dma_wait3A_105] : memref<1000000x64xf32, #tpu.memory_space<hbm>> -> memref<1000000x64xf32, #tpu.memory_space<hbm>>
    tpu.wait_indirect_dma semaphore(%arg9 : memref<!tpu.dma_semaphore, #tpu.memory_space<semaphore_mem>>) src(%dma_wait3A_106 : memref<1000000x64xf32, #tpu.memory_space<hbm>>) dst(%dma_wait3A_100 : memref<128x64xf32, #tpu.memory_space<vmem>>)
    %add3A_107 = arith.constant 0 : i32
    %add3A_108 = vector.broadcast %add3A_107 : i32 to vector<16xi32>
    %add3A_109 = arith.addi %add3A_108, %iota3A : vector<16xi32>
    %add3A_110 = arith.constant 16 : i32
    %add3A_111 = vector.broadcast %add3A_110 : i32 to vector<16xi32>
    %add3A_112 = arith.addi %add3A_111, %iota3A : vector<16xi32>
    %add3A_113 = arith.constant 32 : i32
    %add3A_114 = vector.broadcast %add3A_113 : i32 to vector<16xi32>
    %add3A_115 = arith.addi %add3A_114, %iota3A : vector<16xi32>
    %add3A_116 = arith.constant 48 : i32
    %add3A_117 = vector.broadcast %add3A_116 : i32 to vector<16xi32>
    %add3A_118 = arith.addi %add3A_117, %iota3A : vector<16xi32>
    %add3A_119 = arith.constant 64 : i32
    %add3A_120 = vector.broadcast %add3A_119 : i32 to vector<16xi32>
    %add3A_121 = arith.addi %add3A_120, %iota3A : vector<16xi32>
    %add3A_122 = arith.constant 80 : i32
    %add3A_123 = vector.broadcast %add3A_122 : i32 to vector<16xi32>
    %add3A_124 = arith.addi %add3A_123, %iota3A : vector<16xi32>
    %add3A_125 = arith.constant 96 : i32
    %add3A_126 = vector.broadcast %add3A_125 : i32 to vector<16xi32>
    %add3A_127 = arith.addi %add3A_126, %iota3A : vector<16xi32>
    %add3A_128 = arith.constant 112 : i32
    %add3A_129 = vector.broadcast %add3A_128 : i32 to vector<16xi32>
    %add3A_130 = arith.addi %add3A_129, %iota3A : vector<16xi32>
    %broadcast_in_dim3A = arith.constant 0 : i32
    %broadcast_in_dim3A_131 = vector.broadcast %broadcast_in_dim3A : i32 to vector<16xi32>
    %parallel_loop3A = arith.constant 0 : i32
    %parallel_loop3A_132 = arith.constant 64 : i32
    %parallel_loop3A_133 = arith.constant 1 : i32
    scf.for %parallel_loop3A_499 = %parallel_loop3A to %parallel_loop3A_132 step %parallel_loop3A_133  : i32 {
      %parallel_loop3A_500 = arith.constant 3 : i32
      %parallel_loop3A_501 = arith.shrui %parallel_loop3A_499, %parallel_loop3A_500 : i32
      %parallel_loop3A_502 = arith.constant 7 : i32
      %parallel_loop3A_503 = arith.andi %parallel_loop3A_499, %parallel_loop3A_502 : i32
      %parallel_loop3A_504 = vector.broadcast %parallel_loop3A_499 : i32 to vector<16xi32>
      %parallel_loop3A_505 = arith.addi %broadcast_in_dim3A_131, %parallel_loop3A_504 : vector<16xi32>
      %parallel_loop3A_506 = arith.constant 0 : i32
      %parallel_loop3A_507 = arith.constant 0 : i32
      %parallel_loop3A_508 = arith.constant 0 : i32
      %parallel_loop3A_509 = tpu.memref_slice %arg7[%parallel_loop3A_506, %parallel_loop3A_507, %parallel_loop3A_508] : memref<4x128x64xf32, #tpu.memory_space<vmem>> -> memref<1x128x64xf32, #tpu.memory_space<vmem>>
      %parallel_loop3A_510 = tpu.memref_squeeze %parallel_loop3A_509 : memref<1x128x64xf32, #tpu.memory_space<vmem>> -> memref<128x64xf32, #tpu.memory_space<vmem>>
      %parallel_loop3A_511 = tpu.vector_load_idx %parallel_loop3A_510[%add3A_109, %parallel_loop3A_505] : memref<128x64xf32, #tpu.memory_space<vmem>>[vector<16xi32>, vector<16xi32>], vector<16xf32>,
      %parallel_loop3A_512 = arith.constant 0 : i32
      %parallel_loop3A_513 = arith.index_cast %parallel_loop3A_512 : i32 to index
      %parallel_loop3A_514 = arith.index_cast %parallel_loop3A_501 : i32 to index
      %parallel_loop3A_515 = arith.index_cast %parallel_loop3A_503 : i32 to index
      %parallel_loop3A_516 = arith.constant 0 : index
      %parallel_loop3A_517 = tpu.vector_load %arg8[%parallel_loop3A_513, %parallel_loop3A_514, %parallel_loop3A_515, %parallel_loop3A_516] {strides = array<i32>} : memref<4x8x8x128xf32, #tpu.memory_space<vmem>>, vector<16xf32>,
      tpu.vector_store %arg8[%parallel_loop3A_513, %parallel_loop3A_514, %parallel_loop3A_515, %parallel_loop3A_516], %parallel_loop3A_511 {strides = array<i32>} : memref<4x8x8x128xf32, #tpu.memory_space<vmem>>, vector<16xf32>,
      %parallel_loop3A_518 = arith.constant 0 : i32
      %parallel_loop3A_519 = arith.constant 0 : i32
      %parallel_loop3A_520 = arith.constant 0 : i32
      %parallel_loop3A_521 = tpu.memref_slice %arg7[%parallel_loop3A_518, %parallel_loop3A_519, %parallel_loop3A_520] : memref<4x128x64xf32, #tpu.memory_space<vmem>> -> memref<1x128x64xf32, #tpu.memory_space<vmem>>
      %parallel_loop3A_522 = tpu.memref_squeeze %parallel_loop3A_521 : memref<1x128x64xf32, #tpu.memory_space<vmem>> -> memref<128x64xf32, #tpu.memory_space<vmem>>
      %parallel_loop3A_523 = tpu.vector_load_idx %parallel_loop3A_522[%add3A_112, %parallel_loop3A_505] : memref<128x64xf32, #tpu.memory_space<vmem>>[vector<16xi32>, vector<16xi32>], vector<16xf32>,
      %parallel_loop3A_524 = arith.constant 0 : i32
      %parallel_loop3A_525 = arith.index_cast %parallel_loop3A_524 : i32 to index
      %parallel_loop3A_526 = arith.index_cast %parallel_loop3A_501 : i32 to index
      %parallel_loop3A_527 = arith.index_cast %parallel_loop3A_503 : i32 to index
      %parallel_loop3A_528 = arith.constant 16 : index
      %parallel_loop3A_529 = tpu.vector_load %arg8[%parallel_loop3A_525, %parallel_loop3A_526, %parallel_loop3A_527, %parallel_loop3A_528] {strides = array<i32>} : memref<4x8x8x128xf32, #tpu.memory_space<vmem>>, vector<16xf32>,
      tpu.vector_store %arg8[%parallel_loop3A_525, %parallel_loop3A_526, %parallel_loop3A_527, %parallel_loop3A_528], %parallel_loop3A_523 {strides = array<i32>} : memref<4x8x8x128xf32, #tpu.memory_space<vmem>>, vector<16xf32>,
      %parallel_loop3A_530 = arith.constant 0 : i32
      %parallel_loop3A_531 = arith.constant 0 : i32
      %parallel_loop3A_532 = arith.constant 0 : i32
      %parallel_loop3A_533 = tpu.memref_slice %arg7[%parallel_loop3A_530, %parallel_loop3A_531, %parallel_loop3A_532] : memref<4x128x64xf32, #tpu.memory_space<vmem>> -> memref<1x128x64xf32, #tpu.memory_space<vmem>>
      %parallel_loop3A_534 = tpu.memref_squeeze %parallel_loop3A_533 : memref<1x128x64xf32, #tpu.memory_space<vmem>> -> memref<128x64xf32, #tpu.memory_space<vmem>>
      %parallel_loop3A_535 = tpu.vector_load_idx %parallel_loop3A_534[%add3A_115, %parallel_loop3A_505] : memref<128x64xf32, #tpu.memory_space<vmem>>[vector<16xi32>, vector<16xi32>], vector<16xf32>,
      %parallel_loop3A_536 = arith.constant 0 : i32
      %parallel_loop3A_537 = arith.index_cast %parallel_loop3A_536 : i32 to index
      %parallel_loop3A_538 = arith.index_cast %parallel_loop3A_501 : i32 to index
      %parallel_loop3A_539 = arith.index_cast %parallel_loop3A_503 : i32 to index
      %parallel_loop3A_540 = arith.constant 32 : index
      %parallel_loop3A_541 = tpu.vector_load %arg8[%parallel_loop3A_537, %parallel_loop3A_538, %parallel_loop3A_539, %parallel_loop3A_540] {strides = array<i32>} : memref<4x8x8x128xf32, #tpu.memory_space<vmem>>, vector<16xf32>,
      tpu.vector_store %arg8[%parallel_loop3A_537, %parallel_loop3A_538, %parallel_loop3A_539, %parallel_loop3A_540], %parallel_loop3A_535 {strides = array<i32>} : memref<4x8x8x128xf32, #tpu.memory_space<vmem>>, vector<16xf32>,
      %parallel_loop3A_542 = arith.constant 0 : i32
      %parallel_loop3A_543 = arith.constant 0 : i32
      %parallel_loop3A_544 = arith.constant 0 : i32
      %parallel_loop3A_545 = tpu.memref_slice %arg7[%parallel_loop3A_542, %parallel_loop3A_543, %parallel_loop3A_544] : memref<4x128x64xf32, #tpu.memory_space<vmem>> -> memref<1x128x64xf32, #tpu.memory_space<vmem>>
      %parallel_loop3A_546 = tpu.memref_squeeze %parallel_loop3A_545 : memref<1x128x64xf32, #tpu.memory_space<vmem>> -> memref<128x64xf32, #tpu.memory_space<vmem>>
      %parallel_loop3A_547 = tpu.vector_load_idx %parallel_loop3A_546[%add3A_118, %parallel_loop3A_505] : memref<128x64xf32, #tpu.memory_space<vmem>>[vector<16xi32>, vector<16xi32>], vector<16xf32>,
      %parallel_loop3A_548 = arith.constant 0 : i32
      %parallel_loop3A_549 = arith.index_cast %parallel_loop3A_548 : i32 to index
      %parallel_loop3A_550 = arith.index_cast %parallel_loop3A_501 : i32 to index
      %parallel_loop3A_551 = arith.index_cast %parallel_loop3A_503 : i32 to index
      %parallel_loop3A_552 = arith.constant 48 : index
      %parallel_loop3A_553 = tpu.vector_load %arg8[%parallel_loop3A_549, %parallel_loop3A_550, %parallel_loop3A_551, %parallel_loop3A_552] {strides = array<i32>} : memref<4x8x8x128xf32, #tpu.memory_space<vmem>>, vector<16xf32>,
      tpu.vector_store %arg8[%parallel_loop3A_549, %parallel_loop3A_550, %parallel_loop3A_551, %parallel_loop3A_552], %parallel_loop3A_547 {strides = array<i32>} : memref<4x8x8x128xf32, #tpu.memory_space<vmem>>, vector<16xf32>,
      %parallel_loop3A_554 = arith.constant 0 : i32
      %parallel_loop3A_555 = arith.constant 0 : i32
      %parallel_loop3A_556 = arith.constant 0 : i32
      %parallel_loop3A_557 = tpu.memref_slice %arg7[%parallel_loop3A_554, %parallel_loop3A_555, %parallel_loop3A_556] : memref<4x128x64xf32, #tpu.memory_space<vmem>> -> memref<1x128x64xf32, #tpu.memory_space<vmem>>
      %parallel_loop3A_558 = tpu.memref_squeeze %parallel_loop3A_557 : memref<1x128x64xf32, #tpu.memory_space<vmem>> -> memref<128x64xf32, #tpu.memory_space<vmem>>
      %parallel_loop3A_559 = tpu.vector_load_idx %parallel_loop3A_558[%add3A_121, %parallel_loop3A_505] : memref<128x64xf32, #tpu.memory_space<vmem>>[vector<16xi32>, vector<16xi32>], vector<16xf32>,
      %parallel_loop3A_560 = arith.constant 0 : i32
      %parallel_loop3A_561 = arith.index_cast %parallel_loop3A_560 : i32 to index
      %parallel_loop3A_562 = arith.index_cast %parallel_loop3A_501 : i32 to index
      %parallel_loop3A_563 = arith.index_cast %parallel_loop3A_503 : i32 to index
      %parallel_loop3A_564 = arith.constant 64 : index
      %parallel_loop3A_565 = tpu.vector_load %arg8[%parallel_loop3A_561, %parallel_loop3A_562, %parallel_loop3A_563, %parallel_loop3A_564] {strides = array<i32>} : memref<4x8x8x128xf32, #tpu.memory_space<vmem>>, vector<16xf32>,
      tpu.vector_store %arg8[%parallel_loop3A_561, %parallel_loop3A_562, %parallel_loop3A_563, %parallel_loop3A_564], %parallel_loop3A_559 {strides = array<i32>} : memref<4x8x8x128xf32, #tpu.memory_space<vmem>>, vector<16xf32>,
      %parallel_loop3A_566 = arith.constant 0 : i32
      %parallel_loop3A_567 = arith.constant 0 : i32
      %parallel_loop3A_568 = arith.constant 0 : i32
      %parallel_loop3A_569 = tpu.memref_slice %arg7[%parallel_loop3A_566, %parallel_loop3A_567, %parallel_loop3A_568] : memref<4x128x64xf32, #tpu.memory_space<vmem>> -> memref<1x128x64xf32, #tpu.memory_space<vmem>>
      %parallel_loop3A_570 = tpu.memref_squeeze %parallel_loop3A_569 : memref<1x128x64xf32, #tpu.memory_space<vmem>> -> memref<128x64xf32, #tpu.memory_space<vmem>>
      %parallel_loop3A_571 = tpu.vector_load_idx %parallel_loop3A_570[%add3A_124, %parallel_loop3A_505] : memref<128x64xf32, #tpu.memory_space<vmem>>[vector<16xi32>, vector<16xi32>], vector<16xf32>,
      %parallel_loop3A_572 = arith.constant 0 : i32
      %parallel_loop3A_573 = arith.index_cast %parallel_loop3A_572 : i32 to index
      %parallel_loop3A_574 = arith.index_cast %parallel_loop3A_501 : i32 to index
      %parallel_loop3A_575 = arith.index_cast %parallel_loop3A_503 : i32 to index
      %parallel_loop3A_576 = arith.constant 80 : index
      %parallel_loop3A_577 = tpu.vector_load %arg8[%parallel_loop3A_573, %parallel_loop3A_574, %parallel_loop3A_575, %parallel_loop3A_576] {strides = array<i32>} : memref<4x8x8x128xf32, #tpu.memory_space<vmem>>, vector<16xf32>,
      tpu.vector_store %arg8[%parallel_loop3A_573, %parallel_loop3A_574, %parallel_loop3A_575, %parallel_loop3A_576], %parallel_loop3A_571 {strides = array<i32>} : memref<4x8x8x128xf32, #tpu.memory_space<vmem>>, vector<16xf32>,
      %parallel_loop3A_578 = arith.constant 0 : i32
      %parallel_loop3A_579 = arith.constant 0 : i32
      %parallel_loop3A_580 = arith.constant 0 : i32
      %parallel_loop3A_581 = tpu.memref_slice %arg7[%parallel_loop3A_578, %parallel_loop3A_579, %parallel_loop3A_580] : memref<4x128x64xf32, #tpu.memory_space<vmem>> -> memref<1x128x64xf32, #tpu.memory_space<vmem>>
      %parallel_loop3A_582 = tpu.memref_squeeze %parallel_loop3A_581 : memref<1x128x64xf32, #tpu.memory_space<vmem>> -> memref<128x64xf32, #tpu.memory_space<vmem>>
      %parallel_loop3A_583 = tpu.vector_load_idx %parallel_loop3A_582[%add3A_127, %parallel_loop3A_505] : memref<128x64xf32, #tpu.memory_space<vmem>>[vector<16xi32>, vector<16xi32>], vector<16xf32>,
      %parallel_loop3A_584 = arith.constant 0 : i32
      %parallel_loop3A_585 = arith.index_cast %parallel_loop3A_584 : i32 to index
      %parallel_loop3A_586 = arith.index_cast %parallel_loop3A_501 : i32 to index
      %parallel_loop3A_587 = arith.index_cast %parallel_loop3A_503 : i32 to index
      %parallel_loop3A_588 = arith.constant 96 : index
      %parallel_loop3A_589 = tpu.vector_load %arg8[%parallel_loop3A_585, %parallel_loop3A_586, %parallel_loop3A_587, %parallel_loop3A_588] {strides = array<i32>} : memref<4x8x8x128xf32, #tpu.memory_space<vmem>>, vector<16xf32>,
      tpu.vector_store %arg8[%parallel_loop3A_585, %parallel_loop3A_586, %parallel_loop3A_587, %parallel_loop3A_588], %parallel_loop3A_583 {strides = array<i32>} : memref<4x8x8x128xf32, #tpu.memory_space<vmem>>, vector<16xf32>,
      %parallel_loop3A_590 = arith.constant 0 : i32
      %parallel_loop3A_591 = arith.constant 0 : i32
      %parallel_loop3A_592 = arith.constant 0 : i32
      %parallel_loop3A_593 = tpu.memref_slice %arg7[%parallel_loop3A_590, %parallel_loop3A_591, %parallel_loop3A_592] : memref<4x128x64xf32, #tpu.memory_space<vmem>> -> memref<1x128x64xf32, #tpu.memory_space<vmem>>
      %parallel_loop3A_594 = tpu.memref_squeeze %parallel_loop3A_593 : memref<1x128x64xf32, #tpu.memory_space<vmem>> -> memref<128x64xf32, #tpu.memory_space<vmem>>
      %parallel_loop3A_595 = tpu.vector_load_idx %parallel_loop3A_594[%add3A_130, %parallel_loop3A_505] : memref<128x64xf32, #tpu.memory_space<vmem>>[vector<16xi32>, vector<16xi32>], vector<16xf32>,
      %parallel_loop3A_596 = arith.constant 0 : i32
      %parallel_loop3A_597 = arith.index_cast %parallel_loop3A_596 : i32 to index
      %parallel_loop3A_598 = arith.index_cast %parallel_loop3A_501 : i32 to index
      %parallel_loop3A_599 = arith.index_cast %parallel_loop3A_503 : i32 to index
      %parallel_loop3A_600 = arith.constant 112 : index
      %parallel_loop3A_601 = tpu.vector_load %arg8[%parallel_loop3A_597, %parallel_loop3A_598, %parallel_loop3A_599, %parallel_loop3A_600] {strides = array<i32>} : memref<4x8x8x128xf32, #tpu.memory_space<vmem>>, vector<16xf32>,
      tpu.vector_store %arg8[%parallel_loop3A_597, %parallel_loop3A_598, %parallel_loop3A_599, %parallel_loop3A_600], %parallel_loop3A_595 {strides = array<i32>} : memref<4x8x8x128xf32, #tpu.memory_space<vmem>>, vector<16xf32>,
    } {sc.loop_unroll_factor = 4 : i64, sc.parallel_access}
    %dma_start3A_134 = arith.constant 0 : i32
    %dma_start3A_135 = arith.constant 196 : i32
    %dma_start3A_136 = arith.constant 0 : i32
    %dma_start3A_137 = arith.constant 0 : i32
    %dma_start3A_138 = arith.constant 0 : i32
    %dma_start3A_139 = tpu.memref_slice %arg8[%dma_start3A_134, %dma_start3A_136, %dma_start3A_137, %dma_start3A_138] : memref<4x8x8x128xf32, #tpu.memory_space<vmem>> -> memref<1x8x8x128xf32, #tpu.memory_space<vmem>>
    %dma_start3A_140 = tpu.memref_squeeze %dma_start3A_139 : memref<1x8x8x128xf32, #tpu.memory_space<vmem>> -> memref<8x8x128xf32, #tpu.memory_space<vmem>>
    %dma_start3A_141 = arith.constant 0 : i32
    %dma_start3A_142 = arith.constant 0 : i32
    %dma_start3A_143 = arith.constant 0 : i32
    %dma_start3A_144 = tpu.memref_slice %arg4[%dma_start3A_135, %dma_start3A_141, %add3A, %dma_start3A_142, %dma_start3A_143] : memref<200x8x32x8x128xf32, #tpu.memory_space<hbm>> -> memref<1x8x1x8x128xf32, #tpu.memory_space<hbm>>
    %dma_start3A_145 = tpu.memref_squeeze %dma_start3A_144 : memref<1x8x1x8x128xf32, #tpu.memory_space<hbm>> -> memref<8x8x128xf32, #tpu.memory_space<hbm>>
    %dma_start3A_146 = arith.constant 0 : i32
    %dma_start3A_147 = arith.constant 0 : i32
    %dma_start3A_148 = arith.constant 0 : i32
    %dma_start3A_149 = tpu.memref_slice %arg4[%dma_start3A_135, %dma_start3A_146, %add3A, %dma_start3A_147, %dma_start3A_148] : memref<200x8x32x8x128xf32, #tpu.memory_space<hbm>> -> memref<1x8x1x8x128xf32, #tpu.memory_space<hbm>>
    %dma_start3A_150 = tpu.memref_squeeze %dma_start3A_149 : memref<1x8x1x8x128xf32, #tpu.memory_space<hbm>> -> memref<8x8x128xf32, #tpu.memory_space<hbm>>
    %dma_start3A_151 = arith.constant 0 : i32
    %dma_start3A_152 = arith.constant 0 : i32
    %dma_start3A_153 = arith.constant 0 : i32
    %dma_start3A_154 = tpu.memref_slice %arg8[%dma_start3A_134, %dma_start3A_151, %dma_start3A_152, %dma_start3A_153] : memref<4x8x8x128xf32, #tpu.memory_space<vmem>> -> memref<1x8x8x128xf32, #tpu.memory_space<vmem>>
    %dma_start3A_155 = tpu.memref_squeeze %dma_start3A_154 : memref<1x8x8x128xf32, #tpu.memory_space<vmem>> -> memref<8x8x128xf32, #tpu.memory_space<vmem>>
    tpu.enqueue_dma source(%dma_start3A_155 : memref<8x8x128xf32, #tpu.memory_space<vmem>>) target(%dma_start3A_150 : memref<8x8x128xf32, #tpu.memory_space<hbm>>) target_semaphore(%arg13 : memref<!tpu.dma_semaphore, #tpu.memory_space<semaphore_mem>>)
    %dma_wait3A_156 = arith.constant 1 : i32
    %dma_wait3A_157 = arith.constant 193 : i32
    %dma_wait3A_158 = arith.constant 0 : i32
    %dma_wait3A_159 = arith.constant 0 : i32
    %dma_wait3A_160 = arith.constant 0 : i32
    %dma_wait3A_161 = tpu.memref_slice %arg8[%dma_wait3A_156, %dma_wait3A_158, %dma_wait3A_159, %dma_wait3A_160] : memref<4x8x8x128xf32, #tpu.memory_space<vmem>> -> memref<1x8x8x128xf32, #tpu.memory_space<vmem>>
    %dma_wait3A_162 = tpu.memref_squeeze %dma_wait3A_161 : memref<1x8x8x128xf32, #tpu.memory_space<vmem>> -> memref<8x8x128xf32, #tpu.memory_space<vmem>>
    %dma_wait3A_163 = arith.constant 0 : i32
    %dma_wait3A_164 = arith.constant 0 : i32
    %dma_wait3A_165 = arith.constant 0 : i32
    %dma_wait3A_166 = tpu.memref_slice %arg4[%dma_wait3A_157, %dma_wait3A_163, %add3A, %dma_wait3A_164, %dma_wait3A_165] : memref<200x8x32x8x128xf32, #tpu.memory_space<hbm>> -> memref<1x8x1x8x128xf32, #tpu.memory_space<hbm>>
    %dma_wait3A_167 = tpu.memref_squeeze %dma_wait3A_166 : memref<1x8x1x8x128xf32, #tpu.memory_space<hbm>> -> memref<8x8x128xf32, #tpu.memory_space<hbm>>
    %dma_wait3A_168 = arith.constant 0 : i32
    %dma_wait3A_169 = arith.constant 0 : i32
    %dma_wait3A_170 = arith.constant 0 : i32
    %dma_wait3A_171 = tpu.memref_slice %arg4[%dma_wait3A_157, %dma_wait3A_168, %add3A, %dma_wait3A_169, %dma_wait3A_170] : memref<200x8x32x8x128xf32, #tpu.memory_space<hbm>> -> memref<1x8x1x8x128xf32, #tpu.memory_space<hbm>>
    %dma_wait3A_172 = tpu.memref_squeeze %dma_wait3A_171 : memref<1x8x1x8x128xf32, #tpu.memory_space<hbm>> -> memref<8x8x128xf32, #tpu.memory_space<hbm>>
    %dma_wait3A_173 = arith.constant 0 : i32
    %dma_wait3A_174 = arith.constant 0 : i32
    %dma_wait3A_175 = arith.constant 0 : i32
    %dma_wait3A_176 = tpu.memref_slice %arg8[%dma_wait3A_156, %dma_wait3A_173, %dma_wait3A_174, %dma_wait3A_175] : memref<4x8x8x128xf32, #tpu.memory_space<vmem>> -> memref<1x8x8x128xf32, #tpu.memory_space<vmem>>
    %dma_wait3A_177 = tpu.memref_squeeze %dma_wait3A_176 : memref<1x8x8x128xf32, #tpu.memory_space<vmem>> -> memref<8x8x128xf32, #tpu.memory_space<vmem>>
    tpu.wait_dma2 semaphore(%arg14 : memref<!tpu.dma_semaphore, #tpu.memory_space<semaphore_mem>>) src(%dma_wait3A_177 : memref<8x8x128xf32, #tpu.memory_space<vmem>>) dst(%dma_wait3A_172 : memref<8x8x128xf32, #tpu.memory_space<hbm>>)
    %dma_wait3A_178 = arith.constant 197 : i32
    %dma_wait3A_179 = arith.constant 1 : i32
    %dma_wait3A_180 = arith.constant 0 : i32
    %dma_wait3A_181 = arith.constant 0 : i32
    %dma_wait3A_182 = tpu.memref_slice %arg7[%dma_wait3A_179, %dma_wait3A_180, %dma_wait3A_181] : memref<4x128x64xf32, #tpu.memory_space<vmem>> -> memref<1x128x64xf32, #tpu.memory_space<vmem>>
    %dma_wait3A_183 = tpu.memref_squeeze %dma_wait3A_182 : memref<1x128x64xf32, #tpu.memory_space<vmem>> -> memref<128x64xf32, #tpu.memory_space<vmem>>
    %dma_wait3A_184 = arith.constant 0 : i32
    %dma_wait3A_185 = tpu.memref_slice %arg6[%dma_wait3A_178, %dma_wait3A_184] : memref<200x128xi32, #tpu.memory_space<vmem>> -> memref<1x128xi32, #tpu.memory_space<vmem>>
    %dma_wait3A_186 = tpu.memref_squeeze %dma_wait3A_185 : memref<1x128xi32, #tpu.memory_space<vmem>> -> memref<128xi32, #tpu.memory_space<vmem>>
    %dma_wait3A_187 = arith.constant 0 : i32
    %dma_wait3A_188 = arith.constant 0 : i32
    %dma_wait3A_189 = tpu.memref_slice %arg3[%dma_wait3A_187, %dma_wait3A_188] : memref<1000000x64xf32, #tpu.memory_space<hbm>> -> memref<1000000x64xf32, #tpu.memory_space<hbm>>
    tpu.wait_indirect_dma semaphore(%arg10 : memref<!tpu.dma_semaphore, #tpu.memory_space<semaphore_mem>>) src(%dma_wait3A_189 : memref<1000000x64xf32, #tpu.memory_space<hbm>>) dst(%dma_wait3A_183 : memref<128x64xf32, #tpu.memory_space<vmem>>)
    %add3A_190 = arith.constant 0 : i32
    %add3A_191 = vector.broadcast %add3A_190 : i32 to vector<16xi32>
    %add3A_192 = arith.addi %add3A_191, %iota3A : vector<16xi32>
    %add3A_193 = arith.constant 16 : i32
    %add3A_194 = vector.broadcast %add3A_193 : i32 to vector<16xi32>
    %add3A_195 = arith.addi %add3A_194, %iota3A : vector<16xi32>
    %add3A_196 = arith.constant 32 : i32
    %add3A_197 = vector.broadcast %add3A_196 : i32 to vector<16xi32>
    %add3A_198 = arith.addi %add3A_197, %iota3A : vector<16xi32>
    %add3A_199 = arith.constant 48 : i32
    %add3A_200 = vector.broadcast %add3A_199 : i32 to vector<16xi32>
    %add3A_201 = arith.addi %add3A_200, %iota3A : vector<16xi32>
    %add3A_202 = arith.constant 64 : i32
    %add3A_203 = vector.broadcast %add3A_202 : i32 to vector<16xi32>
    %add3A_204 = arith.addi %add3A_203, %iota3A : vector<16xi32>
    %add3A_205 = arith.constant 80 : i32
    %add3A_206 = vector.broadcast %add3A_205 : i32 to vector<16xi32>
    %add3A_207 = arith.addi %add3A_206, %iota3A : vector<16xi32>
    %add3A_208 = arith.constant 96 : i32
    %add3A_209 = vector.broadcast %add3A_208 : i32 to vector<16xi32>
    %add3A_210 = arith.addi %add3A_209, %iota3A : vector<16xi32>
    %add3A_211 = arith.constant 112 : i32
    %add3A_212 = vector.broadcast %add3A_211 : i32 to vector<16xi32>
    %add3A_213 = arith.addi %add3A_212, %iota3A : vector<16xi32>
    %broadcast_in_dim3A_214 = arith.constant 0 : i32
    %broadcast_in_dim3A_215 = vector.broadcast %broadcast_in_dim3A_214 : i32 to vector<16xi32>
    %parallel_loop3A_216 = arith.constant 0 : i32
    %parallel_loop3A_217 = arith.constant 64 : i32
    %parallel_loop3A_218 = arith.constant 1 : i32
    scf.for %parallel_loop3A_499 = %parallel_loop3A_216 to %parallel_loop3A_217 step %parallel_loop3A_218  : i32 {
      %parallel_loop3A_500 = arith.constant 3 : i32
      %parallel_loop3A_501 = arith.shrui %parallel_loop3A_499, %parallel_loop3A_500 : i32
      %parallel_loop3A_502 = arith.constant 7 : i32
      %parallel_loop3A_503 = arith.andi %parallel_loop3A_499, %parallel_loop3A_502 : i32
      %parallel_loop3A_504 = vector.broadcast %parallel_loop3A_499 : i32 to vector<16xi32>
      %parallel_loop3A_505 = arith.addi %broadcast_in_dim3A_215, %parallel_loop3A_504 : vector<16xi32>
      %parallel_loop3A_506 = arith.constant 1 : i32
      %parallel_loop3A_507 = arith.constant 0 : i32
      %parallel_loop3A_508 = arith.constant 0 : i32
      %parallel_loop3A_509 = tpu.memref_slice %arg7[%parallel_loop3A_506, %parallel_loop3A_507, %parallel_loop3A_508] : memref<4x128x64xf32, #tpu.memory_space<vmem>> -> memref<1x128x64xf32, #tpu.memory_space<vmem>>
      %parallel_loop3A_510 = tpu.memref_squeeze %parallel_loop3A_509 : memref<1x128x64xf32, #tpu.memory_space<vmem>> -> memref<128x64xf32, #tpu.memory_space<vmem>>
      %parallel_loop3A_511 = tpu.vector_load_idx %parallel_loop3A_510[%add3A_192, %parallel_loop3A_505] : memref<128x64xf32, #tpu.memory_space<vmem>>[vector<16xi32>, vector<16xi32>], vector<16xf32>,
      %parallel_loop3A_512 = arith.constant 1 : i32
      %parallel_loop3A_513 = arith.index_cast %parallel_loop3A_512 : i32 to index
      %parallel_loop3A_514 = arith.index_cast %parallel_loop3A_501 : i32 to index
      %parallel_loop3A_515 = arith.index_cast %parallel_loop3A_503 : i32 to index
      %parallel_loop3A_516 = arith.constant 0 : index
      %parallel_loop3A_517 = tpu.vector_load %arg8[%parallel_loop3A_513, %parallel_loop3A_514, %parallel_loop3A_515, %parallel_loop3A_516] {strides = array<i32>} : memref<4x8x8x128xf32, #tpu.memory_space<vmem>>, vector<16xf32>,
      tpu.vector_store %arg8[%parallel_loop3A_513, %parallel_loop3A_514, %parallel_loop3A_515, %parallel_loop3A_516], %parallel_loop3A_511 {strides = array<i32>} : memref<4x8x8x128xf32, #tpu.memory_space<vmem>>, vector<16xf32>,
      %parallel_loop3A_518 = arith.constant 1 : i32
      %parallel_loop3A_519 = arith.constant 0 : i32
      %parallel_loop3A_520 = arith.constant 0 : i32
      %parallel_loop3A_521 = tpu.memref_slice %arg7[%parallel_loop3A_518, %parallel_loop3A_519, %parallel_loop3A_520] : memref<4x128x64xf32, #tpu.memory_space<vmem>> -> memref<1x128x64xf32, #tpu.memory_space<vmem>>
      %parallel_loop3A_522 = tpu.memref_squeeze %parallel_loop3A_521 : memref<1x128x64xf32, #tpu.memory_space<vmem>> -> memref<128x64xf32, #tpu.memory_space<vmem>>
      %parallel_loop3A_523 = tpu.vector_load_idx %parallel_loop3A_522[%add3A_195, %parallel_loop3A_505] : memref<128x64xf32, #tpu.memory_space<vmem>>[vector<16xi32>, vector<16xi32>], vector<16xf32>,
      %parallel_loop3A_524 = arith.constant 1 : i32
      %parallel_loop3A_525 = arith.index_cast %parallel_loop3A_524 : i32 to index
      %parallel_loop3A_526 = arith.index_cast %parallel_loop3A_501 : i32 to index
      %parallel_loop3A_527 = arith.index_cast %parallel_loop3A_503 : i32 to index
      %parallel_loop3A_528 = arith.constant 16 : index
      %parallel_loop3A_529 = tpu.vector_load %arg8[%parallel_loop3A_525, %parallel_loop3A_526, %parallel_loop3A_527, %parallel_loop3A_528] {strides = array<i32>} : memref<4x8x8x128xf32, #tpu.memory_space<vmem>>, vector<16xf32>,
      tpu.vector_store %arg8[%parallel_loop3A_525, %parallel_loop3A_526, %parallel_loop3A_527, %parallel_loop3A_528], %parallel_loop3A_523 {strides = array<i32>} : memref<4x8x8x128xf32, #tpu.memory_space<vmem>>, vector<16xf32>,
      %parallel_loop3A_530 = arith.constant 1 : i32
      %parallel_loop3A_531 = arith.constant 0 : i32
      %parallel_loop3A_532 = arith.constant 0 : i32
      %parallel_loop3A_533 = tpu.memref_slice %arg7[%parallel_loop3A_530, %parallel_loop3A_531, %parallel_loop3A_532] : memref<4x128x64xf32, #tpu.memory_space<vmem>> -> memref<1x128x64xf32, #tpu.memory_space<vmem>>
      %parallel_loop3A_534 = tpu.memref_squeeze %parallel_loop3A_533 : memref<1x128x64xf32, #tpu.memory_space<vmem>> -> memref<128x64xf32, #tpu.memory_space<vmem>>
      %parallel_loop3A_535 = tpu.vector_load_idx %parallel_loop3A_534[%add3A_198, %parallel_loop3A_505] : memref<128x64xf32, #tpu.memory_space<vmem>>[vector<16xi32>, vector<16xi32>], vector<16xf32>,
      %parallel_loop3A_536 = arith.constant 1 : i32
      %parallel_loop3A_537 = arith.index_cast %parallel_loop3A_536 : i32 to index
      %parallel_loop3A_538 = arith.index_cast %parallel_loop3A_501 : i32 to index
      %parallel_loop3A_539 = arith.index_cast %parallel_loop3A_503 : i32 to index
      %parallel_loop3A_540 = arith.constant 32 : index
      %parallel_loop3A_541 = tpu.vector_load %arg8[%parallel_loop3A_537, %parallel_loop3A_538, %parallel_loop3A_539, %parallel_loop3A_540] {strides = array<i32>} : memref<4x8x8x128xf32, #tpu.memory_space<vmem>>, vector<16xf32>,
      tpu.vector_store %arg8[%parallel_loop3A_537, %parallel_loop3A_538, %parallel_loop3A_539, %parallel_loop3A_540], %parallel_loop3A_535 {strides = array<i32>} : memref<4x8x8x128xf32, #tpu.memory_space<vmem>>, vector<16xf32>,
      %parallel_loop3A_542 = arith.constant 1 : i32
      %parallel_loop3A_543 = arith.constant 0 : i32
      %parallel_loop3A_544 = arith.constant 0 : i32
      %parallel_loop3A_545 = tpu.memref_slice %arg7[%parallel_loop3A_542, %parallel_loop3A_543, %parallel_loop3A_544] : memref<4x128x64xf32, #tpu.memory_space<vmem>> -> memref<1x128x64xf32, #tpu.memory_space<vmem>>
      %parallel_loop3A_546 = tpu.memref_squeeze %parallel_loop3A_545 : memref<1x128x64xf32, #tpu.memory_space<vmem>> -> memref<128x64xf32, #tpu.memory_space<vmem>>
      %parallel_loop3A_547 = tpu.vector_load_idx %parallel_loop3A_546[%add3A_201, %parallel_loop3A_505] : memref<128x64xf32, #tpu.memory_space<vmem>>[vector<16xi32>, vector<16xi32>], vector<16xf32>,
      %parallel_loop3A_548 = arith.constant 1 : i32
      %parallel_loop3A_549 = arith.index_cast %parallel_loop3A_548 : i32 to index
      %parallel_loop3A_550 = arith.index_cast %parallel_loop3A_501 : i32 to index
      %parallel_loop3A_551 = arith.index_cast %parallel_loop3A_503 : i32 to index
      %parallel_loop3A_552 = arith.constant 48 : index
      %parallel_loop3A_553 = tpu.vector_load %arg8[%parallel_loop3A_549, %parallel_loop3A_550, %parallel_loop3A_551, %parallel_loop3A_552] {strides = array<i32>} : memref<4x8x8x128xf32, #tpu.memory_space<vmem>>, vector<16xf32>,
      tpu.vector_store %arg8[%parallel_loop3A_549, %parallel_loop3A_550, %parallel_loop3A_551, %parallel_loop3A_552], %parallel_loop3A_547 {strides = array<i32>} : memref<4x8x8x128xf32, #tpu.memory_space<vmem>>, vector<16xf32>,
      %parallel_loop3A_554 = arith.constant 1 : i32
      %parallel_loop3A_555 = arith.constant 0 : i32
      %parallel_loop3A_556 = arith.constant 0 : i32
      %parallel_loop3A_557 = tpu.memref_slice %arg7[%parallel_loop3A_554, %parallel_loop3A_555, %parallel_loop3A_556] : memref<4x128x64xf32, #tpu.memory_space<vmem>> -> memref<1x128x64xf32, #tpu.memory_space<vmem>>
      %parallel_loop3A_558 = tpu.memref_squeeze %parallel_loop3A_557 : memref<1x128x64xf32, #tpu.memory_space<vmem>> -> memref<128x64xf32, #tpu.memory_space<vmem>>
      %parallel_loop3A_559 = tpu.vector_load_idx %parallel_loop3A_558[%add3A_204, %parallel_loop3A_505] : memref<128x64xf32, #tpu.memory_space<vmem>>[vector<16xi32>, vector<16xi32>], vector<16xf32>,
      %parallel_loop3A_560 = arith.constant 1 : i32
      %parallel_loop3A_561 = arith.index_cast %parallel_loop3A_560 : i32 to index
      %parallel_loop3A_562 = arith.index_cast %parallel_loop3A_501 : i32 to index
      %parallel_loop3A_563 = arith.index_cast %parallel_loop3A_503 : i32 to index
      %parallel_loop3A_564 = arith.constant 64 : index
      %parallel_loop3A_565 = tpu.vector_load %arg8[%parallel_loop3A_561, %parallel_loop3A_562, %parallel_loop3A_563, %parallel_loop3A_564] {strides = array<i32>} : memref<4x8x8x128xf32, #tpu.memory_space<vmem>>, vector<16xf32>,
      tpu.vector_store %arg8[%parallel_loop3A_561, %parallel_loop3A_562, %parallel_loop3A_563, %parallel_loop3A_564], %parallel_loop3A_559 {strides = array<i32>} : memref<4x8x8x128xf32, #tpu.memory_space<vmem>>, vector<16xf32>,
      %parallel_loop3A_566 = arith.constant 1 : i32
      %parallel_loop3A_567 = arith.constant 0 : i32
      %parallel_loop3A_568 = arith.constant 0 : i32
      %parallel_loop3A_569 = tpu.memref_slice %arg7[%parallel_loop3A_566, %parallel_loop3A_567, %parallel_loop3A_568] : memref<4x128x64xf32, #tpu.memory_space<vmem>> -> memref<1x128x64xf32, #tpu.memory_space<vmem>>
      %parallel_loop3A_570 = tpu.memref_squeeze %parallel_loop3A_569 : memref<1x128x64xf32, #tpu.memory_space<vmem>> -> memref<128x64xf32, #tpu.memory_space<vmem>>
      %parallel_loop3A_571 = tpu.vector_load_idx %parallel_loop3A_570[%add3A_207, %parallel_loop3A_505] : memref<128x64xf32, #tpu.memory_space<vmem>>[vector<16xi32>, vector<16xi32>], vector<16xf32>,
      %parallel_loop3A_572 = arith.constant 1 : i32
      %parallel_loop3A_573 = arith.index_cast %parallel_loop3A_572 : i32 to index
      %parallel_loop3A_574 = arith.index_cast %parallel_loop3A_501 : i32 to index
      %parallel_loop3A_575 = arith.index_cast %parallel_loop3A_503 : i32 to index
      %parallel_loop3A_576 = arith.constant 80 : index
      %parallel_loop3A_577 = tpu.vector_load %arg8[%parallel_loop3A_573, %parallel_loop3A_574, %parallel_loop3A_575, %parallel_loop3A_576] {strides = array<i32>} : memref<4x8x8x128xf32, #tpu.memory_space<vmem>>, vector<16xf32>,
      tpu.vector_store %arg8[%parallel_loop3A_573, %parallel_loop3A_574, %parallel_loop3A_575, %parallel_loop3A_576], %parallel_loop3A_571 {strides = array<i32>} : memref<4x8x8x128xf32, #tpu.memory_space<vmem>>, vector<16xf32>,
      %parallel_loop3A_578 = arith.constant 1 : i32
      %parallel_loop3A_579 = arith.constant 0 : i32
      %parallel_loop3A_580 = arith.constant 0 : i32
      %parallel_loop3A_581 = tpu.memref_slice %arg7[%parallel_loop3A_578, %parallel_loop3A_579, %parallel_loop3A_580] : memref<4x128x64xf32, #tpu.memory_space<vmem>> -> memref<1x128x64xf32, #tpu.memory_space<vmem>>
      %parallel_loop3A_582 = tpu.memref_squeeze %parallel_loop3A_581 : memref<1x128x64xf32, #tpu.memory_space<vmem>> -> memref<128x64xf32, #tpu.memory_space<vmem>>
      %parallel_loop3A_583 = tpu.vector_load_idx %parallel_loop3A_582[%add3A_210, %parallel_loop3A_505] : memref<128x64xf32, #tpu.memory_space<vmem>>[vector<16xi32>, vector<16xi32>], vector<16xf32>,
      %parallel_loop3A_584 = arith.constant 1 : i32
      %parallel_loop3A_585 = arith.index_cast %parallel_loop3A_584 : i32 to index
      %parallel_loop3A_586 = arith.index_cast %parallel_loop3A_501 : i32 to index
      %parallel_loop3A_587 = arith.index_cast %parallel_loop3A_503 : i32 to index
      %parallel_loop3A_588 = arith.constant 96 : index
      %parallel_loop3A_589 = tpu.vector_load %arg8[%parallel_loop3A_585, %parallel_loop3A_586, %parallel_loop3A_587, %parallel_loop3A_588] {strides = array<i32>} : memref<4x8x8x128xf32, #tpu.memory_space<vmem>>, vector<16xf32>,
      tpu.vector_store %arg8[%parallel_loop3A_585, %parallel_loop3A_586, %parallel_loop3A_587, %parallel_loop3A_588], %parallel_loop3A_583 {strides = array<i32>} : memref<4x8x8x128xf32, #tpu.memory_space<vmem>>, vector<16xf32>,
      %parallel_loop3A_590 = arith.constant 1 : i32
      %parallel_loop3A_591 = arith.constant 0 : i32
      %parallel_loop3A_592 = arith.constant 0 : i32
      %parallel_loop3A_593 = tpu.memref_slice %arg7[%parallel_loop3A_590, %parallel_loop3A_591, %parallel_loop3A_592] : memref<4x128x64xf32, #tpu.memory_space<vmem>> -> memref<1x128x64xf32, #tpu.memory_space<vmem>>
      %parallel_loop3A_594 = tpu.memref_squeeze %parallel_loop3A_593 : memref<1x128x64xf32, #tpu.memory_space<vmem>> -> memref<128x64xf32, #tpu.memory_space<vmem>>
      %parallel_loop3A_595 = tpu.vector_load_idx %parallel_loop3A_594[%add3A_213, %parallel_loop3A_505] : memref<128x64xf32, #tpu.memory_space<vmem>>[vector<16xi32>, vector<16xi32>], vector<16xf32>,
      %parallel_loop3A_596 = arith.constant 1 : i32
      %parallel_loop3A_597 = arith.index_cast %parallel_loop3A_596 : i32 to index
      %parallel_loop3A_598 = arith.index_cast %parallel_loop3A_501 : i32 to index
      %parallel_loop3A_599 = arith.index_cast %parallel_loop3A_503 : i32 to index
      %parallel_loop3A_600 = arith.constant 112 : index
      %parallel_loop3A_601 = tpu.vector_load %arg8[%parallel_loop3A_597, %parallel_loop3A_598, %parallel_loop3A_599, %parallel_loop3A_600] {strides = array<i32>} : memref<4x8x8x128xf32, #tpu.memory_space<vmem>>, vector<16xf32>,
      tpu.vector_store %arg8[%parallel_loop3A_597, %parallel_loop3A_598, %parallel_loop3A_599, %parallel_loop3A_600], %parallel_loop3A_595 {strides = array<i32>} : memref<4x8x8x128xf32, #tpu.memory_space<vmem>>, vector<16xf32>,
    } {sc.loop_unroll_factor = 4 : i64, sc.parallel_access}
    %dma_start3A_219 = arith.constant 1 : i32
    %dma_start3A_220 = arith.constant 197 : i32
    %dma_start3A_221 = arith.constant 0 : i32
    %dma_start3A_222 = arith.constant 0 : i32
    %dma_start3A_223 = arith.constant 0 : i32
    %dma_start3A_224 = tpu.memref_slice %arg8[%dma_start3A_219, %dma_start3A_221, %dma_start3A_222, %dma_start3A_223] : memref<4x8x8x128xf32, #tpu.memory_space<vmem>> -> memref<1x8x8x128xf32, #tpu.memory_space<vmem>>
    %dma_start3A_225 = tpu.memref_squeeze %dma_start3A_224 : memref<1x8x8x128xf32, #tpu.memory_space<vmem>> -> memref<8x8x128xf32, #tpu.memory_space<vmem>>
    %dma_start3A_226 = arith.constant 0 : i32
    %dma_start3A_227 = arith.constant 0 : i32
    %dma_start3A_228 = arith.constant 0 : i32
    %dma_start3A_229 = tpu.memref_slice %arg4[%dma_start3A_220, %dma_start3A_226, %add3A, %dma_start3A_227, %dma_start3A_228] : memref<200x8x32x8x128xf32, #tpu.memory_space<hbm>> -> memref<1x8x1x8x128xf32, #tpu.memory_space<hbm>>
    %dma_start3A_230 = tpu.memref_squeeze %dma_start3A_229 : memref<1x8x1x8x128xf32, #tpu.memory_space<hbm>> -> memref<8x8x128xf32, #tpu.memory_space<hbm>>
    %dma_start3A_231 = arith.constant 0 : i32
    %dma_start3A_232 = arith.constant 0 : i32
    %dma_start3A_233 = arith.constant 0 : i32
    %dma_start3A_234 = tpu.memref_slice %arg4[%dma_start3A_220, %dma_start3A_231, %add3A, %dma_start3A_232, %dma_start3A_233] : memref<200x8x32x8x128xf32, #tpu.memory_space<hbm>> -> memref<1x8x1x8x128xf32, #tpu.memory_space<hbm>>
    %dma_start3A_235 = tpu.memref_squeeze %dma_start3A_234 : memref<1x8x1x8x128xf32, #tpu.memory_space<hbm>> -> memref<8x8x128xf32, #tpu.memory_space<hbm>>
    %dma_start3A_236 = arith.constant 0 : i32
    %dma_start3A_237 = arith.constant 0 : i32
    %dma_start3A_238 = arith.constant 0 : i32
    %dma_start3A_239 = tpu.memref_slice %arg8[%dma_start3A_219, %dma_start3A_236, %dma_start3A_237, %dma_start3A_238] : memref<4x8x8x128xf32, #tpu.memory_space<vmem>> -> memref<1x8x8x128xf32, #tpu.memory_space<vmem>>
    %dma_start3A_240 = tpu.memref_squeeze %dma_start3A_239 : memref<1x8x8x128xf32, #tpu.memory_space<vmem>> -> memref<8x8x128xf32, #tpu.memory_space<vmem>>
    tpu.enqueue_dma source(%dma_start3A_240 : memref<8x8x128xf32, #tpu.memory_space<vmem>>) target(%dma_start3A_235 : memref<8x8x128xf32, #tpu.memory_space<hbm>>) target_semaphore(%arg14 : memref<!tpu.dma_semaphore, #tpu.memory_space<semaphore_mem>>)
    %dma_wait3A_241 = arith.constant 2 : i32
    %dma_wait3A_242 = arith.constant 194 : i32
    %dma_wait3A_243 = arith.constant 0 : i32
    %dma_wait3A_244 = arith.constant 0 : i32
    %dma_wait3A_245 = arith.constant 0 : i32
    %dma_wait3A_246 = tpu.memref_slice %arg8[%dma_wait3A_241, %dma_wait3A_243, %dma_wait3A_244, %dma_wait3A_245] : memref<4x8x8x128xf32, #tpu.memory_space<vmem>> -> memref<1x8x8x128xf32, #tpu.memory_space<vmem>>
    %dma_wait3A_247 = tpu.memref_squeeze %dma_wait3A_246 : memref<1x8x8x128xf32, #tpu.memory_space<vmem>> -> memref<8x8x128xf32, #tpu.memory_space<vmem>>
    %dma_wait3A_248 = arith.constant 0 : i32
    %dma_wait3A_249 = arith.constant 0 : i32
    %dma_wait3A_250 = arith.constant 0 : i32
    %dma_wait3A_251 = tpu.memref_slice %arg4[%dma_wait3A_242, %dma_wait3A_248, %add3A, %dma_wait3A_249, %dma_wait3A_250] : memref<200x8x32x8x128xf32, #tpu.memory_space<hbm>> -> memref<1x8x1x8x128xf32, #tpu.memory_space<hbm>>
    %dma_wait3A_252 = tpu.memref_squeeze %dma_wait3A_251 : memref<1x8x1x8x128xf32, #tpu.memory_space<hbm>> -> memref<8x8x128xf32, #tpu.memory_space<hbm>>
    %dma_wait3A_253 = arith.constant 0 : i32
    %dma_wait3A_254 = arith.constant 0 : i32
    %dma_wait3A_255 = arith.constant 0 : i32
    %dma_wait3A_256 = tpu.memref_slice %arg4[%dma_wait3A_242, %dma_wait3A_253, %add3A, %dma_wait3A_254, %dma_wait3A_255] : memref<200x8x32x8x128xf32, #tpu.memory_space<hbm>> -> memref<1x8x1x8x128xf32, #tpu.memory_space<hbm>>
    %dma_wait3A_257 = tpu.memref_squeeze %dma_wait3A_256 : memref<1x8x1x8x128xf32, #tpu.memory_space<hbm>> -> memref<8x8x128xf32, #tpu.memory_space<hbm>>
    %dma_wait3A_258 = arith.constant 0 : i32
    %dma_wait3A_259 = arith.constant 0 : i32
    %dma_wait3A_260 = arith.constant 0 : i32
    %dma_wait3A_261 = tpu.memref_slice %arg8[%dma_wait3A_241, %dma_wait3A_258, %dma_wait3A_259, %dma_wait3A_260] : memref<4x8x8x128xf32, #tpu.memory_space<vmem>> -> memref<1x8x8x128xf32, #tpu.memory_space<vmem>>
    %dma_wait3A_262 = tpu.memref_squeeze %dma_wait3A_261 : memref<1x8x8x128xf32, #tpu.memory_space<vmem>> -> memref<8x8x128xf32, #tpu.memory_space<vmem>>
    tpu.wait_dma2 semaphore(%arg15 : memref<!tpu.dma_semaphore, #tpu.memory_space<semaphore_mem>>) src(%dma_wait3A_262 : memref<8x8x128xf32, #tpu.memory_space<vmem>>) dst(%dma_wait3A_257 : memref<8x8x128xf32, #tpu.memory_space<hbm>>)
    %dma_wait3A_263 = arith.constant 198 : i32
    %dma_wait3A_264 = arith.constant 2 : i32
    %dma_wait3A_265 = arith.constant 0 : i32
    %dma_wait3A_266 = arith.constant 0 : i32
    %dma_wait3A_267 = tpu.memref_slice %arg7[%dma_wait3A_264, %dma_wait3A_265, %dma_wait3A_266] : memref<4x128x64xf32, #tpu.memory_space<vmem>> -> memref<1x128x64xf32, #tpu.memory_space<vmem>>
    %dma_wait3A_268 = tpu.memref_squeeze %dma_wait3A_267 : memref<1x128x64xf32, #tpu.memory_space<vmem>> -> memref<128x64xf32, #tpu.memory_space<vmem>>
    %dma_wait3A_269 = arith.constant 0 : i32
    %dma_wait3A_270 = tpu.memref_slice %arg6[%dma_wait3A_263, %dma_wait3A_269] : memref<200x128xi32, #tpu.memory_space<vmem>> -> memref<1x128xi32, #tpu.memory_space<vmem>>
    %dma_wait3A_271 = tpu.memref_squeeze %dma_wait3A_270 : memref<1x128xi32, #tpu.memory_space<vmem>> -> memref<128xi32, #tpu.memory_space<vmem>>
    %dma_wait3A_272 = arith.constant 0 : i32
    %dma_wait3A_273 = arith.constant 0 : i32
    %dma_wait3A_274 = tpu.memref_slice %arg3[%dma_wait3A_272, %dma_wait3A_273] : memref<1000000x64xf32, #tpu.memory_space<hbm>> -> memref<1000000x64xf32, #tpu.memory_space<hbm>>
    tpu.wait_indirect_dma semaphore(%arg11 : memref<!tpu.dma_semaphore, #tpu.memory_space<semaphore_mem>>) src(%dma_wait3A_274 : memref<1000000x64xf32, #tpu.memory_space<hbm>>) dst(%dma_wait3A_268 : memref<128x64xf32, #tpu.memory_space<vmem>>)
    %add3A_275 = arith.constant 0 : i32
    %add3A_276 = vector.broadcast %add3A_275 : i32 to vector<16xi32>
    %add3A_277 = arith.addi %add3A_276, %iota3A : vector<16xi32>
    %add3A_278 = arith.constant 16 : i32
    %add3A_279 = vector.broadcast %add3A_278 : i32 to vector<16xi32>
    %add3A_280 = arith.addi %add3A_279, %iota3A : vector<16xi32>
    %add3A_281 = arith.constant 32 : i32
    %add3A_282 = vector.broadcast %add3A_281 : i32 to vector<16xi32>
    %add3A_283 = arith.addi %add3A_282, %iota3A : vector<16xi32>
    %add3A_284 = arith.constant 48 : i32
    %add3A_285 = vector.broadcast %add3A_284 : i32 to vector<16xi32>
    %add3A_286 = arith.addi %add3A_285, %iota3A : vector<16xi32>
    %add3A_287 = arith.constant 64 : i32
    %add3A_288 = vector.broadcast %add3A_287 : i32 to vector<16xi32>
    %add3A_289 = arith.addi %add3A_288, %iota3A : vector<16xi32>
    %add3A_290 = arith.constant 80 : i32
    %add3A_291 = vector.broadcast %add3A_290 : i32 to vector<16xi32>
    %add3A_292 = arith.addi %add3A_291, %iota3A : vector<16xi32>
    %add3A_293 = arith.constant 96 : i32
    %add3A_294 = vector.broadcast %add3A_293 : i32 to vector<16xi32>
    %add3A_295 = arith.addi %add3A_294, %iota3A : vector<16xi32>
    %add3A_296 = arith.constant 112 : i32
    %add3A_297 = vector.broadcast %add3A_296 : i32 to vector<16xi32>
    %add3A_298 = arith.addi %add3A_297, %iota3A : vector<16xi32>
    %broadcast_in_dim3A_299 = arith.constant 0 : i32
    %broadcast_in_dim3A_300 = vector.broadcast %broadcast_in_dim3A_299 : i32 to vector<16xi32>
    %parallel_loop3A_301 = arith.constant 0 : i32
    %parallel_loop3A_302 = arith.constant 64 : i32
    %parallel_loop3A_303 = arith.constant 1 : i32
    scf.for %parallel_loop3A_499 = %parallel_loop3A_301 to %parallel_loop3A_302 step %parallel_loop3A_303  : i32 {
      %parallel_loop3A_500 = arith.constant 3 : i32
      %parallel_loop3A_501 = arith.shrui %parallel_loop3A_499, %parallel_loop3A_500 : i32
      %parallel_loop3A_502 = arith.constant 7 : i32
      %parallel_loop3A_503 = arith.andi %parallel_loop3A_499, %parallel_loop3A_502 : i32
      %parallel_loop3A_504 = vector.broadcast %parallel_loop3A_499 : i32 to vector<16xi32>
      %parallel_loop3A_505 = arith.addi %broadcast_in_dim3A_300, %parallel_loop3A_504 : vector<16xi32>
      %parallel_loop3A_506 = arith.constant 2 : i32
      %parallel_loop3A_507 = arith.constant 0 : i32
      %parallel_loop3A_508 = arith.constant 0 : i32
      %parallel_loop3A_509 = tpu.memref_slice %arg7[%parallel_loop3A_506, %parallel_loop3A_507, %parallel_loop3A_508] : memref<4x128x64xf32, #tpu.memory_space<vmem>> -> memref<1x128x64xf32, #tpu.memory_space<vmem>>
      %parallel_loop3A_510 = tpu.memref_squeeze %parallel_loop3A_509 : memref<1x128x64xf32, #tpu.memory_space<vmem>> -> memref<128x64xf32, #tpu.memory_space<vmem>>
      %parallel_loop3A_511 = tpu.vector_load_idx %parallel_loop3A_510[%add3A_277, %parallel_loop3A_505] : memref<128x64xf32, #tpu.memory_space<vmem>>[vector<16xi32>, vector<16xi32>], vector<16xf32>,
      %parallel_loop3A_512 = arith.constant 2 : i32
      %parallel_loop3A_513 = arith.index_cast %parallel_loop3A_512 : i32 to index
      %parallel_loop3A_514 = arith.index_cast %parallel_loop3A_501 : i32 to index
      %parallel_loop3A_515 = arith.index_cast %parallel_loop3A_503 : i32 to index
      %parallel_loop3A_516 = arith.constant 0 : index
      %parallel_loop3A_517 = tpu.vector_load %arg8[%parallel_loop3A_513, %parallel_loop3A_514, %parallel_loop3A_515, %parallel_loop3A_516] {strides = array<i32>} : memref<4x8x8x128xf32, #tpu.memory_space<vmem>>, vector<16xf32>,
      tpu.vector_store %arg8[%parallel_loop3A_513, %parallel_loop3A_514, %parallel_loop3A_515, %parallel_loop3A_516], %parallel_loop3A_511 {strides = array<i32>} : memref<4x8x8x128xf32, #tpu.memory_space<vmem>>, vector<16xf32>,
      %parallel_loop3A_518 = arith.constant 2 : i32
      %parallel_loop3A_519 = arith.constant 0 : i32
      %parallel_loop3A_520 = arith.constant 0 : i32
      %parallel_loop3A_521 = tpu.memref_slice %arg7[%parallel_loop3A_518, %parallel_loop3A_519, %parallel_loop3A_520] : memref<4x128x64xf32, #tpu.memory_space<vmem>> -> memref<1x128x64xf32, #tpu.memory_space<vmem>>
      %parallel_loop3A_522 = tpu.memref_squeeze %parallel_loop3A_521 : memref<1x128x64xf32, #tpu.memory_space<vmem>> -> memref<128x64xf32, #tpu.memory_space<vmem>>
      %parallel_loop3A_523 = tpu.vector_load_idx %parallel_loop3A_522[%add3A_280, %parallel_loop3A_505] : memref<128x64xf32, #tpu.memory_space<vmem>>[vector<16xi32>, vector<16xi32>], vector<16xf32>,
      %parallel_loop3A_524 = arith.constant 2 : i32
      %parallel_loop3A_525 = arith.index_cast %parallel_loop3A_524 : i32 to index
      %parallel_loop3A_526 = arith.index_cast %parallel_loop3A_501 : i32 to index
      %parallel_loop3A_527 = arith.index_cast %parallel_loop3A_503 : i32 to index
      %parallel_loop3A_528 = arith.constant 16 : index
      %parallel_loop3A_529 = tpu.vector_load %arg8[%parallel_loop3A_525, %parallel_loop3A_526, %parallel_loop3A_527, %parallel_loop3A_528] {strides = array<i32>} : memref<4x8x8x128xf32, #tpu.memory_space<vmem>>, vector<16xf32>,
      tpu.vector_store %arg8[%parallel_loop3A_525, %parallel_loop3A_526, %parallel_loop3A_527, %parallel_loop3A_528], %parallel_loop3A_523 {strides = array<i32>} : memref<4x8x8x128xf32, #tpu.memory_space<vmem>>, vector<16xf32>,
      %parallel_loop3A_530 = arith.constant 2 : i32
      %parallel_loop3A_531 = arith.constant 0 : i32
      %parallel_loop3A_532 = arith.constant 0 : i32
      %parallel_loop3A_533 = tpu.memref_slice %arg7[%parallel_loop3A_530, %parallel_loop3A_531, %parallel_loop3A_532] : memref<4x128x64xf32, #tpu.memory_space<vmem>> -> memref<1x128x64xf32, #tpu.memory_space<vmem>>
      %parallel_loop3A_534 = tpu.memref_squeeze %parallel_loop3A_533 : memref<1x128x64xf32, #tpu.memory_space<vmem>> -> memref<128x64xf32, #tpu.memory_space<vmem>>
      %parallel_loop3A_535 = tpu.vector_load_idx %parallel_loop3A_534[%add3A_283, %parallel_loop3A_505] : memref<128x64xf32, #tpu.memory_space<vmem>>[vector<16xi32>, vector<16xi32>], vector<16xf32>,
      %parallel_loop3A_536 = arith.constant 2 : i32
      %parallel_loop3A_537 = arith.index_cast %parallel_loop3A_536 : i32 to index
      %parallel_loop3A_538 = arith.index_cast %parallel_loop3A_501 : i32 to index
      %parallel_loop3A_539 = arith.index_cast %parallel_loop3A_503 : i32 to index
      %parallel_loop3A_540 = arith.constant 32 : index
      %parallel_loop3A_541 = tpu.vector_load %arg8[%parallel_loop3A_537, %parallel_loop3A_538, %parallel_loop3A_539, %parallel_loop3A_540] {strides = array<i32>} : memref<4x8x8x128xf32, #tpu.memory_space<vmem>>, vector<16xf32>,
      tpu.vector_store %arg8[%parallel_loop3A_537, %parallel_loop3A_538, %parallel_loop3A_539, %parallel_loop3A_540], %parallel_loop3A_535 {strides = array<i32>} : memref<4x8x8x128xf32, #tpu.memory_space<vmem>>, vector<16xf32>,
      %parallel_loop3A_542 = arith.constant 2 : i32
      %parallel_loop3A_543 = arith.constant 0 : i32
      %parallel_loop3A_544 = arith.constant 0 : i32
      %parallel_loop3A_545 = tpu.memref_slice %arg7[%parallel_loop3A_542, %parallel_loop3A_543, %parallel_loop3A_544] : memref<4x128x64xf32, #tpu.memory_space<vmem>> -> memref<1x128x64xf32, #tpu.memory_space<vmem>>
      %parallel_loop3A_546 = tpu.memref_squeeze %parallel_loop3A_545 : memref<1x128x64xf32, #tpu.memory_space<vmem>> -> memref<128x64xf32, #tpu.memory_space<vmem>>
      %parallel_loop3A_547 = tpu.vector_load_idx %parallel_loop3A_546[%add3A_286, %parallel_loop3A_505] : memref<128x64xf32, #tpu.memory_space<vmem>>[vector<16xi32>, vector<16xi32>], vector<16xf32>,
      %parallel_loop3A_548 = arith.constant 2 : i32
      %parallel_loop3A_549 = arith.index_cast %parallel_loop3A_548 : i32 to index
      %parallel_loop3A_550 = arith.index_cast %parallel_loop3A_501 : i32 to index
      %parallel_loop3A_551 = arith.index_cast %parallel_loop3A_503 : i32 to index
      %parallel_loop3A_552 = arith.constant 48 : index
      %parallel_loop3A_553 = tpu.vector_load %arg8[%parallel_loop3A_549, %parallel_loop3A_550, %parallel_loop3A_551, %parallel_loop3A_552] {strides = array<i32>} : memref<4x8x8x128xf32, #tpu.memory_space<vmem>>, vector<16xf32>,
      tpu.vector_store %arg8[%parallel_loop3A_549, %parallel_loop3A_550, %parallel_loop3A_551, %parallel_loop3A_552], %parallel_loop3A_547 {strides = array<i32>} : memref<4x8x8x128xf32, #tpu.memory_space<vmem>>, vector<16xf32>,
      %parallel_loop3A_554 = arith.constant 2 : i32
      %parallel_loop3A_555 = arith.constant 0 : i32
      %parallel_loop3A_556 = arith.constant 0 : i32
      %parallel_loop3A_557 = tpu.memref_slice %arg7[%parallel_loop3A_554, %parallel_loop3A_555, %parallel_loop3A_556] : memref<4x128x64xf32, #tpu.memory_space<vmem>> -> memref<1x128x64xf32, #tpu.memory_space<vmem>>
      %parallel_loop3A_558 = tpu.memref_squeeze %parallel_loop3A_557 : memref<1x128x64xf32, #tpu.memory_space<vmem>> -> memref<128x64xf32, #tpu.memory_space<vmem>>
      %parallel_loop3A_559 = tpu.vector_load_idx %parallel_loop3A_558[%add3A_289, %parallel_loop3A_505] : memref<128x64xf32, #tpu.memory_space<vmem>>[vector<16xi32>, vector<16xi32>], vector<16xf32>,
      %parallel_loop3A_560 = arith.constant 2 : i32
      %parallel_loop3A_561 = arith.index_cast %parallel_loop3A_560 : i32 to index
      %parallel_loop3A_562 = arith.index_cast %parallel_loop3A_501 : i32 to index
      %parallel_loop3A_563 = arith.index_cast %parallel_loop3A_503 : i32 to index
      %parallel_loop3A_564 = arith.constant 64 : index
      %parallel_loop3A_565 = tpu.vector_load %arg8[%parallel_loop3A_561, %parallel_loop3A_562, %parallel_loop3A_563, %parallel_loop3A_564] {strides = array<i32>} : memref<4x8x8x128xf32, #tpu.memory_space<vmem>>, vector<16xf32>,
      tpu.vector_store %arg8[%parallel_loop3A_561, %parallel_loop3A_562, %parallel_loop3A_563, %parallel_loop3A_564], %parallel_loop3A_559 {strides = array<i32>} : memref<4x8x8x128xf32, #tpu.memory_space<vmem>>, vector<16xf32>,
      %parallel_loop3A_566 = arith.constant 2 : i32
      %parallel_loop3A_567 = arith.constant 0 : i32
      %parallel_loop3A_568 = arith.constant 0 : i32
      %parallel_loop3A_569 = tpu.memref_slice %arg7[%parallel_loop3A_566, %parallel_loop3A_567, %parallel_loop3A_568] : memref<4x128x64xf32, #tpu.memory_space<vmem>> -> memref<1x128x64xf32, #tpu.memory_space<vmem>>
      %parallel_loop3A_570 = tpu.memref_squeeze %parallel_loop3A_569 : memref<1x128x64xf32, #tpu.memory_space<vmem>> -> memref<128x64xf32, #tpu.memory_space<vmem>>
      %parallel_loop3A_571 = tpu.vector_load_idx %parallel_loop3A_570[%add3A_292, %parallel_loop3A_505] : memref<128x64xf32, #tpu.memory_space<vmem>>[vector<16xi32>, vector<16xi32>], vector<16xf32>,
      %parallel_loop3A_572 = arith.constant 2 : i32
      %parallel_loop3A_573 = arith.index_cast %parallel_loop3A_572 : i32 to index
      %parallel_loop3A_574 = arith.index_cast %parallel_loop3A_501 : i32 to index
      %parallel_loop3A_575 = arith.index_cast %parallel_loop3A_503 : i32 to index
      %parallel_loop3A_576 = arith.constant 80 : index
      %parallel_loop3A_577 = tpu.vector_load %arg8[%parallel_loop3A_573, %parallel_loop3A_574, %parallel_loop3A_575, %parallel_loop3A_576] {strides = array<i32>} : memref<4x8x8x128xf32, #tpu.memory_space<vmem>>, vector<16xf32>,
      tpu.vector_store %arg8[%parallel_loop3A_573, %parallel_loop3A_574, %parallel_loop3A_575, %parallel_loop3A_576], %parallel_loop3A_571 {strides = array<i32>} : memref<4x8x8x128xf32, #tpu.memory_space<vmem>>, vector<16xf32>,
      %parallel_loop3A_578 = arith.constant 2 : i32
      %parallel_loop3A_579 = arith.constant 0 : i32
      %parallel_loop3A_580 = arith.constant 0 : i32
      %parallel_loop3A_581 = tpu.memref_slice %arg7[%parallel_loop3A_578, %parallel_loop3A_579, %parallel_loop3A_580] : memref<4x128x64xf32, #tpu.memory_space<vmem>> -> memref<1x128x64xf32, #tpu.memory_space<vmem>>
      %parallel_loop3A_582 = tpu.memref_squeeze %parallel_loop3A_581 : memref<1x128x64xf32, #tpu.memory_space<vmem>> -> memref<128x64xf32, #tpu.memory_space<vmem>>
      %parallel_loop3A_583 = tpu.vector_load_idx %parallel_loop3A_582[%add3A_295, %parallel_loop3A_505] : memref<128x64xf32, #tpu.memory_space<vmem>>[vector<16xi32>, vector<16xi32>], vector<16xf32>,
      %parallel_loop3A_584 = arith.constant 2 : i32
      %parallel_loop3A_585 = arith.index_cast %parallel_loop3A_584 : i32 to index
      %parallel_loop3A_586 = arith.index_cast %parallel_loop3A_501 : i32 to index
      %parallel_loop3A_587 = arith.index_cast %parallel_loop3A_503 : i32 to index
      %parallel_loop3A_588 = arith.constant 96 : index
      %parallel_loop3A_589 = tpu.vector_load %arg8[%parallel_loop3A_585, %parallel_loop3A_586, %parallel_loop3A_587, %parallel_loop3A_588] {strides = array<i32>} : memref<4x8x8x128xf32, #tpu.memory_space<vmem>>, vector<16xf32>,
      tpu.vector_store %arg8[%parallel_loop3A_585, %parallel_loop3A_586, %parallel_loop3A_587, %parallel_loop3A_588], %parallel_loop3A_583 {strides = array<i32>} : memref<4x8x8x128xf32, #tpu.memory_space<vmem>>, vector<16xf32>,
      %parallel_loop3A_590 = arith.constant 2 : i32
      %parallel_loop3A_591 = arith.constant 0 : i32
      %parallel_loop3A_592 = arith.constant 0 : i32
      %parallel_loop3A_593 = tpu.memref_slice %arg7[%parallel_loop3A_590, %parallel_loop3A_591, %parallel_loop3A_592] : memref<4x128x64xf32, #tpu.memory_space<vmem>> -> memref<1x128x64xf32, #tpu.memory_space<vmem>>
      %parallel_loop3A_594 = tpu.memref_squeeze %parallel_loop3A_593 : memref<1x128x64xf32, #tpu.memory_space<vmem>> -> memref<128x64xf32, #tpu.memory_space<vmem>>
      %parallel_loop3A_595 = tpu.vector_load_idx %parallel_loop3A_594[%add3A_298, %parallel_loop3A_505] : memref<128x64xf32, #tpu.memory_space<vmem>>[vector<16xi32>, vector<16xi32>], vector<16xf32>,
      %parallel_loop3A_596 = arith.constant 2 : i32
      %parallel_loop3A_597 = arith.index_cast %parallel_loop3A_596 : i32 to index
      %parallel_loop3A_598 = arith.index_cast %parallel_loop3A_501 : i32 to index
      %parallel_loop3A_599 = arith.index_cast %parallel_loop3A_503 : i32 to index
      %parallel_loop3A_600 = arith.constant 112 : index
      %parallel_loop3A_601 = tpu.vector_load %arg8[%parallel_loop3A_597, %parallel_loop3A_598, %parallel_loop3A_599, %parallel_loop3A_600] {strides = array<i32>} : memref<4x8x8x128xf32, #tpu.memory_space<vmem>>, vector<16xf32>,
      tpu.vector_store %arg8[%parallel_loop3A_597, %parallel_loop3A_598, %parallel_loop3A_599, %parallel_loop3A_600], %parallel_loop3A_595 {strides = array<i32>} : memref<4x8x8x128xf32, #tpu.memory_space<vmem>>, vector<16xf32>,
    } {sc.loop_unroll_factor = 4 : i64, sc.parallel_access}
    %dma_start3A_304 = arith.constant 2 : i32
    %dma_start3A_305 = arith.constant 198 : i32
    %dma_start3A_306 = arith.constant 0 : i32
    %dma_start3A_307 = arith.constant 0 : i32
    %dma_start3A_308 = arith.constant 0 : i32
    %dma_start3A_309 = tpu.memref_slice %arg8[%dma_start3A_304, %dma_start3A_306, %dma_start3A_307, %dma_start3A_308] : memref<4x8x8x128xf32, #tpu.memory_space<vmem>> -> memref<1x8x8x128xf32, #tpu.memory_space<vmem>>
    %dma_start3A_310 = tpu.memref_squeeze %dma_start3A_309 : memref<1x8x8x128xf32, #tpu.memory_space<vmem>> -> memref<8x8x128xf32, #tpu.memory_space<vmem>>
    %dma_start3A_311 = arith.constant 0 : i32
    %dma_start3A_312 = arith.constant 0 : i32
    %dma_start3A_313 = arith.constant 0 : i32
    %dma_start3A_314 = tpu.memref_slice %arg4[%dma_start3A_305, %dma_start3A_311, %add3A, %dma_start3A_312, %dma_start3A_313] : memref<200x8x32x8x128xf32, #tpu.memory_space<hbm>> -> memref<1x8x1x8x128xf32, #tpu.memory_space<hbm>>
    %dma_start3A_315 = tpu.memref_squeeze %dma_start3A_314 : memref<1x8x1x8x128xf32, #tpu.memory_space<hbm>> -> memref<8x8x128xf32, #tpu.memory_space<hbm>>
    %dma_start3A_316 = arith.constant 0 : i32
    %dma_start3A_317 = arith.constant 0 : i32
    %dma_start3A_318 = arith.constant 0 : i32
    %dma_start3A_319 = tpu.memref_slice %arg4[%dma_start3A_305, %dma_start3A_316, %add3A, %dma_start3A_317, %dma_start3A_318] : memref<200x8x32x8x128xf32, #tpu.memory_space<hbm>> -> memref<1x8x1x8x128xf32, #tpu.memory_space<hbm>>
    %dma_start3A_320 = tpu.memref_squeeze %dma_start3A_319 : memref<1x8x1x8x128xf32, #tpu.memory_space<hbm>> -> memref<8x8x128xf32, #tpu.memory_space<hbm>>
    %dma_start3A_321 = arith.constant 0 : i32
    %dma_start3A_322 = arith.constant 0 : i32
    %dma_start3A_323 = arith.constant 0 : i32
    %dma_start3A_324 = tpu.memref_slice %arg8[%dma_start3A_304, %dma_start3A_321, %dma_start3A_322, %dma_start3A_323] : memref<4x8x8x128xf32, #tpu.memory_space<vmem>> -> memref<1x8x8x128xf32, #tpu.memory_space<vmem>>
    %dma_start3A_325 = tpu.memref_squeeze %dma_start3A_324 : memref<1x8x8x128xf32, #tpu.memory_space<vmem>> -> memref<8x8x128xf32, #tpu.memory_space<vmem>>
    tpu.enqueue_dma source(%dma_start3A_325 : memref<8x8x128xf32, #tpu.memory_space<vmem>>) target(%dma_start3A_320 : memref<8x8x128xf32, #tpu.memory_space<hbm>>) target_semaphore(%arg15 : memref<!tpu.dma_semaphore, #tpu.memory_space<semaphore_mem>>)
    %dma_wait3A_326 = arith.constant 3 : i32
    %dma_wait3A_327 = arith.constant 195 : i32
    %dma_wait3A_328 = arith.constant 0 : i32
    %dma_wait3A_329 = arith.constant 0 : i32
    %dma_wait3A_330 = arith.constant 0 : i32
    %dma_wait3A_331 = tpu.memref_slice %arg8[%dma_wait3A_326, %dma_wait3A_328, %dma_wait3A_329, %dma_wait3A_330] : memref<4x8x8x128xf32, #tpu.memory_space<vmem>> -> memref<1x8x8x128xf32, #tpu.memory_space<vmem>>
    %dma_wait3A_332 = tpu.memref_squeeze %dma_wait3A_331 : memref<1x8x8x128xf32, #tpu.memory_space<vmem>> -> memref<8x8x128xf32, #tpu.memory_space<vmem>>
    %dma_wait3A_333 = arith.constant 0 : i32
    %dma_wait3A_334 = arith.constant 0 : i32
    %dma_wait3A_335 = arith.constant 0 : i32
    %dma_wait3A_336 = tpu.memref_slice %arg4[%dma_wait3A_327, %dma_wait3A_333, %add3A, %dma_wait3A_334, %dma_wait3A_335] : memref<200x8x32x8x128xf32, #tpu.memory_space<hbm>> -> memref<1x8x1x8x128xf32, #tpu.memory_space<hbm>>
    %dma_wait3A_337 = tpu.memref_squeeze %dma_wait3A_336 : memref<1x8x1x8x128xf32, #tpu.memory_space<hbm>> -> memref<8x8x128xf32, #tpu.memory_space<hbm>>
    %dma_wait3A_338 = arith.constant 0 : i32
    %dma_wait3A_339 = arith.constant 0 : i32
    %dma_wait3A_340 = arith.constant 0 : i32
    %dma_wait3A_341 = tpu.memref_slice %arg4[%dma_wait3A_327, %dma_wait3A_338, %add3A, %dma_wait3A_339, %dma_wait3A_340] : memref<200x8x32x8x128xf32, #tpu.memory_space<hbm>> -> memref<1x8x1x8x128xf32, #tpu.memory_space<hbm>>
    %dma_wait3A_342 = tpu.memref_squeeze %dma_wait3A_341 : memref<1x8x1x8x128xf32, #tpu.memory_space<hbm>> -> memref<8x8x128xf32, #tpu.memory_space<hbm>>
    %dma_wait3A_343 = arith.constant 0 : i32
    %dma_wait3A_344 = arith.constant 0 : i32
    %dma_wait3A_345 = arith.constant 0 : i32
    %dma_wait3A_346 = tpu.memref_slice %arg8[%dma_wait3A_326, %dma_wait3A_343, %dma_wait3A_344, %dma_wait3A_345] : memref<4x8x8x128xf32, #tpu.memory_space<vmem>> -> memref<1x8x8x128xf32, #tpu.memory_space<vmem>>
    %dma_wait3A_347 = tpu.memref_squeeze %dma_wait3A_346 : memref<1x8x8x128xf32, #tpu.memory_space<vmem>> -> memref<8x8x128xf32, #tpu.memory_space<vmem>>
    tpu.wait_dma2 semaphore(%arg16 : memref<!tpu.dma_semaphore, #tpu.memory_space<semaphore_mem>>) src(%dma_wait3A_347 : memref<8x8x128xf32, #tpu.memory_space<vmem>>) dst(%dma_wait3A_342 : memref<8x8x128xf32, #tpu.memory_space<hbm>>)
    %dma_wait3A_348 = arith.constant 199 : i32
    %dma_wait3A_349 = arith.constant 3 : i32
    %dma_wait3A_350 = arith.constant 0 : i32
    %dma_wait3A_351 = arith.constant 0 : i32
    %dma_wait3A_352 = tpu.memref_slice %arg7[%dma_wait3A_349, %dma_wait3A_350, %dma_wait3A_351] : memref<4x128x64xf32, #tpu.memory_space<vmem>> -> memref<1x128x64xf32, #tpu.memory_space<vmem>>
    %dma_wait3A_353 = tpu.memref_squeeze %dma_wait3A_352 : memref<1x128x64xf32, #tpu.memory_space<vmem>> -> memref<128x64xf32, #tpu.memory_space<vmem>>
    %dma_wait3A_354 = arith.constant 0 : i32
    %dma_wait3A_355 = tpu.memref_slice %arg6[%dma_wait3A_348, %dma_wait3A_354] : memref<200x128xi32, #tpu.memory_space<vmem>> -> memref<1x128xi32, #tpu.memory_space<vmem>>
    %dma_wait3A_356 = tpu.memref_squeeze %dma_wait3A_355 : memref<1x128xi32, #tpu.memory_space<vmem>> -> memref<128xi32, #tpu.memory_space<vmem>>
    %dma_wait3A_357 = arith.constant 0 : i32
    %dma_wait3A_358 = arith.constant 0 : i32
    %dma_wait3A_359 = tpu.memref_slice %arg3[%dma_wait3A_357, %dma_wait3A_358] : memref<1000000x64xf32, #tpu.memory_space<hbm>> -> memref<1000000x64xf32, #tpu.memory_space<hbm>>
    tpu.wait_indirect_dma semaphore(%arg12 : memref<!tpu.dma_semaphore, #tpu.memory_space<semaphore_mem>>) src(%dma_wait3A_359 : memref<1000000x64xf32, #tpu.memory_space<hbm>>) dst(%dma_wait3A_353 : memref<128x64xf32, #tpu.memory_space<vmem>>)
    %add3A_360 = arith.constant 0 : i32
    %add3A_361 = vector.broadcast %add3A_360 : i32 to vector<16xi32>
    %add3A_362 = arith.addi %add3A_361, %iota3A : vector<16xi32>
    %add3A_363 = arith.constant 16 : i32
    %add3A_364 = vector.broadcast %add3A_363 : i32 to vector<16xi32>
    %add3A_365 = arith.addi %add3A_364, %iota3A : vector<16xi32>
    %add3A_366 = arith.constant 32 : i32
    %add3A_367 = vector.broadcast %add3A_366 : i32 to vector<16xi32>
    %add3A_368 = arith.addi %add3A_367, %iota3A : vector<16xi32>
    %add3A_369 = arith.constant 48 : i32
    %add3A_370 = vector.broadcast %add3A_369 : i32 to vector<16xi32>
    %add3A_371 = arith.addi %add3A_370, %iota3A : vector<16xi32>
    %add3A_372 = arith.constant 64 : i32
    %add3A_373 = vector.broadcast %add3A_372 : i32 to vector<16xi32>
    %add3A_374 = arith.addi %add3A_373, %iota3A : vector<16xi32>
    %add3A_375 = arith.constant 80 : i32
    %add3A_376 = vector.broadcast %add3A_375 : i32 to vector<16xi32>
    %add3A_377 = arith.addi %add3A_376, %iota3A : vector<16xi32>
    %add3A_378 = arith.constant 96 : i32
    %add3A_379 = vector.broadcast %add3A_378 : i32 to vector<16xi32>
    %add3A_380 = arith.addi %add3A_379, %iota3A : vector<16xi32>
    %add3A_381 = arith.constant 112 : i32
    %add3A_382 = vector.broadcast %add3A_381 : i32 to vector<16xi32>
    %add3A_383 = arith.addi %add3A_382, %iota3A : vector<16xi32>
    %broadcast_in_dim3A_384 = arith.constant 0 : i32
    %broadcast_in_dim3A_385 = vector.broadcast %broadcast_in_dim3A_384 : i32 to vector<16xi32>
    %parallel_loop3A_386 = arith.constant 0 : i32
    %parallel_loop3A_387 = arith.constant 64 : i32
    %parallel_loop3A_388 = arith.constant 1 : i32
    scf.for %parallel_loop3A_499 = %parallel_loop3A_386 to %parallel_loop3A_387 step %parallel_loop3A_388  : i32 {
      %parallel_loop3A_500 = arith.constant 3 : i32
      %parallel_loop3A_501 = arith.shrui %parallel_loop3A_499, %parallel_loop3A_500 : i32
      %parallel_loop3A_502 = arith.constant 7 : i32
      %parallel_loop3A_503 = arith.andi %parallel_loop3A_499, %parallel_loop3A_502 : i32
      %parallel_loop3A_504 = vector.broadcast %parallel_loop3A_499 : i32 to vector<16xi32>
      %parallel_loop3A_505 = arith.addi %broadcast_in_dim3A_385, %parallel_loop3A_504 : vector<16xi32>
      %parallel_loop3A_506 = arith.constant 3 : i32
      %parallel_loop3A_507 = arith.constant 0 : i32
      %parallel_loop3A_508 = arith.constant 0 : i32
      %parallel_loop3A_509 = tpu.memref_slice %arg7[%parallel_loop3A_506, %parallel_loop3A_507, %parallel_loop3A_508] : memref<4x128x64xf32, #tpu.memory_space<vmem>> -> memref<1x128x64xf32, #tpu.memory_space<vmem>>
      %parallel_loop3A_510 = tpu.memref_squeeze %parallel_loop3A_509 : memref<1x128x64xf32, #tpu.memory_space<vmem>> -> memref<128x64xf32, #tpu.memory_space<vmem>>
      %parallel_loop3A_511 = tpu.vector_load_idx %parallel_loop3A_510[%add3A_362, %parallel_loop3A_505] : memref<128x64xf32, #tpu.memory_space<vmem>>[vector<16xi32>, vector<16xi32>], vector<16xf32>,
      %parallel_loop3A_512 = arith.constant 3 : i32
      %parallel_loop3A_513 = arith.index_cast %parallel_loop3A_512 : i32 to index
      %parallel_loop3A_514 = arith.index_cast %parallel_loop3A_501 : i32 to index
      %parallel_loop3A_515 = arith.index_cast %parallel_loop3A_503 : i32 to index
      %parallel_loop3A_516 = arith.constant 0 : index
      %parallel_loop3A_517 = tpu.vector_load %arg8[%parallel_loop3A_513, %parallel_loop3A_514, %parallel_loop3A_515, %parallel_loop3A_516] {strides = array<i32>} : memref<4x8x8x128xf32, #tpu.memory_space<vmem>>, vector<16xf32>,
      tpu.vector_store %arg8[%parallel_loop3A_513, %parallel_loop3A_514, %parallel_loop3A_515, %parallel_loop3A_516], %parallel_loop3A_511 {strides = array<i32>} : memref<4x8x8x128xf32, #tpu.memory_space<vmem>>, vector<16xf32>,
      %parallel_loop3A_518 = arith.constant 3 : i32
      %parallel_loop3A_519 = arith.constant 0 : i32
      %parallel_loop3A_520 = arith.constant 0 : i32
      %parallel_loop3A_521 = tpu.memref_slice %arg7[%parallel_loop3A_518, %parallel_loop3A_519, %parallel_loop3A_520] : memref<4x128x64xf32, #tpu.memory_space<vmem>> -> memref<1x128x64xf32, #tpu.memory_space<vmem>>
      %parallel_loop3A_522 = tpu.memref_squeeze %parallel_loop3A_521 : memref<1x128x64xf32, #tpu.memory_space<vmem>> -> memref<128x64xf32, #tpu.memory_space<vmem>>
      %parallel_loop3A_523 = tpu.vector_load_idx %parallel_loop3A_522[%add3A_365, %parallel_loop3A_505] : memref<128x64xf32, #tpu.memory_space<vmem>>[vector<16xi32>, vector<16xi32>], vector<16xf32>,
      %parallel_loop3A_524 = arith.constant 3 : i32
      %parallel_loop3A_525 = arith.index_cast %parallel_loop3A_524 : i32 to index
      %parallel_loop3A_526 = arith.index_cast %parallel_loop3A_501 : i32 to index
      %parallel_loop3A_527 = arith.index_cast %parallel_loop3A_503 : i32 to index
      %parallel_loop3A_528 = arith.constant 16 : index
      %parallel_loop3A_529 = tpu.vector_load %arg8[%parallel_loop3A_525, %parallel_loop3A_526, %parallel_loop3A_527, %parallel_loop3A_528] {strides = array<i32>} : memref<4x8x8x128xf32, #tpu.memory_space<vmem>>, vector<16xf32>,
      tpu.vector_store %arg8[%parallel_loop3A_525, %parallel_loop3A_526, %parallel_loop3A_527, %parallel_loop3A_528], %parallel_loop3A_523 {strides = array<i32>} : memref<4x8x8x128xf32, #tpu.memory_space<vmem>>, vector<16xf32>,
      %parallel_loop3A_530 = arith.constant 3 : i32
      %parallel_loop3A_531 = arith.constant 0 : i32
      %parallel_loop3A_532 = arith.constant 0 : i32
      %parallel_loop3A_533 = tpu.memref_slice %arg7[%parallel_loop3A_530, %parallel_loop3A_531, %parallel_loop3A_532] : memref<4x128x64xf32, #tpu.memory_space<vmem>> -> memref<1x128x64xf32, #tpu.memory_space<vmem>>
      %parallel_loop3A_534 = tpu.memref_squeeze %parallel_loop3A_533 : memref<1x128x64xf32, #tpu.memory_space<vmem>> -> memref<128x64xf32, #tpu.memory_space<vmem>>
      %parallel_loop3A_535 = tpu.vector_load_idx %parallel_loop3A_534[%add3A_368, %parallel_loop3A_505] : memref<128x64xf32, #tpu.memory_space<vmem>>[vector<16xi32>, vector<16xi32>], vector<16xf32>,
      %parallel_loop3A_536 = arith.constant 3 : i32
      %parallel_loop3A_537 = arith.index_cast %parallel_loop3A_536 : i32 to index
      %parallel_loop3A_538 = arith.index_cast %parallel_loop3A_501 : i32 to index
      %parallel_loop3A_539 = arith.index_cast %parallel_loop3A_503 : i32 to index
      %parallel_loop3A_540 = arith.constant 32 : index
      %parallel_loop3A_541 = tpu.vector_load %arg8[%parallel_loop3A_537, %parallel_loop3A_538, %parallel_loop3A_539, %parallel_loop3A_540] {strides = array<i32>} : memref<4x8x8x128xf32, #tpu.memory_space<vmem>>, vector<16xf32>,
      tpu.vector_store %arg8[%parallel_loop3A_537, %parallel_loop3A_538, %parallel_loop3A_539, %parallel_loop3A_540], %parallel_loop3A_535 {strides = array<i32>} : memref<4x8x8x128xf32, #tpu.memory_space<vmem>>, vector<16xf32>,
      %parallel_loop3A_542 = arith.constant 3 : i32
      %parallel_loop3A_543 = arith.constant 0 : i32
      %parallel_loop3A_544 = arith.constant 0 : i32
      %parallel_loop3A_545 = tpu.memref_slice %arg7[%parallel_loop3A_542, %parallel_loop3A_543, %parallel_loop3A_544] : memref<4x128x64xf32, #tpu.memory_space<vmem>> -> memref<1x128x64xf32, #tpu.memory_space<vmem>>
      %parallel_loop3A_546 = tpu.memref_squeeze %parallel_loop3A_545 : memref<1x128x64xf32, #tpu.memory_space<vmem>> -> memref<128x64xf32, #tpu.memory_space<vmem>>
      %parallel_loop3A_547 = tpu.vector_load_idx %parallel_loop3A_546[%add3A_371, %parallel_loop3A_505] : memref<128x64xf32, #tpu.memory_space<vmem>>[vector<16xi32>, vector<16xi32>], vector<16xf32>,
      %parallel_loop3A_548 = arith.constant 3 : i32
      %parallel_loop3A_549 = arith.index_cast %parallel_loop3A_548 : i32 to index
      %parallel_loop3A_550 = arith.index_cast %parallel_loop3A_501 : i32 to index
      %parallel_loop3A_551 = arith.index_cast %parallel_loop3A_503 : i32 to index
      %parallel_loop3A_552 = arith.constant 48 : index
      %parallel_loop3A_553 = tpu.vector_load %arg8[%parallel_loop3A_549, %parallel_loop3A_550, %parallel_loop3A_551, %parallel_loop3A_552] {strides = array<i32>} : memref<4x8x8x128xf32, #tpu.memory_space<vmem>>, vector<16xf32>,
      tpu.vector_store %arg8[%parallel_loop3A_549, %parallel_loop3A_550, %parallel_loop3A_551, %parallel_loop3A_552], %parallel_loop3A_547 {strides = array<i32>} : memref<4x8x8x128xf32, #tpu.memory_space<vmem>>, vector<16xf32>,
      %parallel_loop3A_554 = arith.constant 3 : i32
      %parallel_loop3A_555 = arith.constant 0 : i32
      %parallel_loop3A_556 = arith.constant 0 : i32
      %parallel_loop3A_557 = tpu.memref_slice %arg7[%parallel_loop3A_554, %parallel_loop3A_555, %parallel_loop3A_556] : memref<4x128x64xf32, #tpu.memory_space<vmem>> -> memref<1x128x64xf32, #tpu.memory_space<vmem>>
      %parallel_loop3A_558 = tpu.memref_squeeze %parallel_loop3A_557 : memref<1x128x64xf32, #tpu.memory_space<vmem>> -> memref<128x64xf32, #tpu.memory_space<vmem>>
      %parallel_loop3A_559 = tpu.vector_load_idx %parallel_loop3A_558[%add3A_374, %parallel_loop3A_505] : memref<128x64xf32, #tpu.memory_space<vmem>>[vector<16xi32>, vector<16xi32>], vector<16xf32>,
      %parallel_loop3A_560 = arith.constant 3 : i32
      %parallel_loop3A_561 = arith.index_cast %parallel_loop3A_560 : i32 to index
      %parallel_loop3A_562 = arith.index_cast %parallel_loop3A_501 : i32 to index
      %parallel_loop3A_563 = arith.index_cast %parallel_loop3A_503 : i32 to index
      %parallel_loop3A_564 = arith.constant 64 : index
      %parallel_loop3A_565 = tpu.vector_load %arg8[%parallel_loop3A_561, %parallel_loop3A_562, %parallel_loop3A_563, %parallel_loop3A_564] {strides = array<i32>} : memref<4x8x8x128xf32, #tpu.memory_space<vmem>>, vector<16xf32>,
      tpu.vector_store %arg8[%parallel_loop3A_561, %parallel_loop3A_562, %parallel_loop3A_563, %parallel_loop3A_564], %parallel_loop3A_559 {strides = array<i32>} : memref<4x8x8x128xf32, #tpu.memory_space<vmem>>, vector<16xf32>,
      %parallel_loop3A_566 = arith.constant 3 : i32
      %parallel_loop3A_567 = arith.constant 0 : i32
      %parallel_loop3A_568 = arith.constant 0 : i32
      %parallel_loop3A_569 = tpu.memref_slice %arg7[%parallel_loop3A_566, %parallel_loop3A_567, %parallel_loop3A_568] : memref<4x128x64xf32, #tpu.memory_space<vmem>> -> memref<1x128x64xf32, #tpu.memory_space<vmem>>
      %parallel_loop3A_570 = tpu.memref_squeeze %parallel_loop3A_569 : memref<1x128x64xf32, #tpu.memory_space<vmem>> -> memref<128x64xf32, #tpu.memory_space<vmem>>
      %parallel_loop3A_571 = tpu.vector_load_idx %parallel_loop3A_570[%add3A_377, %parallel_loop3A_505] : memref<128x64xf32, #tpu.memory_space<vmem>>[vector<16xi32>, vector<16xi32>], vector<16xf32>,
      %parallel_loop3A_572 = arith.constant 3 : i32
      %parallel_loop3A_573 = arith.index_cast %parallel_loop3A_572 : i32 to index
      %parallel_loop3A_574 = arith.index_cast %parallel_loop3A_501 : i32 to index
      %parallel_loop3A_575 = arith.index_cast %parallel_loop3A_503 : i32 to index
      %parallel_loop3A_576 = arith.constant 80 : index
      %parallel_loop3A_577 = tpu.vector_load %arg8[%parallel_loop3A_573, %parallel_loop3A_574, %parallel_loop3A_575, %parallel_loop3A_576] {strides = array<i32>} : memref<4x8x8x128xf32, #tpu.memory_space<vmem>>, vector<16xf32>,
      tpu.vector_store %arg8[%parallel_loop3A_573, %parallel_loop3A_574, %parallel_loop3A_575, %parallel_loop3A_576], %parallel_loop3A_571 {strides = array<i32>} : memref<4x8x8x128xf32, #tpu.memory_space<vmem>>, vector<16xf32>,
      %parallel_loop3A_578 = arith.constant 3 : i32
      %parallel_loop3A_579 = arith.constant 0 : i32
      %parallel_loop3A_580 = arith.constant 0 : i32
      %parallel_loop3A_581 = tpu.memref_slice %arg7[%parallel_loop3A_578, %parallel_loop3A_579, %parallel_loop3A_580] : memref<4x128x64xf32, #tpu.memory_space<vmem>> -> memref<1x128x64xf32, #tpu.memory_space<vmem>>
      %parallel_loop3A_582 = tpu.memref_squeeze %parallel_loop3A_581 : memref<1x128x64xf32, #tpu.memory_space<vmem>> -> memref<128x64xf32, #tpu.memory_space<vmem>>
      %parallel_loop3A_583 = tpu.vector_load_idx %parallel_loop3A_582[%add3A_380, %parallel_loop3A_505] : memref<128x64xf32, #tpu.memory_space<vmem>>[vector<16xi32>, vector<16xi32>], vector<16xf32>,
      %parallel_loop3A_584 = arith.constant 3 : i32
      %parallel_loop3A_585 = arith.index_cast %parallel_loop3A_584 : i32 to index
      %parallel_loop3A_586 = arith.index_cast %parallel_loop3A_501 : i32 to index
      %parallel_loop3A_587 = arith.index_cast %parallel_loop3A_503 : i32 to index
      %parallel_loop3A_588 = arith.constant 96 : index
      %parallel_loop3A_589 = tpu.vector_load %arg8[%parallel_loop3A_585, %parallel_loop3A_586, %parallel_loop3A_587, %parallel_loop3A_588] {strides = array<i32>} : memref<4x8x8x128xf32, #tpu.memory_space<vmem>>, vector<16xf32>,
      tpu.vector_store %arg8[%parallel_loop3A_585, %parallel_loop3A_586, %parallel_loop3A_587, %parallel_loop3A_588], %parallel_loop3A_583 {strides = array<i32>} : memref<4x8x8x128xf32, #tpu.memory_space<vmem>>, vector<16xf32>,
      %parallel_loop3A_590 = arith.constant 3 : i32
      %parallel_loop3A_591 = arith.constant 0 : i32
      %parallel_loop3A_592 = arith.constant 0 : i32
      %parallel_loop3A_593 = tpu.memref_slice %arg7[%parallel_loop3A_590, %parallel_loop3A_591, %parallel_loop3A_592] : memref<4x128x64xf32, #tpu.memory_space<vmem>> -> memref<1x128x64xf32, #tpu.memory_space<vmem>>
      %parallel_loop3A_594 = tpu.memref_squeeze %parallel_loop3A_593 : memref<1x128x64xf32, #tpu.memory_space<vmem>> -> memref<128x64xf32, #tpu.memory_space<vmem>>
      %parallel_loop3A_595 = tpu.vector_load_idx %parallel_loop3A_594[%add3A_383, %parallel_loop3A_505] : memref<128x64xf32, #tpu.memory_space<vmem>>[vector<16xi32>, vector<16xi32>], vector<16xf32>,
      %parallel_loop3A_596 = arith.constant 3 : i32
      %parallel_loop3A_597 = arith.index_cast %parallel_loop3A_596 : i32 to index
      %parallel_loop3A_598 = arith.index_cast %parallel_loop3A_501 : i32 to index
      %parallel_loop3A_599 = arith.index_cast %parallel_loop3A_503 : i32 to index
      %parallel_loop3A_600 = arith.constant 112 : index
      %parallel_loop3A_601 = tpu.vector_load %arg8[%parallel_loop3A_597, %parallel_loop3A_598, %parallel_loop3A_599, %parallel_loop3A_600] {strides = array<i32>} : memref<4x8x8x128xf32, #tpu.memory_space<vmem>>, vector<16xf32>,
      tpu.vector_store %arg8[%parallel_loop3A_597, %parallel_loop3A_598, %parallel_loop3A_599, %parallel_loop3A_600], %parallel_loop3A_595 {strides = array<i32>} : memref<4x8x8x128xf32, #tpu.memory_space<vmem>>, vector<16xf32>,
    } {sc.loop_unroll_factor = 4 : i64, sc.parallel_access}
    %dma_start3A_389 = arith.constant 3 : i32
    %dma_start3A_390 = arith.constant 199 : i32
    %dma_start3A_391 = arith.constant 0 : i32
    %dma_start3A_392 = arith.constant 0 : i32
    %dma_start3A_393 = arith.constant 0 : i32
    %dma_start3A_394 = tpu.memref_slice %arg8[%dma_start3A_389, %dma_start3A_391, %dma_start3A_392, %dma_start3A_393] : memref<4x8x8x128xf32, #tpu.memory_space<vmem>> -> memref<1x8x8x128xf32, #tpu.memory_space<vmem>>
    %dma_start3A_395 = tpu.memref_squeeze %dma_start3A_394 : memref<1x8x8x128xf32, #tpu.memory_space<vmem>> -> memref<8x8x128xf32, #tpu.memory_space<vmem>>
    %dma_start3A_396 = arith.constant 0 : i32
    %dma_start3A_397 = arith.constant 0 : i32
    %dma_start3A_398 = arith.constant 0 : i32
    %dma_start3A_399 = tpu.memref_slice %arg4[%dma_start3A_390, %dma_start3A_396, %add3A, %dma_start3A_397, %dma_start3A_398] : memref<200x8x32x8x128xf32, #tpu.memory_space<hbm>> -> memref<1x8x1x8x128xf32, #tpu.memory_space<hbm>>
    %dma_start3A_400 = tpu.memref_squeeze %dma_start3A_399 : memref<1x8x1x8x128xf32, #tpu.memory_space<hbm>> -> memref<8x8x128xf32, #tpu.memory_space<hbm>>
    %dma_start3A_401 = arith.constant 0 : i32
    %dma_start3A_402 = arith.constant 0 : i32
    %dma_start3A_403 = arith.constant 0 : i32
    %dma_start3A_404 = tpu.memref_slice %arg4[%dma_start3A_390, %dma_start3A_401, %add3A, %dma_start3A_402, %dma_start3A_403] : memref<200x8x32x8x128xf32, #tpu.memory_space<hbm>> -> memref<1x8x1x8x128xf32, #tpu.memory_space<hbm>>
    %dma_start3A_405 = tpu.memref_squeeze %dma_start3A_404 : memref<1x8x1x8x128xf32, #tpu.memory_space<hbm>> -> memref<8x8x128xf32, #tpu.memory_space<hbm>>
    %dma_start3A_406 = arith.constant 0 : i32
    %dma_start3A_407 = arith.constant 0 : i32
    %dma_start3A_408 = arith.constant 0 : i32
    %dma_start3A_409 = tpu.memref_slice %arg8[%dma_start3A_389, %dma_start3A_406, %dma_start3A_407, %dma_start3A_408] : memref<4x8x8x128xf32, #tpu.memory_space<vmem>> -> memref<1x8x8x128xf32, #tpu.memory_space<vmem>>
    %dma_start3A_410 = tpu.memref_squeeze %dma_start3A_409 : memref<1x8x8x128xf32, #tpu.memory_space<vmem>> -> memref<8x8x128xf32, #tpu.memory_space<vmem>>
    tpu.enqueue_dma source(%dma_start3A_410 : memref<8x8x128xf32, #tpu.memory_space<vmem>>) target(%dma_start3A_405 : memref<8x8x128xf32, #tpu.memory_space<hbm>>) target_semaphore(%arg16 : memref<!tpu.dma_semaphore, #tpu.memory_space<semaphore_mem>>)
    %dma_wait3A_411 = arith.constant 0 : i32
    %dma_wait3A_412 = arith.constant 196 : i32
    %dma_wait3A_413 = arith.constant 0 : i32
    %dma_wait3A_414 = arith.constant 0 : i32
    %dma_wait3A_415 = arith.constant 0 : i32
    %dma_wait3A_416 = tpu.memref_slice %arg8[%dma_wait3A_411, %dma_wait3A_413, %dma_wait3A_414, %dma_wait3A_415] : memref<4x8x8x128xf32, #tpu.memory_space<vmem>> -> memref<1x8x8x128xf32, #tpu.memory_space<vmem>>
    %dma_wait3A_417 = tpu.memref_squeeze %dma_wait3A_416 : memref<1x8x8x128xf32, #tpu.memory_space<vmem>> -> memref<8x8x128xf32, #tpu.memory_space<vmem>>
    %dma_wait3A_418 = arith.constant 0 : i32
    %dma_wait3A_419 = arith.constant 0 : i32
    %dma_wait3A_420 = arith.constant 0 : i32
    %dma_wait3A_421 = tpu.memref_slice %arg4[%dma_wait3A_412, %dma_wait3A_418, %add3A, %dma_wait3A_419, %dma_wait3A_420] : memref<200x8x32x8x128xf32, #tpu.memory_space<hbm>> -> memref<1x8x1x8x128xf32, #tpu.memory_space<hbm>>
    %dma_wait3A_422 = tpu.memref_squeeze %dma_wait3A_421 : memref<1x8x1x8x128xf32, #tpu.memory_space<hbm>> -> memref<8x8x128xf32, #tpu.memory_space<hbm>>
    %dma_wait3A_423 = arith.constant 0 : i32
    %dma_wait3A_424 = arith.constant 0 : i32
    %dma_wait3A_425 = arith.constant 0 : i32
    %dma_wait3A_426 = tpu.memref_slice %arg4[%dma_wait3A_412, %dma_wait3A_423, %add3A, %dma_wait3A_424, %dma_wait3A_425] : memref<200x8x32x8x128xf32, #tpu.memory_space<hbm>> -> memref<1x8x1x8x128xf32, #tpu.memory_space<hbm>>
    %dma_wait3A_427 = tpu.memref_squeeze %dma_wait3A_426 : memref<1x8x1x8x128xf32, #tpu.memory_space<hbm>> -> memref<8x8x128xf32, #tpu.memory_space<hbm>>
    %dma_wait3A_428 = arith.constant 0 : i32
    %dma_wait3A_429 = arith.constant 0 : i32
    %dma_wait3A_430 = arith.constant 0 : i32
    %dma_wait3A_431 = tpu.memref_slice %arg8[%dma_wait3A_411, %dma_wait3A_428, %dma_wait3A_429, %dma_wait3A_430] : memref<4x8x8x128xf32, #tpu.memory_space<vmem>> -> memref<1x8x8x128xf32, #tpu.memory_space<vmem>>
    %dma_wait3A_432 = tpu.memref_squeeze %dma_wait3A_431 : memref<1x8x8x128xf32, #tpu.memory_space<vmem>> -> memref<8x8x128xf32, #tpu.memory_space<vmem>>
    tpu.wait_dma2 semaphore(%arg13 : memref<!tpu.dma_semaphore, #tpu.memory_space<semaphore_mem>>) src(%dma_wait3A_432 : memref<8x8x128xf32, #tpu.memory_space<vmem>>) dst(%dma_wait3A_427 : memref<8x8x128xf32, #tpu.memory_space<hbm>>)
    %dma_wait3A_433 = arith.constant 1 : i32
    %dma_wait3A_434 = arith.constant 197 : i32
    %dma_wait3A_435 = arith.constant 0 : i32
    %dma_wait3A_436 = arith.constant 0 : i32
    %dma_wait3A_437 = arith.constant 0 : i32
    %dma_wait3A_438 = tpu.memref_slice %arg8[%dma_wait3A_433, %dma_wait3A_435, %dma_wait3A_436, %dma_wait3A_437] : memref<4x8x8x128xf32, #tpu.memory_space<vmem>> -> memref<1x8x8x128xf32, #tpu.memory_space<vmem>>
    %dma_wait3A_439 = tpu.memref_squeeze %dma_wait3A_438 : memref<1x8x8x128xf32, #tpu.memory_space<vmem>> -> memref<8x8x128xf32, #tpu.memory_space<vmem>>
    %dma_wait3A_440 = arith.constant 0 : i32
    %dma_wait3A_441 = arith.constant 0 : i32
    %dma_wait3A_442 = arith.constant 0 : i32
    %dma_wait3A_443 = tpu.memref_slice %arg4[%dma_wait3A_434, %dma_wait3A_440, %add3A, %dma_wait3A_441, %dma_wait3A_442] : memref<200x8x32x8x128xf32, #tpu.memory_space<hbm>> -> memref<1x8x1x8x128xf32, #tpu.memory_space<hbm>>
    %dma_wait3A_444 = tpu.memref_squeeze %dma_wait3A_443 : memref<1x8x1x8x128xf32, #tpu.memory_space<hbm>> -> memref<8x8x128xf32, #tpu.memory_space<hbm>>
    %dma_wait3A_445 = arith.constant 0 : i32
    %dma_wait3A_446 = arith.constant 0 : i32
    %dma_wait3A_447 = arith.constant 0 : i32
    %dma_wait3A_448 = tpu.memref_slice %arg4[%dma_wait3A_434, %dma_wait3A_445, %add3A, %dma_wait3A_446, %dma_wait3A_447] : memref<200x8x32x8x128xf32, #tpu.memory_space<hbm>> -> memref<1x8x1x8x128xf32, #tpu.memory_space<hbm>>
    %dma_wait3A_449 = tpu.memref_squeeze %dma_wait3A_448 : memref<1x8x1x8x128xf32, #tpu.memory_space<hbm>> -> memref<8x8x128xf32, #tpu.memory_space<hbm>>
    %dma_wait3A_450 = arith.constant 0 : i32
    %dma_wait3A_451 = arith.constant 0 : i32
    %dma_wait3A_452 = arith.constant 0 : i32
    %dma_wait3A_453 = tpu.memref_slice %arg8[%dma_wait3A_433, %dma_wait3A_450, %dma_wait3A_451, %dma_wait3A_452] : memref<4x8x8x128xf32, #tpu.memory_space<vmem>> -> memref<1x8x8x128xf32, #tpu.memory_space<vmem>>
    %dma_wait3A_454 = tpu.memref_squeeze %dma_wait3A_453 : memref<1x8x8x128xf32, #tpu.memory_space<vmem>> -> memref<8x8x128xf32, #tpu.memory_space<vmem>>
    tpu.wait_dma2 semaphore(%arg14 : memref<!tpu.dma_semaphore, #tpu.memory_space<semaphore_mem>>) src(%dma_wait3A_454 : memref<8x8x128xf32, #tpu.memory_space<vmem>>) dst(%dma_wait3A_449 : memref<8x8x128xf32, #tpu.memory_space<hbm>>)
    %dma_wait3A_455 = arith.constant 2 : i32
    %dma_wait3A_456 = arith.constant 198 : i32
    %dma_wait3A_457 = arith.constant 0 : i32
    %dma_wait3A_458 = arith.constant 0 : i32
    %dma_wait3A_459 = arith.constant 0 : i32
    %dma_wait3A_460 = tpu.memref_slice %arg8[%dma_wait3A_455, %dma_wait3A_457, %dma_wait3A_458, %dma_wait3A_459] : memref<4x8x8x128xf32, #tpu.memory_space<vmem>> -> memref<1x8x8x128xf32, #tpu.memory_space<vmem>>
    %dma_wait3A_461 = tpu.memref_squeeze %dma_wait3A_460 : memref<1x8x8x128xf32, #tpu.memory_space<vmem>> -> memref<8x8x128xf32, #tpu.memory_space<vmem>>
    %dma_wait3A_462 = arith.constant 0 : i32
    %dma_wait3A_463 = arith.constant 0 : i32
    %dma_wait3A_464 = arith.constant 0 : i32
    %dma_wait3A_465 = tpu.memref_slice %arg4[%dma_wait3A_456, %dma_wait3A_462, %add3A, %dma_wait3A_463, %dma_wait3A_464] : memref<200x8x32x8x128xf32, #tpu.memory_space<hbm>> -> memref<1x8x1x8x128xf32, #tpu.memory_space<hbm>>
    %dma_wait3A_466 = tpu.memref_squeeze %dma_wait3A_465 : memref<1x8x1x8x128xf32, #tpu.memory_space<hbm>> -> memref<8x8x128xf32, #tpu.memory_space<hbm>>
    %dma_wait3A_467 = arith.constant 0 : i32
    %dma_wait3A_468 = arith.constant 0 : i32
    %dma_wait3A_469 = arith.constant 0 : i32
    %dma_wait3A_470 = tpu.memref_slice %arg4[%dma_wait3A_456, %dma_wait3A_467, %add3A, %dma_wait3A_468, %dma_wait3A_469] : memref<200x8x32x8x128xf32, #tpu.memory_space<hbm>> -> memref<1x8x1x8x128xf32, #tpu.memory_space<hbm>>
    %dma_wait3A_471 = tpu.memref_squeeze %dma_wait3A_470 : memref<1x8x1x8x128xf32, #tpu.memory_space<hbm>> -> memref<8x8x128xf32, #tpu.memory_space<hbm>>
    %dma_wait3A_472 = arith.constant 0 : i32
    %dma_wait3A_473 = arith.constant 0 : i32
    %dma_wait3A_474 = arith.constant 0 : i32
    %dma_wait3A_475 = tpu.memref_slice %arg8[%dma_wait3A_455, %dma_wait3A_472, %dma_wait3A_473, %dma_wait3A_474] : memref<4x8x8x128xf32, #tpu.memory_space<vmem>> -> memref<1x8x8x128xf32, #tpu.memory_space<vmem>>
    %dma_wait3A_476 = tpu.memref_squeeze %dma_wait3A_475 : memref<1x8x8x128xf32, #tpu.memory_space<vmem>> -> memref<8x8x128xf32, #tpu.memory_space<vmem>>
    tpu.wait_dma2 semaphore(%arg15 : memref<!tpu.dma_semaphore, #tpu.memory_space<semaphore_mem>>) src(%dma_wait3A_476 : memref<8x8x128xf32, #tpu.memory_space<vmem>>) dst(%dma_wait3A_471 : memref<8x8x128xf32, #tpu.memory_space<hbm>>)
    %dma_wait3A_477 = arith.constant 3 : i32
    %dma_wait3A_478 = arith.constant 199 : i32
    %dma_wait3A_479 = arith.constant 0 : i32
    %dma_wait3A_480 = arith.constant 0 : i32
    %dma_wait3A_481 = arith.constant 0 : i32
    %dma_wait3A_482 = tpu.memref_slice %arg8[%dma_wait3A_477, %dma_wait3A_479, %dma_wait3A_480, %dma_wait3A_481] : memref<4x8x8x128xf32, #tpu.memory_space<vmem>> -> memref<1x8x8x128xf32, #tpu.memory_space<vmem>>
    %dma_wait3A_483 = tpu.memref_squeeze %dma_wait3A_482 : memref<1x8x8x128xf32, #tpu.memory_space<vmem>> -> memref<8x8x128xf32, #tpu.memory_space<vmem>>
    %dma_wait3A_484 = arith.constant 0 : i32
    %dma_wait3A_485 = arith.constant 0 : i32
    %dma_wait3A_486 = arith.constant 0 : i32
    %dma_wait3A_487 = tpu.memref_slice %arg4[%dma_wait3A_478, %dma_wait3A_484, %add3A, %dma_wait3A_485, %dma_wait3A_486] : memref<200x8x32x8x128xf32, #tpu.memory_space<hbm>> -> memref<1x8x1x8x128xf32, #tpu.memory_space<hbm>>
    %dma_wait3A_488 = tpu.memref_squeeze %dma_wait3A_487 : memref<1x8x1x8x128xf32, #tpu.memory_space<hbm>> -> memref<8x8x128xf32, #tpu.memory_space<hbm>>
    %dma_wait3A_489 = arith.constant 0 : i32
    %dma_wait3A_490 = arith.constant 0 : i32
    %dma_wait3A_491 = arith.constant 0 : i32
    %dma_wait3A_492 = tpu.memref_slice %arg4[%dma_wait3A_478, %dma_wait3A_489, %add3A, %dma_wait3A_490, %dma_wait3A_491] : memref<200x8x32x8x128xf32, #tpu.memory_space<hbm>> -> memref<1x8x1x8x128xf32, #tpu.memory_space<hbm>>
    %dma_wait3A_493 = tpu.memref_squeeze %dma_wait3A_492 : memref<1x8x1x8x128xf32, #tpu.memory_space<hbm>> -> memref<8x8x128xf32, #tpu.memory_space<hbm>>
    %dma_wait3A_494 = arith.constant 0 : i32
    %dma_wait3A_495 = arith.constant 0 : i32
    %dma_wait3A_496 = arith.constant 0 : i32
    %dma_wait3A_497 = tpu.memref_slice %arg8[%dma_wait3A_477, %dma_wait3A_494, %dma_wait3A_495, %dma_wait3A_496] : memref<4x8x8x128xf32, #tpu.memory_space<vmem>> -> memref<1x8x8x128xf32, #tpu.memory_space<vmem>>
    %dma_wait3A_498 = tpu.memref_squeeze %dma_wait3A_497 : memref<1x8x8x128xf32, #tpu.memory_space<vmem>> -> memref<8x8x128xf32, #tpu.memory_space<vmem>>
    tpu.wait_dma2 semaphore(%arg16 : memref<!tpu.dma_semaphore, #tpu.memory_space<semaphore_mem>>) src(%dma_wait3A_498 : memref<8x8x128xf32, #tpu.memory_space<vmem>>) dst(%dma_wait3A_493 : memref<8x8x128xf32, #tpu.memory_space<hbm>>)
    return
  }
}

</mosaic_0001>

<sc_bundles>
// kernel: kernel.3.cloned.1.call-start
scs
__scs_entry_jumppad:
0x0: {  	(pc) =	sbr.rel $0x88, $3  }
0x1: {  	(tag) =	ssettag $0x0;
	lr =	simm.s32 $0x1  }
0x2: {  	[smem:$0x3F9F] =	sst lr;
	_ =	strace $0xD0000000  }
0x3: {  	_ = 	snop  }
0x4: {  	_ = 	snop  }
0x5: {  	_ = 	snop  }
0x6: {  	_ = 	snop  }
0x7: {  	_ = 	snop  }
__scs_overlays_trampoline_lowered:
0x8: {  	[smem:$0x3FAE] =	sst s0  }
0x9: {  	[smem:$0x3FAF] =	sst s1  }
0xa: {  	[smem:$0x3FB0] =	sst s2  }
0xb: {  	[smem:$0x3FB1] =	sst s3  }
0xc: {  	[smem:$0x3FB2] =	sst s4  }
0xd: {  	[smem:$0x3FB3] =	sst s5  }
0xe: {  	[smem:$0x3FB4] =	sst s6  }
0xf: {  	[smem:$0x3FB5] =	sst s7  }
0x10: {  	[smem:$0x3FB6] =	sst s8  }
0x11: {  	[smem:$0x3FB7] =	sst s9;
	s0 =	simm.s32 @!p0 $0x0  }
0x12: {  	s1 =	sld [smem:$0x3F9D];
	s0 =	simm.s32 @p0 $0x1  }
0x13: {  	[smem:$0x3FB8] =	sst s0;
	s0 =	simm.s32 @!p1 $0x0  }
0x14: {  	s2 =	sld [smem:$0x3F9C];
	s0 =	simm.s32 @p1 $0x1  }
0x15: {  	[smem:$0x3FB9] =	sst s0;
	s0 =	simm.s32 @!p2 $0x0  }
0x16: {  	s3 =	sld [smem:$0x3FDB];
	s0 =	simm.s32 @p2 $0x1  }
0x17: {  	s4 =	simm.s32 $0x1BF5;
	[smem:$0x3FBB] =	sst s0  }
0x18: {  	s0 =	sld [smem:$0x3F9E];
	_ =	swait.ge [sflag:s4], $0x0  }
0x19: {  	s7 =	sld [smem:$0x3F9F]  }
0x1a: {  	s8 =	sadd.s32 $0xFFFFE003, lr  }
0x1b: {  	s9 =	sadd.s32 $0xFFFFFEF7, lr;
	s5 =	simm.s32 $0xFFFFFFFF;
	p2 =	slt.u32 s8, $0xFFFFF086  }
0x1c: {  	p1 =	slt.u32 s9, $0xF7A;
	s5 =	simm.s32 @!p2 $0x0  }
0x1d: {  	s5 =	simm.s32 @p1 $0x1;
	p0 =	seq.s32 s7, s2  }
0x1e: {  	s7 =	smul.u32 @!p0 $0xF7A, s2;
	p2 =	seq.s32 @!p0 s5, $0x0  }
0x1f: {  	s9 =	smul.u32 $0xF7A, s1;
	s8 =	simm.s32 @!p0 $0x1BF5;
	p2 =	por !p2, p0  }
0x20: {  	[sflag:s8] =	ssyncset.s32 @!p0 $0xFFFFF086;
	s6 =	sadd.s32 @!p0 s3, s7;
	s7 =	simm.s32 @!p0 $0x108  }
0x21: {  	s3 =	sadd.s32 s3, s9;
	s6 =	sadd.s32 @!p0 $0x88, s6;
	s7 =	simm.s32 @p2 $0x1082  }
0x22: {  	[simem:s7], [sflag:s8] =	dma.local @!p0 [hbm:s6], $0xF7A  }
0x23: {  	s9 =	sor.u32 $0xD0000000, s2;
	s6 =	simm.s32 $0x108;
	_ =	swait.ge @!p0 [sflag:s8], $0x0  }
0x24: {  	s3 =	sadd.s32 $0x88, s3;
	s6 =	simm.s32 @!p1 $0x1082;
	[sflag:s4] =	ssyncset.s32 $0xFFFFF086  }
0x25: {  	[simem:s6], [sflag:s4] =	dma.local [hbm:s3], $0xF7A  }
0x26: {  	[smem:$0x3F9F] =	sst s1;
	(tag) =	ssettag s2;
	_ =	strace s9  }
0x27: {  	s1 =	sld [smem:$0x3FAF]  }
0x28: {  	s2 =	sld [smem:$0x3FB0]  }
0x29: {  	s4 =	sld [smem:$0x3FB2]  }
0x2a: {  	p0 =	seq.s32 s5, $0x0;
	s5 =	sld [smem:$0x3FB3]  }
0x2b: {  	s6 =	sld [smem:$0x3FB4]  }
0x2c: {  	s7 =	sld [smem:$0x3FB5]  }
0x2d: {  	s3 =	simm.s32 $0x108;
	s8 =	sld [smem:$0x3FB6]  }
0x2e: {  	s3 =	simm.s32 @!p0 $0x1082;
	s9 =	sld [smem:$0x3FB7]  }
0x2f: {  	lr =	sadd.s32 s0, s3;
	s0 =	sld [smem:$0x3FAE]  }
0x30: {  	s3 =	sld [smem:$0x3FB1]  }
0x31: {  	[smem:$0x3FBA] =	sst s10  }
0x32: {  	s10 =	sld [smem:$0x3FB8];
	_ =	sdelay $0x3  }
0x33: {  	p0 =	seq.s32 s10, $0x1;
	s10 =	sld [smem:$0x3FBA];
	_ =	sdelay $0x3  }
0x34: {  	[smem:$0x3FBA] =	sst s10  }
0x35: {  	s10 =	sld [smem:$0x3FB9];
	_ =	sdelay $0x3  }
0x36: {  	p1 =	seq.s32 s10, $0x1;
	s10 =	sld [smem:$0x3FBA];
	_ =	sdelay $0x3  }
0x37: {  	[smem:$0x3FBA] =	sst s10  }
0x38: {  	s10 =	sld [smem:$0x3FBB]  }
0x39: {  	_ = 	snop;
	(pc) =	sbr.ind lr, $3  }
0x3a: {  	_ = 	snop  }
0x3b: {  	_ = 	snop  }
0x3c: {  	p2 =	seq.s32 s10, $0x1;
	s10 =	sld [smem:$0x3FBA]  }
0x3d: {  	_ =	shalt  }
0x3e: {  	_ =	shalt  }
0x3f: {  	_ =	shalt  }
0x40: {  	_ =	shalt  }
0x41: {  	_ =	shalt  }
0x42: {  	_ =	shalt  }
0x43: {  	_ =	shalt  }
0x44: {  	_ =	shalt  }
0x45: {  	_ =	shalt  }
0x46: {  	_ =	shalt  }
0x47: {  	_ =	shalt  }
0x48: {  	_ =	shalt  }
0x49: {  	_ =	shalt  }
0x4a: {  	_ =	shalt  }
0x4b: {  	_ =	shalt  }
0x4c: {  	_ =	shalt  }
0x4d: {  	_ =	shalt  }
0x4e: {  	_ =	shalt  }
0x4f: {  	_ =	shalt  }
0x50: {  	_ =	shalt  }
0x51: {  	_ =	shalt  }
0x52: {  	_ =	shalt  }
0x53: {  	_ =	shalt  }
0x54: {  	_ =	shalt  }
0x55: {  	_ =	shalt  }
0x56: {  	_ =	shalt  }
0x57: {  	_ =	shalt  }
0x58: {  	_ =	shalt  }
0x59: {  	_ =	shalt  }
0x5a: {  	_ =	shalt  }
0x5b: {  	_ =	shalt  }
0x5c: {  	_ =	shalt  }
0x5d: {  	_ =	shalt  }
0x5e: {  	_ =	shalt  }
0x5f: {  	_ =	shalt  }
0x60: {  	_ =	shalt  }
0x61: {  	_ =	shalt  }
0x62: {  	_ =	shalt  }
0x63: {  	_ =	shalt  }
0x64: {  	_ =	shalt  }
0x65: {  	_ =	shalt  }
0x66: {  	_ =	shalt  }
0x67: {  	_ =	shalt  }
0x68: {  	_ =	shalt  }
0x69: {  	_ =	shalt  }
0x6a: {  	_ =	shalt  }
0x6b: {  	_ =	shalt  }
0x6c: {  	_ =	shalt  }
0x6d: {  	_ =	shalt  }
0x6e: {  	_ =	shalt  }
0x6f: {  	_ =	shalt  }
0x70: {  	_ =	shalt  }
0x71: {  	_ =	shalt  }
0x72: {  	_ =	shalt  }
0x73: {  	_ =	shalt  }
0x74: {  	_ =	shalt  }
0x75: {  	_ =	shalt  }
0x76: {  	_ =	shalt  }
0x77: {  	_ =	shalt  }
0x78: {  	_ =	shalt  }
0x79: {  	_ =	shalt  }
0x7a: {  	_ =	shalt  }
0x7b: {  	_ =	shalt  }
0x7c: {  	_ =	shalt  }
0x7d: {  	_ =	shalt  }
0x7e: {  	_ =	shalt  }
0x7f: {  	_ =	shalt  }
0x80: {  	_ =	shalt  }
0x81: {  	_ =	shalt  }
0x82: {  	_ =	shalt  }
0x83: {  	_ =	shalt  }
0x84: {  	_ =	shalt  }
0x85: {  	_ =	shalt  }
0x86: {  	_ =	shalt  }
0x87: {  	_ =	shalt  }
.Lfunc_end0:
.L_simem_size_0:
called_computation_lowered:
.L_overlay_start_0:
0x88: {  	s2 =	sld [smem:$0x3FD9]  }
0x89: {  	s3 =	sld [smem:$0x3FFE];
	_ =	sdelay $0x1  }
0x8a: {  	s1 =	srdreg.scid  }
0x8b: {  	s0 =	sand.u32 $0x1, s1  }
0x8c: {  	s17 =	sshll.u32 s0, $0xA;
	s2 =	sadd.s32 s3, s2  }
0x8d: {  	s2 =	sadd.s32 s2, s17  }
0x8e: {  	[smem:$0x3FC6] =	sst s2  }
0x8f: {  	_ = 	snop  }
0x90: {  	s2 =	sld [smem:$0x3FD0];
	(tm) =	ssettm $0x1  }
0x91: {  	s18 =	sld [smem:$0x3FFB];
	_ =	sdelay $0x3  }
0x92: {  	_ =	strace s18  }
0x93: {  	s3 =	sld [smem:$0x3FFC];
	_ =	sdelay $0x3  }
0x94: {  	_ =	strace s3  }
0x95: {  	s3 =	sld [smem:$0x3FFD];
	_ =	sdelay $0x3  }
0x96: {  	_ =	strace s3  }
0x97: {  	_ =	strace $0x8FFFFFFF  }
0x98: {  	s19 =	sld [smem:$0x3FDB];
	_ =	sdelay $0x1  }
0x99: {  	s4 =	simm.s32 $_scs_section_size  }
0x9a: {  	s5 =	simm.s32 $_size__tile_overlayer_lowered;
	s6 =	simm.s32 $_tile_overlayer_lowered  }
0x9b: {  	s22 =	simm.s32 $0x1BFF;
	s21 =	sshll.u32 s6, $0x1;
	s3 =	sadd.s32 s4, s19  }
0x9c: {  	s7 =	simm.s32 $0x0;
	s20 =	sshll.u32 s5, $0x1;
	s5 =	sadd.s32 s21, s3  }
0x9d: {  	[timem:s7], [sflag:s22] =	dma.local [hbm:s5], s20  }
0x9e: {  	_ =	swait.ge [sflag:s22], s20  }
0x9f: {  	s4 =	ssub.s32 $0x0, s20;
	[sflag:s22] =	ssyncset.done $0x0  }
0xa0: {  	[sflag:s22] =	ssyncadd.s32 s4;
	_ =	sdelay $0x1  }
0xa1: {  	s23 =	simm.s32 $0x1B8B  }
0xa2: {  	_ =	swait.ge [sflag:s23], $0x1  }
0xa3: {  	[sflag:s23] =	ssyncset.done $0x0  }
0xa4: {  	s25 =	simm.s32 $0x1B8E;
	s24 =	sld [smem:$0x3FFE];
	[sflag:s23] =	ssyncadd.s32 $0xFFFFFFFF  }
0xa5: {  	s26 =	simm.s32 $execute0_lowered;
	[smem:$0x3FD2] =	sst s25  }
0xa6: {  	s5 =	sshll.u32 s26, $0x1;
	_ =	strace $0x80000046;
	[dreg:$0x1] =	wrdreg $0xFFFFFFFF  }
0xa7: {  	s28 =	simm.s32 $_size_execute0_lowered;
	s3 =	sadd.s32 s3, s5;
	[dreg:$0x0] =	wrdreg $0x0  }
0xa8: {  	s5 =	sshll.u32 s28, $0x1;
	[dreg:$0x2] =	wrdreg s3  }
0xa9: {  	[dreg:$0x3] =	wrdreg s5  }
0xaa: {  	[dreg:$0x4] =	wrdreg $0xC0  }
0xab: {  	_ =	task [dreg:s7], $0x5FFFF  }
0xac: {  	[dreg:$0x1] =	wrdreg $0xFFFFFFFF  }
0xad: {  	[dreg:$0x0] =	wrdreg $0x60  }
0xae: {  	[dreg:$0x2] =	wrdreg s24  }
0xaf: {  	[dreg:$0x3] =	wrdreg s2  }
0xb0: {  	[dreg:$0x4] =	wrdreg $0x9  }
0xb1: {  	_ =	task.clear_ibuf [dreg:s7], $0x5FFFF;
	_ =	strace $0x90000046  }
0xb2: {  	s29 =	simm.s32 $0x9;
	_ =	strace $0x80000048  }
0xb3: {  	_ =	swait.ge [sflag:s29], $0x1  }
0xb4: {  	[sflag:s29] =	ssyncadd.s32 $0xFFFFFFFF  }
0xb5: {  	_ =	strace $0x90000048  }
0xb6: {  	_ =	sfence  }
0xb7: {  	s30 =	sld [smem:$0x0];
	_ =	sdelay $0x2  }
0xb8: {  	s31 =	sshll.u32 s1, $0xD;
	s1 =	sshrl.u32 s1, $0x2  }
0xb9: {  	s3 =	sand.u32 $0x4000, s31;
	s1 =	sadd.s32 s1, s30  }
0xba: {  	s0 =	sor.u32 s3, s0;
	s1 =	sshll.u32 s1, $0x11  }
0xbb: {  	s0 =	sor.u32 s1, s0  }
0xbc: {  	s0 =	sadd.s32 $0x8F2B, s0  }
0xbd: {  	[sflag:s0] =	ssyncadd.remote.s32 $0x1  }
0xbe: {  	_ =	sfence.sel $0xFFFF  }
0xbf: {  	[dreg:$0x0] =	wrdreg $0xFFFFFFFF;
	(pc) =	sbr.abs _section_cstart, $3  }
0xc0: {  	[dreg:$0x1] =	wrdreg $0xFFFFFFFF  }
0xc1: {  	_ =	task.clear_ibuf [dreg:s7], $0x2FFFF;
	_ =	strace $0x9FFFFFFF  }
0xc2: {  	(tm) =	ssettm $0x7FFFFFFF  }
0xc3: {  	_ =	shalt  }
tec
execute0_lowered:
.L_overlay_start_1:
0x0: {  	(tag) =	ssettag $0x1  }
0x1: {  	s0 =	rddreg [dreg:$0x0]  }
0x2: {  	s8 =	rddreg [dreg:$0x1]  }
0x3: {  	s1 =	srdreg.scid;
	s2 =	stileid.u32  }
0x4: {  	s3 =	simm.s32 $0x0;
	s17 =	simm.s32 $0x80;
	s28 =	simm.s32 $0x400  }
0x5: {  	s29 =	simm.s32 $0x8000;
	s31 =	simm.s32 $0x2;
	s1 =	sand.u32 $0x1, s1  }
0x6: {  	s2 =	sshll.u32 s2, $0x1;
	[smem:$0x7FF] =	sst s3;
	s6 =	sadd.s32 $0x600, s0  }
0x7: {  	s4 =	sadd.s32 $0xF42A00, s0;
	s22 =	sadd.s32 $0x8000, s8;
	s23 =	sadd.s32 $0x10000, s8  }
0x8: {  	s2 =	sor.u32 s1, s2;
	_ =	strace $0x80000047;
	[dreg:$0x6] =	wrdreg s22  }
0x9: {  	s24 =	sadd.s32 $0x18000, s8;
	[dreg:$0x7] =	wrdreg s23;
	s5 =	smul.u32 $0x6400, s2  }
0xa: {  	s1 =	ssub.s32 $0x2, s1;
	[dreg:$0x8] =	wrdreg s24;
	s7 =	smul.u32 $0xC80, s2  }
0xb: {  	s18 =	sshrl.u32 s1, $0x1;
	s21 =	sshll.u32 s2, $0x7;
	s5 =	sshrl.u32 s5, $0x3  }
0xc: {  	[dreg:$0x5] =	wrdreg s21;
	s19 =	sadd.s32 s6, s7;
	s20 =	sadd.s32 s6, s5  }
0xd: {  	s0 =	ssub.s32 s1, s18;
	[dreg:$0x3] =	wrdreg s19;
	s1 =	sadd.s32 $0x640, s20  }
0xe: {  	v1 =	vlaneseq.u32;
	s0 =	smax.u32 s0, $0x1;
	[dreg:$0x4] =	wrdreg s1;
	s1 =	sadd.s32 s21, s8  }
0xf: {  	v0 =	vmul.u32 $0xC8, v1;
	s23 =	simm.s32 $0xD600;
	[dreg:$0xd] =	wrdreg s0;
	s25 =	sadd.s32 $0x620000, s1  }
0x10: {  	v1 =	vmul.u32 $0x40, v1;
	s6 =	simm.s32 $0x9;
	s26 =	sadd.s32 $0x628000, s1;
	[dreg:$0x9] =	wrdreg s25  }
0x11: {  	v2 =	vadd.s32 $0xC80, v0;
	s19 =	simm.s32 $0x9600;
	s30 =	sadd.s32 $0x630000, s1;
	[dreg:$0xa] =	wrdreg s26  }
0x12: {  	v3 =	vadd.s32 $0x1900, v0;
	v4 =	vadd.s32 $0x2580, v0;
	v5 =	vor.u32 $0x400, v1;
	s5 =	simm.s32 $0x0;
	s1 =	sadd.s32 $0x638000, s1;
	[dreg:$0xb] =	wrdreg s30  }
0x13: {  	v6 =	vor.u32 $0x800, v1;
	v7 =	vor.u32 $0xC00, v1;
	v8 =	vor.u32 $0x1000, v1;
	s20 =	simm.s32 $0x4;
	s21 =	simm.s32 $0xB600;
	[dreg:$0xc] =	wrdreg s1  }
0x14: {  	v9 =	vor.u32 $0x1400, v1;
	v10 =	vor.u32 $0x1800, v1;
	v11 =	vor.u32 $0x1C00, v1;
	s25 =	simm.s32 $0xF600;
	s26 =	simm.s32 $0x1;
	s1 =	simm.s32 $0x3  }
.LBB2_1:
0x15: {  	[dreg:$0xe] =	wrdreg s5  }
0x16: {  	v12 =	vadd.s32 s3, v0;
	s0 =	rddreg [dreg:$0x3]  }
0x17: {  	[tilespmem:s3], [sflag:$0x9] =	stream.linear.gather [hbm4b:s0+s3], $0x3200, $0x38;
	[tilespmem:$0x19600] =	vst v63  }
0x18: {  	_ =	swait.ge [sflag:s6], $0x3200  }
0x19: {  	[sflag:s6] =	ssyncset.done $0x0  }
0x1a: {  	[sflag:s6] =	ssyncadd.s32 $0xFFFFCE00  }
0x1b: {  	v12 =	vld.idx.msk [tilespmem:v12+s3+$0x0], $0xffff  }
0x1c: {  	v13 =	vadd.s32 s3, v2;
	_ =	sdelay $0x2  }
0x1d: {  	s0 =	simm.s32 $0x3220  }
0x1e: {  	[tilespmem:s0+$0xFFFFFFE0] =	vst v12  }
0x1f: {  	v12 =	vld.idx.msk [tilespmem:v13+s3+$0x0], $0xffff  }
0x20: {  	v13 =	vadd.s32 s3, v3;
	_ =	sdelay $0x3  }
0x21: {  	[tilespmem:s0+$0xFFFFFFF0] =	vst v12  }
0x22: {  	v12 =	vld.idx.msk [tilespmem:v13+s3+$0x0], $0xffff  }
0x23: {  	v13 =	vadd.s32 s3, v4;
	_ =	sdelay $0x3  }
0x24: {  	[tilespmem:s0+$0x0] =	vst v12  }
0x25: {  	s2 =	simm.s32 $0x1;
	v12 =	vld.idx.msk [tilespmem:v13+s3+$0x0], $0xffff  }
0x26: {  	s5 =	simm.s32 $0x2;
	v13 =	vadd.s32 s2, v0  }
.LBB2_2:
0x27: {  	p0 =	sne.s32 s5, $0xC7;
	_ =	sdelay $0x2  }
0x28: {  	[tilespmem:s0+$0x10] =	vst v12  }
0x29: {  	v12 =	vld.idx.msk [tilespmem:v13+s3+$0x0], $0xffff;
	_ =	sdelay $0x1  }
0x2a: {  	v13 =	vadd.s32 s2, v2;
	_ =	sdelay $0x2  }
0x2b: {  	s0 =	sadd.s32 $0x80, s0  }
0x2c: {  	[tilespmem:s0+$0xFFFFFFE0] =	vst v12  }
0x2d: {  	v12 =	vld.idx.msk [tilespmem:v13+s3+$0x0], $0xffff;
	_ =	sdelay $0x1  }
0x2e: {  	v13 =	vadd.s32 s2, v3;
	_ =	sdelay $0x3  }
0x2f: {  	[tilespmem:s0+$0xFFFFFFF0] =	vst v12  }
0x30: {  	v12 =	vld.idx.msk [tilespmem:v13+s3+$0x0], $0xffff;
	_ =	sdelay $0x1  }
0x31: {  	v13 =	vadd.s32 s2, v4;
	s2 =	smov.u32 s5;
	_ =	sdelay $0x2  }
.Ltmp0:
0x32: {  	(pc) =	sbr.rel @p0 .LBB2_2-.Ltmp0, $3  }
0x33: {  	[tilespmem:s0+$0x0] =	vst v12  }
0x34: {  	v12 =	vld.idx.msk [tilespmem:v13+s3+$0x0], $0xffff;
	_ =	sdelay $0x1  }
0x35: {  	s5 =	sadd.s32 $0x1, s5;
	v13 =	vadd.s32 s2, v0  }
0x36: {  	_ =	sdelay $0x2  }
0x37: {  	[tilespmem:s0+$0x10] =	vst v12  }
0x38: {  	v12 =	vld.idx.msk [tilespmem:v13+s3+$0x0], $0xffff  }
0x39: {  	v13 =	vadd.s32 s2, v2;
	_ =	sdelay $0x2  }
0x3a: {  	s22 =	sadd.s32 $0x80, s0  }
0x3b: {  	[tilespmem:s22+$0xFFFFFFE0] =	vst v12  }
0x3c: {  	v12 =	vld.idx.msk [tilespmem:v13+s3+$0x0], $0xffff  }
0x3d: {  	v13 =	vadd.s32 s2, v3;
	_ =	sdelay $0x3  }
0x3e: {  	[tilespmem:s22+$0xFFFFFFF0] =	vst v12  }
0x3f: {  	v12 =	vld.idx.msk [tilespmem:v13+s3+$0x0], $0xffff  }
0x40: {  	v13 =	vadd.s32 s2, v4;
	_ =	sdelay $0x3  }
0x41: {  	[tilespmem:s22+$0x0] =	vst v12  }
0x42: {  	v12 =	vld.idx.msk [tilespmem:v13+s3+$0x0], $0xffff;
	_ =	sdelay $0x3  }
0x43: {  	s24 =	simm.s32 $0x0  }
0x44: {  	s30 =	rddreg [dreg:$0x4];
	[tilespmem:s22+$0x10] =	vst v12;
	v12 =	vadd.s32 s24, v0  }
0x45: {  	[tilespmem:s24], [sflag:$0x9] =	stream.linear.gather [hbm4b:s30+s24], $0x3200, $0x38;
	[tilespmem:$0x19600] =	vst v63  }
0x46: {  	_ =	swait.ge [sflag:s6], $0x3200  }
0x47: {  	[sflag:s6] =	ssyncset.done $0x0  }
0x48: {  	[sflag:s6] =	ssyncadd.s32 $0xFFFFCE00  }
0x49: {  	v12 =	vld.idx.msk [tilespmem:v12+s3+$0x0], $0xffff  }
0x4a: {  	v13 =	vadd.s32 s24, v2;
	_ =	sdelay $0x2  }
0x4b: {  	s0 =	simm.s32 $0x3270  }
0x4c: {  	[tilespmem:s0+$0xFFFFFFD0] =	vst v12  }
0x4d: {  	v12 =	vld.idx.msk [tilespmem:v13+s3+$0x0], $0xffff  }
0x4e: {  	v13 =	vadd.s32 s24, v3;
	_ =	sdelay $0x3  }
0x4f: {  	[tilespmem:s0+$0xFFFFFFE0] =	vst v12  }
0x50: {  	v12 =	vld.idx.msk [tilespmem:v13+s3+$0x0], $0xffff  }
0x51: {  	v13 =	vadd.s32 s24, v4;
	_ =	sdelay $0x3  }
0x52: {  	[tilespmem:s0+$0xFFFFFFF0] =	vst v12  }
0x53: {  	s2 =	simm.s32 $0x1;
	v12 =	vld.idx.msk [tilespmem:v13+s3+$0x0], $0xffff  }
0x54: {  	s5 =	simm.s32 $0x2;
	v13 =	vadd.s32 s2, v0  }
.LBB2_4:
0x55: {  	p0 =	sne.s32 s5, $0xC7;
	_ =	sdelay $0x2  }
0x56: {  	[tilespmem:s0+$0x0] =	vst v12  }
0x57: {  	v12 =	vld.idx.msk [tilespmem:v13+s3+$0x0], $0xffff;
	_ =	sdelay $0x1  }
0x58: {  	v13 =	vadd.s32 s2, v2;
	_ =	sdelay $0x2  }
0x59: {  	s0 =	sadd.s32 $0x80, s0  }
0x5a: {  	[tilespmem:s0+$0xFFFFFFD0] =	vst v12  }
0x5b: {  	v12 =	vld.idx.msk [tilespmem:v13+s3+$0x0], $0xffff;
	_ =	sdelay $0x1  }
0x5c: {  	v13 =	vadd.s32 s2, v3;
	_ =	sdelay $0x3  }
0x5d: {  	[tilespmem:s0+$0xFFFFFFE0] =	vst v12  }
0x5e: {  	v12 =	vld.idx.msk [tilespmem:v13+s3+$0x0], $0xffff;
	_ =	sdelay $0x1  }
0x5f: {  	v13 =	vadd.s32 s2, v4;
	s2 =	smov.u32 s5;
	_ =	sdelay $0x2  }
.Ltmp1:
0x60: {  	(pc) =	sbr.rel @p0 .LBB2_4-.Ltmp1, $3  }
0x61: {  	[tilespmem:s0+$0xFFFFFFF0] =	vst v12  }
0x62: {  	v12 =	vld.idx.msk [tilespmem:v13+s3+$0x0], $0xffff;
	_ =	sdelay $0x1  }
0x63: {  	s5 =	sadd.s32 $0x1, s5;
	v13 =	vadd.s32 s2, v0  }
0x64: {  	_ =	sdelay $0x2  }
0x65: {  	[tilespmem:s0+$0x0] =	vst v12  }
0x66: {  	v12 =	vld.idx.msk [tilespmem:v13+s3+$0x0], $0xffff  }
0x67: {  	v61 =	vadd.s32 s2, v2;
	_ =	sdelay $0x2  }
0x68: {  	s16 =	sadd.s32 $0x80, s0  }
0x69: {  	[tilespmem:s16+$0xFFFFFFD0] =	vst v12  }
0x6a: {  	v12 =	vld.idx.msk [tilespmem:v61+s3+$0x0], $0xffff  }
0x6b: {  	v62 =	vadd.s32 s2, v3;
	_ =	sdelay $0x3  }
0x6c: {  	[tilespmem:s16+$0xFFFFFFE0] =	vst v12  }
0x6d: {  	v12 =	vld.idx.msk [tilespmem:v62+s3+$0x0], $0xffff  }
0x6e: {  	v63 =	vadd.s32 s2, v4;
	_ =	sdelay $0x3  }
0x6f: {  	[tilespmem:s16+$0xFFFFFFF0] =	vst v12  }
0x70: {  	v12 =	vld.idx.msk [tilespmem:v63+s3+$0x0], $0xffff;
	_ =	sdelay $0x4  }
0x71: {  	s18 =	simm.s32 $0x3200;
	[tilespmem:s16+$0x0] =	vst v12  }
0x72: {  	[tilespmem:s19], [sflag:$0x1] =	stream.indirect.gather [hbm4b:s4+s17], $0x40, s18, s17, $0xb8;
	[tilespmem:$0x19600] =	vst v63  }
0x73: {  	s22 =	simm.s32 $0x3280  }
0x74: {  	[tilespmem:s21], [sflag:$0x2] =	stream.indirect.gather [hbm4b:s4+s17], $0x40, s22, s17, $0xb8;
	[tilespmem:$0x19600] =	vst v63  }
0x75: {  	s24 =	simm.s32 $0x3300  }
0x76: {  	[tilespmem:s23], [sflag:$0x3] =	stream.indirect.gather [hbm4b:s4+s17], $0x40, s24, s17, $0xb8;
	[tilespmem:$0x19600] =	vst v63  }
0x77: {  	s30 =	simm.s32 $0x3380;
	s14 =	simm.s32 $0x0  }
0x78: {  	[tilespmem:s25], [sflag:$0x4] =	stream.indirect.gather [hbm4b:s4+s17], $0x40, s30, s17, $0xb8;
	[tilespmem:$0x19600] =	vst v63  }
.LBB2_6:
0x79: {  	s0 =	simm.s32 $0x0  }
0x7a: {  	s30 =	simm.s32 $0x1;
	v12 =	vmov s0  }
0x7b: {  	p0 =	seq.s32 s14, $0x0;
	v13 =	vmov s30;
	v12 =	vand.u32 $0x3C, v12  }
0x7c: {  	s0 =	simm.s32 @!p0 $0x5;
	v19 =	vbroadcast v12, $0x0;
	v12 =	vand.u32 $0x3D, v13  }
0x7d: {  	_ =	swait.ge @!p0 [sflag:s0], $0x2000;
	v21 =	vbroadcast v12, $0x0  }
0x7e: {  	[sflag:s0] =	ssyncset.done @!p0 $0x0;
	v12 =	vor.u32 v1, v19  }
0x7f: {  	[sflag:s0] =	ssyncadd.s32 @!p0 $0xFFFFE000;
	v13 =	vor.u32 v1, v21  }
0x80: {  	_ =	swait.ge [sflag:s26], $0x2000  }
0x81: {  	[sflag:s26] =	ssyncset.done $0x0  }
0x82: {  	[sflag:s26] =	ssyncadd.s32 $0xFFFFE000  }
0x83: {  	v12 =	vld.idx.msk [tilespmem:v12+s19+$0x0], $0xffff  }
0x84: {  	s2 =	simm.s32 $0x2;
	v14 =	vor.u32 v5, v19;
	v13 =	vld.idx.msk [tilespmem:v13+s19+$0x0], $0xffff  }
0x85: {  	s5 =	simm.s32 $0x0;
	v15 =	vmov s2;
	v16 =	vor.u32 v5, v21  }
0x86: {  	s2 =	simm.s32 $0x80;
	v15 =	vand.u32 $0x3E, v15;
	s0 =	sand.u32 $0x1C00, s5  }
0x87: {  	s16 =	simm.s32 $0x11640;
	s2 =	sand.u32 $0x280, s2;
	v20 =	vbroadcast v15, $0x0;
	s0 =	sadd.s32 $0x11600, s0  }
0x88: {  	s6 =	simm.s32 $0x3;
	s8 =	sadd.s32 s2, s0;
	[tilespmem:s16+$0xFFFFFFC0] =	vst v12  }
0x89: {  	v12 =	vor.u32 v1, v20;
	[tilespmem:s8+$0x0] =	vst v13;
	v13 =	vld.idx.msk [tilespmem:v14+s19+$0x0], $0xffff;
	v14 =	vmov s6  }
0x8a: {  	v15 =	vld.idx.msk [tilespmem:v16+s19+$0x0], $0xffff;
	v16 =	vor.u32 v6, v19;
	v14 =	vand.u32 $0x3F, v14  }
0x8b: {  	v17 =	vor.u32 v6, v21;
	v22 =	vbroadcast v14, $0x0;
	_ =	sdelay $0x1  }
0x8c: {  	s7 =	simm.s32 $0x4;
	v18 =	vor.u32 v1, v22  }
0x8d: {  	v23 =	vld.idx.msk [tilespmem:v12+s19+$0x0], $0xffff;
	v12 =	vmov s7;
	[tilespmem:s16+$0xFFFFFFD0] =	vst v13  }
0x8e: {  	s9 =	simm.s32 $0x5;
	v24 =	vor.u32 v5, v20;
	v12 =	vand.u32 $0x3C, v12;
	[tilespmem:s8+$0x10] =	vst v15;
	v15 =	vld.idx.msk [tilespmem:v16+s19+$0x0], $0xffff  }
0x8f: {  	s10 =	simm.s32 $0x6;
	s5 =	simm.s32 $0x100;
	v13 =	vmov s9;
	v12 =	vbroadcast v12, $0x0;
	v16 =	vld.idx.msk [tilespmem:v17+s19+$0x0], $0xffff;
	v17 =	vor.u32 v7, v19  }
0x90: {  	v26 =	vmov s10;
	s5 =	sand.u32 $0x300, s5;
	v25 =	vor.u32 v7, v21;
	v13 =	vand.u32 $0x3D, v13  }
0x91: {  	s24 =	sadd.s32 s5, s0;
	v14 =	vbroadcast v13, $0x0;
	v13 =	vand.u32 $0x3E, v26;
	v26 =	vor.u32 v1, v12;
	v18 =	vld.idx.msk [tilespmem:v18+s19+$0x0], $0xffff  }
0x92: {  	v13 =	vbroadcast v13, $0x0;
	[tilespmem:s24+$0x0] =	vst v23;
	v23 =	vor.u32 v5, v22  }
0x93: {  	s11 =	simm.s32 $0x180;
	v27 =	vor.u32 v1, v14;
	v24 =	vld.idx.msk [tilespmem:v24+s19+$0x0], $0xffff;
	[tilespmem:s16+$0xFFFFFFE0] =	vst v15  }
0x94: {  	s2 =	sand.u32 $0x380, s11;
	v15 =	vor.u32 v1, v13;
	[tilespmem:s8+$0x20] =	vst v16;
	v16 =	vld.idx.msk [tilespmem:v17+s19+$0x0], $0xffff  }
0x95: {  	s11 =	sadd.s32 s2, s0;
	v17 =	vld.idx.msk [tilespmem:v25+s19+$0x0], $0xffff;
	v25 =	vor.u32 v8, v19  }
0x96: {  	v28 =	vor.u32 v8, v21;
	v26 =	vld.idx.msk [tilespmem:v26+s19+$0x0], $0xffff;
	[tilespmem:s11+$0x0] =	vst v18  }
0x97: {  	v18 =	vor.u32 v6, v20;
	v23 =	vld.idx.msk [tilespmem:v23+s19+$0x0], $0xffff  }
0x98: {  	v29 =	vor.u32 v6, v22;
	v27 =	vld.idx.msk [tilespmem:v27+s19+$0x0], $0xffff  }
0x99: {  	v30 =	vor.u32 v5, v12;
	v15 =	vld.idx.msk [tilespmem:v15+s19+$0x0], $0xffff;
	[tilespmem:s16+$0xFFFFFFF0] =	vst v16  }
0x9a: {  	s12 =	simm.s32 $0x200;
	v16 =	vor.u32 v5, v14;
	[tilespmem:s8+$0x30] =	vst v17;
	v17 =	vld.idx.msk [tilespmem:v25+s19+$0x0], $0xffff  }
0x9b: {  	s13 =	simm.s32 $0x280;
	s0 =	sand.u32 $0x1C00, s12;
	[tilespmem:s24+$0x10] =	vst v24;
	v25 =	vor.u32 v9, v19;
	v24 =	vld.idx.msk [tilespmem:v28+s19+$0x0], $0xffff  }
0x9c: {  	s15 =	simm.s32 $0x11840;
	s2 =	sand.u32 $0x280, s13;
	s0 =	sadd.s32 $0x11600, s0;
	v28 =	vor.u32 v5, v13;
	v18 =	vld.idx.msk [tilespmem:v18+s19+$0x0], $0xffff;
	[tilespmem:s11+$0x10] =	vst v23  }
0x9d: {  	s18 =	simm.s32 $0x300;
	s6 =	sadd.s32 s2, s0;
	[tilespmem:s15+$0xFFFFFFC0] =	vst v26;
	v23 =	vor.u32 v7, v20;
	v26 =	vld.idx.msk [tilespmem:v29+s19+$0x0], $0xffff  }
0x9e: {  	s22 =	sand.u32 $0x300, s18;
	[tilespmem:s6+$0x0] =	vst v27;
	v27 =	vld.idx.msk [tilespmem:v30+s19+$0x0], $0xffff;
	v29 =	vor.u32 v7, v22  }
0x9f: {  	s5 =	sadd.s32 s22, s0;
	s7 =	simm.s32 $0x7;
	v16 =	vld.idx.msk [tilespmem:v16+s19+$0x0], $0xffff;
	[tilespmem:s16+$0x0] =	vst v17;
	v17 =	vor.u32 v9, v21  }
0xa0: {  	v31 =	vor.u32 v6, v14;
	v30 =	vmov s7;
	[tilespmem:s5+$0x0] =	vst v15;
	v25 =	vld.idx.msk [tilespmem:v25+s19+$0x0], $0xffff  }
0xa1: {  	v15 =	vand.u32 $0x3F, v30;
	v28 =	vld.idx.msk [tilespmem:v28+s19+$0x0], $0xffff;
	[tilespmem:s24+$0x20] =	vst v18;
	v18 =	vor.u32 v6, v12  }
0xa2: {  	v15 =	vbroadcast v15, $0x0;
	v23 =	vld.idx.msk [tilespmem:v23+s19+$0x0], $0xffff;
	[tilespmem:s11+$0x20] =	vst v26;
	v26 =	vor.u32 v10, v19  }
0xa3: {  	v32 =	vor.u32 v8, v20;
	[tilespmem:s8+$0x40] =	vst v24;
	v24 =	vld.idx.msk [tilespmem:v29+s19+$0x0], $0xffff  }
0xa4: {  	s30 =	simm.s32 $0x8;
	v29 =	vor.u32 v1, v15;
	[tilespmem:s6+$0x10] =	vst v16;
	v30 =	vld.idx.msk [tilespmem:v17+s19+$0x0], $0xffff  }
0xa5: {  	v33 =	vor.u32 v8, v22;
	s7 =	simm.s32 $0x9;
	[tilespmem:s15+$0xFFFFFFD0] =	vst v27;
	v16 =	vmov s30;
	v27 =	vld.idx.msk [tilespmem:v31+s19+$0x0], $0xffff  }
0xa6: {  	v16 =	vand.u32 $0x3C, v16;
	v17 =	vmov s7;
	v31 =	vor.u32 v7, v14;
	[tilespmem:s16+$0x10] =	vst v25;
	v25 =	vld.idx.msk [tilespmem:v18+s19+$0x0], $0xffff  }
0xa7: {  	v34 =	vor.u32 v10, v21;
	s9 =	simm.s32 $0xA;
	v16 =	vbroadcast v16, $0x0;
	v17 =	vand.u32 $0x3D, v17;
	[tilespmem:s24+$0x30] =	vst v23;
	v26 =	vld.idx.msk [tilespmem:v26+s19+$0x0], $0xffff  }
0xa8: {  	v18 =	vmov s9;
	v17 =	vbroadcast v17, $0x0;
	v23 =	vor.u32 v7, v12;
	v32 =	vld.idx.msk [tilespmem:v32+s19+$0x0], $0xffff  }
0xa9: {  	v18 =	vand.u32 $0x3E, v18;
	v29 =	vld.idx.msk [tilespmem:v29+s19+$0x0], $0xffff;
	[tilespmem:s11+$0x30] =	vst v24;
	v24 =	vor.u32 v1, v16  }
0xaa: {  	v18 =	vbroadcast v18, $0x0;
	v35 =	vor.u32 v1, v17;
	[tilespmem:s6+$0x20] =	vst v27;
	v27 =	vld.idx.msk [tilespmem:v33+s19+$0x0], $0xffff  }
0xab: {  	v56 =	vor.u32 v5, v15;
	[tilespmem:s8+$0x50] =	vst v30;
	v31 =	vld.idx.msk [tilespmem:v31+s19+$0x0], $0xffff  }
0xac: {  	s10 =	simm.s32 $0x380;
	v30 =	vor.u32 v1, v18;
	[tilespmem:s15+$0xFFFFFFE0] =	vst v25;
	v25 =	vld.idx.msk [tilespmem:v34+s19+$0x0], $0xffff  }
0xad: {  	s2 =	sand.u32 $0x380, s10;
	v58 =	vor.u32 v9, v22;
	[tilespmem:s5+$0x10] =	vst v28;
	v23 =	vld.idx.msk [tilespmem:v23+s19+$0x0], $0xffff  }
0xae: {  	s2 =	sadd.s32 s2, s0;
	v28 =	vor.u32 v8, v14;
	[tilespmem:s24+$0x40] =	vst v32;
	v24 =	vld.idx.msk [tilespmem:v24+s19+$0x0], $0xffff  }
0xaf: {  	v21 =	vor.u32 v11, v21;
	[tilespmem:s2+$0x0] =	vst v29;
	v29 =	vld.idx.msk [tilespmem:v35+s19+$0x0], $0xffff  }
0xb0: {  	v57 =	vor.u32 v9, v20;
	[tilespmem:s16+$0x20] =	vst v26;
	v33 =	vld.idx.msk [tilespmem:v56+s19+$0x0], $0xffff  }
0xb1: {  	[tilespmem:s11+$0x40] =	vst v27;
	v27 =	vld.idx.msk [tilespmem:v30+s19+$0x0], $0xffff;
	v30 =	vor.u32 v8, v12  }
0xb2: {  	s12 =	simm.s32 $0x400;
	[tilespmem:s6+$0x30] =	vst v31;
	v31 =	vor.u32 v5, v16;
	v59 =	vld.idx.msk [tilespmem:v58+s19+$0x0], $0xffff  }
0xb3: {  	s13 =	simm.s32 $0x480;
	s0 =	sand.u32 $0x1C00, s12;
	[tilespmem:s8+$0x60] =	vst v25;
	v25 =	vor.u32 v6, v13;
	v28 =	vld.idx.msk [tilespmem:v28+s19+$0x0], $0xffff  }
0xb4: {  	s12 =	simm.s32 $0x11A40;
	s22 =	sadd.s32 $0x11600, s0;
	s7 =	sand.u32 $0x280, s13;
	[tilespmem:s15+$0xFFFFFFF0] =	vst v23;
	v21 =	vld.idx.msk [tilespmem:v21+s19+$0x0], $0xffff;
	v23 =	vor.u32 v5, v17  }
0xb5: {  	s18 =	simm.s32 $0x500;
	v19 =	vor.u32 v11, v19;
	s0 =	sadd.s32 s7, s22;
	[tilespmem:s12+$0xFFFFFFC0] =	vst v24;
	v24 =	vld.idx.msk [tilespmem:v57+s19+$0x0], $0xffff  }
0xb6: {  	s7 =	sand.u32 $0x300, s18;
	[tilespmem:s0+$0x0] =	vst v29;
	v29 =	vor.u32 v6, v15;
	v30 =	vld.idx.msk [tilespmem:v30+s19+$0x0], $0xffff  }
0xb7: {  	s18 =	sadd.s32 s7, s22;
	v26 =	vor.u32 v10, v20;
	[tilespmem:s2+$0x10] =	vst v33;
	v60 =	vld.idx.msk [tilespmem:v31+s19+$0x0], $0xffff  }
0xb8: {  	[tilespmem:s18+$0x0] =	vst v27;
	v31 =	vor.u32 v9, v12;
	v25 =	vld.idx.msk [tilespmem:v25+s19+$0x0], $0xffff  }
0xb9: {  	v36 =	vor.u32 v9, v14;
	[tilespmem:s6+$0x40] =	vst v28;
	v61 =	vld.idx.msk [tilespmem:v23+s19+$0x0], $0xffff  }
0xba: {  	v28 =	vor.u32 v5, v18;
	[tilespmem:s8+$0x70] =	vst v21;
	v23 =	vld.idx.msk [tilespmem:v19+s19+$0x0], $0xffff  }
0xbb: {  	v21 =	vor.u32 v7, v13;
	v29 =	vld.idx.msk [tilespmem:v29+s19+$0x0], $0xffff;
	[tilespmem:s24+$0x50] =	vst v24  }
0xbc: {  	v24 =	vor.u32 v10, v22;
	v26 =	vld.idx.msk [tilespmem:v26+s19+$0x0], $0xffff;
	[tilespmem:s15+$0x0] =	vst v30  }
0xbd: {  	[tilespmem:s11+$0x50] =	vst v59;
	v30 =	vor.u32 v7, v15;
	v27 =	vld.idx.msk [tilespmem:v31+s19+$0x0], $0xffff  }
0xbe: {  	v62 =	vor.u32 v11, v20;
	s30 =	simm.s32 $0xB;
	[tilespmem:s5+$0x20] =	vst v25;
	v25 =	vld.idx.msk [tilespmem:v36+s19+$0x0], $0xffff  }
0xbf: {  	v37 =	vor.u32 v6, v17;
	v19 =	vmov s30;
	[tilespmem:s12+$0xFFFFFFD0] =	vst v60;
	v63 =	vld.idx.msk [tilespmem:v28+s19+$0x0], $0xffff  }
0xc0: {  	v19 =	vand.u32 $0x3F, v19;
	[tilespmem:s0+$0x10] =	vst v61;
	v31 =	vld.idx.msk [tilespmem:v21+s19+$0x0], $0xffff  }
0xc1: {  	v20 =	vor.u32 v8, v15;
	v33 =	vor.u32 v6, v16;
	v19 =	vbroadcast v19, $0x0;
	[tilespmem:s2+$0x20] =	vst v29;
	v29 =	vld.idx.msk [tilespmem:v24+s19+$0x0], $0xffff  }
0xc2: {  	v32 =	vor.u32 v8, v13;
	v24 =	vor.u32 v10, v12;
	v30 =	vld.idx.msk [tilespmem:v30+s19+$0x0], $0xffff;
	[tilespmem:s24+$0x60] =	vst v26  }
0xc3: {  	v34 =	vor.u32 v1, v19;
	v26 =	vor.u32 v11, v22;
	v28 =	vld.idx.msk [tilespmem:v62+s19+$0x0], $0xffff;
	[tilespmem:s15+$0x10] =	vst v27  }
0xc4: {  	s9 =	simm.s32 $0xC;
	s8 =	simm.s32 $0x580;
	v21 =	vor.u32 v6, v18;
	v22 =	vor.u32 v8, v19;
	v27 =	vld.idx.msk [tilespmem:v37+s19+$0x0], $0xffff;
	[tilespmem:s18+$0x10] =	vst v63  }
.LBB2_7:
0xc5: {  	s7 =	sadd.s32 $0x1, s9  }
0xc6: {  	v35 =	vmov s9;
	p1 =	slt.u32 s9, $0x3C;
	v33 =	vld.idx.msk [tilespmem:v33+s19+$0x0], $0xffff;
	v36 =	vor.u32 v10, v14;
	[tilespmem:s5+$0x30] =	vst v31;
	s10 =	smov.u32 s9;
	s9 =	sadd.s32 $0x4, s9  }
0xc7: {  	v37 =	vor.u32 v7, v17;
	v31 =	vand.u32 $0x3C, v35;
	v35 =	vmov s7;
	s7 =	sadd.s32 $0x2, s10;
	v24 =	vld.idx.msk [tilespmem:v24+s19+$0x0], $0xffff;
	[tilespmem:s11+$0x60] =	vst v29  }
0xc8: {  	v29 =	vbroadcast v31, $0x0;
	v31 =	vand.u32 $0x3D, v35;
	v35 =	vmov s7;
	[tilespmem:s2+$0x30] =	vst v30;
	v26 =	vld.idx.msk [tilespmem:v26+s19+$0x0], $0xffff  }
0xc9: {  	v30 =	vbroadcast v31, $0x0;
	v31 =	vand.u32 $0x3E, v35;
	v35 =	vor.u32 v7, v16;
	v34 =	vld.idx.msk [tilespmem:v34+s19+$0x0], $0xffff;
	[tilespmem:s24+$0x70] =	vst v28;
	s24 =	smov.u32 s5;
	s5 =	smov.u32 s18  }
0xca: {  	v28 =	vor.u32 v1, v29;
	v31 =	vbroadcast v31, $0x0;
	v32 =	vld.idx.msk [tilespmem:v32+s19+$0x0], $0xffff;
	[tilespmem:s16+$0x30] =	vst v23;
	s16 =	smov.u32 s15;
	s15 =	smov.u32 s12  }
0xcb: {  	v23 =	vor.u32 v1, v30;
	[tilespmem:s0+$0x20] =	vst v27;
	v27 =	vld.idx.msk [tilespmem:v20+s19+$0x0], $0xffff;
	v20 =	vmov v22  }
0xcc: {  	v38 =	vor.u32 v5, v19;
	v22 =	vor.u32 v1, v31;
	v37 =	vld.idx.msk [tilespmem:v37+s19+$0x0], $0xffff;
	[tilespmem:s6+$0x50] =	vst v25  }
0xcd: {  	s7 =	sand.u32 $0x380, s8;
	[tilespmem:s12+$0xFFFFFFE0] =	vst v33;
	v25 =	vld.idx.msk [tilespmem:v36+s19+$0x0], $0xffff  }
0xce: {  	v33 =	vld.idx.msk [tilespmem:v35+s19+$0x0], $0xffff;
	v35 =	vor.u32 v8, v17;
	[tilespmem:s11+$0x70] =	vst v26;
	s11 =	smov.u32 s2;
	s2 =	sadd.s32 s7, s22  }
0xcf: {  	v26 =	vld.idx.msk [tilespmem:v28+s19+$0x0], $0xffff;
	[tilespmem:s2+$0x0] =	vst v34;
	v28 =	vor.u32 v11, v14;
	v14 =	vmov v17;
	v17 =	vmov v30  }
0xd0: {  	v30 =	vor.u32 v9, v13;
	v23 =	vld.idx.msk [tilespmem:v23+s19+$0x0], $0xffff;
	[tilespmem:s24+$0x40] =	vst v32;
	v32 =	vor.u32 v9, v15  }
0xd1: {  	s8 =	sadd.s32 $0x200, s8;
	v34 =	vor.u32 v5, v29;
	v36 =	vld.idx.msk [tilespmem:v38+s19+$0x0], $0xffff;
	[tilespmem:s11+$0x40] =	vst v27  }
0xd2: {  	s7 =	sadd.s32 $0xFFFFFE80, s8;
	v27 =	vor.u32 v5, v17;
	v38 =	vor.u32 v8, v16;
	v22 =	vld.idx.msk [tilespmem:v22+s19+$0x0], $0xffff;
	[tilespmem:s0+$0x30] =	vst v37  }
0xd3: {  	s18 =	sadd.s32 $0xFFFFFF00, s8;
	s12 =	sadd.s32 $0x200, s12;
	s7 =	sand.u32 $0x1C00, s7;
	v37 =	vor.u32 v5, v31;
	v35 =	vld.idx.msk [tilespmem:v35+s19+$0x0], $0xffff;
	[tilespmem:s6+$0x60] =	vst v25  }
0xd4: {  	s18 =	sand.u32 $0x280, s18;
	s22 =	sadd.s32 $0x11600, s7;
	s7 =	sadd.s32 $0xFFFFFF80, s8;
	[tilespmem:s15+$0xFFFFFFF0] =	vst v33;
	v25 =	vld.idx.msk [tilespmem:v28+s19+$0x0], $0xffff  }
0xd5: {  	s30 =	sadd.s32 s18, s22;
	s7 =	sand.u32 $0x300, s7;
	[tilespmem:s12+$0xFFFFFFC0] =	vst v26;
	v26 =	vld.idx.msk [tilespmem:v30+s19+$0x0], $0xffff  }
0xd6: {  	s18 =	sadd.s32 s7, s22;
	[tilespmem:s30+$0x0] =	vst v23;
	v23 =	vor.u32 v6, v19;
	v28 =	vld.idx.msk [tilespmem:v32+s19+$0x0], $0xffff  }
0xd7: {  	v30 =	vld.idx.msk [tilespmem:v38+s19+$0x0], $0xffff;
	[tilespmem:s16+$0x20] =	vst v24;
	v24 =	vor.u32 v10, v13  }
0xd8: {  	v33 =	vor.u32 v11, v12;
	v12 =	vmov v16;
	v16 =	vmov v29;
	v32 =	vld.idx.msk [tilespmem:v34+s19+$0x0], $0xffff;
	[tilespmem:s2+$0x10] =	vst v36  }
0xd9: {  	v29 =	vor.u32 v9, v12;
	v36 =	vor.u32 v6, v17;
	[tilespmem:s0+$0x40] =	vst v35;
	v34 =	vld.idx.msk [tilespmem:v21+s19+$0x0], $0xffff  }
0xda: {  	v21 =	vor.u32 v6, v31;
	v27 =	vld.idx.msk [tilespmem:v27+s19+$0x0], $0xffff;
	[tilespmem:s6+$0x70] =	vst v25;
	s6 =	smov.u32 s0;
	s0 =	smov.u32 s30  }
0xdb: {  	v38 =	vor.u32 v10, v15;
	v25 =	vor.u32 v7, v18;
	v35 =	vld.idx.msk [tilespmem:v23+s19+$0x0], $0xffff;
	[tilespmem:s24+$0x50] =	vst v26  }
0xdc: {  	v39 =	vld.idx.msk [tilespmem:v24+s19+$0x0], $0xffff;
	[tilespmem:s11+$0x50] =	vst v28  }
0xdd: {  	v28 =	vor.u32 v7, v19;
	[tilespmem:s15+$0x0] =	vst v30;
	v23 =	vld.idx.msk [tilespmem:v33+s19+$0x0], $0xffff  }
0xde: {  	[tilespmem:s18+$0x0] =	vst v22;
	v40 =	vld.idx.msk [tilespmem:v29+s19+$0x0], $0xffff;
	v22 =	vor.u32 v11, v13;
	v13 =	vmov v18;
	v18 =	vmov v31  }
0xdf: {  	v41 =	vor.u32 v9, v14;
	s7 =	sadd.s32 $0x3, s10;
	v37 =	vld.idx.msk [tilespmem:v37+s19+$0x0], $0xffff;
	[tilespmem:s5+$0x20] =	vst v34  }
0xe0: {  	v26 =	vor.u32 v11, v15;
	v15 =	vmov v19;
	v24 =	vmov s7;
	[tilespmem:s0+$0x10] =	vst v27;
	v31 =	vld.idx.msk [tilespmem:v25+s19+$0x0], $0xffff  }
.Ltmp2:
0xe1: {  	v33 =	vor.u32 v6, v16;
	v19 =	vand.u32 $0x3F, v24;
	[tilespmem:s2+$0x20] =	vst v35;
	v29 =	vld.idx.msk [tilespmem:v38+s19+$0x0], $0xffff;
	(pc) =	sbr.rel @p1 .LBB2_7-.Ltmp2, $4  }
0xe2: {  	v24 =	vor.u32 v10, v12;
	v19 =	vbroadcast v19, $0x0;
	v30 =	vld.idx.msk [tilespmem:v28+s19+$0x0], $0xffff;
	[tilespmem:s24+$0x60] =	vst v39  }
0xe3: {  	[tilespmem:s12+$0xFFFFFFD0] =	vst v32;
	v28 =	vld.idx.msk [tilespmem:v22+s19+$0x0], $0xffff  }
0xe4: {  	v34 =	vor.u32 v1, v19;
	v22 =	vor.u32 v8, v19;
	[tilespmem:s15+$0x10] =	vst v40;
	v25 =	vld.idx.msk [tilespmem:v41+s19+$0x0], $0xffff  }
0xe5: {  	v32 =	vor.u32 v8, v13;
	v27 =	vld.idx.msk [tilespmem:v36+s19+$0x0], $0xffff;
	[tilespmem:s18+$0x10] =	vst v37  }
0xe6: {  	_ =	sdelay $0x3  }
0xe7: {  	v34 =	vld.idx.msk [tilespmem:v34+s19+$0x0], $0xffff  }
0xe8: {  	v35 =	vor.u32 v5, v19  }
0xe9: {  	[tilespmem:s5+$0x30] =	vst v31  }
0xea: {  	s7 =	sand.u32 $0x380, s8;
	[tilespmem:s11+$0x60] =	vst v29  }
0xeb: {  	[tilespmem:s16+$0x30] =	vst v23;
	s7 =	sadd.s32 s7, s22  }
0xec: {  	v21 =	vld.idx.msk [tilespmem:v21+s19+$0x0], $0xffff;
	[tilespmem:s7+$0x0] =	vst v34  }
0xed: {  	v23 =	vor.u32 v10, v14;
	[tilespmem:s2+$0x30] =	vst v30;
	v29 =	vld.idx.msk [tilespmem:v35+s19+$0x0], $0xffff  }
0xee: {  	v30 =	vld.idx.msk [tilespmem:v33+s19+$0x0], $0xffff;
	[tilespmem:s24+$0x70] =	vst v28;
	v28 =	vor.u32 v6, v19  }
0xef: {  	v26 =	vld.idx.msk [tilespmem:v26+s19+$0x0], $0xffff;
	[tilespmem:s0+$0x20] =	vst v27;
	v27 =	vor.u32 v7, v16  }
0xf0: {  	v31 =	vor.u32 v7, v17;
	v32 =	vld.idx.msk [tilespmem:v32+s19+$0x0], $0xffff;
	[tilespmem:s6+$0x50] =	vst v25  }
0xf1: {  	v20 =	vld.idx.msk [tilespmem:v20+s19+$0x0], $0xffff;
	v25 =	vor.u32 v7, v18;
	[tilespmem:s18+$0x20] =	vst v21  }
0xf2: {  	v23 =	vld.idx.msk [tilespmem:v23+s19+$0x0], $0xffff;
	[tilespmem:s7+$0x10] =	vst v29  }
0xf3: {  	v14 =	vor.u32 v11, v14;
	[tilespmem:s12+$0xFFFFFFE0] =	vst v30;
	v28 =	vld.idx.msk [tilespmem:v28+s19+$0x0], $0xffff  }
0xf4: {  	[tilespmem:s11+$0x70] =	vst v26;
	v26 =	vor.u32 v7, v19;
	v27 =	vld.idx.msk [tilespmem:v27+s19+$0x0], $0xffff  }
0xf5: {  	[tilespmem:s5+$0x40] =	vst v32;
	v29 =	vld.idx.msk [tilespmem:v31+s19+$0x0], $0xffff;
	v31 =	vor.u32 v9, v13  }
0xf6: {  	v30 =	vor.u32 v8, v17;
	[tilespmem:s2+$0x40] =	vst v20;
	v20 =	vld.idx.msk [tilespmem:v25+s19+$0x0], $0xffff  }
0xf7: {  	v21 =	vld.idx.msk [tilespmem:v24+s19+$0x0], $0xffff;
	v24 =	vor.u32 v8, v18;
	[tilespmem:s6+$0x60] =	vst v23  }
0xf8: {  	v25 =	vor.u32 v8, v16;
	v14 =	vld.idx.msk [tilespmem:v14+s19+$0x0], $0xffff;
	[tilespmem:s7+$0x20] =	vst v28  }
0xf9: {  	v23 =	vor.u32 v9, v15;
	[tilespmem:s12+$0xFFFFFFF0] =	vst v27;
	v26 =	vld.idx.msk [tilespmem:v26+s19+$0x0], $0xffff  }
0xfa: {  	[tilespmem:s0+$0x30] =	vst v29;
	v27 =	vld.idx.msk [tilespmem:v31+s19+$0x0], $0xffff  }
0xfb: {  	[tilespmem:s18+$0x30] =	vst v20;
	v29 =	vor.u32 v10, v13;
	v28 =	vld.idx.msk [tilespmem:v30+s19+$0x0], $0xffff  }
0xfc: {  	[tilespmem:s15+$0x20] =	vst v21;
	v21 =	vld.idx.msk [tilespmem:v24+s19+$0x0], $0xffff  }
0xfd: {  	v20 =	vor.u32 v9, v17;
	v24 =	vld.idx.msk [tilespmem:v25+s19+$0x0], $0xffff;
	[tilespmem:s6+$0x70] =	vst v14  }
0xfe: {  	v25 =	vor.u32 v9, v18;
	v23 =	vld.idx.msk [tilespmem:v23+s19+$0x0], $0xffff;
	[tilespmem:s7+$0x30] =	vst v26  }
0xff: {  	[tilespmem:s5+$0x50] =	vst v27;
	v26 =	vor.u32 v9, v16;
	v22 =	vld.idx.msk [tilespmem:v22+s19+$0x0], $0xffff  }
0x100: {  	v14 =	vor.u32 v10, v15;
	[tilespmem:s0+$0x40] =	vst v28;
	v28 =	vld.idx.msk [tilespmem:v29+s19+$0x0], $0xffff  }
0x101: {  	v13 =	vor.u32 v11, v13;
	[tilespmem:s18+$0x40] =	vst v21  }
0x102: {  	[tilespmem:s12+$0x0] =	vst v24;
	v27 =	vor.u32 v9, v19;
	v20 =	vld.idx.msk [tilespmem:v20+s19+$0x0], $0xffff  }
0x103: {  	v21 =	vor.u32 v10, v17;
	v24 =	vld.idx.msk [tilespmem:v25+s19+$0x0], $0xffff;
	[tilespmem:s2+$0x50] =	vst v23  }
0x104: {  	v25 =	vld.idx.msk [tilespmem:v26+s19+$0x0], $0xffff;
	[tilespmem:s7+$0x40] =	vst v22;
	v22 =	vor.u32 v10, v18  }
0x105: {  	v23 =	vor.u32 v10, v16;
	v14 =	vld.idx.msk [tilespmem:v14+s19+$0x0], $0xffff;
	[tilespmem:s5+$0x60] =	vst v28  }
0x106: {  	v12 =	vor.u32 v11, v12;
	v13 =	vld.idx.msk [tilespmem:v13+s19+$0x0], $0xffff  }
0x107: {  	v15 =	vor.u32 v11, v15;
	[tilespmem:s0+$0x50] =	vst v20;
	v26 =	vld.idx.msk [tilespmem:v27+s19+$0x0], $0xffff  }
0x108: {  	[tilespmem:s18+$0x50] =	vst v24;
	v20 =	vld.idx.msk [tilespmem:v21+s19+$0x0], $0xffff;
	v27 =	vor.u32 v10, v19  }
0x109: {  	v17 =	vor.u32 v11, v17;
	[tilespmem:s12+$0x10] =	vst v25;
	v21 =	vld.idx.msk [tilespmem:v22+s19+$0x0], $0xffff  }
0x10a: {  	[tilespmem:s2+$0x60] =	vst v14;
	v18 =	vor.u32 v11, v18;
	v22 =	vld.idx.msk [tilespmem:v23+s19+$0x0], $0xffff  }
0x10b: {  	v12 =	vld.idx.msk [tilespmem:v12+s19+$0x0], $0xffff;
	v14 =	vor.u32 v11, v16;
	[tilespmem:s5+$0x70] =	vst v13  }
0x10c: {  	v15 =	vld.idx.msk [tilespmem:v15+s19+$0x0], $0xffff;
	[tilespmem:s7+$0x50] =	vst v26  }
0x10d: {  	[tilespmem:s0+$0x60] =	vst v20;
	v16 =	vld.idx.msk [tilespmem:v27+s19+$0x0], $0xffff  }
0x10e: {  	v13 =	vor.u32 v11, v19;
	v17 =	vld.idx.msk [tilespmem:v17+s19+$0x0], $0xffff;
	[tilespmem:s18+$0x60] =	vst v21  }
0x10f: {  	[tilespmem:s12+$0x20] =	vst v22;
	v18 =	vld.idx.msk [tilespmem:v18+s19+$0x0], $0xffff  }
0x110: {  	[tilespmem:s15+$0x30] =	vst v12;
	v14 =	vld.idx.msk [tilespmem:v14+s19+$0x0], $0xffff  }
0x111: {  	[tilespmem:s2+$0x70] =	vst v15  }
0x112: {  	[tilespmem:s7+$0x60] =	vst v16  }
0x113: {  	[tilespmem:s0+$0x70] =	vst v17;
	v12 =	vld.idx.msk [tilespmem:v13+s19+$0x0], $0xffff  }
0x114: {  	[tilespmem:s18+$0x70] =	vst v18  }
0x115: {  	s16 =	sshll.u32 s14, $0x11;
	[tilespmem:s12+$0x30] =	vst v14  }
0x116: {  	s22 =	simm.s32 $0x11600;
	s24 =	sshll.u32 s14, $0x9;
	s2 =	rddreg [dreg:$0x5]  }
0x117: {  	s6 =	simm.s32 $0x1;
	s18 =	rddreg [dreg:$0x1];
	s15 =	sor.u32 s2, s16  }
0x118: {  	[tilespmem:s7+$0x70] =	vst v12;
	s16 =	sand.u32 $0x3FFFFE00, s24;
	s2 =	simm.s32 $0x0;
	s0 =	sadd.s32 s18, s15  }
0x119: {  	v12 =	vmov s2;
	[hbm4b:s0+s28] =	stream.strided.scatter [tilespmem:s22], [sflag:$0x5], $0x2000, s29, s28, $0x38;
	[tilespmem:$0x19600] =	vst v63  }
0x11a: {  	v13 =	vmov s6;
	s5 =	sadd.s32 $0x3400, s16;
	v12 =	vand.u32 $0x3C, v12;
	s0 =	simm.s32 @!p0 $0x6  }
0x11b: {  	v19 =	vbroadcast v12, $0x0;
	v12 =	vand.u32 $0x3D, v13;
	[tilespmem:s19], [sflag:$0x1] =	stream.indirect.gather [hbm4b:s4+s17], $0x40, s5, s17, $0xb8;
	[tilespmem:$0x19600] =	vst v63  }
0x11c: {  	v21 =	vbroadcast v12, $0x0;
	_ =	swait.ge @!p0 [sflag:s0], $0x2000  }
0x11d: {  	v12 =	vor.u32 v1, v19;
	[sflag:s0] =	ssyncset.done @!p0 $0x0  }
0x11e: {  	v13 =	vor.u32 v1, v21;
	[sflag:s0] =	ssyncadd.s32 @!p0 $0xFFFFE000  }
0x11f: {  	_ =	swait.ge [sflag:s31], $0x2000  }
0x120: {  	[sflag:s31] =	ssyncset.done $0x0  }
0x121: {  	[sflag:s31] =	ssyncadd.s32 $0xFFFFE000  }
0x122: {  	v12 =	vld.idx.msk [tilespmem:v12+s21+$0x0], $0xffff  }
0x123: {  	s7 =	simm.s32 $0x2;
	v14 =	vor.u32 v5, v19;
	v13 =	vld.idx.msk [tilespmem:v13+s21+$0x0], $0xffff  }
0x124: {  	s8 =	simm.s32 $0x0;
	v15 =	vmov s7;
	v16 =	vor.u32 v5, v21  }
0x125: {  	s9 =	simm.s32 $0x80;
	v15 =	vand.u32 $0x3E, v15;
	s0 =	sand.u32 $0x1C00, s8  }
0x126: {  	s2 =	sand.u32 $0x280, s9;
	v20 =	vbroadcast v15, $0x0;
	s5 =	simm.s32 $0x13670;
	s0 =	sadd.s32 $0x11600, s0  }
0x127: {  	s10 =	simm.s32 $0x3;
	s22 =	sadd.s32 s2, s0;
	[tilespmem:s5+$0xFFFFFF90] =	vst v12  }
0x128: {  	v12 =	vor.u32 v1, v20;
	[tilespmem:s22+$0x2000] =	vst v13;
	v13 =	vld.idx.msk [tilespmem:v14+s21+$0x0], $0xffff;
	v14 =	vmov s10  }
0x129: {  	v15 =	vld.idx.msk [tilespmem:v16+s21+$0x0], $0xffff;
	v16 =	vor.u32 v6, v19;
	v14 =	vand.u32 $0x3F, v14  }
0x12a: {  	v17 =	vor.u32 v6, v21;
	v22 =	vbroadcast v14, $0x0;
	_ =	sdelay $0x1  }
0x12b: {  	s11 =	simm.s32 $0x4;
	v18 =	vor.u32 v1, v22  }
0x12c: {  	v23 =	vld.idx.msk [tilespmem:v12+s21+$0x0], $0xffff;
	v12 =	vmov s11;
	[tilespmem:s5+$0xFFFFFFA0] =	vst v13  }
0x12d: {  	s12 =	simm.s32 $0x5;
	v24 =	vor.u32 v5, v20;
	[tilespmem:s22+$0x2010] =	vst v15;
	v12 =	vand.u32 $0x3C, v12;
	v15 =	vld.idx.msk [tilespmem:v16+s21+$0x0], $0xffff  }
0x12e: {  	s13 =	simm.s32 $0x100;
	s18 =	simm.s32 $0x6;
	v13 =	vmov s12;
	v16 =	vld.idx.msk [tilespmem:v17+s21+$0x0], $0xffff;
	v12 =	vbroadcast v12, $0x0;
	v17 =	vor.u32 v7, v19  }
0x12f: {  	s6 =	sand.u32 $0x300, s13;
	v26 =	vmov s18;
	v25 =	vor.u32 v7, v21;
	v13 =	vand.u32 $0x3D, v13  }
0x130: {  	s2 =	sadd.s32 s6, s0;
	v14 =	vbroadcast v13, $0x0;
	v13 =	vand.u32 $0x3E, v26;
	v26 =	vor.u32 v1, v12;
	v18 =	vld.idx.msk [tilespmem:v18+s21+$0x0], $0xffff  }
0x131: {  	v13 =	vbroadcast v13, $0x0;
	[tilespmem:s2+$0x2000] =	vst v23;
	v23 =	vor.u32 v5, v22  }
0x132: {  	s24 =	simm.s32 $0x180;
	v27 =	vor.u32 v1, v14;
	v24 =	vld.idx.msk [tilespmem:v24+s21+$0x0], $0xffff;
	[tilespmem:s5+$0xFFFFFFB0] =	vst v15  }
0x133: {  	s6 =	sand.u32 $0x380, s24;
	[tilespmem:s22+$0x2020] =	vst v16;
	v15 =	vor.u32 v1, v13;
	v16 =	vld.idx.msk [tilespmem:v17+s21+$0x0], $0xffff  }
0x134: {  	s12 =	sadd.s32 s6, s0;
	v17 =	vld.idx.msk [tilespmem:v25+s21+$0x0], $0xffff;
	v25 =	vor.u32 v8, v19  }
0x135: {  	v28 =	vor.u32 v8, v21;
	v26 =	vld.idx.msk [tilespmem:v26+s21+$0x0], $0xffff;
	[tilespmem:s12+$0x2000] =	vst v18  }
0x136: {  	v18 =	vor.u32 v6, v20;
	v23 =	vld.idx.msk [tilespmem:v23+s21+$0x0], $0xffff  }
0x137: {  	v29 =	vor.u32 v6, v22;
	v27 =	vld.idx.msk [tilespmem:v27+s21+$0x0], $0xffff;
	[tilespmem:s2+$0x2010] =	vst v24  }
0x138: {  	s7 =	simm.s32 $0x200;
	v30 =	vor.u32 v5, v12;
	v15 =	vld.idx.msk [tilespmem:v15+s21+$0x0], $0xffff;
	[tilespmem:s5+$0xFFFFFFC0] =	vst v16  }
0x139: {  	s8 =	simm.s32 $0x280;
	s24 =	simm.s32 $0x13870;
	s0 =	sand.u32 $0x1C00, s7;
	v16 =	vor.u32 v5, v14;
	[tilespmem:s22+$0x2030] =	vst v17;
	v17 =	vld.idx.msk [tilespmem:v25+s21+$0x0], $0xffff  }
0x13a: {  	s9 =	simm.s32 $0x300;
	s6 =	sand.u32 $0x280, s8;
	s0 =	sadd.s32 $0x11600, s0;
	v24 =	vld.idx.msk [tilespmem:v28+s21+$0x0], $0xffff;
	v28 =	vor.u32 v5, v13;
	[tilespmem:s24+$0xFFFFFF90] =	vst v26  }
0x13b: {  	s10 =	sand.u32 $0x300, s9;
	s11 =	sadd.s32 s6, s0;
	v25 =	vor.u32 v9, v19;
	v18 =	vld.idx.msk [tilespmem:v18+s21+$0x0], $0xffff;
	[tilespmem:s12+$0x2010] =	vst v23  }
0x13c: {  	s6 =	sadd.s32 s10, s0;
	[tilespmem:s11+$0x2000] =	vst v27;
	v23 =	vor.u32 v7, v20;
	v26 =	vld.idx.msk [tilespmem:v29+s21+$0x0], $0xffff  }
0x13d: {  	v27 =	vld.idx.msk [tilespmem:v30+s21+$0x0], $0xffff;
	v29 =	vor.u32 v7, v22;
	[tilespmem:s6+$0x2000] =	vst v15  }
0x13e: {  	s13 =	simm.s32 $0x7;
	v16 =	vld.idx.msk [tilespmem:v16+s21+$0x0], $0xffff;
	[tilespmem:s5+$0xFFFFFFD0] =	vst v17;
	v17 =	vor.u32 v9, v21  }
0x13f: {  	v31 =	vor.u32 v6, v14;
	v30 =	vmov s13;
	v28 =	vld.idx.msk [tilespmem:v28+s21+$0x0], $0xffff  }
0x140: {  	v15 =	vand.u32 $0x3F, v30;
	v25 =	vld.idx.msk [tilespmem:v25+s21+$0x0], $0xffff;
	[tilespmem:s2+$0x2020] =	vst v18;
	v18 =	vor.u32 v6, v12  }
0x141: {  	v15 =	vbroadcast v15, $0x0;
	v23 =	vld.idx.msk [tilespmem:v23+s21+$0x0], $0xffff;
	[tilespmem:s12+$0x2020] =	vst v26;
	v26 =	vor.u32 v10, v19  }
0x142: {  	v52 =	vor.u32 v8, v20;
	[tilespmem:s22+$0x2040] =	vst v24;
	v24 =	vld.idx.msk [tilespmem:v29+s21+$0x0], $0xffff  }
0x143: {  	s18 =	simm.s32 $0x8;
	v29 =	vor.u32 v1, v15;
	[tilespmem:s11+$0x2010] =	vst v16;
	v30 =	vld.idx.msk [tilespmem:v17+s21+$0x0], $0xffff  }
0x144: {  	v53 =	vor.u32 v8, v22;
	s8 =	simm.s32 $0x9;
	[tilespmem:s24+$0xFFFFFFA0] =	vst v27;
	v16 =	vmov s18;
	v27 =	vld.idx.msk [tilespmem:v31+s21+$0x0], $0xffff  }
0x145: {  	v16 =	vand.u32 $0x3C, v16;
	v17 =	vmov s8;
	v31 =	vor.u32 v7, v14;
	[tilespmem:s5+$0xFFFFFFE0] =	vst v25;
	v25 =	vld.idx.msk [tilespmem:v18+s21+$0x0], $0xffff  }
0x146: {  	v54 =	vor.u32 v10, v21;
	s9 =	simm.s32 $0xA;
	v16 =	vbroadcast v16, $0x0;
	v17 =	vand.u32 $0x3D, v17;
	[tilespmem:s2+$0x2030] =	vst v23;
	v26 =	vld.idx.msk [tilespmem:v26+s21+$0x0], $0xffff  }
0x147: {  	v18 =	vmov s9;
	v17 =	vbroadcast v17, $0x0;
	v23 =	vor.u32 v7, v12;
	v32 =	vld.idx.msk [tilespmem:v52+s21+$0x0], $0xffff  }
0x148: {  	v18 =	vand.u32 $0x3E, v18;
	v29 =	vld.idx.msk [tilespmem:v29+s21+$0x0], $0xffff;
	[tilespmem:s12+$0x2030] =	vst v24;
	v24 =	vor.u32 v1, v16  }
0x149: {  	v18 =	vbroadcast v18, $0x0;
	v55 =	vor.u32 v1, v17;
	[tilespmem:s11+$0x2020] =	vst v27;
	v27 =	vld.idx.msk [tilespmem:v53+s21+$0x0], $0xffff  }
0x14a: {  	v56 =	vor.u32 v5, v15;
	[tilespmem:s22+$0x2050] =	vst v30;
	v31 =	vld.idx.msk [tilespmem:v31+s21+$0x0], $0xffff  }
0x14b: {  	s10 =	simm.s32 $0x380;
	v30 =	vor.u32 v1, v18;
	[tilespmem:s24+$0xFFFFFFB0] =	vst v25;
	v25 =	vld.idx.msk [tilespmem:v54+s21+$0x0], $0xffff  }
0x14c: {  	v58 =	vor.u32 v9, v22;
	s7 =	sand.u32 $0x380, s10;
	[tilespmem:s6+$0x2010] =	vst v28;
	v23 =	vld.idx.msk [tilespmem:v23+s21+$0x0], $0xffff  }
0x14d: {  	s30 =	sadd.s32 s7, s0;
	v28 =	vor.u32 v8, v14;
	[tilespmem:s2+$0x2040] =	vst v32;
	v24 =	vld.idx.msk [tilespmem:v24+s21+$0x0], $0xffff  }
0x14e: {  	v21 =	vor.u32 v11, v21;
	[tilespmem:s30+$0x2000] =	vst v29;
	v29 =	vld.idx.msk [tilespmem:v55+s21+$0x0], $0xffff  }
0x14f: {  	v57 =	vor.u32 v9, v20;
	[tilespmem:s5+$0xFFFFFFF0] =	vst v26;
	v33 =	vld.idx.msk [tilespmem:v56+s21+$0x0], $0xffff  }
0x150: {  	[tilespmem:s12+$0x2040] =	vst v27;
	v27 =	vld.idx.msk [tilespmem:v30+s21+$0x0], $0xffff;
	v30 =	vor.u32 v8, v12  }
0x151: {  	s13 =	simm.s32 $0x400;
	[tilespmem:s11+$0x2030] =	vst v31;
	v31 =	vor.u32 v5, v16;
	v59 =	vld.idx.msk [tilespmem:v58+s21+$0x0], $0xffff  }
0x152: {  	s18 =	sand.u32 $0x1C00, s13;
	s9 =	simm.s32 $0x480;
	[tilespmem:s22+$0x2060] =	vst v25;
	v25 =	vor.u32 v6, v13;
	v28 =	vld.idx.msk [tilespmem:v28+s21+$0x0], $0xffff  }
0x153: {  	s0 =	simm.s32 $0x13A70;
	s8 =	sadd.s32 $0x11600, s18;
	s9 =	sand.u32 $0x280, s9;
	[tilespmem:s24+$0xFFFFFFC0] =	vst v23;
	v21 =	vld.idx.msk [tilespmem:v21+s21+$0x0], $0xffff;
	v23 =	vor.u32 v5, v17  }
0x154: {  	v19 =	vor.u32 v11, v19;
	s18 =	sadd.s32 s9, s8;
	[tilespmem:s0+$0xFFFFFF90] =	vst v24;
	v24 =	vld.idx.msk [tilespmem:v57+s21+$0x0], $0xffff  }
0x155: {  	[tilespmem:s18+$0x2000] =	vst v29;
	v29 =	vor.u32 v6, v15;
	v30 =	vld.idx.msk [tilespmem:v30+s21+$0x0], $0xffff  }
0x156: {  	v26 =	vor.u32 v10, v20;
	[tilespmem:s30+$0x2010] =	vst v33;
	v60 =	vld.idx.msk [tilespmem:v31+s21+$0x0], $0xffff  }
0x157: {  	v31 =	vor.u32 v9, v12;
	v25 =	vld.idx.msk [tilespmem:v25+s21+$0x0], $0xffff;
	[tilespmem:s12+$0x2050] =	vst v59  }
0x158: {  	v36 =	vor.u32 v9, v14;
	[tilespmem:s11+$0x2040] =	vst v28;
	v61 =	vld.idx.msk [tilespmem:v23+s21+$0x0], $0xffff  }
0x159: {  	s10 =	simm.s32 $0x500;
	v28 =	vor.u32 v5, v18;
	[tilespmem:s22+$0x2070] =	vst v21;
	v23 =	vld.idx.msk [tilespmem:v19+s21+$0x0], $0xffff  }
0x15a: {  	s7 =	sand.u32 $0x300, s10;
	v21 =	vor.u32 v7, v13;
	v29 =	vld.idx.msk [tilespmem:v29+s21+$0x0], $0xffff;
	[tilespmem:s2+$0x2050] =	vst v24  }
0x15b: {  	s22 =	sadd.s32 s7, s8;
	v24 =	vor.u32 v10, v22;
	v26 =	vld.idx.msk [tilespmem:v26+s21+$0x0], $0xffff;
	[tilespmem:s24+$0xFFFFFFD0] =	vst v30  }
0x15c: {  	[tilespmem:s22+$0x2000] =	vst v27;
	v30 =	vor.u32 v7, v15;
	v27 =	vld.idx.msk [tilespmem:v31+s21+$0x0], $0xffff  }
0x15d: {  	v62 =	vor.u32 v11, v20;
	s13 =	simm.s32 $0xB;
	[tilespmem:s6+$0x2020] =	vst v25;
	v25 =	vld.idx.msk [tilespmem:v36+s21+$0x0], $0xffff  }
0x15e: {  	v37 =	vor.u32 v6, v17;
	v19 =	vmov s13;
	[tilespmem:s0+$0xFFFFFFA0] =	vst v60;
	v63 =	vld.idx.msk [tilespmem:v28+s21+$0x0], $0xffff  }
0x15f: {  	v19 =	vand.u32 $0x3F, v19;
	[tilespmem:s18+$0x2010] =	vst v61;
	v31 =	vld.idx.msk [tilespmem:v21+s21+$0x0], $0xffff  }
0x160: {  	v20 =	vor.u32 v8, v15;
	v33 =	vor.u32 v6, v16;
	v19 =	vbroadcast v19, $0x0;
	[tilespmem:s30+$0x2020] =	vst v29;
	v29 =	vld.idx.msk [tilespmem:v24+s21+$0x0], $0xffff  }
0x161: {  	v32 =	vor.u32 v8, v13;
	v24 =	vor.u32 v10, v12;
	v30 =	vld.idx.msk [tilespmem:v30+s21+$0x0], $0xffff;
	[tilespmem:s2+$0x2060] =	vst v26  }
0x162: {  	v34 =	vor.u32 v1, v19;
	v26 =	vor.u32 v11, v22;
	v28 =	vld.idx.msk [tilespmem:v62+s21+$0x0], $0xffff;
	[tilespmem:s24+$0xFFFFFFE0] =	vst v27  }
0x163: {  	s10 =	simm.s32 $0xC;
	s9 =	simm.s32 $0x580;
	v21 =	vor.u32 v6, v18;
	v22 =	vor.u32 v8, v19;
	v27 =	vld.idx.msk [tilespmem:v37+s21+$0x0], $0xffff;
	[tilespmem:s22+$0x2010] =	vst v63  }
.LBB2_9:
0x164: {  	s13 =	sadd.s32 $0x1, s10  }
0x165: {  	v35 =	vmov s10;
	p1 =	slt.u32 s10, $0x3C;
	v33 =	vld.idx.msk [tilespmem:v33+s21+$0x0], $0xffff;
	v36 =	vor.u32 v10, v14;
	[tilespmem:s6+$0x2030] =	vst v31;
	s7 =	smov.u32 s10;
	s10 =	sadd.s32 $0x4, s10  }
0x166: {  	v37 =	vor.u32 v7, v17;
	v31 =	vand.u32 $0x3C, v35;
	v35 =	vmov s13;
	s13 =	sadd.s32 $0x2, s7;
	v24 =	vld.idx.msk [tilespmem:v24+s21+$0x0], $0xffff;
	[tilespmem:s12+$0x2060] =	vst v29  }
0x167: {  	v29 =	vbroadcast v31, $0x0;
	v31 =	vand.u32 $0x3D, v35;
	v35 =	vmov s13;
	[tilespmem:s30+$0x2030] =	vst v30;
	v26 =	vld.idx.msk [tilespmem:v26+s21+$0x0], $0xffff  }
0x168: {  	v30 =	vbroadcast v31, $0x0;
	v31 =	vand.u32 $0x3E, v35;
	v35 =	vor.u32 v7, v16;
	v34 =	vld.idx.msk [tilespmem:v34+s21+$0x0], $0xffff;
	[tilespmem:s2+$0x2070] =	vst v28;
	s2 =	smov.u32 s6;
	s6 =	smov.u32 s22  }
0x169: {  	v28 =	vor.u32 v1, v29;
	v31 =	vbroadcast v31, $0x0;
	v32 =	vld.idx.msk [tilespmem:v32+s21+$0x0], $0xffff;
	[tilespmem:s5+$0x0] =	vst v23;
	s5 =	smov.u32 s24;
	s24 =	smov.u32 s0  }
0x16a: {  	v23 =	vor.u32 v1, v30;
	[tilespmem:s18+$0x2020] =	vst v27;
	v27 =	vld.idx.msk [tilespmem:v20+s21+$0x0], $0xffff;
	v20 =	vmov v22  }
0x16b: {  	v38 =	vor.u32 v5, v19;
	v22 =	vor.u32 v1, v31;
	v37 =	vld.idx.msk [tilespmem:v37+s21+$0x0], $0xffff;
	[tilespmem:s11+$0x2050] =	vst v25  }
0x16c: {  	s13 =	sand.u32 $0x380, s9;
	[tilespmem:s0+$0xFFFFFFB0] =	vst v33;
	v25 =	vld.idx.msk [tilespmem:v36+s21+$0x0], $0xffff  }
0x16d: {  	v33 =	vld.idx.msk [tilespmem:v35+s21+$0x0], $0xffff;
	v35 =	vor.u32 v8, v17;
	[tilespmem:s12+$0x2070] =	vst v26;
	s12 =	smov.u32 s30;
	s30 =	sadd.s32 s13, s8  }
0x16e: {  	v26 =	vld.idx.msk [tilespmem:v28+s21+$0x0], $0xffff;
	[tilespmem:s30+$0x2000] =	vst v34;
	v28 =	vor.u32 v11, v14;
	v14 =	vmov v17;
	v17 =	vmov v30  }
0x16f: {  	v30 =	vor.u32 v9, v13;
	v23 =	vld.idx.msk [tilespmem:v23+s21+$0x0], $0xffff;
	[tilespmem:s2+$0x2040] =	vst v32;
	v32 =	vor.u32 v9, v15  }
0x170: {  	s9 =	sadd.s32 $0x200, s9;
	v34 =	vor.u32 v5, v29;
	v36 =	vld.idx.msk [tilespmem:v38+s21+$0x0], $0xffff;
	[tilespmem:s12+$0x2040] =	vst v27  }
0x171: {  	s8 =	sadd.s32 $0xFFFFFE80, s9;
	v27 =	vor.u32 v5, v17;
	v38 =	vor.u32 v8, v16;
	v22 =	vld.idx.msk [tilespmem:v22+s21+$0x0], $0xffff;
	[tilespmem:s18+$0x2030] =	vst v37  }
0x172: {  	s0 =	sadd.s32 $0x200, s0;
	s13 =	sadd.s32 $0xFFFFFF00, s9;
	s8 =	sand.u32 $0x1C00, s8;
	v37 =	vor.u32 v5, v31;
	v35 =	vld.idx.msk [tilespmem:v35+s21+$0x0], $0xffff;
	[tilespmem:s11+$0x2060] =	vst v25  }
0x173: {  	s22 =	sadd.s32 $0xFFFFFF80, s9;
	s13 =	sand.u32 $0x280, s13;
	s8 =	sadd.s32 $0x11600, s8;
	[tilespmem:s24+$0xFFFFFFC0] =	vst v33;
	v25 =	vld.idx.msk [tilespmem:v28+s21+$0x0], $0xffff  }
0x174: {  	s22 =	sand.u32 $0x300, s22;
	s13 =	sadd.s32 s13, s8;
	[tilespmem:s0+$0xFFFFFF90] =	vst v26;
	v26 =	vld.idx.msk [tilespmem:v30+s21+$0x0], $0xffff  }
0x175: {  	s22 =	sadd.s32 s22, s8;
	[tilespmem:s13+$0x2000] =	vst v23;
	v23 =	vor.u32 v6, v19;
	v28 =	vld.idx.msk [tilespmem:v32+s21+$0x0], $0xffff  }
0x176: {  	v30 =	vld.idx.msk [tilespmem:v38+s21+$0x0], $0xffff;
	[tilespmem:s5+$0xFFFFFFF0] =	vst v24;
	v24 =	vor.u32 v10, v13  }
0x177: {  	v33 =	vor.u32 v11, v12;
	v12 =	vmov v16;
	v16 =	vmov v29;
	v32 =	vld.idx.msk [tilespmem:v34+s21+$0x0], $0xffff;
	[tilespmem:s30+$0x2010] =	vst v36  }
0x178: {  	v29 =	vor.u32 v9, v12;
	v36 =	vor.u32 v6, v17;
	[tilespmem:s18+$0x2040] =	vst v35;
	v34 =	vld.idx.msk [tilespmem:v21+s21+$0x0], $0xffff  }
0x179: {  	v21 =	vor.u32 v6, v31;
	v27 =	vld.idx.msk [tilespmem:v27+s21+$0x0], $0xffff;
	[tilespmem:s11+$0x2070] =	vst v25;
	s11 =	smov.u32 s18;
	s18 =	smov.u32 s13  }
0x17a: {  	v38 =	vor.u32 v10, v15;
	v25 =	vor.u32 v7, v18;
	v35 =	vld.idx.msk [tilespmem:v23+s21+$0x0], $0xffff;
	[tilespmem:s2+$0x2050] =	vst v26  }
0x17b: {  	v39 =	vld.idx.msk [tilespmem:v24+s21+$0x0], $0xffff;
	[tilespmem:s12+$0x2050] =	vst v28  }
0x17c: {  	v28 =	vor.u32 v7, v19;
	[tilespmem:s24+$0xFFFFFFD0] =	vst v30;
	v23 =	vld.idx.msk [tilespmem:v33+s21+$0x0], $0xffff  }
0x17d: {  	[tilespmem:s22+$0x2000] =	vst v22;
	v40 =	vld.idx.msk [tilespmem:v29+s21+$0x0], $0xffff;
	v22 =	vor.u32 v11, v13;
	v13 =	vmov v18;
	v18 =	vmov v31  }
0x17e: {  	s7 =	sadd.s32 $0x3, s7;
	v41 =	vor.u32 v9, v14;
	v37 =	vld.idx.msk [tilespmem:v37+s21+$0x0], $0xffff;
	[tilespmem:s6+$0x2020] =	vst v34  }
0x17f: {  	v26 =	vor.u32 v11, v15;
	v15 =	vmov v19;
	v24 =	vmov s7;
	[tilespmem:s18+$0x2010] =	vst v27;
	v31 =	vld.idx.msk [tilespmem:v25+s21+$0x0], $0xffff  }
.Ltmp3:
0x180: {  	v33 =	vor.u32 v6, v16;
	v19 =	vand.u32 $0x3F, v24;
	[tilespmem:s30+$0x2020] =	vst v35;
	v29 =	vld.idx.msk [tilespmem:v38+s21+$0x0], $0xffff;
	(pc) =	sbr.rel @p1 .LBB2_9-.Ltmp3, $4  }
0x181: {  	v24 =	vor.u32 v10, v12;
	v19 =	vbroadcast v19, $0x0;
	v30 =	vld.idx.msk [tilespmem:v28+s21+$0x0], $0xffff;
	[tilespmem:s2+$0x2060] =	vst v39  }
0x182: {  	[tilespmem:s0+$0xFFFFFFA0] =	vst v32;
	v28 =	vld.idx.msk [tilespmem:v22+s21+$0x0], $0xffff  }
0x183: {  	v34 =	vor.u32 v1, v19;
	v22 =	vor.u32 v8, v19;
	[tilespmem:s24+$0xFFFFFFE0] =	vst v40;
	v25 =	vld.idx.msk [tilespmem:v41+s21+$0x0], $0xffff  }
0x184: {  	v32 =	vor.u32 v8, v13;
	v27 =	vld.idx.msk [tilespmem:v36+s21+$0x0], $0xffff;
	[tilespmem:s22+$0x2010] =	vst v37  }
0x185: {  	_ =	sdelay $0x3  }
0x186: {  	v34 =	vld.idx.msk [tilespmem:v34+s21+$0x0], $0xffff  }
0x187: {  	v35 =	vor.u32 v5, v19;
	_ =	sdelay $0x1  }
0x188: {  	[tilespmem:s6+$0x2030] =	vst v31;
	s7 =	sand.u32 $0x380, s9  }
0x189: {  	[tilespmem:s12+$0x2060] =	vst v29;
	s7 =	sadd.s32 s7, s8  }
0x18a: {  	[tilespmem:s7+$0x2000] =	vst v34  }
0x18b: {  	[tilespmem:s30+$0x2030] =	vst v30;
	v29 =	vld.idx.msk [tilespmem:v35+s21+$0x0], $0xffff  }
0x18c: {  	v30 =	vld.idx.msk [tilespmem:v33+s21+$0x0], $0xffff;
	[tilespmem:s2+$0x2070] =	vst v28;
	v28 =	vor.u32 v6, v19  }
0x18d: {  	[tilespmem:s5+$0x0] =	vst v23;
	v23 =	vor.u32 v10, v14;
	v26 =	vld.idx.msk [tilespmem:v26+s21+$0x0], $0xffff  }
0x18e: {  	v21 =	vld.idx.msk [tilespmem:v21+s21+$0x0], $0xffff;
	[tilespmem:s18+$0x2020] =	vst v27;
	v27 =	vor.u32 v7, v16  }
0x18f: {  	v31 =	vor.u32 v7, v17;
	v32 =	vld.idx.msk [tilespmem:v32+s21+$0x0], $0xffff;
	[tilespmem:s11+$0x2050] =	vst v25  }
0x190: {  	v20 =	vld.idx.msk [tilespmem:v20+s21+$0x0], $0xffff;
	v25 =	vor.u32 v7, v18;
	[tilespmem:s7+$0x2010] =	vst v29  }
0x191: {  	[tilespmem:s0+$0xFFFFFFB0] =	vst v30;
	v28 =	vld.idx.msk [tilespmem:v28+s21+$0x0], $0xffff  }
0x192: {  	v23 =	vld.idx.msk [tilespmem:v23+s21+$0x0], $0xffff;
	[tilespmem:s12+$0x2070] =	vst v26;
	v26 =	vor.u32 v7, v19  }
0x193: {  	v14 =	vor.u32 v11, v14;
	[tilespmem:s22+$0x2020] =	vst v21;
	v27 =	vld.idx.msk [tilespmem:v27+s21+$0x0], $0xffff  }
0x194: {  	[tilespmem:s6+$0x2040] =	vst v32;
	v29 =	vld.idx.msk [tilespmem:v31+s21+$0x0], $0xffff;
	v31 =	vor.u32 v9, v13  }
0x195: {  	v30 =	vor.u32 v8, v17;
	[tilespmem:s30+$0x2040] =	vst v20;
	v20 =	vld.idx.msk [tilespmem:v25+s21+$0x0], $0xffff  }
0x196: {  	v21 =	vld.idx.msk [tilespmem:v24+s21+$0x0], $0xffff;
	v24 =	vor.u32 v8, v18;
	[tilespmem:s7+$0x2020] =	vst v28  }
0x197: {  	v25 =	vor.u32 v8, v16;
	[tilespmem:s11+$0x2060] =	vst v23;
	v26 =	vld.idx.msk [tilespmem:v26+s21+$0x0], $0xffff  }
0x198: {  	v14 =	vld.idx.msk [tilespmem:v14+s21+$0x0], $0xffff;
	[tilespmem:s0+$0xFFFFFFC0] =	vst v27  }
0x199: {  	v23 =	vor.u32 v9, v15;
	[tilespmem:s18+$0x2030] =	vst v29;
	v27 =	vld.idx.msk [tilespmem:v31+s21+$0x0], $0xffff  }
0x19a: {  	[tilespmem:s22+$0x2030] =	vst v20;
	v29 =	vor.u32 v10, v13;
	v28 =	vld.idx.msk [tilespmem:v30+s21+$0x0], $0xffff  }
0x19b: {  	[tilespmem:s24+$0xFFFFFFF0] =	vst v21;
	v20 =	vor.u32 v9, v17;
	v21 =	vld.idx.msk [tilespmem:v24+s21+$0x0], $0xffff  }
0x19c: {  	v24 =	vld.idx.msk [tilespmem:v25+s21+$0x0], $0xffff;
	v25 =	vor.u32 v9, v18;
	[tilespmem:s7+$0x2030] =	vst v26  }
0x19d: {  	[tilespmem:s11+$0x2070] =	vst v14;
	v26 =	vor.u32 v9, v16;
	v22 =	vld.idx.msk [tilespmem:v22+s21+$0x0], $0xffff  }
0x19e: {  	v23 =	vld.idx.msk [tilespmem:v23+s21+$0x0], $0xffff;
	[tilespmem:s6+$0x2050] =	vst v27;
	v27 =	vor.u32 v9, v19  }
0x19f: {  	v14 =	vor.u32 v10, v15;
	[tilespmem:s18+$0x2040] =	vst v28;
	v28 =	vld.idx.msk [tilespmem:v29+s21+$0x0], $0xffff  }
0x1a0: {  	v13 =	vor.u32 v11, v13;
	[tilespmem:s22+$0x2040] =	vst v21;
	v20 =	vld.idx.msk [tilespmem:v20+s21+$0x0], $0xffff  }
0x1a1: {  	v21 =	vor.u32 v10, v17;
	[tilespmem:s0+$0xFFFFFFD0] =	vst v24;
	v24 =	vld.idx.msk [tilespmem:v25+s21+$0x0], $0xffff  }
0x1a2: {  	v25 =	vld.idx.msk [tilespmem:v26+s21+$0x0], $0xffff;
	[tilespmem:s7+$0x2040] =	vst v22;
	v22 =	vor.u32 v10, v18  }
0x1a3: {  	[tilespmem:s30+$0x2050] =	vst v23;
	v23 =	vor.u32 v10, v16;
	v26 =	vld.idx.msk [tilespmem:v27+s21+$0x0], $0xffff  }
0x1a4: {  	v14 =	vld.idx.msk [tilespmem:v14+s21+$0x0], $0xffff;
	[tilespmem:s6+$0x2060] =	vst v28;
	v27 =	vor.u32 v10, v19  }
0x1a5: {  	v12 =	vor.u32 v11, v12;
	v13 =	vld.idx.msk [tilespmem:v13+s21+$0x0], $0xffff;
	[tilespmem:s18+$0x2050] =	vst v20  }
0x1a6: {  	v15 =	vor.u32 v11, v15;
	[tilespmem:s22+$0x2050] =	vst v24;
	v20 =	vld.idx.msk [tilespmem:v21+s21+$0x0], $0xffff  }
0x1a7: {  	v17 =	vor.u32 v11, v17;
	[tilespmem:s0+$0xFFFFFFE0] =	vst v25;
	v21 =	vld.idx.msk [tilespmem:v22+s21+$0x0], $0xffff  }
0x1a8: {  	v18 =	vor.u32 v11, v18;
	v22 =	vld.idx.msk [tilespmem:v23+s21+$0x0], $0xffff;
	[tilespmem:s7+$0x2050] =	vst v26  }
0x1a9: {  	[tilespmem:s30+$0x2060] =	vst v14;
	v14 =	vor.u32 v11, v16;
	v16 =	vld.idx.msk [tilespmem:v27+s21+$0x0], $0xffff  }
0x1aa: {  	v12 =	vld.idx.msk [tilespmem:v12+s21+$0x0], $0xffff;
	[tilespmem:s6+$0x2070] =	vst v13;
	v13 =	vor.u32 v11, v19  }
0x1ab: {  	v15 =	vld.idx.msk [tilespmem:v15+s21+$0x0], $0xffff;
	[tilespmem:s18+$0x2060] =	vst v20  }
0x1ac: {  	v17 =	vld.idx.msk [tilespmem:v17+s21+$0x0], $0xffff;
	[tilespmem:s22+$0x2060] =	vst v21  }
0x1ad: {  	[tilespmem:s0+$0xFFFFFFF0] =	vst v22;
	v18 =	vld.idx.msk [tilespmem:v18+s21+$0x0], $0xffff  }
0x1ae: {  	v14 =	vld.idx.msk [tilespmem:v14+s21+$0x0], $0xffff;
	[tilespmem:s7+$0x2060] =	vst v16  }
0x1af: {  	[tilespmem:s24+$0x0] =	vst v12;
	v12 =	vld.idx.msk [tilespmem:v13+s21+$0x0], $0xffff  }
0x1b0: {  	[tilespmem:s30+$0x2070] =	vst v15  }
0x1b1: {  	[tilespmem:s18+$0x2070] =	vst v17  }
0x1b2: {  	[tilespmem:s22+$0x2070] =	vst v18  }
0x1b3: {  	[tilespmem:s0+$0x0] =	vst v14  }
0x1b4: {  	[tilespmem:s7+$0x2070] =	vst v12  }
0x1b5: {  	s9 =	simm.s32 $0x13600;
	s0 =	rddreg [dreg:$0x6]  }
0x1b6: {  	s10 =	simm.s32 $0x0;
	s12 =	simm.s32 $0x1;
	s0 =	sadd.s32 s15, s0  }
0x1b7: {  	v12 =	vmov s10;
	[hbm4b:s0+s28] =	stream.strided.scatter [tilespmem:s9], [sflag:$0x6], $0x2000, s29, s28, $0x38;
	[tilespmem:$0x19600] =	vst v63  }
0x1b8: {  	s11 =	sadd.s32 $0x3480, s16;
	v13 =	vmov s12;
	v12 =	vand.u32 $0x3C, v12;
	s0 =	simm.s32 @!p0 $0x7  }
0x1b9: {  	v19 =	vbroadcast v12, $0x0;
	v12 =	vand.u32 $0x3D, v13;
	[tilespmem:s21], [sflag:$0x2] =	stream.indirect.gather [hbm4b:s4+s17], $0x40, s11, s17, $0xb8;
	[tilespmem:$0x19600] =	vst v63  }
0x1ba: {  	v21 =	vbroadcast v12, $0x0;
	_ =	swait.ge @!p0 [sflag:s0], $0x2000  }
0x1bb: {  	v12 =	vor.u32 v1, v19;
	[sflag:s0] =	ssyncset.done @!p0 $0x0  }
0x1bc: {  	v13 =	vor.u32 v1, v21;
	[sflag:s0] =	ssyncadd.s32 @!p0 $0xFFFFE000  }
0x1bd: {  	_ =	swait.ge [sflag:s1], $0x2000  }
0x1be: {  	[sflag:s1] =	ssyncset.done $0x0  }
0x1bf: {  	[sflag:s1] =	ssyncadd.s32 $0xFFFFE000  }
0x1c0: {  	v12 =	vld.idx.msk [tilespmem:v12+s23+$0x0], $0xffff  }
0x1c1: {  	s13 =	simm.s32 $0x2;
	v14 =	vor.u32 v5, v19;
	v13 =	vld.idx.msk [tilespmem:v13+s23+$0x0], $0xffff  }
0x1c2: {  	v15 =	vmov s13;
	s18 =	simm.s32 $0x0;
	v16 =	vor.u32 v5, v21  }
0x1c3: {  	v15 =	vand.u32 $0x3E, v15;
	s22 =	simm.s32 $0x80;
	s0 =	sand.u32 $0x1C00, s18  }
0x1c4: {  	s5 =	simm.s32 $0x15670;
	v20 =	vbroadcast v15, $0x0;
	s2 =	sand.u32 $0x280, s22;
	s0 =	sadd.s32 $0x11600, s0  }
0x1c5: {  	s24 =	simm.s32 $0x3;
	s22 =	sadd.s32 s2, s0;
	[tilespmem:s5+$0xFFFFFF90] =	vst v12  }
0x1c6: {  	v12 =	vor.u32 v1, v20;
	[tilespmem:s22+$0x4000] =	vst v13;
	v13 =	vld.idx.msk [tilespmem:v14+s23+$0x0], $0xffff;
	v14 =	vmov s24  }
0x1c7: {  	v15 =	vld.idx.msk [tilespmem:v16+s23+$0x0], $0xffff;
	v16 =	vor.u32 v6, v19;
	v14 =	vand.u32 $0x3F, v14  }
0x1c8: {  	v17 =	vor.u32 v6, v21;
	v22 =	vbroadcast v14, $0x0;
	_ =	sdelay $0x1  }
0x1c9: {  	s6 =	simm.s32 $0x4;
	v18 =	vor.u32 v1, v22  }
0x1ca: {  	v23 =	vld.idx.msk [tilespmem:v12+s23+$0x0], $0xffff;
	v12 =	vmov s6;
	[tilespmem:s5+$0xFFFFFFA0] =	vst v13  }
0x1cb: {  	v24 =	vor.u32 v5, v20;
	s7 =	simm.s32 $0x5;
	[tilespmem:s22+$0x4010] =	vst v15;
	v12 =	vand.u32 $0x3C, v12;
	v15 =	vld.idx.msk [tilespmem:v16+s23+$0x0], $0xffff  }
0x1cc: {  	s8 =	simm.s32 $0x100;
	s9 =	simm.s32 $0x6;
	v13 =	vmov s7;
	v16 =	vld.idx.msk [tilespmem:v17+s23+$0x0], $0xffff;
	v12 =	vbroadcast v12, $0x0;
	v17 =	vor.u32 v7, v19  }
0x1cd: {  	v26 =	vmov s9;
	v25 =	vor.u32 v7, v21;
	s6 =	sand.u32 $0x300, s8;
	v13 =	vand.u32 $0x3D, v13  }
0x1ce: {  	s12 =	sadd.s32 s6, s0;
	v14 =	vbroadcast v13, $0x0;
	v13 =	vand.u32 $0x3E, v26;
	v26 =	vor.u32 v1, v12;
	v18 =	vld.idx.msk [tilespmem:v18+s23+$0x0], $0xffff  }
0x1cf: {  	v13 =	vbroadcast v13, $0x0;
	[tilespmem:s12+$0x4000] =	vst v23;
	v23 =	vor.u32 v5, v22  }
0x1d0: {  	s10 =	simm.s32 $0x180;
	v27 =	vor.u32 v1, v14;
	v24 =	vld.idx.msk [tilespmem:v24+s23+$0x0], $0xffff;
	[tilespmem:s5+$0xFFFFFFB0] =	vst v15  }
0x1d1: {  	s2 =	sand.u32 $0x380, s10;
	[tilespmem:s22+$0x4020] =	vst v16;
	v15 =	vor.u32 v1, v13;
	v16 =	vld.idx.msk [tilespmem:v17+s23+$0x0], $0xffff  }
0x1d2: {  	s2 =	sadd.s32 s2, s0;
	v17 =	vld.idx.msk [tilespmem:v25+s23+$0x0], $0xffff;
	v25 =	vor.u32 v8, v19  }
0x1d3: {  	v28 =	vor.u32 v8, v21;
	v26 =	vld.idx.msk [tilespmem:v26+s23+$0x0], $0xffff;
	[tilespmem:s2+$0x4000] =	vst v18  }
0x1d4: {  	v18 =	vor.u32 v6, v20;
	v23 =	vld.idx.msk [tilespmem:v23+s23+$0x0], $0xffff  }
0x1d5: {  	v29 =	vor.u32 v6, v22;
	v27 =	vld.idx.msk [tilespmem:v27+s23+$0x0], $0xffff;
	[tilespmem:s12+$0x4010] =	vst v24  }
0x1d6: {  	s11 =	simm.s32 $0x200;
	v30 =	vor.u32 v5, v12;
	v15 =	vld.idx.msk [tilespmem:v15+s23+$0x0], $0xffff;
	[tilespmem:s5+$0xFFFFFFC0] =	vst v16  }
0x1d7: {  	s13 =	simm.s32 $0x280;
	s24 =	simm.s32 $0x15870;
	s0 =	sand.u32 $0x1C00, s11;
	v16 =	vor.u32 v5, v14;
	[tilespmem:s22+$0x4030] =	vst v17;
	v17 =	vld.idx.msk [tilespmem:v25+s23+$0x0], $0xffff  }
0x1d8: {  	s18 =	simm.s32 $0x300;
	s6 =	sand.u32 $0x280, s13;
	s0 =	sadd.s32 $0x11600, s0;
	v24 =	vld.idx.msk [tilespmem:v28+s23+$0x0], $0xffff;
	v28 =	vor.u32 v5, v13;
	[tilespmem:s24+$0xFFFFFF90] =	vst v26  }
0x1d9: {  	s8 =	sand.u32 $0x300, s18;
	s11 =	sadd.s32 s6, s0;
	v25 =	vor.u32 v9, v19;
	v18 =	vld.idx.msk [tilespmem:v18+s23+$0x0], $0xffff;
	[tilespmem:s2+$0x4010] =	vst v23  }
0x1da: {  	s6 =	sadd.s32 s8, s0;
	[tilespmem:s11+$0x4000] =	vst v27;
	v23 =	vor.u32 v7, v20;
	v26 =	vld.idx.msk [tilespmem:v29+s23+$0x0], $0xffff  }
0x1db: {  	v27 =	vld.idx.msk [tilespmem:v30+s23+$0x0], $0xffff;
	v29 =	vor.u32 v7, v22;
	[tilespmem:s6+$0x4000] =	vst v15  }
0x1dc: {  	s9 =	simm.s32 $0x7;
	v16 =	vld.idx.msk [tilespmem:v16+s23+$0x0], $0xffff;
	[tilespmem:s5+$0xFFFFFFD0] =	vst v17;
	v17 =	vor.u32 v9, v21  }
0x1dd: {  	v31 =	vor.u32 v6, v14;
	v30 =	vmov s9;
	v28 =	vld.idx.msk [tilespmem:v28+s23+$0x0], $0xffff  }
0x1de: {  	v15 =	vand.u32 $0x3F, v30;
	v25 =	vld.idx.msk [tilespmem:v25+s23+$0x0], $0xffff;
	[tilespmem:s12+$0x4020] =	vst v18;
	v18 =	vor.u32 v6, v12  }
0x1df: {  	v15 =	vbroadcast v15, $0x0;
	v23 =	vld.idx.msk [tilespmem:v23+s23+$0x0], $0xffff;
	[tilespmem:s2+$0x4020] =	vst v26;
	v26 =	vor.u32 v10, v19  }
0x1e0: {  	v52 =	vor.u32 v8, v20;
	[tilespmem:s22+$0x4040] =	vst v24;
	v24 =	vld.idx.msk [tilespmem:v29+s23+$0x0], $0xffff  }
0x1e1: {  	s10 =	simm.s32 $0x8;
	v29 =	vor.u32 v1, v15;
	[tilespmem:s11+$0x4010] =	vst v16;
	v30 =	vld.idx.msk [tilespmem:v17+s23+$0x0], $0xffff  }
0x1e2: {  	v53 =	vor.u32 v8, v22;
	s13 =	simm.s32 $0x9;
	[tilespmem:s24+$0xFFFFFFA0] =	vst v27;
	v16 =	vmov s10;
	v27 =	vld.idx.msk [tilespmem:v31+s23+$0x0], $0xffff  }
0x1e3: {  	v16 =	vand.u32 $0x3C, v16;
	v17 =	vmov s13;
	v31 =	vor.u32 v7, v14;
	[tilespmem:s5+$0xFFFFFFE0] =	vst v25;
	v25 =	vld.idx.msk [tilespmem:v18+s23+$0x0], $0xffff  }
0x1e4: {  	v54 =	vor.u32 v10, v21;
	s18 =	simm.s32 $0xA;
	v16 =	vbroadcast v16, $0x0;
	v17 =	vand.u32 $0x3D, v17;
	[tilespmem:s12+$0x4030] =	vst v23;
	v26 =	vld.idx.msk [tilespmem:v26+s23+$0x0], $0xffff  }
0x1e5: {  	v18 =	vmov s18;
	v17 =	vbroadcast v17, $0x0;
	v23 =	vor.u32 v7, v12;
	v32 =	vld.idx.msk [tilespmem:v52+s23+$0x0], $0xffff  }
0x1e6: {  	v18 =	vand.u32 $0x3E, v18;
	v29 =	vld.idx.msk [tilespmem:v29+s23+$0x0], $0xffff;
	[tilespmem:s2+$0x4030] =	vst v24;
	v24 =	vor.u32 v1, v16  }
0x1e7: {  	v18 =	vbroadcast v18, $0x0;
	v55 =	vor.u32 v1, v17;
	[tilespmem:s11+$0x4020] =	vst v27;
	v27 =	vld.idx.msk [tilespmem:v53+s23+$0x0], $0xffff  }
0x1e8: {  	v56 =	vor.u32 v5, v15;
	[tilespmem:s22+$0x4050] =	vst v30;
	v31 =	vld.idx.msk [tilespmem:v31+s23+$0x0], $0xffff  }
0x1e9: {  	s8 =	simm.s32 $0x380;
	v30 =	vor.u32 v1, v18;
	[tilespmem:s24+$0xFFFFFFB0] =	vst v25;
	v25 =	vld.idx.msk [tilespmem:v54+s23+$0x0], $0xffff  }
0x1ea: {  	v58 =	vor.u32 v9, v22;
	s7 =	sand.u32 $0x380, s8;
	[tilespmem:s6+$0x4010] =	vst v28;
	v23 =	vld.idx.msk [tilespmem:v23+s23+$0x0], $0xffff  }
0x1eb: {  	s30 =	sadd.s32 s7, s0;
	v28 =	vor.u32 v8, v14;
	[tilespmem:s12+$0x4040] =	vst v32;
	v24 =	vld.idx.msk [tilespmem:v24+s23+$0x0], $0xffff  }
0x1ec: {  	v21 =	vor.u32 v11, v21;
	[tilespmem:s30+$0x4000] =	vst v29;
	v29 =	vld.idx.msk [tilespmem:v55+s23+$0x0], $0xffff  }
0x1ed: {  	v57 =	vor.u32 v9, v20;
	[tilespmem:s5+$0xFFFFFFF0] =	vst v26;
	v33 =	vld.idx.msk [tilespmem:v56+s23+$0x0], $0xffff  }
0x1ee: {  	[tilespmem:s2+$0x4040] =	vst v27;
	v27 =	vld.idx.msk [tilespmem:v30+s23+$0x0], $0xffff;
	v30 =	vor.u32 v8, v12  }
0x1ef: {  	s9 =	simm.s32 $0x400;
	[tilespmem:s11+$0x4030] =	vst v31;
	v31 =	vor.u32 v5, v16;
	v59 =	vld.idx.msk [tilespmem:v58+s23+$0x0], $0xffff  }
0x1f0: {  	s10 =	sand.u32 $0x1C00, s9;
	s13 =	simm.s32 $0x480;
	[tilespmem:s22+$0x4060] =	vst v25;
	v25 =	vor.u32 v6, v13;
	v28 =	vld.idx.msk [tilespmem:v28+s23+$0x0], $0xffff  }
0x1f1: {  	s0 =	simm.s32 $0x15A70;
	s8 =	sadd.s32 $0x11600, s10;
	s18 =	sand.u32 $0x280, s13;
	[tilespmem:s24+$0xFFFFFFC0] =	vst v23;
	v21 =	vld.idx.msk [tilespmem:v21+s23+$0x0], $0xffff;
	v23 =	vor.u32 v5, v17  }
0x1f2: {  	v19 =	vor.u32 v11, v19;
	s18 =	sadd.s32 s18, s8;
	[tilespmem:s0+$0xFFFFFF90] =	vst v24;
	v24 =	vld.idx.msk [tilespmem:v57+s23+$0x0], $0xffff  }
0x1f3: {  	[tilespmem:s18+$0x4000] =	vst v29;
	v29 =	vor.u32 v6, v15;
	v30 =	vld.idx.msk [tilespmem:v30+s23+$0x0], $0xffff  }
0x1f4: {  	v26 =	vor.u32 v10, v20;
	[tilespmem:s30+$0x4010] =	vst v33;
	v60 =	vld.idx.msk [tilespmem:v31+s23+$0x0], $0xffff  }
0x1f5: {  	v31 =	vor.u32 v9, v12;
	v25 =	vld.idx.msk [tilespmem:v25+s23+$0x0], $0xffff;
	[tilespmem:s2+$0x4050] =	vst v59  }
0x1f6: {  	v36 =	vor.u32 v9, v14;
	[tilespmem:s11+$0x4040] =	vst v28;
	v61 =	vld.idx.msk [tilespmem:v23+s23+$0x0], $0xffff  }
0x1f7: {  	s10 =	simm.s32 $0x500;
	v28 =	vor.u32 v5, v18;
	[tilespmem:s22+$0x4070] =	vst v21;
	v23 =	vld.idx.msk [tilespmem:v19+s23+$0x0], $0xffff  }
0x1f8: {  	s7 =	sand.u32 $0x300, s10;
	v21 =	vor.u32 v7, v13;
	v29 =	vld.idx.msk [tilespmem:v29+s23+$0x0], $0xffff;
	[tilespmem:s12+$0x4050] =	vst v24  }
0x1f9: {  	s22 =	sadd.s32 s7, s8;
	v24 =	vor.u32 v10, v22;
	v26 =	vld.idx.msk [tilespmem:v26+s23+$0x0], $0xffff;
	[tilespmem:s24+$0xFFFFFFD0] =	vst v30  }
0x1fa: {  	[tilespmem:s22+$0x4000] =	vst v27;
	v30 =	vor.u32 v7, v15;
	v27 =	vld.idx.msk [tilespmem:v31+s23+$0x0], $0xffff  }
0x1fb: {  	v62 =	vor.u32 v11, v20;
	s13 =	simm.s32 $0xB;
	[tilespmem:s6+$0x4020] =	vst v25;
	v25 =	vld.idx.msk [tilespmem:v36+s23+$0x0], $0xffff  }
0x1fc: {  	v37 =	vor.u32 v6, v17;
	v19 =	vmov s13;
	[tilespmem:s0+$0xFFFFFFA0] =	vst v60;
	v63 =	vld.idx.msk [tilespmem:v28+s23+$0x0], $0xffff  }
0x1fd: {  	v19 =	vand.u32 $0x3F, v19;
	[tilespmem:s18+$0x4010] =	vst v61;
	v31 =	vld.idx.msk [tilespmem:v21+s23+$0x0], $0xffff  }
0x1fe: {  	v20 =	vor.u32 v8, v15;
	v33 =	vor.u32 v6, v16;
	v19 =	vbroadcast v19, $0x0;
	[tilespmem:s30+$0x4020] =	vst v29;
	v29 =	vld.idx.msk [tilespmem:v24+s23+$0x0], $0xffff  }
0x1ff: {  	v32 =	vor.u32 v8, v13;
	v24 =	vor.u32 v10, v12;
	v30 =	vld.idx.msk [tilespmem:v30+s23+$0x0], $0xffff;
	[tilespmem:s12+$0x4060] =	vst v26  }
0x200: {  	v34 =	vor.u32 v1, v19;
	v26 =	vor.u32 v11, v22;
	v28 =	vld.idx.msk [tilespmem:v62+s23+$0x0], $0xffff;
	[tilespmem:s24+$0xFFFFFFE0] =	vst v27  }
0x201: {  	s9 =	simm.s32 $0x580;
	s10 =	simm.s32 $0xC;
	v21 =	vor.u32 v6, v18;
	v22 =	vor.u32 v8, v19;
	v27 =	vld.idx.msk [tilespmem:v37+s23+$0x0], $0xffff;
	[tilespmem:s22+$0x4010] =	vst v63  }
.LBB2_11:
0x202: {  	s13 =	sadd.s32 $0x1, s10  }
0x203: {  	v35 =	vmov s10;
	p1 =	slt.u32 s10, $0x3C;
	v33 =	vld.idx.msk [tilespmem:v33+s23+$0x0], $0xffff;
	v36 =	vor.u32 v10, v14;
	[tilespmem:s6+$0x4030] =	vst v31;
	s7 =	smov.u32 s10;
	s10 =	sadd.s32 $0x4, s10  }
0x204: {  	v37 =	vor.u32 v7, v17;
	v31 =	vand.u32 $0x3C, v35;
	v35 =	vmov s13;
	s13 =	sadd.s32 $0x2, s7;
	v24 =	vld.idx.msk [tilespmem:v24+s23+$0x0], $0xffff;
	[tilespmem:s2+$0x4060] =	vst v29  }
0x205: {  	v29 =	vbroadcast v31, $0x0;
	v31 =	vand.u32 $0x3D, v35;
	v35 =	vmov s13;
	[tilespmem:s30+$0x4030] =	vst v30;
	v26 =	vld.idx.msk [tilespmem:v26+s23+$0x0], $0xffff  }
0x206: {  	v30 =	vbroadcast v31, $0x0;
	v31 =	vand.u32 $0x3E, v35;
	v35 =	vor.u32 v7, v16;
	v34 =	vld.idx.msk [tilespmem:v34+s23+$0x0], $0xffff;
	[tilespmem:s12+$0x4070] =	vst v28;
	s12 =	smov.u32 s6;
	s6 =	smov.u32 s22  }
0x207: {  	v28 =	vor.u32 v1, v29;
	v31 =	vbroadcast v31, $0x0;
	v32 =	vld.idx.msk [tilespmem:v32+s23+$0x0], $0xffff;
	[tilespmem:s5+$0x0] =	vst v23;
	s5 =	smov.u32 s24;
	s24 =	smov.u32 s0  }
0x208: {  	v23 =	vor.u32 v1, v30;
	[tilespmem:s18+$0x4020] =	vst v27;
	v27 =	vld.idx.msk [tilespmem:v20+s23+$0x0], $0xffff;
	v20 =	vmov v22  }
0x209: {  	v38 =	vor.u32 v5, v19;
	v22 =	vor.u32 v1, v31;
	v37 =	vld.idx.msk [tilespmem:v37+s23+$0x0], $0xffff;
	[tilespmem:s11+$0x4050] =	vst v25  }
0x20a: {  	s13 =	sand.u32 $0x380, s9;
	[tilespmem:s0+$0xFFFFFFB0] =	vst v33;
	v25 =	vld.idx.msk [tilespmem:v36+s23+$0x0], $0xffff  }
0x20b: {  	v33 =	vld.idx.msk [tilespmem:v35+s23+$0x0], $0xffff;
	v35 =	vor.u32 v8, v17;
	[tilespmem:s2+$0x4070] =	vst v26;
	s2 =	smov.u32 s30;
	s30 =	sadd.s32 s13, s8  }
0x20c: {  	v26 =	vld.idx.msk [tilespmem:v28+s23+$0x0], $0xffff;
	[tilespmem:s30+$0x4000] =	vst v34;
	v28 =	vor.u32 v11, v14;
	v14 =	vmov v17;
	v17 =	vmov v30  }
0x20d: {  	v30 =	vor.u32 v9, v13;
	v23 =	vld.idx.msk [tilespmem:v23+s23+$0x0], $0xffff;
	[tilespmem:s12+$0x4040] =	vst v32;
	v32 =	vor.u32 v9, v15  }
0x20e: {  	s9 =	sadd.s32 $0x200, s9;
	v34 =	vor.u32 v5, v29;
	v36 =	vld.idx.msk [tilespmem:v38+s23+$0x0], $0xffff;
	[tilespmem:s2+$0x4040] =	vst v27  }
0x20f: {  	s8 =	sadd.s32 $0xFFFFFE80, s9;
	v27 =	vor.u32 v5, v17;
	v38 =	vor.u32 v8, v16;
	v22 =	vld.idx.msk [tilespmem:v22+s23+$0x0], $0xffff;
	[tilespmem:s18+$0x4030] =	vst v37  }
0x210: {  	s0 =	sadd.s32 $0x200, s0;
	s13 =	sadd.s32 $0xFFFFFF00, s9;
	s8 =	sand.u32 $0x1C00, s8;
	v37 =	vor.u32 v5, v31;
	v35 =	vld.idx.msk [tilespmem:v35+s23+$0x0], $0xffff;
	[tilespmem:s11+$0x4060] =	vst v25  }
0x211: {  	s22 =	sadd.s32 $0xFFFFFF80, s9;
	s13 =	sand.u32 $0x280, s13;
	s8 =	sadd.s32 $0x11600, s8;
	[tilespmem:s24+$0xFFFFFFC0] =	vst v33;
	v25 =	vld.idx.msk [tilespmem:v28+s23+$0x0], $0xffff  }
0x212: {  	s22 =	sand.u32 $0x300, s22;
	s13 =	sadd.s32 s13, s8;
	[tilespmem:s0+$0xFFFFFF90] =	vst v26;
	v26 =	vld.idx.msk [tilespmem:v30+s23+$0x0], $0xffff  }
0x213: {  	s22 =	sadd.s32 s22, s8;
	[tilespmem:s13+$0x4000] =	vst v23;
	v23 =	vor.u32 v6, v19;
	v28 =	vld.idx.msk [tilespmem:v32+s23+$0x0], $0xffff  }
0x214: {  	v30 =	vld.idx.msk [tilespmem:v38+s23+$0x0], $0xffff;
	[tilespmem:s5+$0xFFFFFFF0] =	vst v24;
	v24 =	vor.u32 v10, v13  }
0x215: {  	v33 =	vor.u32 v11, v12;
	v12 =	vmov v16;
	v16 =	vmov v29;
	v32 =	vld.idx.msk [tilespmem:v34+s23+$0x0], $0xffff;
	[tilespmem:s30+$0x4010] =	vst v36  }
0x216: {  	v29 =	vor.u32 v9, v12;
	v36 =	vor.u32 v6, v17;
	[tilespmem:s18+$0x4040] =	vst v35;
	v34 =	vld.idx.msk [tilespmem:v21+s23+$0x0], $0xffff  }
0x217: {  	v21 =	vor.u32 v6, v31;
	v27 =	vld.idx.msk [tilespmem:v27+s23+$0x0], $0xffff;
	[tilespmem:s11+$0x4070] =	vst v25;
	s11 =	smov.u32 s18;
	s18 =	smov.u32 s13  }
0x218: {  	v38 =	vor.u32 v10, v15;
	v25 =	vor.u32 v7, v18;
	v35 =	vld.idx.msk [tilespmem:v23+s23+$0x0], $0xffff;
	[tilespmem:s12+$0x4050] =	vst v26  }
0x219: {  	v39 =	vld.idx.msk [tilespmem:v24+s23+$0x0], $0xffff;
	[tilespmem:s2+$0x4050] =	vst v28  }
0x21a: {  	v28 =	vor.u32 v7, v19;
	[tilespmem:s24+$0xFFFFFFD0] =	vst v30;
	v23 =	vld.idx.msk [tilespmem:v33+s23+$0x0], $0xffff  }
0x21b: {  	[tilespmem:s22+$0x4000] =	vst v22;
	v40 =	vld.idx.msk [tilespmem:v29+s23+$0x0], $0xffff;
	v22 =	vor.u32 v11, v13;
	v13 =	vmov v18;
	v18 =	vmov v31  }
0x21c: {  	s7 =	sadd.s32 $0x3, s7;
	v41 =	vor.u32 v9, v14;
	v37 =	vld.idx.msk [tilespmem:v37+s23+$0x0], $0xffff;
	[tilespmem:s6+$0x4020] =	vst v34  }
0x21d: {  	v26 =	vor.u32 v11, v15;
	v15 =	vmov v19;
	v24 =	vmov s7;
	[tilespmem:s18+$0x4010] =	vst v27;
	v31 =	vld.idx.msk [tilespmem:v25+s23+$0x0], $0xffff  }
.Ltmp4:
0x21e: {  	v33 =	vor.u32 v6, v16;
	v19 =	vand.u32 $0x3F, v24;
	[tilespmem:s30+$0x4020] =	vst v35;
	v29 =	vld.idx.msk [tilespmem:v38+s23+$0x0], $0xffff;
	(pc) =	sbr.rel @p1 .LBB2_11-.Ltmp4, $4  }
0x21f: {  	v24 =	vor.u32 v10, v12;
	v19 =	vbroadcast v19, $0x0;
	v30 =	vld.idx.msk [tilespmem:v28+s23+$0x0], $0xffff;
	[tilespmem:s12+$0x4060] =	vst v39  }
0x220: {  	[tilespmem:s0+$0xFFFFFFA0] =	vst v32;
	v28 =	vld.idx.msk [tilespmem:v22+s23+$0x0], $0xffff  }
0x221: {  	v34 =	vor.u32 v1, v19;
	v22 =	vor.u32 v8, v19;
	[tilespmem:s24+$0xFFFFFFE0] =	vst v40;
	v25 =	vld.idx.msk [tilespmem:v41+s23+$0x0], $0xffff  }
0x222: {  	v32 =	vor.u32 v8, v13;
	v27 =	vld.idx.msk [tilespmem:v36+s23+$0x0], $0xffff;
	[tilespmem:s22+$0x4010] =	vst v37  }
0x223: {  	_ =	sdelay $0x3  }
0x224: {  	v34 =	vld.idx.msk [tilespmem:v34+s23+$0x0], $0xffff  }
0x225: {  	v35 =	vor.u32 v5, v19;
	_ =	sdelay $0x1  }
0x226: {  	[tilespmem:s6+$0x4030] =	vst v31;
	s7 =	sand.u32 $0x380, s9  }
0x227: {  	[tilespmem:s2+$0x4060] =	vst v29;
	s7 =	sadd.s32 s7, s8  }
0x228: {  	[tilespmem:s7+$0x4000] =	vst v34  }
0x229: {  	[tilespmem:s30+$0x4030] =	vst v30;
	v29 =	vld.idx.msk [tilespmem:v35+s23+$0x0], $0xffff  }
0x22a: {  	v30 =	vld.idx.msk [tilespmem:v33+s23+$0x0], $0xffff;
	[tilespmem:s12+$0x4070] =	vst v28;
	v28 =	vor.u32 v6, v19  }
0x22b: {  	[tilespmem:s5+$0x0] =	vst v23;
	v23 =	vor.u32 v10, v14;
	v26 =	vld.idx.msk [tilespmem:v26+s23+$0x0], $0xffff  }
0x22c: {  	v21 =	vld.idx.msk [tilespmem:v21+s23+$0x0], $0xffff;
	[tilespmem:s18+$0x4020] =	vst v27;
	v27 =	vor.u32 v7, v16  }
0x22d: {  	v31 =	vor.u32 v7, v17;
	v32 =	vld.idx.msk [tilespmem:v32+s23+$0x0], $0xffff;
	[tilespmem:s11+$0x4050] =	vst v25  }
0x22e: {  	v20 =	vld.idx.msk [tilespmem:v20+s23+$0x0], $0xffff;
	v25 =	vor.u32 v7, v18;
	[tilespmem:s7+$0x4010] =	vst v29  }
0x22f: {  	[tilespmem:s0+$0xFFFFFFB0] =	vst v30;
	v28 =	vld.idx.msk [tilespmem:v28+s23+$0x0], $0xffff  }
0x230: {  	v23 =	vld.idx.msk [tilespmem:v23+s23+$0x0], $0xffff;
	[tilespmem:s2+$0x4070] =	vst v26;
	v26 =	vor.u32 v7, v19  }
0x231: {  	v14 =	vor.u32 v11, v14;
	[tilespmem:s22+$0x4020] =	vst v21;
	v27 =	vld.idx.msk [tilespmem:v27+s23+$0x0], $0xffff  }
0x232: {  	[tilespmem:s6+$0x4040] =	vst v32;
	v29 =	vld.idx.msk [tilespmem:v31+s23+$0x0], $0xffff;
	v31 =	vor.u32 v9, v13  }
0x233: {  	v30 =	vor.u32 v8, v17;
	[tilespmem:s30+$0x4040] =	vst v20;
	v20 =	vld.idx.msk [tilespmem:v25+s23+$0x0], $0xffff  }
0x234: {  	v21 =	vld.idx.msk [tilespmem:v24+s23+$0x0], $0xffff;
	v24 =	vor.u32 v8, v18;
	[tilespmem:s7+$0x4020] =	vst v28  }
0x235: {  	v25 =	vor.u32 v8, v16;
	[tilespmem:s11+$0x4060] =	vst v23;
	v26 =	vld.idx.msk [tilespmem:v26+s23+$0x0], $0xffff  }
0x236: {  	v14 =	vld.idx.msk [tilespmem:v14+s23+$0x0], $0xffff;
	[tilespmem:s0+$0xFFFFFFC0] =	vst v27  }
0x237: {  	v23 =	vor.u32 v9, v15;
	[tilespmem:s18+$0x4030] =	vst v29;
	v27 =	vld.idx.msk [tilespmem:v31+s23+$0x0], $0xffff  }
0x238: {  	[tilespmem:s22+$0x4030] =	vst v20;
	v29 =	vor.u32 v10, v13;
	v28 =	vld.idx.msk [tilespmem:v30+s23+$0x0], $0xffff  }
0x239: {  	[tilespmem:s24+$0xFFFFFFF0] =	vst v21;
	v20 =	vor.u32 v9, v17;
	v21 =	vld.idx.msk [tilespmem:v24+s23+$0x0], $0xffff  }
0x23a: {  	v24 =	vld.idx.msk [tilespmem:v25+s23+$0x0], $0xffff;
	v25 =	vor.u32 v9, v18;
	[tilespmem:s7+$0x4030] =	vst v26  }
0x23b: {  	[tilespmem:s11+$0x4070] =	vst v14;
	v26 =	vor.u32 v9, v16;
	v22 =	vld.idx.msk [tilespmem:v22+s23+$0x0], $0xffff  }
0x23c: {  	v23 =	vld.idx.msk [tilespmem:v23+s23+$0x0], $0xffff;
	[tilespmem:s6+$0x4050] =	vst v27;
	v27 =	vor.u32 v9, v19  }
0x23d: {  	v14 =	vor.u32 v10, v15;
	[tilespmem:s18+$0x4040] =	vst v28;
	v28 =	vld.idx.msk [tilespmem:v29+s23+$0x0], $0xffff  }
0x23e: {  	v13 =	vor.u32 v11, v13;
	[tilespmem:s22+$0x4040] =	vst v21;
	v20 =	vld.idx.msk [tilespmem:v20+s23+$0x0], $0xffff  }
0x23f: {  	v21 =	vor.u32 v10, v17;
	[tilespmem:s0+$0xFFFFFFD0] =	vst v24;
	v24 =	vld.idx.msk [tilespmem:v25+s23+$0x0], $0xffff  }
0x240: {  	v25 =	vld.idx.msk [tilespmem:v26+s23+$0x0], $0xffff;
	[tilespmem:s7+$0x4040] =	vst v22;
	v22 =	vor.u32 v10, v18  }
0x241: {  	[tilespmem:s30+$0x4050] =	vst v23;
	v23 =	vor.u32 v10, v16;
	v26 =	vld.idx.msk [tilespmem:v27+s23+$0x0], $0xffff  }
0x242: {  	v14 =	vld.idx.msk [tilespmem:v14+s23+$0x0], $0xffff;
	[tilespmem:s6+$0x4060] =	vst v28;
	v27 =	vor.u32 v10, v19  }
0x243: {  	v12 =	vor.u32 v11, v12;
	v13 =	vld.idx.msk [tilespmem:v13+s23+$0x0], $0xffff;
	[tilespmem:s18+$0x4050] =	vst v20  }
0x244: {  	v15 =	vor.u32 v11, v15;
	[tilespmem:s22+$0x4050] =	vst v24;
	v20 =	vld.idx.msk [tilespmem:v21+s23+$0x0], $0xffff  }
0x245: {  	v17 =	vor.u32 v11, v17;
	[tilespmem:s0+$0xFFFFFFE0] =	vst v25;
	v21 =	vld.idx.msk [tilespmem:v22+s23+$0x0], $0xffff  }
0x246: {  	v18 =	vor.u32 v11, v18;
	v22 =	vld.idx.msk [tilespmem:v23+s23+$0x0], $0xffff;
	[tilespmem:s7+$0x4050] =	vst v26  }
0x247: {  	[tilespmem:s30+$0x4060] =	vst v14;
	v14 =	vor.u32 v11, v16;
	v16 =	vld.idx.msk [tilespmem:v27+s23+$0x0], $0xffff  }
0x248: {  	v12 =	vld.idx.msk [tilespmem:v12+s23+$0x0], $0xffff;
	[tilespmem:s6+$0x4070] =	vst v13;
	v13 =	vor.u32 v11, v19  }
0x249: {  	v15 =	vld.idx.msk [tilespmem:v15+s23+$0x0], $0xffff;
	[tilespmem:s18+$0x4060] =	vst v20  }
0x24a: {  	v17 =	vld.idx.msk [tilespmem:v17+s23+$0x0], $0xffff;
	[tilespmem:s22+$0x4060] =	vst v21  }
0x24b: {  	[tilespmem:s0+$0xFFFFFFF0] =	vst v22;
	v18 =	vld.idx.msk [tilespmem:v18+s23+$0x0], $0xffff  }
0x24c: {  	v14 =	vld.idx.msk [tilespmem:v14+s23+$0x0], $0xffff;
	[tilespmem:s7+$0x4060] =	vst v16  }
0x24d: {  	[tilespmem:s24+$0x0] =	vst v12;
	v12 =	vld.idx.msk [tilespmem:v13+s23+$0x0], $0xffff  }
0x24e: {  	[tilespmem:s30+$0x4070] =	vst v15  }
0x24f: {  	[tilespmem:s18+$0x4070] =	vst v17  }
0x250: {  	[tilespmem:s22+$0x4070] =	vst v18  }
0x251: {  	[tilespmem:s0+$0x0] =	vst v14  }
0x252: {  	[tilespmem:s7+$0x4070] =	vst v12  }
0x253: {  	s9 =	simm.s32 $0x15600;
	s0 =	rddreg [dreg:$0x7]  }
0x254: {  	s10 =	simm.s32 $0x0;
	s12 =	simm.s32 $0x1;
	s0 =	sadd.s32 s15, s0  }
0x255: {  	v12 =	vmov s10;
	[hbm4b:s0+s28] =	stream.strided.scatter [tilespmem:s9], [sflag:$0x7], $0x2000, s29, s28, $0x38;
	[tilespmem:$0x19600] =	vst v63  }
0x256: {  	s11 =	sadd.s32 $0x3500, s16;
	v13 =	vmov s12;
	v12 =	vand.u32 $0x3C, v12;
	s0 =	simm.s32 @!p0 $0x8  }
0x257: {  	v19 =	vbroadcast v12, $0x0;
	v12 =	vand.u32 $0x3D, v13;
	[tilespmem:s23], [sflag:$0x3] =	stream.indirect.gather [hbm4b:s4+s17], $0x40, s11, s17, $0xb8;
	[tilespmem:$0x19600] =	vst v63  }
0x258: {  	v21 =	vbroadcast v12, $0x0;
	_ =	swait.ge @!p0 [sflag:s0], $0x2000  }
0x259: {  	v12 =	vor.u32 v1, v19;
	[sflag:s0] =	ssyncset.done @!p0 $0x0  }
0x25a: {  	v13 =	vor.u32 v1, v21;
	[sflag:s0] =	ssyncadd.s32 @!p0 $0xFFFFE000  }
0x25b: {  	_ =	swait.ge [sflag:s20], $0x2000  }
0x25c: {  	[sflag:s20] =	ssyncset.done $0x0  }
0x25d: {  	[sflag:s20] =	ssyncadd.s32 $0xFFFFE000  }
0x25e: {  	v12 =	vld.idx.msk [tilespmem:v12+s25+$0x0], $0xffff  }
0x25f: {  	s13 =	simm.s32 $0x2;
	v14 =	vor.u32 v5, v19;
	v13 =	vld.idx.msk [tilespmem:v13+s25+$0x0], $0xffff  }
0x260: {  	v15 =	vmov s13;
	s18 =	simm.s32 $0x0;
	v16 =	vor.u32 v5, v21  }
0x261: {  	v15 =	vand.u32 $0x3E, v15;
	s22 =	simm.s32 $0x80;
	s0 =	sand.u32 $0x1C00, s18  }
0x262: {  	s5 =	simm.s32 $0x17670;
	v20 =	vbroadcast v15, $0x0;
	s2 =	sand.u32 $0x280, s22;
	s0 =	sadd.s32 $0x11600, s0  }
0x263: {  	s24 =	simm.s32 $0x3;
	s22 =	sadd.s32 s2, s0;
	[tilespmem:s5+$0xFFFFFF90] =	vst v12  }
0x264: {  	v12 =	vor.u32 v1, v20;
	[tilespmem:s22+$0x6000] =	vst v13;
	v13 =	vld.idx.msk [tilespmem:v14+s25+$0x0], $0xffff;
	v14 =	vmov s24  }
0x265: {  	v15 =	vld.idx.msk [tilespmem:v16+s25+$0x0], $0xffff;
	v16 =	vor.u32 v6, v19;
	v14 =	vand.u32 $0x3F, v14  }
0x266: {  	v17 =	vor.u32 v6, v21;
	v22 =	vbroadcast v14, $0x0;
	_ =	sdelay $0x1  }
0x267: {  	s6 =	simm.s32 $0x4;
	v18 =	vor.u32 v1, v22  }
0x268: {  	v23 =	vld.idx.msk [tilespmem:v12+s25+$0x0], $0xffff;
	v12 =	vmov s6;
	[tilespmem:s5+$0xFFFFFFA0] =	vst v13  }
0x269: {  	v24 =	vor.u32 v5, v20;
	s7 =	simm.s32 $0x5;
	[tilespmem:s22+$0x6010] =	vst v15;
	v12 =	vand.u32 $0x3C, v12;
	v15 =	vld.idx.msk [tilespmem:v16+s25+$0x0], $0xffff  }
0x26a: {  	s8 =	simm.s32 $0x100;
	s9 =	simm.s32 $0x6;
	v13 =	vmov s7;
	v16 =	vld.idx.msk [tilespmem:v17+s25+$0x0], $0xffff;
	v12 =	vbroadcast v12, $0x0;
	v17 =	vor.u32 v7, v19  }
0x26b: {  	v26 =	vmov s9;
	v25 =	vor.u32 v7, v21;
	s6 =	sand.u32 $0x300, s8;
	v13 =	vand.u32 $0x3D, v13  }
0x26c: {  	s12 =	sadd.s32 s6, s0;
	v14 =	vbroadcast v13, $0x0;
	v13 =	vand.u32 $0x3E, v26;
	v26 =	vor.u32 v1, v12;
	v18 =	vld.idx.msk [tilespmem:v18+s25+$0x0], $0xffff  }
0x26d: {  	v13 =	vbroadcast v13, $0x0;
	[tilespmem:s12+$0x6000] =	vst v23;
	v23 =	vor.u32 v5, v22  }
0x26e: {  	s10 =	simm.s32 $0x180;
	v27 =	vor.u32 v1, v14;
	v24 =	vld.idx.msk [tilespmem:v24+s25+$0x0], $0xffff;
	[tilespmem:s5+$0xFFFFFFB0] =	vst v15  }
0x26f: {  	s2 =	sand.u32 $0x380, s10;
	[tilespmem:s22+$0x6020] =	vst v16;
	v15 =	vor.u32 v1, v13;
	v16 =	vld.idx.msk [tilespmem:v17+s25+$0x0], $0xffff  }
0x270: {  	s2 =	sadd.s32 s2, s0;
	v17 =	vld.idx.msk [tilespmem:v25+s25+$0x0], $0xffff;
	v25 =	vor.u32 v8, v19  }
0x271: {  	v28 =	vor.u32 v8, v21;
	v26 =	vld.idx.msk [tilespmem:v26+s25+$0x0], $0xffff;
	[tilespmem:s2+$0x6000] =	vst v18  }
0x272: {  	v18 =	vor.u32 v6, v20;
	v23 =	vld.idx.msk [tilespmem:v23+s25+$0x0], $0xffff  }
0x273: {  	v29 =	vor.u32 v6, v22;
	v27 =	vld.idx.msk [tilespmem:v27+s25+$0x0], $0xffff;
	[tilespmem:s12+$0x6010] =	vst v24  }
0x274: {  	s11 =	simm.s32 $0x200;
	v30 =	vor.u32 v5, v12;
	v15 =	vld.idx.msk [tilespmem:v15+s25+$0x0], $0xffff;
	[tilespmem:s5+$0xFFFFFFC0] =	vst v16  }
0x275: {  	s13 =	simm.s32 $0x280;
	s24 =	simm.s32 $0x17870;
	s0 =	sand.u32 $0x1C00, s11;
	v16 =	vor.u32 v5, v14;
	[tilespmem:s22+$0x6030] =	vst v17;
	v17 =	vld.idx.msk [tilespmem:v25+s25+$0x0], $0xffff  }
0x276: {  	s18 =	simm.s32 $0x300;
	s6 =	sand.u32 $0x280, s13;
	s0 =	sadd.s32 $0x11600, s0;
	v24 =	vld.idx.msk [tilespmem:v28+s25+$0x0], $0xffff;
	v28 =	vor.u32 v5, v13;
	[tilespmem:s24+$0xFFFFFF90] =	vst v26  }
0x277: {  	s8 =	sand.u32 $0x300, s18;
	s11 =	sadd.s32 s6, s0;
	v25 =	vor.u32 v9, v19;
	v18 =	vld.idx.msk [tilespmem:v18+s25+$0x0], $0xffff;
	[tilespmem:s2+$0x6010] =	vst v23  }
0x278: {  	s6 =	sadd.s32 s8, s0;
	[tilespmem:s11+$0x6000] =	vst v27;
	v23 =	vor.u32 v7, v20;
	v26 =	vld.idx.msk [tilespmem:v29+s25+$0x0], $0xffff  }
0x279: {  	v27 =	vld.idx.msk [tilespmem:v30+s25+$0x0], $0xffff;
	v29 =	vor.u32 v7, v22;
	[tilespmem:s6+$0x6000] =	vst v15  }
0x27a: {  	s9 =	simm.s32 $0x7;
	v16 =	vld.idx.msk [tilespmem:v16+s25+$0x0], $0xffff;
	[tilespmem:s5+$0xFFFFFFD0] =	vst v17;
	v17 =	vor.u32 v9, v21  }
0x27b: {  	v31 =	vor.u32 v6, v14;
	v30 =	vmov s9;
	v28 =	vld.idx.msk [tilespmem:v28+s25+$0x0], $0xffff  }
0x27c: {  	v15 =	vand.u32 $0x3F, v30;
	v25 =	vld.idx.msk [tilespmem:v25+s25+$0x0], $0xffff;
	[tilespmem:s12+$0x6020] =	vst v18;
	v18 =	vor.u32 v6, v12  }
0x27d: {  	v15 =	vbroadcast v15, $0x0;
	v23 =	vld.idx.msk [tilespmem:v23+s25+$0x0], $0xffff;
	[tilespmem:s2+$0x6020] =	vst v26;
	v26 =	vor.u32 v10, v19  }
0x27e: {  	v52 =	vor.u32 v8, v20;
	[tilespmem:s22+$0x6040] =	vst v24;
	v24 =	vld.idx.msk [tilespmem:v29+s25+$0x0], $0xffff  }
0x27f: {  	s10 =	simm.s32 $0x8;
	v29 =	vor.u32 v1, v15;
	[tilespmem:s11+$0x6010] =	vst v16;
	v30 =	vld.idx.msk [tilespmem:v17+s25+$0x0], $0xffff  }
0x280: {  	v53 =	vor.u32 v8, v22;
	s13 =	simm.s32 $0x9;
	[tilespmem:s24+$0xFFFFFFA0] =	vst v27;
	v16 =	vmov s10;
	v27 =	vld.idx.msk [tilespmem:v31+s25+$0x0], $0xffff  }
0x281: {  	v16 =	vand.u32 $0x3C, v16;
	v17 =	vmov s13;
	v31 =	vor.u32 v7, v14;
	[tilespmem:s5+$0xFFFFFFE0] =	vst v25;
	v25 =	vld.idx.msk [tilespmem:v18+s25+$0x0], $0xffff  }
0x282: {  	v54 =	vor.u32 v10, v21;
	s18 =	simm.s32 $0xA;
	v16 =	vbroadcast v16, $0x0;
	v17 =	vand.u32 $0x3D, v17;
	[tilespmem:s12+$0x6030] =	vst v23;
	v26 =	vld.idx.msk [tilespmem:v26+s25+$0x0], $0xffff  }
0x283: {  	v18 =	vmov s18;
	v17 =	vbroadcast v17, $0x0;
	v23 =	vor.u32 v7, v12;
	v32 =	vld.idx.msk [tilespmem:v52+s25+$0x0], $0xffff  }
0x284: {  	v18 =	vand.u32 $0x3E, v18;
	v29 =	vld.idx.msk [tilespmem:v29+s25+$0x0], $0xffff;
	[tilespmem:s2+$0x6030] =	vst v24;
	v24 =	vor.u32 v1, v16  }
0x285: {  	v18 =	vbroadcast v18, $0x0;
	v55 =	vor.u32 v1, v17;
	[tilespmem:s11+$0x6020] =	vst v27;
	v27 =	vld.idx.msk [tilespmem:v53+s25+$0x0], $0xffff  }
0x286: {  	v56 =	vor.u32 v5, v15;
	[tilespmem:s22+$0x6050] =	vst v30;
	v31 =	vld.idx.msk [tilespmem:v31+s25+$0x0], $0xffff  }
0x287: {  	s8 =	simm.s32 $0x380;
	v30 =	vor.u32 v1, v18;
	[tilespmem:s24+$0xFFFFFFB0] =	vst v25;
	v25 =	vld.idx.msk [tilespmem:v54+s25+$0x0], $0xffff  }
0x288: {  	v58 =	vor.u32 v9, v22;
	s7 =	sand.u32 $0x380, s8;
	[tilespmem:s6+$0x6010] =	vst v28;
	v23 =	vld.idx.msk [tilespmem:v23+s25+$0x0], $0xffff  }
0x289: {  	s30 =	sadd.s32 s7, s0;
	v28 =	vor.u32 v8, v14;
	[tilespmem:s12+$0x6040] =	vst v32;
	v24 =	vld.idx.msk [tilespmem:v24+s25+$0x0], $0xffff  }
0x28a: {  	v21 =	vor.u32 v11, v21;
	[tilespmem:s30+$0x6000] =	vst v29;
	v29 =	vld.idx.msk [tilespmem:v55+s25+$0x0], $0xffff  }
0x28b: {  	v57 =	vor.u32 v9, v20;
	[tilespmem:s5+$0xFFFFFFF0] =	vst v26;
	v33 =	vld.idx.msk [tilespmem:v56+s25+$0x0], $0xffff  }
0x28c: {  	[tilespmem:s2+$0x6040] =	vst v27;
	v27 =	vld.idx.msk [tilespmem:v30+s25+$0x0], $0xffff;
	v30 =	vor.u32 v8, v12  }
0x28d: {  	s9 =	simm.s32 $0x400;
	[tilespmem:s11+$0x6030] =	vst v31;
	v31 =	vor.u32 v5, v16;
	v59 =	vld.idx.msk [tilespmem:v58+s25+$0x0], $0xffff  }
0x28e: {  	s10 =	sand.u32 $0x1C00, s9;
	s13 =	simm.s32 $0x480;
	[tilespmem:s22+$0x6060] =	vst v25;
	v25 =	vor.u32 v6, v13;
	v28 =	vld.idx.msk [tilespmem:v28+s25+$0x0], $0xffff  }
0x28f: {  	s0 =	simm.s32 $0x17A70;
	s8 =	sadd.s32 $0x11600, s10;
	s18 =	sand.u32 $0x280, s13;
	[tilespmem:s24+$0xFFFFFFC0] =	vst v23;
	v21 =	vld.idx.msk [tilespmem:v21+s25+$0x0], $0xffff;
	v23 =	vor.u32 v5, v17  }
0x290: {  	v19 =	vor.u32 v11, v19;
	s18 =	sadd.s32 s18, s8;
	[tilespmem:s0+$0xFFFFFF90] =	vst v24;
	v24 =	vld.idx.msk [tilespmem:v57+s25+$0x0], $0xffff  }
0x291: {  	[tilespmem:s18+$0x6000] =	vst v29;
	v29 =	vor.u32 v6, v15;
	v30 =	vld.idx.msk [tilespmem:v30+s25+$0x0], $0xffff  }
0x292: {  	v26 =	vor.u32 v10, v20;
	[tilespmem:s30+$0x6010] =	vst v33;
	v60 =	vld.idx.msk [tilespmem:v31+s25+$0x0], $0xffff  }
0x293: {  	v31 =	vor.u32 v9, v12;
	v25 =	vld.idx.msk [tilespmem:v25+s25+$0x0], $0xffff;
	[tilespmem:s2+$0x6050] =	vst v59  }
0x294: {  	v36 =	vor.u32 v9, v14;
	[tilespmem:s11+$0x6040] =	vst v28;
	v61 =	vld.idx.msk [tilespmem:v23+s25+$0x0], $0xffff  }
0x295: {  	s10 =	simm.s32 $0x500;
	v28 =	vor.u32 v5, v18;
	[tilespmem:s22+$0x6070] =	vst v21;
	v23 =	vld.idx.msk [tilespmem:v19+s25+$0x0], $0xffff  }
0x296: {  	s7 =	sand.u32 $0x300, s10;
	v21 =	vor.u32 v7, v13;
	v29 =	vld.idx.msk [tilespmem:v29+s25+$0x0], $0xffff;
	[tilespmem:s12+$0x6050] =	vst v24  }
0x297: {  	s22 =	sadd.s32 s7, s8;
	v24 =	vor.u32 v10, v22;
	v26 =	vld.idx.msk [tilespmem:v26+s25+$0x0], $0xffff;
	[tilespmem:s24+$0xFFFFFFD0] =	vst v30  }
0x298: {  	[tilespmem:s22+$0x6000] =	vst v27;
	v30 =	vor.u32 v7, v15;
	v27 =	vld.idx.msk [tilespmem:v31+s25+$0x0], $0xffff  }
0x299: {  	v62 =	vor.u32 v11, v20;
	s13 =	simm.s32 $0xB;
	[tilespmem:s6+$0x6020] =	vst v25;
	v25 =	vld.idx.msk [tilespmem:v36+s25+$0x0], $0xffff  }
0x29a: {  	v37 =	vor.u32 v6, v17;
	v19 =	vmov s13;
	[tilespmem:s0+$0xFFFFFFA0] =	vst v60;
	v63 =	vld.idx.msk [tilespmem:v28+s25+$0x0], $0xffff  }
0x29b: {  	v19 =	vand.u32 $0x3F, v19;
	[tilespmem:s18+$0x6010] =	vst v61;
	v31 =	vld.idx.msk [tilespmem:v21+s25+$0x0], $0xffff  }
0x29c: {  	v20 =	vor.u32 v8, v15;
	v33 =	vor.u32 v6, v16;
	v19 =	vbroadcast v19, $0x0;
	[tilespmem:s30+$0x6020] =	vst v29;
	v29 =	vld.idx.msk [tilespmem:v24+s25+$0x0], $0xffff  }
0x29d: {  	v32 =	vor.u32 v8, v13;
	v24 =	vor.u32 v10, v12;
	v30 =	vld.idx.msk [tilespmem:v30+s25+$0x0], $0xffff;
	[tilespmem:s12+$0x6060] =	vst v26  }
0x29e: {  	v34 =	vor.u32 v1, v19;
	v26 =	vor.u32 v11, v22;
	v28 =	vld.idx.msk [tilespmem:v62+s25+$0x0], $0xffff;
	[tilespmem:s24+$0xFFFFFFE0] =	vst v27  }
0x29f: {  	s9 =	simm.s32 $0x580;
	s10 =	simm.s32 $0xC;
	v21 =	vor.u32 v6, v18;
	v22 =	vor.u32 v8, v19;
	v27 =	vld.idx.msk [tilespmem:v37+s25+$0x0], $0xffff;
	[tilespmem:s22+$0x6010] =	vst v63  }
.LBB2_13:
0x2a0: {  	s13 =	sadd.s32 $0x1, s10  }
0x2a1: {  	v35 =	vmov s10;
	p0 =	slt.u32 s10, $0x3C;
	v33 =	vld.idx.msk [tilespmem:v33+s25+$0x0], $0xffff;
	v36 =	vor.u32 v10, v14;
	[tilespmem:s6+$0x6030] =	vst v31;
	s7 =	smov.u32 s10;
	s10 =	sadd.s32 $0x4, s10  }
0x2a2: {  	v37 =	vor.u32 v7, v17;
	v31 =	vand.u32 $0x3C, v35;
	v35 =	vmov s13;
	s13 =	sadd.s32 $0x2, s7;
	v24 =	vld.idx.msk [tilespmem:v24+s25+$0x0], $0xffff;
	[tilespmem:s2+$0x6060] =	vst v29  }
0x2a3: {  	v29 =	vbroadcast v31, $0x0;
	v31 =	vand.u32 $0x3D, v35;
	v35 =	vmov s13;
	[tilespmem:s30+$0x6030] =	vst v30;
	v26 =	vld.idx.msk [tilespmem:v26+s25+$0x0], $0xffff  }
0x2a4: {  	v30 =	vbroadcast v31, $0x0;
	v31 =	vand.u32 $0x3E, v35;
	v35 =	vor.u32 v7, v16;
	v34 =	vld.idx.msk [tilespmem:v34+s25+$0x0], $0xffff;
	[tilespmem:s12+$0x6070] =	vst v28;
	s12 =	smov.u32 s6;
	s6 =	smov.u32 s22  }
0x2a5: {  	v28 =	vor.u32 v1, v29;
	v31 =	vbroadcast v31, $0x0;
	v32 =	vld.idx.msk [tilespmem:v32+s25+$0x0], $0xffff;
	[tilespmem:s5+$0x0] =	vst v23;
	s5 =	smov.u32 s24;
	s24 =	smov.u32 s0  }
0x2a6: {  	v23 =	vor.u32 v1, v30;
	[tilespmem:s18+$0x6020] =	vst v27;
	v27 =	vld.idx.msk [tilespmem:v20+s25+$0x0], $0xffff;
	v20 =	vmov v22  }
0x2a7: {  	v38 =	vor.u32 v5, v19;
	v22 =	vor.u32 v1, v31;
	v37 =	vld.idx.msk [tilespmem:v37+s25+$0x0], $0xffff;
	[tilespmem:s11+$0x6050] =	vst v25  }
0x2a8: {  	s13 =	sand.u32 $0x380, s9;
	[tilespmem:s0+$0xFFFFFFB0] =	vst v33;
	v25 =	vld.idx.msk [tilespmem:v36+s25+$0x0], $0xffff  }
0x2a9: {  	v33 =	vld.idx.msk [tilespmem:v35+s25+$0x0], $0xffff;
	v35 =	vor.u32 v8, v17;
	[tilespmem:s2+$0x6070] =	vst v26;
	s2 =	smov.u32 s30;
	s30 =	sadd.s32 s13, s8  }
0x2aa: {  	v26 =	vld.idx.msk [tilespmem:v28+s25+$0x0], $0xffff;
	[tilespmem:s30+$0x6000] =	vst v34;
	v28 =	vor.u32 v11, v14;
	v14 =	vmov v17;
	v17 =	vmov v30  }
0x2ab: {  	v30 =	vor.u32 v9, v13;
	v23 =	vld.idx.msk [tilespmem:v23+s25+$0x0], $0xffff;
	[tilespmem:s12+$0x6040] =	vst v32;
	v32 =	vor.u32 v9, v15  }
0x2ac: {  	s9 =	sadd.s32 $0x200, s9;
	v34 =	vor.u32 v5, v29;
	v36 =	vld.idx.msk [tilespmem:v38+s25+$0x0], $0xffff;
	[tilespmem:s2+$0x6040] =	vst v27  }
0x2ad: {  	s8 =	sadd.s32 $0xFFFFFE80, s9;
	v27 =	vor.u32 v5, v17;
	v38 =	vor.u32 v8, v16;
	v22 =	vld.idx.msk [tilespmem:v22+s25+$0x0], $0xffff;
	[tilespmem:s18+$0x6030] =	vst v37  }
0x2ae: {  	s0 =	sadd.s32 $0x200, s0;
	s13 =	sadd.s32 $0xFFFFFF00, s9;
	s8 =	sand.u32 $0x1C00, s8;
	v37 =	vor.u32 v5, v31;
	v35 =	vld.idx.msk [tilespmem:v35+s25+$0x0], $0xffff;
	[tilespmem:s11+$0x6060] =	vst v25  }
0x2af: {  	s22 =	sadd.s32 $0xFFFFFF80, s9;
	s13 =	sand.u32 $0x280, s13;
	s8 =	sadd.s32 $0x11600, s8;
	[tilespmem:s24+$0xFFFFFFC0] =	vst v33;
	v25 =	vld.idx.msk [tilespmem:v28+s25+$0x0], $0xffff  }
0x2b0: {  	s22 =	sand.u32 $0x300, s22;
	s13 =	sadd.s32 s13, s8;
	[tilespmem:s0+$0xFFFFFF90] =	vst v26;
	v26 =	vld.idx.msk [tilespmem:v30+s25+$0x0], $0xffff  }
0x2b1: {  	s22 =	sadd.s32 s22, s8;
	[tilespmem:s13+$0x6000] =	vst v23;
	v23 =	vor.u32 v6, v19;
	v28 =	vld.idx.msk [tilespmem:v32+s25+$0x0], $0xffff  }
0x2b2: {  	v30 =	vld.idx.msk [tilespmem:v38+s25+$0x0], $0xffff;
	[tilespmem:s5+$0xFFFFFFF0] =	vst v24;
	v24 =	vor.u32 v10, v13  }
0x2b3: {  	v33 =	vor.u32 v11, v12;
	v12 =	vmov v16;
	v16 =	vmov v29;
	v32 =	vld.idx.msk [tilespmem:v34+s25+$0x0], $0xffff;
	[tilespmem:s30+$0x6010] =	vst v36  }
0x2b4: {  	v29 =	vor.u32 v9, v12;
	v36 =	vor.u32 v6, v17;
	[tilespmem:s18+$0x6040] =	vst v35;
	v34 =	vld.idx.msk [tilespmem:v21+s25+$0x0], $0xffff  }
0x2b5: {  	v21 =	vor.u32 v6, v31;
	v27 =	vld.idx.msk [tilespmem:v27+s25+$0x0], $0xffff;
	[tilespmem:s11+$0x6070] =	vst v25;
	s11 =	smov.u32 s18;
	s18 =	smov.u32 s13  }
0x2b6: {  	v38 =	vor.u32 v10, v15;
	v25 =	vor.u32 v7, v18;
	v35 =	vld.idx.msk [tilespmem:v23+s25+$0x0], $0xffff;
	[tilespmem:s12+$0x6050] =	vst v26  }
0x2b7: {  	v39 =	vld.idx.msk [tilespmem:v24+s25+$0x0], $0xffff;
	[tilespmem:s2+$0x6050] =	vst v28  }
0x2b8: {  	v28 =	vor.u32 v7, v19;
	[tilespmem:s24+$0xFFFFFFD0] =	vst v30;
	v23 =	vld.idx.msk [tilespmem:v33+s25+$0x0], $0xffff  }
0x2b9: {  	[tilespmem:s22+$0x6000] =	vst v22;
	v40 =	vld.idx.msk [tilespmem:v29+s25+$0x0], $0xffff;
	v22 =	vor.u32 v11, v13;
	v13 =	vmov v18;
	v18 =	vmov v31  }
0x2ba: {  	s7 =	sadd.s32 $0x3, s7;
	v41 =	vor.u32 v9, v14;
	v37 =	vld.idx.msk [tilespmem:v37+s25+$0x0], $0xffff;
	[tilespmem:s6+$0x6020] =	vst v34  }
0x2bb: {  	v26 =	vor.u32 v11, v15;
	v15 =	vmov v19;
	v24 =	vmov s7;
	[tilespmem:s18+$0x6010] =	vst v27;
	v31 =	vld.idx.msk [tilespmem:v25+s25+$0x0], $0xffff  }
.Ltmp5:
0x2bc: {  	v33 =	vor.u32 v6, v16;
	v19 =	vand.u32 $0x3F, v24;
	[tilespmem:s30+$0x6020] =	vst v35;
	v29 =	vld.idx.msk [tilespmem:v38+s25+$0x0], $0xffff;
	(pc) =	sbr.rel @p0 .LBB2_13-.Ltmp5, $4  }
0x2bd: {  	v24 =	vor.u32 v10, v12;
	v19 =	vbroadcast v19, $0x0;
	v30 =	vld.idx.msk [tilespmem:v28+s25+$0x0], $0xffff;
	[tilespmem:s12+$0x6060] =	vst v39  }
0x2be: {  	[tilespmem:s0+$0xFFFFFFA0] =	vst v32;
	v28 =	vld.idx.msk [tilespmem:v22+s25+$0x0], $0xffff  }
0x2bf: {  	v34 =	vor.u32 v1, v19;
	v22 =	vor.u32 v8, v19;
	[tilespmem:s24+$0xFFFFFFE0] =	vst v40;
	v25 =	vld.idx.msk [tilespmem:v41+s25+$0x0], $0xffff  }
0x2c0: {  	v32 =	vor.u32 v8, v13;
	v27 =	vld.idx.msk [tilespmem:v36+s25+$0x0], $0xffff;
	[tilespmem:s22+$0x6010] =	vst v37  }
0x2c1: {  	_ =	sdelay $0x3  }
0x2c2: {  	v34 =	vld.idx.msk [tilespmem:v34+s25+$0x0], $0xffff  }
0x2c3: {  	v35 =	vor.u32 v5, v19;
	_ =	sdelay $0x1  }
0x2c4: {  	[tilespmem:s6+$0x6030] =	vst v31;
	s7 =	sand.u32 $0x380, s9  }
0x2c5: {  	[tilespmem:s2+$0x6060] =	vst v29;
	s7 =	sadd.s32 s7, s8  }
0x2c6: {  	[tilespmem:s7+$0x6000] =	vst v34  }
0x2c7: {  	[tilespmem:s5+$0x0] =	vst v23;
	v51 =	vld.idx.msk [tilespmem:v35+s25+$0x0], $0xffff  }
0x2c8: {  	v52 =	vld.idx.msk [tilespmem:v33+s25+$0x0], $0xffff;
	v53 =	vor.u32 v6, v19;
	[tilespmem:s30+$0x6030] =	vst v30  }
0x2c9: {  	v54 =	vor.u32 v7, v17;
	v21 =	vld.idx.msk [tilespmem:v21+s25+$0x0], $0xffff;
	[tilespmem:s12+$0x6070] =	vst v28  }
0x2ca: {  	v55 =	vor.u32 v10, v14;
	v26 =	vld.idx.msk [tilespmem:v26+s25+$0x0], $0xffff;
	[tilespmem:s11+$0x6050] =	vst v25  }
0x2cb: {  	v56 =	vor.u32 v7, v16;
	v32 =	vld.idx.msk [tilespmem:v32+s25+$0x0], $0xffff;
	[tilespmem:s18+$0x6020] =	vst v27  }
0x2cc: {  	v57 =	vor.u32 v7, v18;
	v20 =	vld.idx.msk [tilespmem:v20+s25+$0x0], $0xffff;
	[tilespmem:s7+$0x6010] =	vst v51  }
0x2cd: {  	[tilespmem:s0+$0xFFFFFFB0] =	vst v52;
	v28 =	vld.idx.msk [tilespmem:v53+s25+$0x0], $0xffff  }
0x2ce: {  	v59 =	vor.u32 v7, v19;
	v58 =	vld.idx.msk [tilespmem:v54+s25+$0x0], $0xffff;
	[tilespmem:s22+$0x6020] =	vst v21  }
0x2cf: {  	v61 =	vor.u32 v9, v13;
	v23 =	vld.idx.msk [tilespmem:v55+s25+$0x0], $0xffff;
	[tilespmem:s2+$0x6070] =	vst v26  }
0x2d0: {  	v36 =	vor.u32 v9, v15;
	[tilespmem:s6+$0x6040] =	vst v32;
	v27 =	vld.idx.msk [tilespmem:v56+s25+$0x0], $0xffff  }
0x2d1: {  	v60 =	vor.u32 v8, v17;
	v63 =	vld.idx.msk [tilespmem:v57+s25+$0x0], $0xffff;
	[tilespmem:s30+$0x6040] =	vst v20  }
0x2d2: {  	v33 =	vor.u32 v8, v18;
	v32 =	vld.idx.msk [tilespmem:v24+s25+$0x0], $0xffff;
	[tilespmem:s7+$0x6020] =	vst v28  }
0x2d3: {  	v34 =	vor.u32 v8, v16;
	[tilespmem:s18+$0x6030] =	vst v58;
	v26 =	vld.idx.msk [tilespmem:v59+s25+$0x0], $0xffff  }
0x2d4: {  	v37 =	vld.idx.msk [tilespmem:v61+s25+$0x0], $0xffff;
	[tilespmem:s11+$0x6060] =	vst v23  }
0x2d5: {  	v62 =	vor.u32 v11, v14;
	v23 =	vld.idx.msk [tilespmem:v36+s25+$0x0], $0xffff;
	[tilespmem:s0+$0xFFFFFFC0] =	vst v27  }
0x2d6: {  	v12 =	vor.u32 v11, v12;
	v35 =	vld.idx.msk [tilespmem:v60+s25+$0x0], $0xffff;
	[tilespmem:s22+$0x6030] =	vst v63  }
0x2d7: {  	v39 =	vor.u32 v9, v17;
	[tilespmem:s24+$0xFFFFFFF0] =	vst v32;
	v40 =	vld.idx.msk [tilespmem:v33+s25+$0x0], $0xffff  }
0x2d8: {  	v42 =	vor.u32 v9, v18;
	v41 =	vld.idx.msk [tilespmem:v34+s25+$0x0], $0xffff;
	[tilespmem:s7+$0x6030] =	vst v26  }
0x2d9: {  	v43 =	vor.u32 v9, v16;
	[tilespmem:s6+$0x6050] =	vst v37;
	v22 =	vld.idx.msk [tilespmem:v22+s25+$0x0], $0xffff  }
0x2da: {  	v44 =	vor.u32 v9, v19;
	v14 =	vld.idx.msk [tilespmem:v62+s25+$0x0], $0xffff;
	[tilespmem:s30+$0x6050] =	vst v23  }
0x2db: {  	v38 =	vor.u32 v10, v13;
	v12 =	vld.idx.msk [tilespmem:v12+s25+$0x0], $0xffff;
	[tilespmem:s18+$0x6040] =	vst v35  }
0x2dc: {  	v45 =	vor.u32 v10, v15;
	v20 =	vld.idx.msk [tilespmem:v39+s25+$0x0], $0xffff;
	[tilespmem:s22+$0x6040] =	vst v40  }
0x2dd: {  	v48 =	vor.u32 v10, v17;
	[tilespmem:s0+$0xFFFFFFD0] =	vst v41;
	v49 =	vld.idx.msk [tilespmem:v42+s25+$0x0], $0xffff  }
0x2de: {  	v51 =	vor.u32 v10, v18;
	v50 =	vld.idx.msk [tilespmem:v43+s25+$0x0], $0xffff;
	[tilespmem:s7+$0x6040] =	vst v22  }
0x2df: {  	v52 =	vor.u32 v10, v16;
	[tilespmem:s11+$0x6070] =	vst v14;
	v53 =	vld.idx.msk [tilespmem:v44+s25+$0x0], $0xffff  }
0x2e0: {  	v54 =	vor.u32 v10, v19;
	v46 =	vld.idx.msk [tilespmem:v38+s25+$0x0], $0xffff;
	[tilespmem:s24+$0x0] =	vst v12  }
0x2e1: {  	v47 =	vor.u32 v11, v13;
	v14 =	vld.idx.msk [tilespmem:v45+s25+$0x0], $0xffff;
	[tilespmem:s18+$0x6050] =	vst v20  }
0x2e2: {  	v55 =	vor.u32 v11, v15;
	v20 =	vld.idx.msk [tilespmem:v48+s25+$0x0], $0xffff;
	[tilespmem:s22+$0x6050] =	vst v49  }
0x2e3: {  	v56 =	vor.u32 v11, v17;
	[tilespmem:s0+$0xFFFFFFE0] =	vst v50;
	v57 =	vld.idx.msk [tilespmem:v51+s25+$0x0], $0xffff  }
0x2e4: {  	v59 =	vor.u32 v11, v18;
	v58 =	vld.idx.msk [tilespmem:v52+s25+$0x0], $0xffff;
	[tilespmem:s7+$0x6050] =	vst v53  }
0x2e5: {  	v60 =	vor.u32 v11, v16;
	[tilespmem:s6+$0x6060] =	vst v46;
	v61 =	vld.idx.msk [tilespmem:v54+s25+$0x0], $0xffff  }
0x2e6: {  	v62 =	vor.u32 v11, v19;
	v13 =	vld.idx.msk [tilespmem:v47+s25+$0x0], $0xffff;
	[tilespmem:s30+$0x6060] =	vst v14  }
0x2e7: {  	v15 =	vld.idx.msk [tilespmem:v55+s25+$0x0], $0xffff;
	[tilespmem:s18+$0x6060] =	vst v20  }
0x2e8: {  	v17 =	vld.idx.msk [tilespmem:v56+s25+$0x0], $0xffff;
	[tilespmem:s22+$0x6060] =	vst v57  }
0x2e9: {  	[tilespmem:s0+$0xFFFFFFF0] =	vst v58;
	v18 =	vld.idx.msk [tilespmem:v59+s25+$0x0], $0xffff  }
0x2ea: {  	v14 =	vld.idx.msk [tilespmem:v60+s25+$0x0], $0xffff;
	[tilespmem:s7+$0x6060] =	vst v61  }
0x2eb: {  	[tilespmem:s6+$0x6070] =	vst v13;
	v63 =	vld.idx.msk [tilespmem:v62+s25+$0x0], $0xffff  }
0x2ec: {  	[tilespmem:s30+$0x6070] =	vst v15  }
0x2ed: {  	[tilespmem:s18+$0x6070] =	vst v17  }
0x2ee: {  	[tilespmem:s22+$0x6070] =	vst v18  }
0x2ef: {  	s14 =	sadd.s32 $0x1, s14;
	[tilespmem:s0+$0x0] =	vst v14  }
0x2f0: {  	p0 =	sne.s32 s14, $0x31;
	[tilespmem:s7+$0x6070] =	vst v63  }
.Ltmp6:
0x2f1: {  	s0 =	rddreg [dreg:$0x8];
	(pc) =	sbr.rel @p0 .LBB2_6-.Ltmp6, $4  }
0x2f2: {  	s24 =	simm.s32 $0x17600;
	s0 =	sadd.s32 s15, s0  }
0x2f3: {  	[hbm4b:s0+s28] =	stream.strided.scatter [tilespmem:s24], [sflag:$0x8], $0x2000, s29, s28, $0x38;
	[tilespmem:$0x19600] =	vst v63  }
0x2f4: {  	s30 =	sadd.s32 $0x3580, s16  }
0x2f5: {  	[tilespmem:s25], [sflag:$0x4] =	stream.indirect.gather [hbm4b:s4+s17], $0x40, s30, s17, $0xb8;
	[tilespmem:$0x19600] =	vst v63  }
0x2f6: {  	s0 =	simm.s32 $0x0  }
0x2f7: {  	s7 =	simm.s32 $0x1;
	v12 =	vmov s0  }
0x2f8: {  	v13 =	vmov s7;
	v12 =	vand.u32 $0x3C, v12  }
0x2f9: {  	s24 =	simm.s32 $0x5;
	v19 =	vbroadcast v12, $0x0;
	v12 =	vand.u32 $0x3D, v13  }
0x2fa: {  	_ =	swait.ge [sflag:s24], $0x2000;
	v21 =	vbroadcast v12, $0x0  }
0x2fb: {  	[sflag:s24] =	ssyncset.done $0x0;
	v12 =	vor.u32 v1, v19  }
0x2fc: {  	[sflag:s24] =	ssyncadd.s32 $0xFFFFE000;
	v13 =	vor.u32 v1, v21  }
0x2fd: {  	_ =	swait.ge [sflag:s26], $0x2000  }
0x2fe: {  	[sflag:s26] =	ssyncset.done $0x0  }
0x2ff: {  	[sflag:s26] =	ssyncadd.s32 $0xFFFFE000  }
0x300: {  	v12 =	vld.idx.msk [tilespmem:v12+s19+$0x0], $0xffff  }
0x301: {  	s8 =	simm.s32 $0x2;
	v14 =	vor.u32 v5, v19;
	v13 =	vld.idx.msk [tilespmem:v13+s19+$0x0], $0xffff  }
0x302: {  	s9 =	simm.s32 $0x0;
	v15 =	vmov s8;
	v16 =	vor.u32 v5, v21  }
0x303: {  	s2 =	simm.s32 $0x80;
	s0 =	sand.u32 $0x1C00, s9;
	v15 =	vand.u32 $0x3E, v15  }
0x304: {  	s5 =	simm.s32 $0x11640;
	s2 =	sand.u32 $0x280, s2;
	s0 =	sadd.s32 $0x11600, s0;
	v20 =	vbroadcast v15, $0x0  }
0x305: {  	s10 =	simm.s32 $0x3;
	s16 =	sadd.s32 s2, s0;
	[tilespmem:s5+$0xFFFFFFC0] =	vst v12  }
0x306: {  	v12 =	vor.u32 v1, v20;
	[tilespmem:s16+$0x0] =	vst v13;
	v13 =	vld.idx.msk [tilespmem:v14+s19+$0x0], $0xffff;
	v14 =	vmov s10  }
0x307: {  	v15 =	vld.idx.msk [tilespmem:v16+s19+$0x0], $0xffff;
	v16 =	vor.u32 v6, v19;
	v14 =	vand.u32 $0x3F, v14  }
0x308: {  	v17 =	vor.u32 v6, v21;
	v22 =	vbroadcast v14, $0x0;
	_ =	sdelay $0x1  }
0x309: {  	s11 =	simm.s32 $0x4;
	v18 =	vor.u32 v1, v22  }
0x30a: {  	v23 =	vld.idx.msk [tilespmem:v12+s19+$0x0], $0xffff;
	v12 =	vmov s11;
	[tilespmem:s5+$0xFFFFFFD0] =	vst v13  }
0x30b: {  	s12 =	simm.s32 $0x5;
	v24 =	vor.u32 v5, v20;
	v12 =	vand.u32 $0x3C, v12;
	[tilespmem:s16+$0x10] =	vst v15;
	v15 =	vld.idx.msk [tilespmem:v16+s19+$0x0], $0xffff  }
0x30c: {  	s6 =	simm.s32 $0x100;
	s13 =	simm.s32 $0x6;
	v13 =	vmov s12;
	v12 =	vbroadcast v12, $0x0;
	v16 =	vld.idx.msk [tilespmem:v17+s19+$0x0], $0xffff;
	v17 =	vor.u32 v7, v19  }
0x30d: {  	s6 =	sand.u32 $0x300, s6;
	v26 =	vmov s13;
	v25 =	vor.u32 v7, v21;
	v13 =	vand.u32 $0x3D, v13  }
0x30e: {  	s12 =	sadd.s32 s6, s0;
	v14 =	vbroadcast v13, $0x0;
	v13 =	vand.u32 $0x3E, v26;
	v26 =	vor.u32 v1, v12;
	v18 =	vld.idx.msk [tilespmem:v18+s19+$0x0], $0xffff  }
0x30f: {  	v13 =	vbroadcast v13, $0x0;
	[tilespmem:s12+$0x0] =	vst v23;
	v23 =	vor.u32 v5, v22  }
0x310: {  	s14 =	simm.s32 $0x180;
	v27 =	vor.u32 v1, v14;
	v24 =	vld.idx.msk [tilespmem:v24+s19+$0x0], $0xffff;
	[tilespmem:s5+$0xFFFFFFE0] =	vst v15  }
0x311: {  	s2 =	sand.u32 $0x380, s14;
	v15 =	vor.u32 v1, v13;
	[tilespmem:s16+$0x20] =	vst v16;
	v16 =	vld.idx.msk [tilespmem:v17+s19+$0x0], $0xffff  }
0x312: {  	s2 =	sadd.s32 s2, s0;
	v17 =	vld.idx.msk [tilespmem:v25+s19+$0x0], $0xffff;
	v25 =	vor.u32 v8, v19  }
0x313: {  	v28 =	vor.u32 v8, v21;
	v26 =	vld.idx.msk [tilespmem:v26+s19+$0x0], $0xffff;
	[tilespmem:s2+$0x0] =	vst v18  }
0x314: {  	v18 =	vor.u32 v6, v20;
	v23 =	vld.idx.msk [tilespmem:v23+s19+$0x0], $0xffff  }
0x315: {  	v29 =	vor.u32 v6, v22;
	v27 =	vld.idx.msk [tilespmem:v27+s19+$0x0], $0xffff  }
0x316: {  	v30 =	vor.u32 v5, v12;
	v15 =	vld.idx.msk [tilespmem:v15+s19+$0x0], $0xffff;
	[tilespmem:s5+$0xFFFFFFF0] =	vst v16  }
0x317: {  	s15 =	simm.s32 $0x200;
	v16 =	vor.u32 v5, v14;
	[tilespmem:s16+$0x30] =	vst v17;
	v17 =	vld.idx.msk [tilespmem:v25+s19+$0x0], $0xffff  }
0x318: {  	s18 =	simm.s32 $0x280;
	s0 =	sand.u32 $0x1C00, s15;
	[tilespmem:s12+$0x10] =	vst v24;
	v25 =	vor.u32 v9, v19;
	v24 =	vld.idx.msk [tilespmem:v28+s19+$0x0], $0xffff  }
0x319: {  	s13 =	simm.s32 $0x11840;
	s6 =	sand.u32 $0x280, s18;
	s0 =	sadd.s32 $0x11600, s0;
	v28 =	vor.u32 v5, v13;
	v18 =	vld.idx.msk [tilespmem:v18+s19+$0x0], $0xffff;
	[tilespmem:s2+$0x10] =	vst v23  }
0x31a: {  	s7 =	simm.s32 $0x300;
	s11 =	sadd.s32 s6, s0;
	[tilespmem:s13+$0xFFFFFFC0] =	vst v26;
	v23 =	vor.u32 v7, v20;
	v26 =	vld.idx.msk [tilespmem:v29+s19+$0x0], $0xffff  }
0x31b: {  	s22 =	sand.u32 $0x300, s7;
	[tilespmem:s11+$0x0] =	vst v27;
	v27 =	vld.idx.msk [tilespmem:v30+s19+$0x0], $0xffff;
	v29 =	vor.u32 v7, v22  }
0x31c: {  	s30 =	simm.s32 $0x7;
	s6 =	sadd.s32 s22, s0;
	v16 =	vld.idx.msk [tilespmem:v16+s19+$0x0], $0xffff;
	[tilespmem:s5+$0x0] =	vst v17;
	v17 =	vor.u32 v9, v21  }
0x31d: {  	v31 =	vor.u32 v6, v14;
	v30 =	vmov s30;
	[tilespmem:s6+$0x0] =	vst v15;
	v25 =	vld.idx.msk [tilespmem:v25+s19+$0x0], $0xffff  }
0x31e: {  	v15 =	vand.u32 $0x3F, v30;
	v28 =	vld.idx.msk [tilespmem:v28+s19+$0x0], $0xffff;
	[tilespmem:s12+$0x20] =	vst v18;
	v18 =	vor.u32 v6, v12  }
0x31f: {  	v15 =	vbroadcast v15, $0x0;
	v23 =	vld.idx.msk [tilespmem:v23+s19+$0x0], $0xffff;
	[tilespmem:s2+$0x20] =	vst v26;
	v26 =	vor.u32 v10, v19  }
0x320: {  	v32 =	vor.u32 v8, v20;
	[tilespmem:s16+$0x40] =	vst v24;
	v24 =	vld.idx.msk [tilespmem:v29+s19+$0x0], $0xffff  }
0x321: {  	s8 =	simm.s32 $0x8;
	v29 =	vor.u32 v1, v15;
	[tilespmem:s11+$0x10] =	vst v16;
	v30 =	vld.idx.msk [tilespmem:v17+s19+$0x0], $0xffff  }
0x322: {  	s9 =	simm.s32 $0x9;
	v33 =	vor.u32 v8, v22;
	[tilespmem:s13+$0xFFFFFFD0] =	vst v27;
	v16 =	vmov s8;
	v27 =	vld.idx.msk [tilespmem:v31+s19+$0x0], $0xffff  }
0x323: {  	v16 =	vand.u32 $0x3C, v16;
	v17 =	vmov s9;
	v31 =	vor.u32 v7, v14;
	[tilespmem:s5+$0x10] =	vst v25;
	v25 =	vld.idx.msk [tilespmem:v18+s19+$0x0], $0xffff  }
0x324: {  	v34 =	vor.u32 v10, v21;
	s10 =	simm.s32 $0xA;
	v16 =	vbroadcast v16, $0x0;
	v17 =	vand.u32 $0x3D, v17;
	[tilespmem:s12+$0x30] =	vst v23;
	v26 =	vld.idx.msk [tilespmem:v26+s19+$0x0], $0xffff  }
0x325: {  	v18 =	vmov s10;
	v17 =	vbroadcast v17, $0x0;
	v23 =	vor.u32 v7, v12;
	v32 =	vld.idx.msk [tilespmem:v32+s19+$0x0], $0xffff  }
0x326: {  	v18 =	vand.u32 $0x3E, v18;
	v29 =	vld.idx.msk [tilespmem:v29+s19+$0x0], $0xffff;
	[tilespmem:s2+$0x30] =	vst v24;
	v24 =	vor.u32 v1, v16  }
0x327: {  	v18 =	vbroadcast v18, $0x0;
	v35 =	vor.u32 v1, v17;
	[tilespmem:s11+$0x20] =	vst v27;
	v27 =	vld.idx.msk [tilespmem:v33+s19+$0x0], $0xffff  }
0x328: {  	v56 =	vor.u32 v5, v15;
	[tilespmem:s16+$0x50] =	vst v30;
	v31 =	vld.idx.msk [tilespmem:v31+s19+$0x0], $0xffff  }
0x329: {  	s14 =	simm.s32 $0x380;
	v30 =	vor.u32 v1, v18;
	[tilespmem:s13+$0xFFFFFFE0] =	vst v25;
	v25 =	vld.idx.msk [tilespmem:v34+s19+$0x0], $0xffff  }
0x32a: {  	s7 =	sand.u32 $0x380, s14;
	v58 =	vor.u32 v9, v22;
	[tilespmem:s6+$0x10] =	vst v28;
	v23 =	vld.idx.msk [tilespmem:v23+s19+$0x0], $0xffff  }
0x32b: {  	s14 =	sadd.s32 s7, s0;
	v28 =	vor.u32 v8, v14;
	[tilespmem:s12+$0x40] =	vst v32;
	v24 =	vld.idx.msk [tilespmem:v24+s19+$0x0], $0xffff  }
0x32c: {  	v21 =	vor.u32 v11, v21;
	[tilespmem:s14+$0x0] =	vst v29;
	v29 =	vld.idx.msk [tilespmem:v35+s19+$0x0], $0xffff  }
0x32d: {  	v57 =	vor.u32 v9, v20;
	[tilespmem:s5+$0x20] =	vst v26;
	v33 =	vld.idx.msk [tilespmem:v56+s19+$0x0], $0xffff  }
0x32e: {  	[tilespmem:s2+$0x40] =	vst v27;
	v27 =	vld.idx.msk [tilespmem:v30+s19+$0x0], $0xffff;
	v30 =	vor.u32 v8, v12  }
0x32f: {  	s15 =	simm.s32 $0x400;
	[tilespmem:s11+$0x30] =	vst v31;
	v31 =	vor.u32 v5, v16;
	v59 =	vld.idx.msk [tilespmem:v58+s19+$0x0], $0xffff  }
0x330: {  	s18 =	simm.s32 $0x480;
	s0 =	sand.u32 $0x1C00, s15;
	[tilespmem:s16+$0x60] =	vst v25;
	v25 =	vor.u32 v6, v13;
	v28 =	vld.idx.msk [tilespmem:v28+s19+$0x0], $0xffff  }
0x331: {  	s15 =	simm.s32 $0x11A40;
	s7 =	sand.u32 $0x280, s18;
	s8 =	sadd.s32 $0x11600, s0;
	[tilespmem:s13+$0xFFFFFFF0] =	vst v23;
	v21 =	vld.idx.msk [tilespmem:v21+s19+$0x0], $0xffff;
	v23 =	vor.u32 v5, v17  }
0x332: {  	v19 =	vor.u32 v11, v19;
	s0 =	sadd.s32 s7, s8;
	[tilespmem:s15+$0xFFFFFFC0] =	vst v24;
	v24 =	vld.idx.msk [tilespmem:v57+s19+$0x0], $0xffff  }
0x333: {  	[tilespmem:s0+$0x0] =	vst v29;
	v29 =	vor.u32 v6, v15;
	v30 =	vld.idx.msk [tilespmem:v30+s19+$0x0], $0xffff  }
0x334: {  	v26 =	vor.u32 v10, v20;
	[tilespmem:s14+$0x10] =	vst v33;
	v60 =	vld.idx.msk [tilespmem:v31+s19+$0x0], $0xffff  }
0x335: {  	v31 =	vor.u32 v9, v12;
	v25 =	vld.idx.msk [tilespmem:v25+s19+$0x0], $0xffff;
	[tilespmem:s2+$0x50] =	vst v59  }
0x336: {  	v36 =	vor.u32 v9, v14;
	[tilespmem:s11+$0x40] =	vst v28;
	v61 =	vld.idx.msk [tilespmem:v23+s19+$0x0], $0xffff  }
0x337: {  	s22 =	simm.s32 $0x500;
	v28 =	vor.u32 v5, v18;
	[tilespmem:s16+$0x70] =	vst v21;
	v23 =	vld.idx.msk [tilespmem:v19+s19+$0x0], $0xffff  }
0x338: {  	s7 =	sand.u32 $0x300, s22;
	v21 =	vor.u32 v7, v13;
	v29 =	vld.idx.msk [tilespmem:v29+s19+$0x0], $0xffff;
	[tilespmem:s12+$0x50] =	vst v24  }
0x339: {  	s16 =	sadd.s32 s7, s8;
	v24 =	vor.u32 v10, v22;
	v26 =	vld.idx.msk [tilespmem:v26+s19+$0x0], $0xffff;
	[tilespmem:s13+$0x0] =	vst v30  }
0x33a: {  	[tilespmem:s16+$0x0] =	vst v27;
	v30 =	vor.u32 v7, v15;
	v27 =	vld.idx.msk [tilespmem:v31+s19+$0x0], $0xffff  }
0x33b: {  	v62 =	vor.u32 v11, v20;
	s30 =	simm.s32 $0xB;
	[tilespmem:s6+$0x20] =	vst v25;
	v25 =	vld.idx.msk [tilespmem:v36+s19+$0x0], $0xffff  }
0x33c: {  	v37 =	vor.u32 v6, v17;
	v19 =	vmov s30;
	[tilespmem:s15+$0xFFFFFFD0] =	vst v60;
	v63 =	vld.idx.msk [tilespmem:v28+s19+$0x0], $0xffff  }
0x33d: {  	v19 =	vand.u32 $0x3F, v19;
	[tilespmem:s0+$0x10] =	vst v61;
	v31 =	vld.idx.msk [tilespmem:v21+s19+$0x0], $0xffff  }
0x33e: {  	v20 =	vor.u32 v8, v15;
	v33 =	vor.u32 v6, v16;
	v19 =	vbroadcast v19, $0x0;
	[tilespmem:s14+$0x20] =	vst v29;
	v29 =	vld.idx.msk [tilespmem:v24+s19+$0x0], $0xffff  }
0x33f: {  	v32 =	vor.u32 v8, v13;
	v24 =	vor.u32 v10, v12;
	v30 =	vld.idx.msk [tilespmem:v30+s19+$0x0], $0xffff;
	[tilespmem:s12+$0x60] =	vst v26  }
0x340: {  	v34 =	vor.u32 v1, v19;
	v26 =	vor.u32 v11, v22;
	v28 =	vld.idx.msk [tilespmem:v62+s19+$0x0], $0xffff;
	[tilespmem:s13+$0x10] =	vst v27  }
0x341: {  	s9 =	simm.s32 $0x580;
	s10 =	simm.s32 $0xC;
	v21 =	vor.u32 v6, v18;
	v22 =	vor.u32 v8, v19;
	v27 =	vld.idx.msk [tilespmem:v37+s19+$0x0], $0xffff;
	[tilespmem:s16+$0x10] =	vst v63  }
.LBB2_16:
0x342: {  	s18 =	sadd.s32 $0x1, s10  }
0x343: {  	v35 =	vmov s10;
	p0 =	slt.u32 s10, $0x3C;
	v33 =	vld.idx.msk [tilespmem:v33+s19+$0x0], $0xffff;
	v36 =	vor.u32 v10, v14;
	[tilespmem:s6+$0x30] =	vst v31;
	s7 =	smov.u32 s10;
	s10 =	sadd.s32 $0x4, s10  }
0x344: {  	v37 =	vor.u32 v7, v17;
	v31 =	vand.u32 $0x3C, v35;
	v35 =	vmov s18;
	s18 =	sadd.s32 $0x2, s7;
	v24 =	vld.idx.msk [tilespmem:v24+s19+$0x0], $0xffff;
	[tilespmem:s2+$0x60] =	vst v29  }
0x345: {  	v29 =	vbroadcast v31, $0x0;
	v31 =	vand.u32 $0x3D, v35;
	v35 =	vmov s18;
	[tilespmem:s14+$0x30] =	vst v30;
	v26 =	vld.idx.msk [tilespmem:v26+s19+$0x0], $0xffff  }
0x346: {  	v30 =	vbroadcast v31, $0x0;
	v31 =	vand.u32 $0x3E, v35;
	v35 =	vor.u32 v7, v16;
	v34 =	vld.idx.msk [tilespmem:v34+s19+$0x0], $0xffff;
	[tilespmem:s12+$0x70] =	vst v28;
	s12 =	smov.u32 s6;
	s6 =	smov.u32 s16  }
0x347: {  	v28 =	vor.u32 v1, v29;
	v31 =	vbroadcast v31, $0x0;
	v32 =	vld.idx.msk [tilespmem:v32+s19+$0x0], $0xffff;
	[tilespmem:s5+$0x30] =	vst v23;
	s5 =	smov.u32 s13;
	s13 =	smov.u32 s15  }
0x348: {  	v23 =	vor.u32 v1, v30;
	[tilespmem:s0+$0x20] =	vst v27;
	v27 =	vld.idx.msk [tilespmem:v20+s19+$0x0], $0xffff;
	v20 =	vmov v22  }
0x349: {  	v38 =	vor.u32 v5, v19;
	v22 =	vor.u32 v1, v31;
	v37 =	vld.idx.msk [tilespmem:v37+s19+$0x0], $0xffff;
	[tilespmem:s11+$0x50] =	vst v25  }
0x34a: {  	s16 =	sand.u32 $0x380, s9;
	[tilespmem:s15+$0xFFFFFFE0] =	vst v33;
	v25 =	vld.idx.msk [tilespmem:v36+s19+$0x0], $0xffff  }
0x34b: {  	v33 =	vld.idx.msk [tilespmem:v35+s19+$0x0], $0xffff;
	v35 =	vor.u32 v8, v17;
	[tilespmem:s2+$0x70] =	vst v26;
	s2 =	smov.u32 s14;
	s14 =	sadd.s32 s16, s8  }
0x34c: {  	v26 =	vld.idx.msk [tilespmem:v28+s19+$0x0], $0xffff;
	[tilespmem:s14+$0x0] =	vst v34;
	v28 =	vor.u32 v11, v14;
	v14 =	vmov v17;
	v17 =	vmov v30  }
0x34d: {  	v30 =	vor.u32 v9, v13;
	v23 =	vld.idx.msk [tilespmem:v23+s19+$0x0], $0xffff;
	[tilespmem:s12+$0x40] =	vst v32;
	v32 =	vor.u32 v9, v15  }
0x34e: {  	s9 =	sadd.s32 $0x200, s9;
	v34 =	vor.u32 v5, v29;
	v36 =	vld.idx.msk [tilespmem:v38+s19+$0x0], $0xffff;
	[tilespmem:s2+$0x40] =	vst v27  }
0x34f: {  	s8 =	sadd.s32 $0xFFFFFE80, s9;
	v27 =	vor.u32 v5, v17;
	v38 =	vor.u32 v8, v16;
	v22 =	vld.idx.msk [tilespmem:v22+s19+$0x0], $0xffff;
	[tilespmem:s0+$0x30] =	vst v37  }
0x350: {  	s15 =	sadd.s32 $0x200, s15;
	s16 =	sadd.s32 $0xFFFFFF00, s9;
	s8 =	sand.u32 $0x1C00, s8;
	v37 =	vor.u32 v5, v31;
	v35 =	vld.idx.msk [tilespmem:v35+s19+$0x0], $0xffff;
	[tilespmem:s11+$0x60] =	vst v25  }
0x351: {  	s18 =	sadd.s32 $0xFFFFFF80, s9;
	s16 =	sand.u32 $0x280, s16;
	s8 =	sadd.s32 $0x11600, s8;
	[tilespmem:s13+$0xFFFFFFF0] =	vst v33;
	v25 =	vld.idx.msk [tilespmem:v28+s19+$0x0], $0xffff  }
0x352: {  	s22 =	sadd.s32 s16, s8;
	s16 =	sand.u32 $0x300, s18;
	[tilespmem:s15+$0xFFFFFFC0] =	vst v26;
	v26 =	vld.idx.msk [tilespmem:v30+s19+$0x0], $0xffff  }
0x353: {  	s16 =	sadd.s32 s16, s8;
	[tilespmem:s22+$0x0] =	vst v23;
	v23 =	vor.u32 v6, v19;
	v28 =	vld.idx.msk [tilespmem:v32+s19+$0x0], $0xffff  }
0x354: {  	v30 =	vld.idx.msk [tilespmem:v38+s19+$0x0], $0xffff;
	[tilespmem:s5+$0x20] =	vst v24;
	v24 =	vor.u32 v10, v13  }
0x355: {  	v33 =	vor.u32 v11, v12;
	v12 =	vmov v16;
	v16 =	vmov v29;
	v32 =	vld.idx.msk [tilespmem:v34+s19+$0x0], $0xffff;
	[tilespmem:s14+$0x10] =	vst v36  }
0x356: {  	v29 =	vor.u32 v9, v12;
	v36 =	vor.u32 v6, v17;
	[tilespmem:s0+$0x40] =	vst v35;
	v34 =	vld.idx.msk [tilespmem:v21+s19+$0x0], $0xffff  }
0x357: {  	v21 =	vor.u32 v6, v31;
	v27 =	vld.idx.msk [tilespmem:v27+s19+$0x0], $0xffff;
	[tilespmem:s11+$0x70] =	vst v25;
	s11 =	smov.u32 s0;
	s0 =	smov.u32 s22  }
0x358: {  	v38 =	vor.u32 v10, v15;
	v25 =	vor.u32 v7, v18;
	v35 =	vld.idx.msk [tilespmem:v23+s19+$0x0], $0xffff;
	[tilespmem:s12+$0x50] =	vst v26  }
0x359: {  	v39 =	vld.idx.msk [tilespmem:v24+s19+$0x0], $0xffff;
	[tilespmem:s2+$0x50] =	vst v28  }
0x35a: {  	v28 =	vor.u32 v7, v19;
	[tilespmem:s13+$0x0] =	vst v30;
	v23 =	vld.idx.msk [tilespmem:v33+s19+$0x0], $0xffff  }
0x35b: {  	[tilespmem:s16+$0x0] =	vst v22;
	v40 =	vld.idx.msk [tilespmem:v29+s19+$0x0], $0xffff;
	v22 =	vor.u32 v11, v13;
	v13 =	vmov v18;
	v18 =	vmov v31  }
0x35c: {  	s7 =	sadd.s32 $0x3, s7;
	v41 =	vor.u32 v9, v14;
	v37 =	vld.idx.msk [tilespmem:v37+s19+$0x0], $0xffff;
	[tilespmem:s6+$0x20] =	vst v34  }
0x35d: {  	v26 =	vor.u32 v11, v15;
	v15 =	vmov v19;
	v24 =	vmov s7;
	[tilespmem:s0+$0x10] =	vst v27;
	v31 =	vld.idx.msk [tilespmem:v25+s19+$0x0], $0xffff  }
.Ltmp7:
0x35e: {  	v33 =	vor.u32 v6, v16;
	v19 =	vand.u32 $0x3F, v24;
	[tilespmem:s14+$0x20] =	vst v35;
	v29 =	vld.idx.msk [tilespmem:v38+s19+$0x0], $0xffff;
	(pc) =	sbr.rel @p0 .LBB2_16-.Ltmp7, $4  }
0x35f: {  	v24 =	vor.u32 v10, v12;
	v19 =	vbroadcast v19, $0x0;
	v30 =	vld.idx.msk [tilespmem:v28+s19+$0x0], $0xffff;
	[tilespmem:s12+$0x60] =	vst v39  }
0x360: {  	[tilespmem:s15+$0xFFFFFFD0] =	vst v32;
	v28 =	vld.idx.msk [tilespmem:v22+s19+$0x0], $0xffff  }
0x361: {  	v34 =	vor.u32 v1, v19;
	v22 =	vor.u32 v8, v19;
	[tilespmem:s13+$0x10] =	vst v40;
	v25 =	vld.idx.msk [tilespmem:v41+s19+$0x0], $0xffff  }
0x362: {  	v32 =	vor.u32 v8, v13;
	v27 =	vld.idx.msk [tilespmem:v36+s19+$0x0], $0xffff;
	[tilespmem:s16+$0x10] =	vst v37  }
0x363: {  	_ =	sdelay $0x3  }
0x364: {  	v34 =	vld.idx.msk [tilespmem:v34+s19+$0x0], $0xffff  }
0x365: {  	v35 =	vor.u32 v5, v19;
	_ =	sdelay $0x1  }
0x366: {  	[tilespmem:s6+$0x30] =	vst v31;
	s7 =	sand.u32 $0x380, s9  }
0x367: {  	[tilespmem:s2+$0x60] =	vst v29;
	s7 =	sadd.s32 s7, s8  }
0x368: {  	[tilespmem:s7+$0x0] =	vst v34  }
0x369: {  	[tilespmem:s14+$0x30] =	vst v30;
	v29 =	vld.idx.msk [tilespmem:v35+s19+$0x0], $0xffff  }
0x36a: {  	v30 =	vld.idx.msk [tilespmem:v33+s19+$0x0], $0xffff;
	[tilespmem:s12+$0x70] =	vst v28;
	v28 =	vor.u32 v6, v19  }
0x36b: {  	[tilespmem:s5+$0x30] =	vst v23;
	v23 =	vor.u32 v10, v14;
	v26 =	vld.idx.msk [tilespmem:v26+s19+$0x0], $0xffff  }
0x36c: {  	v21 =	vld.idx.msk [tilespmem:v21+s19+$0x0], $0xffff;
	[tilespmem:s0+$0x20] =	vst v27;
	v27 =	vor.u32 v7, v16  }
0x36d: {  	v31 =	vor.u32 v7, v17;
	v32 =	vld.idx.msk [tilespmem:v32+s19+$0x0], $0xffff;
	[tilespmem:s11+$0x50] =	vst v25  }
0x36e: {  	v20 =	vld.idx.msk [tilespmem:v20+s19+$0x0], $0xffff;
	v25 =	vor.u32 v7, v18;
	[tilespmem:s7+$0x10] =	vst v29  }
0x36f: {  	[tilespmem:s15+$0xFFFFFFE0] =	vst v30;
	v28 =	vld.idx.msk [tilespmem:v28+s19+$0x0], $0xffff  }
0x370: {  	v23 =	vld.idx.msk [tilespmem:v23+s19+$0x0], $0xffff;
	[tilespmem:s2+$0x70] =	vst v26;
	v26 =	vor.u32 v7, v19  }
0x371: {  	v14 =	vor.u32 v11, v14;
	[tilespmem:s16+$0x20] =	vst v21;
	v27 =	vld.idx.msk [tilespmem:v27+s19+$0x0], $0xffff  }
0x372: {  	[tilespmem:s6+$0x40] =	vst v32;
	v29 =	vld.idx.msk [tilespmem:v31+s19+$0x0], $0xffff;
	v31 =	vor.u32 v9, v13  }
0x373: {  	v30 =	vor.u32 v8, v17;
	[tilespmem:s14+$0x40] =	vst v20;
	v20 =	vld.idx.msk [tilespmem:v25+s19+$0x0], $0xffff  }
0x374: {  	v21 =	vld.idx.msk [tilespmem:v24+s19+$0x0], $0xffff;
	v24 =	vor.u32 v8, v18;
	[tilespmem:s7+$0x20] =	vst v28  }
0x375: {  	v25 =	vor.u32 v8, v16;
	[tilespmem:s11+$0x60] =	vst v23;
	v26 =	vld.idx.msk [tilespmem:v26+s19+$0x0], $0xffff  }
0x376: {  	v14 =	vld.idx.msk [tilespmem:v14+s19+$0x0], $0xffff;
	[tilespmem:s15+$0xFFFFFFF0] =	vst v27  }
0x377: {  	v23 =	vor.u32 v9, v15;
	[tilespmem:s0+$0x30] =	vst v29;
	v27 =	vld.idx.msk [tilespmem:v31+s19+$0x0], $0xffff  }
0x378: {  	[tilespmem:s16+$0x30] =	vst v20;
	v29 =	vor.u32 v10, v13;
	v28 =	vld.idx.msk [tilespmem:v30+s19+$0x0], $0xffff  }
0x379: {  	[tilespmem:s13+$0x20] =	vst v21;
	v20 =	vor.u32 v9, v17;
	v21 =	vld.idx.msk [tilespmem:v24+s19+$0x0], $0xffff  }
0x37a: {  	v24 =	vld.idx.msk [tilespmem:v25+s19+$0x0], $0xffff;
	v25 =	vor.u32 v9, v18;
	[tilespmem:s7+$0x30] =	vst v26  }
0x37b: {  	[tilespmem:s11+$0x70] =	vst v14;
	v26 =	vor.u32 v9, v16;
	v22 =	vld.idx.msk [tilespmem:v22+s19+$0x0], $0xffff  }
0x37c: {  	v23 =	vld.idx.msk [tilespmem:v23+s19+$0x0], $0xffff;
	[tilespmem:s6+$0x50] =	vst v27;
	v27 =	vor.u32 v9, v19  }
0x37d: {  	v14 =	vor.u32 v10, v15;
	[tilespmem:s0+$0x40] =	vst v28;
	v28 =	vld.idx.msk [tilespmem:v29+s19+$0x0], $0xffff  }
0x37e: {  	v13 =	vor.u32 v11, v13;
	[tilespmem:s16+$0x40] =	vst v21;
	v20 =	vld.idx.msk [tilespmem:v20+s19+$0x0], $0xffff  }
0x37f: {  	v21 =	vor.u32 v10, v17;
	[tilespmem:s15+$0x0] =	vst v24;
	v24 =	vld.idx.msk [tilespmem:v25+s19+$0x0], $0xffff  }
0x380: {  	v25 =	vld.idx.msk [tilespmem:v26+s19+$0x0], $0xffff;
	[tilespmem:s7+$0x40] =	vst v22;
	v22 =	vor.u32 v10, v18  }
0x381: {  	[tilespmem:s14+$0x50] =	vst v23;
	v23 =	vor.u32 v10, v16;
	v26 =	vld.idx.msk [tilespmem:v27+s19+$0x0], $0xffff  }
0x382: {  	v14 =	vld.idx.msk [tilespmem:v14+s19+$0x0], $0xffff;
	[tilespmem:s6+$0x60] =	vst v28;
	v27 =	vor.u32 v10, v19  }
0x383: {  	v12 =	vor.u32 v11, v12;
	v13 =	vld.idx.msk [tilespmem:v13+s19+$0x0], $0xffff;
	[tilespmem:s0+$0x50] =	vst v20  }
0x384: {  	v15 =	vor.u32 v11, v15;
	[tilespmem:s16+$0x50] =	vst v24;
	v20 =	vld.idx.msk [tilespmem:v21+s19+$0x0], $0xffff  }
0x385: {  	v17 =	vor.u32 v11, v17;
	[tilespmem:s15+$0x10] =	vst v25;
	v21 =	vld.idx.msk [tilespmem:v22+s19+$0x0], $0xffff  }
0x386: {  	v18 =	vor.u32 v11, v18;
	v22 =	vld.idx.msk [tilespmem:v23+s19+$0x0], $0xffff;
	[tilespmem:s7+$0x50] =	vst v26  }
0x387: {  	[tilespmem:s14+$0x60] =	vst v14;
	v14 =	vor.u32 v11, v16;
	v16 =	vld.idx.msk [tilespmem:v27+s19+$0x0], $0xffff  }
0x388: {  	v12 =	vld.idx.msk [tilespmem:v12+s19+$0x0], $0xffff;
	[tilespmem:s6+$0x70] =	vst v13;
	v13 =	vor.u32 v11, v19  }
0x389: {  	v15 =	vld.idx.msk [tilespmem:v15+s19+$0x0], $0xffff;
	[tilespmem:s0+$0x60] =	vst v20  }
0x38a: {  	v17 =	vld.idx.msk [tilespmem:v17+s19+$0x0], $0xffff;
	[tilespmem:s16+$0x60] =	vst v21  }
0x38b: {  	[tilespmem:s15+$0x20] =	vst v22;
	v18 =	vld.idx.msk [tilespmem:v18+s19+$0x0], $0xffff  }
0x38c: {  	v14 =	vld.idx.msk [tilespmem:v14+s19+$0x0], $0xffff;
	[tilespmem:s7+$0x60] =	vst v16  }
0x38d: {  	[tilespmem:s13+$0x30] =	vst v12;
	v12 =	vld.idx.msk [tilespmem:v13+s19+$0x0], $0xffff  }
0x38e: {  	[tilespmem:s14+$0x70] =	vst v15  }
0x38f: {  	[tilespmem:s0+$0x70] =	vst v17  }
0x390: {  	[tilespmem:s16+$0x70] =	vst v18  }
0x391: {  	s5 =	simm.s32 $0x0;
	[tilespmem:s15+$0x30] =	vst v14  }
0x392: {  	s6 =	simm.s32 $0x1;
	v13 =	vmov s5;
	[tilespmem:s7+$0x70] =	vst v12  }
0x393: {  	s9 =	simm.s32 $0x11600;
	s30 =	simm.s32 $0x6;
	v12 =	vand.u32 $0x3C, v13;
	v13 =	vmov s6;
	s8 =	rddreg [dreg:$0x9]  }
0x394: {  	v19 =	vbroadcast v12, $0x0;
	v12 =	vand.u32 $0x3D, v13;
	[hbm4b:s8+s28] =	stream.strided.scatter [tilespmem:s9], [sflag:$0x5], $0x2000, s29, s28, $0x38;
	[tilespmem:$0x19600] =	vst v63  }
0x395: {  	v21 =	vbroadcast v12, $0x0;
	_ =	swait.ge [sflag:s30], $0x2000  }
0x396: {  	v12 =	vor.u32 v1, v19;
	[sflag:s30] =	ssyncset.done $0x0  }
0x397: {  	v13 =	vor.u32 v1, v21;
	[sflag:s30] =	ssyncadd.s32 $0xFFFFE000  }
0x398: {  	_ =	swait.ge [sflag:s31], $0x2000  }
0x399: {  	[sflag:s31] =	ssyncset.done $0x0  }
0x39a: {  	[sflag:s31] =	ssyncadd.s32 $0xFFFFE000  }
0x39b: {  	v12 =	vld.idx.msk [tilespmem:v12+s21+$0x0], $0xffff  }
0x39c: {  	s10 =	simm.s32 $0x2;
	v14 =	vor.u32 v5, v19;
	v13 =	vld.idx.msk [tilespmem:v13+s21+$0x0], $0xffff  }
0x39d: {  	s11 =	simm.s32 $0x0;
	v15 =	vmov s10;
	v16 =	vor.u32 v5, v21  }
0x39e: {  	s12 =	simm.s32 $0x80;
	v15 =	vand.u32 $0x3E, v15;
	s0 =	sand.u32 $0x1C00, s11  }
0x39f: {  	s2 =	sand.u32 $0x280, s12;
	v20 =	vbroadcast v15, $0x0;
	s0 =	sadd.s32 $0x11600, s0;
	s5 =	simm.s32 $0x13670  }
0x3a0: {  	s13 =	simm.s32 $0x3;
	s16 =	sadd.s32 s2, s0;
	[tilespmem:s5+$0xFFFFFF90] =	vst v12  }
0x3a1: {  	v12 =	vor.u32 v1, v20;
	[tilespmem:s16+$0x2000] =	vst v13;
	v13 =	vld.idx.msk [tilespmem:v14+s21+$0x0], $0xffff;
	v14 =	vmov s13  }
0x3a2: {  	v15 =	vld.idx.msk [tilespmem:v16+s21+$0x0], $0xffff;
	v16 =	vor.u32 v6, v19;
	v14 =	vand.u32 $0x3F, v14  }
0x3a3: {  	v17 =	vor.u32 v6, v21;
	v22 =	vbroadcast v14, $0x0;
	_ =	sdelay $0x1  }
0x3a4: {  	s14 =	simm.s32 $0x4;
	v18 =	vor.u32 v1, v22  }
0x3a5: {  	v23 =	vld.idx.msk [tilespmem:v12+s21+$0x0], $0xffff;
	v12 =	vmov s14;
	[tilespmem:s5+$0xFFFFFFA0] =	vst v13  }
0x3a6: {  	v24 =	vor.u32 v5, v20;
	s15 =	simm.s32 $0x5;
	[tilespmem:s16+$0x2010] =	vst v15;
	v12 =	vand.u32 $0x3C, v12;
	v15 =	vld.idx.msk [tilespmem:v16+s21+$0x0], $0xffff  }
0x3a7: {  	s18 =	simm.s32 $0x100;
	s22 =	simm.s32 $0x6;
	v13 =	vmov s15;
	v16 =	vld.idx.msk [tilespmem:v17+s21+$0x0], $0xffff;
	v12 =	vbroadcast v12, $0x0;
	v17 =	vor.u32 v7, v19  }
0x3a8: {  	v26 =	vmov s22;
	s6 =	sand.u32 $0x300, s18;
	v25 =	vor.u32 v7, v21;
	v13 =	vand.u32 $0x3D, v13  }
0x3a9: {  	s12 =	sadd.s32 s6, s0;
	v14 =	vbroadcast v13, $0x0;
	v13 =	vand.u32 $0x3E, v26;
	v26 =	vor.u32 v1, v12;
	v18 =	vld.idx.msk [tilespmem:v18+s21+$0x0], $0xffff  }
0x3aa: {  	v13 =	vbroadcast v13, $0x0;
	[tilespmem:s12+$0x2000] =	vst v23;
	v23 =	vor.u32 v5, v22  }
0x3ab: {  	s6 =	simm.s32 $0x180;
	v27 =	vor.u32 v1, v14;
	v24 =	vld.idx.msk [tilespmem:v24+s21+$0x0], $0xffff;
	[tilespmem:s5+$0xFFFFFFB0] =	vst v15  }
0x3ac: {  	s2 =	sand.u32 $0x380, s6;
	[tilespmem:s16+$0x2020] =	vst v16;
	v15 =	vor.u32 v1, v13;
	v16 =	vld.idx.msk [tilespmem:v17+s21+$0x0], $0xffff  }
0x3ad: {  	s2 =	sadd.s32 s2, s0;
	v17 =	vld.idx.msk [tilespmem:v25+s21+$0x0], $0xffff;
	v25 =	vor.u32 v8, v19  }
0x3ae: {  	v28 =	vor.u32 v8, v21;
	v26 =	vld.idx.msk [tilespmem:v26+s21+$0x0], $0xffff;
	[tilespmem:s2+$0x2000] =	vst v18  }
0x3af: {  	v18 =	vor.u32 v6, v20;
	v23 =	vld.idx.msk [tilespmem:v23+s21+$0x0], $0xffff  }
0x3b0: {  	v29 =	vor.u32 v6, v22;
	v27 =	vld.idx.msk [tilespmem:v27+s21+$0x0], $0xffff;
	[tilespmem:s12+$0x2010] =	vst v24  }
0x3b1: {  	s7 =	simm.s32 $0x200;
	v30 =	vor.u32 v5, v12;
	v15 =	vld.idx.msk [tilespmem:v15+s21+$0x0], $0xffff;
	[tilespmem:s5+$0xFFFFFFC0] =	vst v16  }
0x3b2: {  	s8 =	simm.s32 $0x280;
	s0 =	sand.u32 $0x1C00, s7;
	s13 =	simm.s32 $0x13870;
	v16 =	vor.u32 v5, v14;
	[tilespmem:s16+$0x2030] =	vst v17;
	v17 =	vld.idx.msk [tilespmem:v25+s21+$0x0], $0xffff  }
0x3b3: {  	s9 =	simm.s32 $0x300;
	s6 =	sand.u32 $0x280, s8;
	s0 =	sadd.s32 $0x11600, s0;
	v24 =	vld.idx.msk [tilespmem:v28+s21+$0x0], $0xffff;
	v28 =	vor.u32 v5, v13;
	[tilespmem:s13+$0xFFFFFF90] =	vst v26  }
0x3b4: {  	s10 =	sand.u32 $0x300, s9;
	s11 =	sadd.s32 s6, s0;
	v25 =	vor.u32 v9, v19;
	v18 =	vld.idx.msk [tilespmem:v18+s21+$0x0], $0xffff;
	[tilespmem:s2+$0x2010] =	vst v23  }
0x3b5: {  	s6 =	sadd.s32 s10, s0;
	[tilespmem:s11+$0x2000] =	vst v27;
	v23 =	vor.u32 v7, v20;
	v26 =	vld.idx.msk [tilespmem:v29+s21+$0x0], $0xffff  }
0x3b6: {  	v27 =	vld.idx.msk [tilespmem:v30+s21+$0x0], $0xffff;
	v29 =	vor.u32 v7, v22;
	[tilespmem:s6+$0x2000] =	vst v15  }
0x3b7: {  	s14 =	simm.s32 $0x7;
	v16 =	vld.idx.msk [tilespmem:v16+s21+$0x0], $0xffff;
	[tilespmem:s5+$0xFFFFFFD0] =	vst v17;
	v17 =	vor.u32 v9, v21  }
0x3b8: {  	v31 =	vor.u32 v6, v14;
	v30 =	vmov s14;
	v28 =	vld.idx.msk [tilespmem:v28+s21+$0x0], $0xffff  }
0x3b9: {  	v15 =	vand.u32 $0x3F, v30;
	v25 =	vld.idx.msk [tilespmem:v25+s21+$0x0], $0xffff;
	[tilespmem:s12+$0x2020] =	vst v18;
	v18 =	vor.u32 v6, v12  }
0x3ba: {  	v15 =	vbroadcast v15, $0x0;
	v23 =	vld.idx.msk [tilespmem:v23+s21+$0x0], $0xffff;
	[tilespmem:s2+$0x2020] =	vst v26;
	v26 =	vor.u32 v10, v19  }
0x3bb: {  	v52 =	vor.u32 v8, v20;
	[tilespmem:s16+$0x2040] =	vst v24;
	v24 =	vld.idx.msk [tilespmem:v29+s21+$0x0], $0xffff  }
0x3bc: {  	s15 =	simm.s32 $0x8;
	v29 =	vor.u32 v1, v15;
	[tilespmem:s11+$0x2010] =	vst v16;
	v30 =	vld.idx.msk [tilespmem:v17+s21+$0x0], $0xffff  }
0x3bd: {  	s18 =	simm.s32 $0x9;
	v53 =	vor.u32 v8, v22;
	[tilespmem:s13+$0xFFFFFFA0] =	vst v27;
	v16 =	vmov s15;
	v27 =	vld.idx.msk [tilespmem:v31+s21+$0x0], $0xffff  }
0x3be: {  	v16 =	vand.u32 $0x3C, v16;
	v17 =	vmov s18;
	v31 =	vor.u32 v7, v14;
	[tilespmem:s5+$0xFFFFFFE0] =	vst v25;
	v25 =	vld.idx.msk [tilespmem:v18+s21+$0x0], $0xffff  }
0x3bf: {  	s22 =	simm.s32 $0xA;
	v54 =	vor.u32 v10, v21;
	v16 =	vbroadcast v16, $0x0;
	v17 =	vand.u32 $0x3D, v17;
	[tilespmem:s12+$0x2030] =	vst v23;
	v26 =	vld.idx.msk [tilespmem:v26+s21+$0x0], $0xffff  }
0x3c0: {  	v18 =	vmov s22;
	v17 =	vbroadcast v17, $0x0;
	v23 =	vor.u32 v7, v12;
	v32 =	vld.idx.msk [tilespmem:v52+s21+$0x0], $0xffff  }
0x3c1: {  	v18 =	vand.u32 $0x3E, v18;
	v29 =	vld.idx.msk [tilespmem:v29+s21+$0x0], $0xffff;
	[tilespmem:s2+$0x2030] =	vst v24;
	v24 =	vor.u32 v1, v16  }
0x3c2: {  	v18 =	vbroadcast v18, $0x0;
	v55 =	vor.u32 v1, v17;
	[tilespmem:s11+$0x2020] =	vst v27;
	v27 =	vld.idx.msk [tilespmem:v53+s21+$0x0], $0xffff  }
0x3c3: {  	v56 =	vor.u32 v5, v15;
	[tilespmem:s16+$0x2050] =	vst v30;
	v31 =	vld.idx.msk [tilespmem:v31+s21+$0x0], $0xffff  }
0x3c4: {  	s8 =	simm.s32 $0x380;
	v30 =	vor.u32 v1, v18;
	[tilespmem:s13+$0xFFFFFFB0] =	vst v25;
	v25 =	vld.idx.msk [tilespmem:v54+s21+$0x0], $0xffff  }
0x3c5: {  	s7 =	sand.u32 $0x380, s8;
	v58 =	vor.u32 v9, v22;
	[tilespmem:s6+$0x2010] =	vst v28;
	v23 =	vld.idx.msk [tilespmem:v23+s21+$0x0], $0xffff  }
0x3c6: {  	s14 =	sadd.s32 s7, s0;
	v28 =	vor.u32 v8, v14;
	[tilespmem:s12+$0x2040] =	vst v32;
	v24 =	vld.idx.msk [tilespmem:v24+s21+$0x0], $0xffff  }
0x3c7: {  	v21 =	vor.u32 v11, v21;
	[tilespmem:s14+$0x2000] =	vst v29;
	v29 =	vld.idx.msk [tilespmem:v55+s21+$0x0], $0xffff  }
0x3c8: {  	v57 =	vor.u32 v9, v20;
	[tilespmem:s5+$0xFFFFFFF0] =	vst v26;
	v33 =	vld.idx.msk [tilespmem:v56+s21+$0x0], $0xffff  }
0x3c9: {  	[tilespmem:s2+$0x2040] =	vst v27;
	v27 =	vld.idx.msk [tilespmem:v30+s21+$0x0], $0xffff;
	v30 =	vor.u32 v8, v12  }
0x3ca: {  	s9 =	simm.s32 $0x400;
	[tilespmem:s11+$0x2030] =	vst v31;
	v31 =	vor.u32 v5, v16;
	v59 =	vld.idx.msk [tilespmem:v58+s21+$0x0], $0xffff  }
0x3cb: {  	s10 =	simm.s32 $0x480;
	s0 =	sand.u32 $0x1C00, s9;
	[tilespmem:s16+$0x2060] =	vst v25;
	v25 =	vor.u32 v6, v13;
	v28 =	vld.idx.msk [tilespmem:v28+s21+$0x0], $0xffff  }
0x3cc: {  	s7 =	sand.u32 $0x280, s10;
	s8 =	sadd.s32 $0x11600, s0;
	s15 =	simm.s32 $0x13A70;
	[tilespmem:s13+$0xFFFFFFC0] =	vst v23;
	v21 =	vld.idx.msk [tilespmem:v21+s21+$0x0], $0xffff;
	v23 =	vor.u32 v5, v17  }
0x3cd: {  	s0 =	sadd.s32 s7, s8;
	v19 =	vor.u32 v11, v19;
	[tilespmem:s15+$0xFFFFFF90] =	vst v24;
	v24 =	vld.idx.msk [tilespmem:v57+s21+$0x0], $0xffff  }
0x3ce: {  	[tilespmem:s0+$0x2000] =	vst v29;
	v29 =	vor.u32 v6, v15;
	v30 =	vld.idx.msk [tilespmem:v30+s21+$0x0], $0xffff  }
0x3cf: {  	v26 =	vor.u32 v10, v20;
	[tilespmem:s14+$0x2010] =	vst v33;
	v60 =	vld.idx.msk [tilespmem:v31+s21+$0x0], $0xffff  }
0x3d0: {  	v31 =	vor.u32 v9, v12;
	v25 =	vld.idx.msk [tilespmem:v25+s21+$0x0], $0xffff;
	[tilespmem:s2+$0x2050] =	vst v59  }
0x3d1: {  	v36 =	vor.u32 v9, v14;
	[tilespmem:s11+$0x2040] =	vst v28;
	v61 =	vld.idx.msk [tilespmem:v23+s21+$0x0], $0xffff  }
0x3d2: {  	s18 =	simm.s32 $0x500;
	v28 =	vor.u32 v5, v18;
	[tilespmem:s16+$0x2070] =	vst v21;
	v23 =	vld.idx.msk [tilespmem:v19+s21+$0x0], $0xffff  }
0x3d3: {  	s7 =	sand.u32 $0x300, s18;
	v21 =	vor.u32 v7, v13;
	v29 =	vld.idx.msk [tilespmem:v29+s21+$0x0], $0xffff;
	[tilespmem:s12+$0x2050] =	vst v24  }
0x3d4: {  	s16 =	sadd.s32 s7, s8;
	v24 =	vor.u32 v10, v22;
	v26 =	vld.idx.msk [tilespmem:v26+s21+$0x0], $0xffff;
	[tilespmem:s13+$0xFFFFFFD0] =	vst v30  }
0x3d5: {  	[tilespmem:s16+$0x2000] =	vst v27;
	v30 =	vor.u32 v7, v15;
	v27 =	vld.idx.msk [tilespmem:v31+s21+$0x0], $0xffff  }
0x3d6: {  	v62 =	vor.u32 v11, v20;
	s22 =	simm.s32 $0xB;
	[tilespmem:s6+$0x2020] =	vst v25;
	v25 =	vld.idx.msk [tilespmem:v36+s21+$0x0], $0xffff  }
0x3d7: {  	v37 =	vor.u32 v6, v17;
	v19 =	vmov s22;
	[tilespmem:s15+$0xFFFFFFA0] =	vst v60;
	v63 =	vld.idx.msk [tilespmem:v28+s21+$0x0], $0xffff  }
0x3d8: {  	v19 =	vand.u32 $0x3F, v19;
	[tilespmem:s0+$0x2010] =	vst v61;
	v31 =	vld.idx.msk [tilespmem:v21+s21+$0x0], $0xffff  }
0x3d9: {  	v20 =	vor.u32 v8, v15;
	v33 =	vor.u32 v6, v16;
	v19 =	vbroadcast v19, $0x0;
	[tilespmem:s14+$0x2020] =	vst v29;
	v29 =	vld.idx.msk [tilespmem:v24+s21+$0x0], $0xffff  }
0x3da: {  	v32 =	vor.u32 v8, v13;
	v24 =	vor.u32 v10, v12;
	v30 =	vld.idx.msk [tilespmem:v30+s21+$0x0], $0xffff;
	[tilespmem:s12+$0x2060] =	vst v26  }
0x3db: {  	v34 =	vor.u32 v1, v19;
	v26 =	vor.u32 v11, v22;
	v28 =	vld.idx.msk [tilespmem:v62+s21+$0x0], $0xffff;
	[tilespmem:s13+$0xFFFFFFE0] =	vst v27  }
0x3dc: {  	s10 =	simm.s32 $0xC;
	s9 =	simm.s32 $0x580;
	v21 =	vor.u32 v6, v18;
	v22 =	vor.u32 v8, v19;
	v27 =	vld.idx.msk [tilespmem:v37+s21+$0x0], $0xffff;
	[tilespmem:s16+$0x2010] =	vst v63  }
.LBB2_18:
0x3dd: {  	s18 =	sadd.s32 $0x1, s10  }
0x3de: {  	v35 =	vmov s10;
	p0 =	slt.u32 s10, $0x3C;
	v33 =	vld.idx.msk [tilespmem:v33+s21+$0x0], $0xffff;
	v36 =	vor.u32 v10, v14;
	[tilespmem:s6+$0x2030] =	vst v31;
	s7 =	smov.u32 s10;
	s10 =	sadd.s32 $0x4, s10  }
0x3df: {  	v37 =	vor.u32 v7, v17;
	v31 =	vand.u32 $0x3C, v35;
	v35 =	vmov s18;
	s18 =	sadd.s32 $0x2, s7;
	v24 =	vld.idx.msk [tilespmem:v24+s21+$0x0], $0xffff;
	[tilespmem:s2+$0x2060] =	vst v29  }
0x3e0: {  	v29 =	vbroadcast v31, $0x0;
	v31 =	vand.u32 $0x3D, v35;
	v35 =	vmov s18;
	[tilespmem:s14+$0x2030] =	vst v30;
	v26 =	vld.idx.msk [tilespmem:v26+s21+$0x0], $0xffff  }
0x3e1: {  	v30 =	vbroadcast v31, $0x0;
	v31 =	vand.u32 $0x3E, v35;
	v35 =	vor.u32 v7, v16;
	v34 =	vld.idx.msk [tilespmem:v34+s21+$0x0], $0xffff;
	[tilespmem:s12+$0x2070] =	vst v28;
	s12 =	smov.u32 s6;
	s6 =	smov.u32 s16  }
0x3e2: {  	v28 =	vor.u32 v1, v29;
	v31 =	vbroadcast v31, $0x0;
	v32 =	vld.idx.msk [tilespmem:v32+s21+$0x0], $0xffff;
	[tilespmem:s5+$0x0] =	vst v23;
	s5 =	smov.u32 s13;
	s13 =	smov.u32 s15  }
0x3e3: {  	v23 =	vor.u32 v1, v30;
	[tilespmem:s0+$0x2020] =	vst v27;
	v27 =	vld.idx.msk [tilespmem:v20+s21+$0x0], $0xffff;
	v20 =	vmov v22  }
0x3e4: {  	v38 =	vor.u32 v5, v19;
	v22 =	vor.u32 v1, v31;
	v37 =	vld.idx.msk [tilespmem:v37+s21+$0x0], $0xffff;
	[tilespmem:s11+$0x2050] =	vst v25  }
0x3e5: {  	s16 =	sand.u32 $0x380, s9;
	[tilespmem:s15+$0xFFFFFFB0] =	vst v33;
	v25 =	vld.idx.msk [tilespmem:v36+s21+$0x0], $0xffff  }
0x3e6: {  	v33 =	vld.idx.msk [tilespmem:v35+s21+$0x0], $0xffff;
	v35 =	vor.u32 v8, v17;
	[tilespmem:s2+$0x2070] =	vst v26;
	s2 =	smov.u32 s14;
	s14 =	sadd.s32 s16, s8  }
0x3e7: {  	v26 =	vld.idx.msk [tilespmem:v28+s21+$0x0], $0xffff;
	[tilespmem:s14+$0x2000] =	vst v34;
	v28 =	vor.u32 v11, v14;
	v14 =	vmov v17;
	v17 =	vmov v30  }
0x3e8: {  	v30 =	vor.u32 v9, v13;
	v23 =	vld.idx.msk [tilespmem:v23+s21+$0x0], $0xffff;
	[tilespmem:s12+$0x2040] =	vst v32;
	v32 =	vor.u32 v9, v15  }
0x3e9: {  	s9 =	sadd.s32 $0x200, s9;
	v34 =	vor.u32 v5, v29;
	v36 =	vld.idx.msk [tilespmem:v38+s21+$0x0], $0xffff;
	[tilespmem:s2+$0x2040] =	vst v27  }
0x3ea: {  	s8 =	sadd.s32 $0xFFFFFE80, s9;
	v27 =	vor.u32 v5, v17;
	v38 =	vor.u32 v8, v16;
	v22 =	vld.idx.msk [tilespmem:v22+s21+$0x0], $0xffff;
	[tilespmem:s0+$0x2030] =	vst v37  }
0x3eb: {  	s15 =	sadd.s32 $0x200, s15;
	s16 =	sadd.s32 $0xFFFFFF00, s9;
	s8 =	sand.u32 $0x1C00, s8;
	v37 =	vor.u32 v5, v31;
	v35 =	vld.idx.msk [tilespmem:v35+s21+$0x0], $0xffff;
	[tilespmem:s11+$0x2060] =	vst v25  }
0x3ec: {  	s18 =	sadd.s32 $0xFFFFFF80, s9;
	s16 =	sand.u32 $0x280, s16;
	s8 =	sadd.s32 $0x11600, s8;
	[tilespmem:s13+$0xFFFFFFC0] =	vst v33;
	v25 =	vld.idx.msk [tilespmem:v28+s21+$0x0], $0xffff  }
0x3ed: {  	s22 =	sadd.s32 s16, s8;
	s16 =	sand.u32 $0x300, s18;
	[tilespmem:s15+$0xFFFFFF90] =	vst v26;
	v26 =	vld.idx.msk [tilespmem:v30+s21+$0x0], $0xffff  }
0x3ee: {  	s16 =	sadd.s32 s16, s8;
	[tilespmem:s22+$0x2000] =	vst v23;
	v23 =	vor.u32 v6, v19;
	v28 =	vld.idx.msk [tilespmem:v32+s21+$0x0], $0xffff  }
0x3ef: {  	v30 =	vld.idx.msk [tilespmem:v38+s21+$0x0], $0xffff;
	[tilespmem:s5+$0xFFFFFFF0] =	vst v24;
	v24 =	vor.u32 v10, v13  }
0x3f0: {  	v33 =	vor.u32 v11, v12;
	v12 =	vmov v16;
	v16 =	vmov v29;
	v32 =	vld.idx.msk [tilespmem:v34+s21+$0x0], $0xffff;
	[tilespmem:s14+$0x2010] =	vst v36  }
0x3f1: {  	v29 =	vor.u32 v9, v12;
	v36 =	vor.u32 v6, v17;
	[tilespmem:s0+$0x2040] =	vst v35;
	v34 =	vld.idx.msk [tilespmem:v21+s21+$0x0], $0xffff  }
0x3f2: {  	v21 =	vor.u32 v6, v31;
	v27 =	vld.idx.msk [tilespmem:v27+s21+$0x0], $0xffff;
	[tilespmem:s11+$0x2070] =	vst v25;
	s11 =	smov.u32 s0;
	s0 =	smov.u32 s22  }
0x3f3: {  	v38 =	vor.u32 v10, v15;
	v25 =	vor.u32 v7, v18;
	v35 =	vld.idx.msk [tilespmem:v23+s21+$0x0], $0xffff;
	[tilespmem:s12+$0x2050] =	vst v26  }
0x3f4: {  	v39 =	vld.idx.msk [tilespmem:v24+s21+$0x0], $0xffff;
	[tilespmem:s2+$0x2050] =	vst v28  }
0x3f5: {  	v28 =	vor.u32 v7, v19;
	[tilespmem:s13+$0xFFFFFFD0] =	vst v30;
	v23 =	vld.idx.msk [tilespmem:v33+s21+$0x0], $0xffff  }
0x3f6: {  	[tilespmem:s16+$0x2000] =	vst v22;
	v40 =	vld.idx.msk [tilespmem:v29+s21+$0x0], $0xffff;
	v22 =	vor.u32 v11, v13;
	v13 =	vmov v18;
	v18 =	vmov v31  }
0x3f7: {  	s7 =	sadd.s32 $0x3, s7;
	v41 =	vor.u32 v9, v14;
	v37 =	vld.idx.msk [tilespmem:v37+s21+$0x0], $0xffff;
	[tilespmem:s6+$0x2020] =	vst v34  }
0x3f8: {  	v26 =	vor.u32 v11, v15;
	v15 =	vmov v19;
	v24 =	vmov s7;
	[tilespmem:s0+$0x2010] =	vst v27;
	v31 =	vld.idx.msk [tilespmem:v25+s21+$0x0], $0xffff  }
.Ltmp8:
0x3f9: {  	v33 =	vor.u32 v6, v16;
	v19 =	vand.u32 $0x3F, v24;
	[tilespmem:s14+$0x2020] =	vst v35;
	v29 =	vld.idx.msk [tilespmem:v38+s21+$0x0], $0xffff;
	(pc) =	sbr.rel @p0 .LBB2_18-.Ltmp8, $4  }
0x3fa: {  	v24 =	vor.u32 v10, v12;
	v19 =	vbroadcast v19, $0x0;
	v30 =	vld.idx.msk [tilespmem:v28+s21+$0x0], $0xffff;
	[tilespmem:s12+$0x2060] =	vst v39  }
0x3fb: {  	[tilespmem:s15+$0xFFFFFFA0] =	vst v32;
	v28 =	vld.idx.msk [tilespmem:v22+s21+$0x0], $0xffff  }
0x3fc: {  	v34 =	vor.u32 v1, v19;
	v22 =	vor.u32 v8, v19;
	[tilespmem:s13+$0xFFFFFFE0] =	vst v40;
	v25 =	vld.idx.msk [tilespmem:v41+s21+$0x0], $0xffff  }
0x3fd: {  	v32 =	vor.u32 v8, v13;
	v27 =	vld.idx.msk [tilespmem:v36+s21+$0x0], $0xffff;
	[tilespmem:s16+$0x2010] =	vst v37  }
0x3fe: {  	_ =	sdelay $0x3  }
0x3ff: {  	v34 =	vld.idx.msk [tilespmem:v34+s21+$0x0], $0xffff  }
0x400: {  	v35 =	vor.u32 v5, v19;
	_ =	sdelay $0x1  }
0x401: {  	[tilespmem:s6+$0x2030] =	vst v31;
	s7 =	sand.u32 $0x380, s9  }
0x402: {  	[tilespmem:s2+$0x2060] =	vst v29;
	s7 =	sadd.s32 s7, s8  }
0x403: {  	[tilespmem:s7+$0x2000] =	vst v34  }
0x404: {  	[tilespmem:s14+$0x2030] =	vst v30;
	v29 =	vld.idx.msk [tilespmem:v35+s21+$0x0], $0xffff  }
0x405: {  	v30 =	vld.idx.msk [tilespmem:v33+s21+$0x0], $0xffff;
	[tilespmem:s12+$0x2070] =	vst v28;
	v28 =	vor.u32 v6, v19  }
0x406: {  	[tilespmem:s5+$0x0] =	vst v23;
	v23 =	vor.u32 v10, v14;
	v26 =	vld.idx.msk [tilespmem:v26+s21+$0x0], $0xffff  }
0x407: {  	v21 =	vld.idx.msk [tilespmem:v21+s21+$0x0], $0xffff;
	[tilespmem:s0+$0x2020] =	vst v27;
	v27 =	vor.u32 v7, v16  }
0x408: {  	v31 =	vor.u32 v7, v17;
	v32 =	vld.idx.msk [tilespmem:v32+s21+$0x0], $0xffff;
	[tilespmem:s11+$0x2050] =	vst v25  }
0x409: {  	v20 =	vld.idx.msk [tilespmem:v20+s21+$0x0], $0xffff;
	v25 =	vor.u32 v7, v18;
	[tilespmem:s7+$0x2010] =	vst v29  }
0x40a: {  	[tilespmem:s15+$0xFFFFFFB0] =	vst v30;
	v28 =	vld.idx.msk [tilespmem:v28+s21+$0x0], $0xffff  }
0x40b: {  	v23 =	vld.idx.msk [tilespmem:v23+s21+$0x0], $0xffff;
	[tilespmem:s2+$0x2070] =	vst v26;
	v26 =	vor.u32 v7, v19  }
0x40c: {  	v14 =	vor.u32 v11, v14;
	[tilespmem:s16+$0x2020] =	vst v21;
	v27 =	vld.idx.msk [tilespmem:v27+s21+$0x0], $0xffff  }
0x40d: {  	[tilespmem:s6+$0x2040] =	vst v32;
	v29 =	vld.idx.msk [tilespmem:v31+s21+$0x0], $0xffff;
	v31 =	vor.u32 v9, v13  }
0x40e: {  	v30 =	vor.u32 v8, v17;
	[tilespmem:s14+$0x2040] =	vst v20;
	v20 =	vld.idx.msk [tilespmem:v25+s21+$0x0], $0xffff  }
0x40f: {  	v21 =	vld.idx.msk [tilespmem:v24+s21+$0x0], $0xffff;
	v24 =	vor.u32 v8, v18;
	[tilespmem:s7+$0x2020] =	vst v28  }
0x410: {  	v25 =	vor.u32 v8, v16;
	[tilespmem:s11+$0x2060] =	vst v23;
	v26 =	vld.idx.msk [tilespmem:v26+s21+$0x0], $0xffff  }
0x411: {  	v14 =	vld.idx.msk [tilespmem:v14+s21+$0x0], $0xffff;
	[tilespmem:s15+$0xFFFFFFC0] =	vst v27  }
0x412: {  	v23 =	vor.u32 v9, v15;
	[tilespmem:s0+$0x2030] =	vst v29;
	v27 =	vld.idx.msk [tilespmem:v31+s21+$0x0], $0xffff  }
0x413: {  	[tilespmem:s16+$0x2030] =	vst v20;
	v29 =	vor.u32 v10, v13;
	v28 =	vld.idx.msk [tilespmem:v30+s21+$0x0], $0xffff  }
0x414: {  	[tilespmem:s13+$0xFFFFFFF0] =	vst v21;
	v20 =	vor.u32 v9, v17;
	v21 =	vld.idx.msk [tilespmem:v24+s21+$0x0], $0xffff  }
0x415: {  	v24 =	vld.idx.msk [tilespmem:v25+s21+$0x0], $0xffff;
	v25 =	vor.u32 v9, v18;
	[tilespmem:s7+$0x2030] =	vst v26  }
0x416: {  	[tilespmem:s11+$0x2070] =	vst v14;
	v26 =	vor.u32 v9, v16;
	v22 =	vld.idx.msk [tilespmem:v22+s21+$0x0], $0xffff  }
0x417: {  	v23 =	vld.idx.msk [tilespmem:v23+s21+$0x0], $0xffff;
	[tilespmem:s6+$0x2050] =	vst v27;
	v27 =	vor.u32 v9, v19  }
0x418: {  	v14 =	vor.u32 v10, v15;
	[tilespmem:s0+$0x2040] =	vst v28;
	v28 =	vld.idx.msk [tilespmem:v29+s21+$0x0], $0xffff  }
0x419: {  	v13 =	vor.u32 v11, v13;
	[tilespmem:s16+$0x2040] =	vst v21;
	v20 =	vld.idx.msk [tilespmem:v20+s21+$0x0], $0xffff  }
0x41a: {  	v21 =	vor.u32 v10, v17;
	[tilespmem:s15+$0xFFFFFFD0] =	vst v24;
	v24 =	vld.idx.msk [tilespmem:v25+s21+$0x0], $0xffff  }
0x41b: {  	v25 =	vld.idx.msk [tilespmem:v26+s21+$0x0], $0xffff;
	[tilespmem:s7+$0x2040] =	vst v22;
	v22 =	vor.u32 v10, v18  }
0x41c: {  	[tilespmem:s14+$0x2050] =	vst v23;
	v23 =	vor.u32 v10, v16;
	v26 =	vld.idx.msk [tilespmem:v27+s21+$0x0], $0xffff  }
0x41d: {  	v14 =	vld.idx.msk [tilespmem:v14+s21+$0x0], $0xffff;
	[tilespmem:s6+$0x2060] =	vst v28;
	v27 =	vor.u32 v10, v19  }
0x41e: {  	v12 =	vor.u32 v11, v12;
	v13 =	vld.idx.msk [tilespmem:v13+s21+$0x0], $0xffff;
	[tilespmem:s0+$0x2050] =	vst v20  }
0x41f: {  	v15 =	vor.u32 v11, v15;
	[tilespmem:s16+$0x2050] =	vst v24;
	v20 =	vld.idx.msk [tilespmem:v21+s21+$0x0], $0xffff  }
0x420: {  	v17 =	vor.u32 v11, v17;
	[tilespmem:s15+$0xFFFFFFE0] =	vst v25;
	v21 =	vld.idx.msk [tilespmem:v22+s21+$0x0], $0xffff  }
0x421: {  	v18 =	vor.u32 v11, v18;
	v22 =	vld.idx.msk [tilespmem:v23+s21+$0x0], $0xffff;
	[tilespmem:s7+$0x2050] =	vst v26  }
0x422: {  	[tilespmem:s14+$0x2060] =	vst v14;
	v14 =	vor.u32 v11, v16;
	v16 =	vld.idx.msk [tilespmem:v27+s21+$0x0], $0xffff  }
0x423: {  	v12 =	vld.idx.msk [tilespmem:v12+s21+$0x0], $0xffff;
	[tilespmem:s6+$0x2070] =	vst v13;
	v13 =	vor.u32 v11, v19  }
0x424: {  	v15 =	vld.idx.msk [tilespmem:v15+s21+$0x0], $0xffff;
	[tilespmem:s0+$0x2060] =	vst v20  }
0x425: {  	v17 =	vld.idx.msk [tilespmem:v17+s21+$0x0], $0xffff;
	[tilespmem:s16+$0x2060] =	vst v21  }
0x426: {  	[tilespmem:s15+$0xFFFFFFF0] =	vst v22;
	v18 =	vld.idx.msk [tilespmem:v18+s21+$0x0], $0xffff  }
0x427: {  	v14 =	vld.idx.msk [tilespmem:v14+s21+$0x0], $0xffff;
	[tilespmem:s7+$0x2060] =	vst v16  }
0x428: {  	[tilespmem:s13+$0x0] =	vst v12;
	v12 =	vld.idx.msk [tilespmem:v13+s21+$0x0], $0xffff  }
0x429: {  	[tilespmem:s14+$0x2070] =	vst v15  }
0x42a: {  	[tilespmem:s0+$0x2070] =	vst v17  }
0x42b: {  	[tilespmem:s16+$0x2070] =	vst v18  }
0x42c: {  	s5 =	simm.s32 $0x0;
	[tilespmem:s15+$0x0] =	vst v14  }
0x42d: {  	s6 =	simm.s32 $0x1;
	v13 =	vmov s5;
	[tilespmem:s7+$0x2070] =	vst v12  }
0x42e: {  	s9 =	simm.s32 $0x7;
	s8 =	simm.s32 $0x13600;
	v12 =	vand.u32 $0x3C, v13;
	v13 =	vmov s6;
	s7 =	rddreg [dreg:$0xa]  }
0x42f: {  	v19 =	vbroadcast v12, $0x0;
	v12 =	vand.u32 $0x3D, v13;
	[hbm4b:s7+s28] =	stream.strided.scatter [tilespmem:s8], [sflag:$0x6], $0x2000, s29, s28, $0x38;
	[tilespmem:$0x19600] =	vst v63  }
0x430: {  	v21 =	vbroadcast v12, $0x0;
	_ =	swait.ge [sflag:s9], $0x2000  }
0x431: {  	v12 =	vor.u32 v1, v19;
	[sflag:s9] =	ssyncset.done $0x0  }
0x432: {  	v13 =	vor.u32 v1, v21;
	[sflag:s9] =	ssyncadd.s32 $0xFFFFE000  }
0x433: {  	_ =	swait.ge [sflag:s1], $0x2000  }
0x434: {  	[sflag:s1] =	ssyncset.done $0x0  }
0x435: {  	[sflag:s1] =	ssyncadd.s32 $0xFFFFE000  }
0x436: {  	v12 =	vld.idx.msk [tilespmem:v12+s23+$0x0], $0xffff  }
0x437: {  	s10 =	simm.s32 $0x2;
	v14 =	vor.u32 v5, v19;
	v13 =	vld.idx.msk [tilespmem:v13+s23+$0x0], $0xffff  }
0x438: {  	s11 =	simm.s32 $0x0;
	v15 =	vmov s10;
	v16 =	vor.u32 v5, v21  }
0x439: {  	s12 =	simm.s32 $0x80;
	v15 =	vand.u32 $0x3E, v15;
	s0 =	sand.u32 $0x1C00, s11  }
0x43a: {  	s2 =	sand.u32 $0x280, s12;
	v20 =	vbroadcast v15, $0x0;
	s0 =	sadd.s32 $0x11600, s0;
	s5 =	simm.s32 $0x15670  }
0x43b: {  	s13 =	simm.s32 $0x3;
	s16 =	sadd.s32 s2, s0;
	[tilespmem:s5+$0xFFFFFF90] =	vst v12  }
0x43c: {  	v12 =	vor.u32 v1, v20;
	[tilespmem:s16+$0x4000] =	vst v13;
	v13 =	vld.idx.msk [tilespmem:v14+s23+$0x0], $0xffff;
	v14 =	vmov s13  }
0x43d: {  	v15 =	vld.idx.msk [tilespmem:v16+s23+$0x0], $0xffff;
	v16 =	vor.u32 v6, v19;
	v14 =	vand.u32 $0x3F, v14  }
0x43e: {  	v17 =	vor.u32 v6, v21;
	v22 =	vbroadcast v14, $0x0;
	_ =	sdelay $0x1  }
0x43f: {  	s14 =	simm.s32 $0x4;
	v18 =	vor.u32 v1, v22  }
0x440: {  	v23 =	vld.idx.msk [tilespmem:v12+s23+$0x0], $0xffff;
	v12 =	vmov s14;
	[tilespmem:s5+$0xFFFFFFA0] =	vst v13  }
0x441: {  	v24 =	vor.u32 v5, v20;
	s15 =	simm.s32 $0x5;
	[tilespmem:s16+$0x4010] =	vst v15;
	v12 =	vand.u32 $0x3C, v12;
	v15 =	vld.idx.msk [tilespmem:v16+s23+$0x0], $0xffff  }
0x442: {  	s18 =	simm.s32 $0x100;
	s22 =	simm.s32 $0x6;
	v13 =	vmov s15;
	v16 =	vld.idx.msk [tilespmem:v17+s23+$0x0], $0xffff;
	v12 =	vbroadcast v12, $0x0;
	v17 =	vor.u32 v7, v19  }
0x443: {  	v26 =	vmov s22;
	s6 =	sand.u32 $0x300, s18;
	v25 =	vor.u32 v7, v21;
	v13 =	vand.u32 $0x3D, v13  }
0x444: {  	s12 =	sadd.s32 s6, s0;
	v14 =	vbroadcast v13, $0x0;
	v13 =	vand.u32 $0x3E, v26;
	v26 =	vor.u32 v1, v12;
	v18 =	vld.idx.msk [tilespmem:v18+s23+$0x0], $0xffff  }
0x445: {  	v13 =	vbroadcast v13, $0x0;
	[tilespmem:s12+$0x4000] =	vst v23;
	v23 =	vor.u32 v5, v22  }
0x446: {  	s6 =	simm.s32 $0x180;
	v27 =	vor.u32 v1, v14;
	v24 =	vld.idx.msk [tilespmem:v24+s23+$0x0], $0xffff;
	[tilespmem:s5+$0xFFFFFFB0] =	vst v15  }
0x447: {  	s2 =	sand.u32 $0x380, s6;
	[tilespmem:s16+$0x4020] =	vst v16;
	v15 =	vor.u32 v1, v13;
	v16 =	vld.idx.msk [tilespmem:v17+s23+$0x0], $0xffff  }
0x448: {  	s2 =	sadd.s32 s2, s0;
	v17 =	vld.idx.msk [tilespmem:v25+s23+$0x0], $0xffff;
	v25 =	vor.u32 v8, v19  }
0x449: {  	v28 =	vor.u32 v8, v21;
	v26 =	vld.idx.msk [tilespmem:v26+s23+$0x0], $0xffff;
	[tilespmem:s2+$0x4000] =	vst v18  }
0x44a: {  	v18 =	vor.u32 v6, v20;
	v23 =	vld.idx.msk [tilespmem:v23+s23+$0x0], $0xffff  }
0x44b: {  	v29 =	vor.u32 v6, v22;
	v27 =	vld.idx.msk [tilespmem:v27+s23+$0x0], $0xffff;
	[tilespmem:s12+$0x4010] =	vst v24  }
0x44c: {  	s7 =	simm.s32 $0x200;
	v30 =	vor.u32 v5, v12;
	v15 =	vld.idx.msk [tilespmem:v15+s23+$0x0], $0xffff;
	[tilespmem:s5+$0xFFFFFFC0] =	vst v16  }
0x44d: {  	s8 =	simm.s32 $0x280;
	s0 =	sand.u32 $0x1C00, s7;
	s13 =	simm.s32 $0x15870;
	v16 =	vor.u32 v5, v14;
	[tilespmem:s16+$0x4030] =	vst v17;
	v17 =	vld.idx.msk [tilespmem:v25+s23+$0x0], $0xffff  }
0x44e: {  	s6 =	sand.u32 $0x280, s8;
	s0 =	sadd.s32 $0x11600, s0;
	s9 =	simm.s32 $0x300;
	v24 =	vld.idx.msk [tilespmem:v28+s23+$0x0], $0xffff;
	v28 =	vor.u32 v5, v13;
	[tilespmem:s13+$0xFFFFFF90] =	vst v26  }
0x44f: {  	s11 =	sadd.s32 s6, s0;
	s10 =	sand.u32 $0x300, s9;
	v25 =	vor.u32 v9, v19;
	v18 =	vld.idx.msk [tilespmem:v18+s23+$0x0], $0xffff;
	[tilespmem:s2+$0x4010] =	vst v23  }
0x450: {  	s6 =	sadd.s32 s10, s0;
	[tilespmem:s11+$0x4000] =	vst v27;
	v23 =	vor.u32 v7, v20;
	v26 =	vld.idx.msk [tilespmem:v29+s23+$0x0], $0xffff  }
0x451: {  	v27 =	vld.idx.msk [tilespmem:v30+s23+$0x0], $0xffff;
	v29 =	vor.u32 v7, v22;
	[tilespmem:s6+$0x4000] =	vst v15  }
0x452: {  	s14 =	simm.s32 $0x7;
	v16 =	vld.idx.msk [tilespmem:v16+s23+$0x0], $0xffff;
	[tilespmem:s5+$0xFFFFFFD0] =	vst v17;
	v17 =	vor.u32 v9, v21  }
0x453: {  	v31 =	vor.u32 v6, v14;
	v30 =	vmov s14;
	v28 =	vld.idx.msk [tilespmem:v28+s23+$0x0], $0xffff  }
0x454: {  	v15 =	vand.u32 $0x3F, v30;
	v25 =	vld.idx.msk [tilespmem:v25+s23+$0x0], $0xffff;
	[tilespmem:s12+$0x4020] =	vst v18;
	v18 =	vor.u32 v6, v12  }
0x455: {  	v15 =	vbroadcast v15, $0x0;
	v23 =	vld.idx.msk [tilespmem:v23+s23+$0x0], $0xffff;
	[tilespmem:s2+$0x4020] =	vst v26;
	v26 =	vor.u32 v10, v19  }
0x456: {  	v52 =	vor.u32 v8, v20;
	[tilespmem:s16+$0x4040] =	vst v24;
	v24 =	vld.idx.msk [tilespmem:v29+s23+$0x0], $0xffff  }
0x457: {  	s15 =	simm.s32 $0x8;
	v29 =	vor.u32 v1, v15;
	[tilespmem:s11+$0x4010] =	vst v16;
	v30 =	vld.idx.msk [tilespmem:v17+s23+$0x0], $0xffff  }
0x458: {  	s18 =	simm.s32 $0x9;
	v53 =	vor.u32 v8, v22;
	[tilespmem:s13+$0xFFFFFFA0] =	vst v27;
	v16 =	vmov s15;
	v27 =	vld.idx.msk [tilespmem:v31+s23+$0x0], $0xffff  }
0x459: {  	v16 =	vand.u32 $0x3C, v16;
	v17 =	vmov s18;
	v31 =	vor.u32 v7, v14;
	[tilespmem:s5+$0xFFFFFFE0] =	vst v25;
	v25 =	vld.idx.msk [tilespmem:v18+s23+$0x0], $0xffff  }
0x45a: {  	s22 =	simm.s32 $0xA;
	v54 =	vor.u32 v10, v21;
	v16 =	vbroadcast v16, $0x0;
	v17 =	vand.u32 $0x3D, v17;
	[tilespmem:s12+$0x4030] =	vst v23;
	v26 =	vld.idx.msk [tilespmem:v26+s23+$0x0], $0xffff  }
0x45b: {  	v18 =	vmov s22;
	v17 =	vbroadcast v17, $0x0;
	v23 =	vor.u32 v7, v12;
	v32 =	vld.idx.msk [tilespmem:v52+s23+$0x0], $0xffff  }
0x45c: {  	v18 =	vand.u32 $0x3E, v18;
	v29 =	vld.idx.msk [tilespmem:v29+s23+$0x0], $0xffff;
	[tilespmem:s2+$0x4030] =	vst v24;
	v24 =	vor.u32 v1, v16  }
0x45d: {  	v18 =	vbroadcast v18, $0x0;
	v55 =	vor.u32 v1, v17;
	[tilespmem:s11+$0x4020] =	vst v27;
	v27 =	vld.idx.msk [tilespmem:v53+s23+$0x0], $0xffff  }
0x45e: {  	v56 =	vor.u32 v5, v15;
	[tilespmem:s16+$0x4050] =	vst v30;
	v31 =	vld.idx.msk [tilespmem:v31+s23+$0x0], $0xffff  }
0x45f: {  	s8 =	simm.s32 $0x380;
	v30 =	vor.u32 v1, v18;
	[tilespmem:s13+$0xFFFFFFB0] =	vst v25;
	v25 =	vld.idx.msk [tilespmem:v54+s23+$0x0], $0xffff  }
0x460: {  	s7 =	sand.u32 $0x380, s8;
	v58 =	vor.u32 v9, v22;
	[tilespmem:s6+$0x4010] =	vst v28;
	v23 =	vld.idx.msk [tilespmem:v23+s23+$0x0], $0xffff  }
0x461: {  	s14 =	sadd.s32 s7, s0;
	v28 =	vor.u32 v8, v14;
	[tilespmem:s12+$0x4040] =	vst v32;
	v24 =	vld.idx.msk [tilespmem:v24+s23+$0x0], $0xffff  }
0x462: {  	v21 =	vor.u32 v11, v21;
	[tilespmem:s14+$0x4000] =	vst v29;
	v29 =	vld.idx.msk [tilespmem:v55+s23+$0x0], $0xffff  }
0x463: {  	v57 =	vor.u32 v9, v20;
	[tilespmem:s5+$0xFFFFFFF0] =	vst v26;
	v33 =	vld.idx.msk [tilespmem:v56+s23+$0x0], $0xffff  }
0x464: {  	[tilespmem:s2+$0x4040] =	vst v27;
	v27 =	vld.idx.msk [tilespmem:v30+s23+$0x0], $0xffff;
	v30 =	vor.u32 v8, v12  }
0x465: {  	s9 =	simm.s32 $0x400;
	[tilespmem:s11+$0x4030] =	vst v31;
	v31 =	vor.u32 v5, v16;
	v59 =	vld.idx.msk [tilespmem:v58+s23+$0x0], $0xffff  }
0x466: {  	s10 =	simm.s32 $0x480;
	s0 =	sand.u32 $0x1C00, s9;
	[tilespmem:s16+$0x4060] =	vst v25;
	v25 =	vor.u32 v6, v13;
	v28 =	vld.idx.msk [tilespmem:v28+s23+$0x0], $0xffff  }
0x467: {  	s7 =	sand.u32 $0x280, s10;
	s8 =	sadd.s32 $0x11600, s0;
	s15 =	simm.s32 $0x15A70;
	[tilespmem:s13+$0xFFFFFFC0] =	vst v23;
	v21 =	vld.idx.msk [tilespmem:v21+s23+$0x0], $0xffff;
	v23 =	vor.u32 v5, v17  }
0x468: {  	s0 =	sadd.s32 s7, s8;
	v19 =	vor.u32 v11, v19;
	[tilespmem:s15+$0xFFFFFF90] =	vst v24;
	v24 =	vld.idx.msk [tilespmem:v57+s23+$0x0], $0xffff  }
0x469: {  	[tilespmem:s0+$0x4000] =	vst v29;
	v29 =	vor.u32 v6, v15;
	v30 =	vld.idx.msk [tilespmem:v30+s23+$0x0], $0xffff  }
0x46a: {  	v26 =	vor.u32 v10, v20;
	[tilespmem:s14+$0x4010] =	vst v33;
	v60 =	vld.idx.msk [tilespmem:v31+s23+$0x0], $0xffff  }
0x46b: {  	v31 =	vor.u32 v9, v12;
	v25 =	vld.idx.msk [tilespmem:v25+s23+$0x0], $0xffff;
	[tilespmem:s2+$0x4050] =	vst v59  }
0x46c: {  	v36 =	vor.u32 v9, v14;
	[tilespmem:s11+$0x4040] =	vst v28;
	v61 =	vld.idx.msk [tilespmem:v23+s23+$0x0], $0xffff  }
0x46d: {  	s18 =	simm.s32 $0x500;
	v28 =	vor.u32 v5, v18;
	[tilespmem:s16+$0x4070] =	vst v21;
	v23 =	vld.idx.msk [tilespmem:v19+s23+$0x0], $0xffff  }
0x46e: {  	s7 =	sand.u32 $0x300, s18;
	v21 =	vor.u32 v7, v13;
	v29 =	vld.idx.msk [tilespmem:v29+s23+$0x0], $0xffff;
	[tilespmem:s12+$0x4050] =	vst v24  }
0x46f: {  	s16 =	sadd.s32 s7, s8;
	v24 =	vor.u32 v10, v22;
	v26 =	vld.idx.msk [tilespmem:v26+s23+$0x0], $0xffff;
	[tilespmem:s13+$0xFFFFFFD0] =	vst v30  }
0x470: {  	[tilespmem:s16+$0x4000] =	vst v27;
	v30 =	vor.u32 v7, v15;
	v27 =	vld.idx.msk [tilespmem:v31+s23+$0x0], $0xffff  }
0x471: {  	v62 =	vor.u32 v11, v20;
	s22 =	simm.s32 $0xB;
	[tilespmem:s6+$0x4020] =	vst v25;
	v25 =	vld.idx.msk [tilespmem:v36+s23+$0x0], $0xffff  }
0x472: {  	v37 =	vor.u32 v6, v17;
	v19 =	vmov s22;
	[tilespmem:s15+$0xFFFFFFA0] =	vst v60;
	v63 =	vld.idx.msk [tilespmem:v28+s23+$0x0], $0xffff  }
0x473: {  	v19 =	vand.u32 $0x3F, v19;
	[tilespmem:s0+$0x4010] =	vst v61;
	v31 =	vld.idx.msk [tilespmem:v21+s23+$0x0], $0xffff  }
0x474: {  	v20 =	vor.u32 v8, v15;
	v33 =	vor.u32 v6, v16;
	v19 =	vbroadcast v19, $0x0;
	[tilespmem:s14+$0x4020] =	vst v29;
	v29 =	vld.idx.msk [tilespmem:v24+s23+$0x0], $0xffff  }
0x475: {  	v32 =	vor.u32 v8, v13;
	v24 =	vor.u32 v10, v12;
	v30 =	vld.idx.msk [tilespmem:v30+s23+$0x0], $0xffff;
	[tilespmem:s12+$0x4060] =	vst v26  }
0x476: {  	v34 =	vor.u32 v1, v19;
	v26 =	vor.u32 v11, v22;
	v28 =	vld.idx.msk [tilespmem:v62+s23+$0x0], $0xffff;
	[tilespmem:s13+$0xFFFFFFE0] =	vst v27  }
0x477: {  	s10 =	simm.s32 $0xC;
	s9 =	simm.s32 $0x580;
	v21 =	vor.u32 v6, v18;
	v22 =	vor.u32 v8, v19;
	v27 =	vld.idx.msk [tilespmem:v37+s23+$0x0], $0xffff;
	[tilespmem:s16+$0x4010] =	vst v63  }
.LBB2_20:
0x478: {  	s18 =	sadd.s32 $0x1, s10  }
0x479: {  	v35 =	vmov s10;
	p0 =	slt.u32 s10, $0x3C;
	v33 =	vld.idx.msk [tilespmem:v33+s23+$0x0], $0xffff;
	v36 =	vor.u32 v10, v14;
	[tilespmem:s6+$0x4030] =	vst v31;
	s7 =	smov.u32 s10;
	s10 =	sadd.s32 $0x4, s10  }
0x47a: {  	v37 =	vor.u32 v7, v17;
	v31 =	vand.u32 $0x3C, v35;
	v35 =	vmov s18;
	s18 =	sadd.s32 $0x2, s7;
	v24 =	vld.idx.msk [tilespmem:v24+s23+$0x0], $0xffff;
	[tilespmem:s2+$0x4060] =	vst v29  }
0x47b: {  	v29 =	vbroadcast v31, $0x0;
	v31 =	vand.u32 $0x3D, v35;
	v35 =	vmov s18;
	[tilespmem:s14+$0x4030] =	vst v30;
	v26 =	vld.idx.msk [tilespmem:v26+s23+$0x0], $0xffff  }
0x47c: {  	v30 =	vbroadcast v31, $0x0;
	v31 =	vand.u32 $0x3E, v35;
	v35 =	vor.u32 v7, v16;
	v34 =	vld.idx.msk [tilespmem:v34+s23+$0x0], $0xffff;
	[tilespmem:s12+$0x4070] =	vst v28;
	s12 =	smov.u32 s6;
	s6 =	smov.u32 s16  }
0x47d: {  	v28 =	vor.u32 v1, v29;
	v31 =	vbroadcast v31, $0x0;
	v32 =	vld.idx.msk [tilespmem:v32+s23+$0x0], $0xffff;
	[tilespmem:s5+$0x0] =	vst v23;
	s5 =	smov.u32 s13;
	s13 =	smov.u32 s15  }
0x47e: {  	v23 =	vor.u32 v1, v30;
	[tilespmem:s0+$0x4020] =	vst v27;
	v27 =	vld.idx.msk [tilespmem:v20+s23+$0x0], $0xffff;
	v20 =	vmov v22  }
0x47f: {  	v38 =	vor.u32 v5, v19;
	v22 =	vor.u32 v1, v31;
	v37 =	vld.idx.msk [tilespmem:v37+s23+$0x0], $0xffff;
	[tilespmem:s11+$0x4050] =	vst v25  }
0x480: {  	s16 =	sand.u32 $0x380, s9;
	[tilespmem:s15+$0xFFFFFFB0] =	vst v33;
	v25 =	vld.idx.msk [tilespmem:v36+s23+$0x0], $0xffff  }
0x481: {  	v33 =	vld.idx.msk [tilespmem:v35+s23+$0x0], $0xffff;
	v35 =	vor.u32 v8, v17;
	[tilespmem:s2+$0x4070] =	vst v26;
	s2 =	smov.u32 s14;
	s14 =	sadd.s32 s16, s8  }
0x482: {  	v26 =	vld.idx.msk [tilespmem:v28+s23+$0x0], $0xffff;
	[tilespmem:s14+$0x4000] =	vst v34;
	v28 =	vor.u32 v11, v14;
	v14 =	vmov v17;
	v17 =	vmov v30  }
0x483: {  	v30 =	vor.u32 v9, v13;
	v23 =	vld.idx.msk [tilespmem:v23+s23+$0x0], $0xffff;
	[tilespmem:s12+$0x4040] =	vst v32;
	v32 =	vor.u32 v9, v15  }
0x484: {  	s9 =	sadd.s32 $0x200, s9;
	v34 =	vor.u32 v5, v29;
	v36 =	vld.idx.msk [tilespmem:v38+s23+$0x0], $0xffff;
	[tilespmem:s2+$0x4040] =	vst v27  }
0x485: {  	s8 =	sadd.s32 $0xFFFFFE80, s9;
	v27 =	vor.u32 v5, v17;
	v38 =	vor.u32 v8, v16;
	v22 =	vld.idx.msk [tilespmem:v22+s23+$0x0], $0xffff;
	[tilespmem:s0+$0x4030] =	vst v37  }
0x486: {  	s15 =	sadd.s32 $0x200, s15;
	s16 =	sadd.s32 $0xFFFFFF00, s9;
	s8 =	sand.u32 $0x1C00, s8;
	v37 =	vor.u32 v5, v31;
	v35 =	vld.idx.msk [tilespmem:v35+s23+$0x0], $0xffff;
	[tilespmem:s11+$0x4060] =	vst v25  }
0x487: {  	s18 =	sadd.s32 $0xFFFFFF80, s9;
	s16 =	sand.u32 $0x280, s16;
	s8 =	sadd.s32 $0x11600, s8;
	[tilespmem:s13+$0xFFFFFFC0] =	vst v33;
	v25 =	vld.idx.msk [tilespmem:v28+s23+$0x0], $0xffff  }
0x488: {  	s22 =	sadd.s32 s16, s8;
	s16 =	sand.u32 $0x300, s18;
	[tilespmem:s15+$0xFFFFFF90] =	vst v26;
	v26 =	vld.idx.msk [tilespmem:v30+s23+$0x0], $0xffff  }
0x489: {  	s16 =	sadd.s32 s16, s8;
	[tilespmem:s22+$0x4000] =	vst v23;
	v23 =	vor.u32 v6, v19;
	v28 =	vld.idx.msk [tilespmem:v32+s23+$0x0], $0xffff  }
0x48a: {  	v30 =	vld.idx.msk [tilespmem:v38+s23+$0x0], $0xffff;
	[tilespmem:s5+$0xFFFFFFF0] =	vst v24;
	v24 =	vor.u32 v10, v13  }
0x48b: {  	v33 =	vor.u32 v11, v12;
	v12 =	vmov v16;
	v16 =	vmov v29;
	v32 =	vld.idx.msk [tilespmem:v34+s23+$0x0], $0xffff;
	[tilespmem:s14+$0x4010] =	vst v36  }
0x48c: {  	v29 =	vor.u32 v9, v12;
	v36 =	vor.u32 v6, v17;
	[tilespmem:s0+$0x4040] =	vst v35;
	v34 =	vld.idx.msk [tilespmem:v21+s23+$0x0], $0xffff  }
0x48d: {  	v21 =	vor.u32 v6, v31;
	v27 =	vld.idx.msk [tilespmem:v27+s23+$0x0], $0xffff;
	[tilespmem:s11+$0x4070] =	vst v25;
	s11 =	smov.u32 s0;
	s0 =	smov.u32 s22  }
0x48e: {  	v38 =	vor.u32 v10, v15;
	v25 =	vor.u32 v7, v18;
	v35 =	vld.idx.msk [tilespmem:v23+s23+$0x0], $0xffff;
	[tilespmem:s12+$0x4050] =	vst v26  }
0x48f: {  	v39 =	vld.idx.msk [tilespmem:v24+s23+$0x0], $0xffff;
	[tilespmem:s2+$0x4050] =	vst v28  }
0x490: {  	v28 =	vor.u32 v7, v19;
	[tilespmem:s13+$0xFFFFFFD0] =	vst v30;
	v23 =	vld.idx.msk [tilespmem:v33+s23+$0x0], $0xffff  }
0x491: {  	[tilespmem:s16+$0x4000] =	vst v22;
	v40 =	vld.idx.msk [tilespmem:v29+s23+$0x0], $0xffff;
	v22 =	vor.u32 v11, v13;
	v13 =	vmov v18;
	v18 =	vmov v31  }
0x492: {  	s7 =	sadd.s32 $0x3, s7;
	v41 =	vor.u32 v9, v14;
	v37 =	vld.idx.msk [tilespmem:v37+s23+$0x0], $0xffff;
	[tilespmem:s6+$0x4020] =	vst v34  }
0x493: {  	v26 =	vor.u32 v11, v15;
	v15 =	vmov v19;
	v24 =	vmov s7;
	[tilespmem:s0+$0x4010] =	vst v27;
	v31 =	vld.idx.msk [tilespmem:v25+s23+$0x0], $0xffff  }
.Ltmp9:
0x494: {  	v33 =	vor.u32 v6, v16;
	v19 =	vand.u32 $0x3F, v24;
	[tilespmem:s14+$0x4020] =	vst v35;
	v29 =	vld.idx.msk [tilespmem:v38+s23+$0x0], $0xffff;
	(pc) =	sbr.rel @p0 .LBB2_20-.Ltmp9, $4  }
0x495: {  	v24 =	vor.u32 v10, v12;
	v19 =	vbroadcast v19, $0x0;
	v30 =	vld.idx.msk [tilespmem:v28+s23+$0x0], $0xffff;
	[tilespmem:s12+$0x4060] =	vst v39  }
0x496: {  	[tilespmem:s15+$0xFFFFFFA0] =	vst v32;
	v28 =	vld.idx.msk [tilespmem:v22+s23+$0x0], $0xffff  }
0x497: {  	v34 =	vor.u32 v1, v19;
	v22 =	vor.u32 v8, v19;
	[tilespmem:s13+$0xFFFFFFE0] =	vst v40;
	v25 =	vld.idx.msk [tilespmem:v41+s23+$0x0], $0xffff  }
0x498: {  	v32 =	vor.u32 v8, v13;
	v27 =	vld.idx.msk [tilespmem:v36+s23+$0x0], $0xffff;
	[tilespmem:s16+$0x4010] =	vst v37  }
0x499: {  	_ =	sdelay $0x3  }
0x49a: {  	v34 =	vld.idx.msk [tilespmem:v34+s23+$0x0], $0xffff  }
0x49b: {  	v35 =	vor.u32 v5, v19;
	_ =	sdelay $0x1  }
0x49c: {  	[tilespmem:s6+$0x4030] =	vst v31;
	s7 =	sand.u32 $0x380, s9  }
0x49d: {  	[tilespmem:s2+$0x4060] =	vst v29;
	s7 =	sadd.s32 s7, s8  }
0x49e: {  	[tilespmem:s7+$0x4000] =	vst v34  }
0x49f: {  	[tilespmem:s14+$0x4030] =	vst v30;
	v29 =	vld.idx.msk [tilespmem:v35+s23+$0x0], $0xffff  }
0x4a0: {  	v30 =	vld.idx.msk [tilespmem:v33+s23+$0x0], $0xffff;
	[tilespmem:s12+$0x4070] =	vst v28;
	v28 =	vor.u32 v6, v19  }
0x4a1: {  	[tilespmem:s5+$0x0] =	vst v23;
	v23 =	vor.u32 v10, v14;
	v26 =	vld.idx.msk [tilespmem:v26+s23+$0x0], $0xffff  }
0x4a2: {  	v21 =	vld.idx.msk [tilespmem:v21+s23+$0x0], $0xffff;
	[tilespmem:s0+$0x4020] =	vst v27;
	v27 =	vor.u32 v7, v16  }
0x4a3: {  	v31 =	vor.u32 v7, v17;
	v32 =	vld.idx.msk [tilespmem:v32+s23+$0x0], $0xffff;
	[tilespmem:s11+$0x4050] =	vst v25  }
0x4a4: {  	v20 =	vld.idx.msk [tilespmem:v20+s23+$0x0], $0xffff;
	v25 =	vor.u32 v7, v18;
	[tilespmem:s7+$0x4010] =	vst v29  }
0x4a5: {  	[tilespmem:s15+$0xFFFFFFB0] =	vst v30;
	v28 =	vld.idx.msk [tilespmem:v28+s23+$0x0], $0xffff  }
0x4a6: {  	v23 =	vld.idx.msk [tilespmem:v23+s23+$0x0], $0xffff;
	[tilespmem:s2+$0x4070] =	vst v26;
	v26 =	vor.u32 v7, v19  }
0x4a7: {  	v14 =	vor.u32 v11, v14;
	[tilespmem:s16+$0x4020] =	vst v21;
	v27 =	vld.idx.msk [tilespmem:v27+s23+$0x0], $0xffff  }
0x4a8: {  	[tilespmem:s6+$0x4040] =	vst v32;
	v29 =	vld.idx.msk [tilespmem:v31+s23+$0x0], $0xffff;
	v31 =	vor.u32 v9, v13  }
0x4a9: {  	v30 =	vor.u32 v8, v17;
	[tilespmem:s14+$0x4040] =	vst v20;
	v20 =	vld.idx.msk [tilespmem:v25+s23+$0x0], $0xffff  }
0x4aa: {  	v21 =	vld.idx.msk [tilespmem:v24+s23+$0x0], $0xffff;
	v24 =	vor.u32 v8, v18;
	[tilespmem:s7+$0x4020] =	vst v28  }
0x4ab: {  	v25 =	vor.u32 v8, v16;
	[tilespmem:s11+$0x4060] =	vst v23;
	v26 =	vld.idx.msk [tilespmem:v26+s23+$0x0], $0xffff  }
0x4ac: {  	v14 =	vld.idx.msk [tilespmem:v14+s23+$0x0], $0xffff;
	[tilespmem:s15+$0xFFFFFFC0] =	vst v27  }
0x4ad: {  	v23 =	vor.u32 v9, v15;
	[tilespmem:s0+$0x4030] =	vst v29;
	v27 =	vld.idx.msk [tilespmem:v31+s23+$0x0], $0xffff  }
0x4ae: {  	[tilespmem:s16+$0x4030] =	vst v20;
	v29 =	vor.u32 v10, v13;
	v28 =	vld.idx.msk [tilespmem:v30+s23+$0x0], $0xffff  }
0x4af: {  	[tilespmem:s13+$0xFFFFFFF0] =	vst v21;
	v20 =	vor.u32 v9, v17;
	v21 =	vld.idx.msk [tilespmem:v24+s23+$0x0], $0xffff  }
0x4b0: {  	v24 =	vld.idx.msk [tilespmem:v25+s23+$0x0], $0xffff;
	v25 =	vor.u32 v9, v18;
	[tilespmem:s7+$0x4030] =	vst v26  }
0x4b1: {  	[tilespmem:s11+$0x4070] =	vst v14;
	v26 =	vor.u32 v9, v16;
	v22 =	vld.idx.msk [tilespmem:v22+s23+$0x0], $0xffff  }
0x4b2: {  	v23 =	vld.idx.msk [tilespmem:v23+s23+$0x0], $0xffff;
	[tilespmem:s6+$0x4050] =	vst v27;
	v27 =	vor.u32 v9, v19  }
0x4b3: {  	v14 =	vor.u32 v10, v15;
	[tilespmem:s0+$0x4040] =	vst v28;
	v28 =	vld.idx.msk [tilespmem:v29+s23+$0x0], $0xffff  }
0x4b4: {  	v13 =	vor.u32 v11, v13;
	[tilespmem:s16+$0x4040] =	vst v21;
	v20 =	vld.idx.msk [tilespmem:v20+s23+$0x0], $0xffff  }
0x4b5: {  	v21 =	vor.u32 v10, v17;
	[tilespmem:s15+$0xFFFFFFD0] =	vst v24;
	v24 =	vld.idx.msk [tilespmem:v25+s23+$0x0], $0xffff  }
0x4b6: {  	v25 =	vld.idx.msk [tilespmem:v26+s23+$0x0], $0xffff;
	[tilespmem:s7+$0x4040] =	vst v22;
	v22 =	vor.u32 v10, v18  }
0x4b7: {  	[tilespmem:s14+$0x4050] =	vst v23;
	v23 =	vor.u32 v10, v16;
	v26 =	vld.idx.msk [tilespmem:v27+s23+$0x0], $0xffff  }
0x4b8: {  	v14 =	vld.idx.msk [tilespmem:v14+s23+$0x0], $0xffff;
	[tilespmem:s6+$0x4060] =	vst v28;
	v27 =	vor.u32 v10, v19  }
0x4b9: {  	v12 =	vor.u32 v11, v12;
	v13 =	vld.idx.msk [tilespmem:v13+s23+$0x0], $0xffff;
	[tilespmem:s0+$0x4050] =	vst v20  }
0x4ba: {  	v15 =	vor.u32 v11, v15;
	[tilespmem:s16+$0x4050] =	vst v24;
	v20 =	vld.idx.msk [tilespmem:v21+s23+$0x0], $0xffff  }
0x4bb: {  	v17 =	vor.u32 v11, v17;
	[tilespmem:s15+$0xFFFFFFE0] =	vst v25;
	v21 =	vld.idx.msk [tilespmem:v22+s23+$0x0], $0xffff  }
0x4bc: {  	v18 =	vor.u32 v11, v18;
	v22 =	vld.idx.msk [tilespmem:v23+s23+$0x0], $0xffff;
	[tilespmem:s7+$0x4050] =	vst v26  }
0x4bd: {  	[tilespmem:s14+$0x4060] =	vst v14;
	v14 =	vor.u32 v11, v16;
	v16 =	vld.idx.msk [tilespmem:v27+s23+$0x0], $0xffff  }
0x4be: {  	v12 =	vld.idx.msk [tilespmem:v12+s23+$0x0], $0xffff;
	[tilespmem:s6+$0x4070] =	vst v13;
	v13 =	vor.u32 v11, v19  }
0x4bf: {  	v15 =	vld.idx.msk [tilespmem:v15+s23+$0x0], $0xffff;
	[tilespmem:s0+$0x4060] =	vst v20  }
0x4c0: {  	v17 =	vld.idx.msk [tilespmem:v17+s23+$0x0], $0xffff;
	[tilespmem:s16+$0x4060] =	vst v21  }
0x4c1: {  	[tilespmem:s15+$0xFFFFFFF0] =	vst v22;
	v18 =	vld.idx.msk [tilespmem:v18+s23+$0x0], $0xffff  }
0x4c2: {  	v14 =	vld.idx.msk [tilespmem:v14+s23+$0x0], $0xffff;
	[tilespmem:s7+$0x4060] =	vst v16  }
0x4c3: {  	[tilespmem:s13+$0x0] =	vst v12;
	v12 =	vld.idx.msk [tilespmem:v13+s23+$0x0], $0xffff  }
0x4c4: {  	[tilespmem:s14+$0x4070] =	vst v15  }
0x4c5: {  	[tilespmem:s0+$0x4070] =	vst v17  }
0x4c6: {  	[tilespmem:s16+$0x4070] =	vst v18  }
0x4c7: {  	s2 =	simm.s32 $0x0;
	[tilespmem:s15+$0x0] =	vst v14  }
0x4c8: {  	s5 =	simm.s32 $0x1;
	v13 =	vmov s2;
	[tilespmem:s7+$0x4070] =	vst v12  }
0x4c9: {  	s8 =	simm.s32 $0x8;
	v12 =	vand.u32 $0x3C, v13;
	v13 =	vmov s5;
	s7 =	simm.s32 $0x15600;
	s6 =	rddreg [dreg:$0xb]  }
0x4ca: {  	v19 =	vbroadcast v12, $0x0;
	v12 =	vand.u32 $0x3D, v13;
	[hbm4b:s6+s28] =	stream.strided.scatter [tilespmem:s7], [sflag:$0x7], $0x2000, s29, s28, $0x38;
	[tilespmem:$0x19600] =	vst v63  }
0x4cb: {  	v21 =	vbroadcast v12, $0x0;
	_ =	swait.ge [sflag:s8], $0x2000  }
0x4cc: {  	v12 =	vor.u32 v1, v19;
	[sflag:s8] =	ssyncset.done $0x0  }
0x4cd: {  	v13 =	vor.u32 v1, v21;
	[sflag:s8] =	ssyncadd.s32 $0xFFFFE000  }
0x4ce: {  	_ =	swait.ge [sflag:s20], $0x2000  }
0x4cf: {  	[sflag:s20] =	ssyncset.done $0x0  }
0x4d0: {  	[sflag:s20] =	ssyncadd.s32 $0xFFFFE000  }
0x4d1: {  	v12 =	vld.idx.msk [tilespmem:v12+s25+$0x0], $0xffff  }
0x4d2: {  	s9 =	simm.s32 $0x2;
	v14 =	vor.u32 v5, v19;
	v13 =	vld.idx.msk [tilespmem:v13+s25+$0x0], $0xffff  }
0x4d3: {  	s10 =	simm.s32 $0x0;
	v15 =	vmov s9;
	v16 =	vor.u32 v5, v21  }
0x4d4: {  	s11 =	simm.s32 $0x80;
	v15 =	vand.u32 $0x3E, v15;
	s0 =	sand.u32 $0x1C00, s10  }
0x4d5: {  	v20 =	vbroadcast v15, $0x0;
	s0 =	sadd.s32 $0x11600, s0;
	s2 =	sand.u32 $0x280, s11;
	s5 =	simm.s32 $0x17670  }
0x4d6: {  	s12 =	simm.s32 $0x3;
	s16 =	sadd.s32 s2, s0;
	[tilespmem:s5+$0xFFFFFF90] =	vst v12  }
0x4d7: {  	v12 =	vor.u32 v1, v20;
	[tilespmem:s16+$0x6000] =	vst v13;
	v13 =	vld.idx.msk [tilespmem:v14+s25+$0x0], $0xffff;
	v14 =	vmov s12  }
0x4d8: {  	v15 =	vld.idx.msk [tilespmem:v16+s25+$0x0], $0xffff;
	v16 =	vor.u32 v6, v19;
	v14 =	vand.u32 $0x3F, v14  }
0x4d9: {  	v17 =	vor.u32 v6, v21;
	v22 =	vbroadcast v14, $0x0;
	_ =	sdelay $0x1  }
0x4da: {  	s13 =	simm.s32 $0x4;
	v18 =	vor.u32 v1, v22  }
0x4db: {  	v23 =	vld.idx.msk [tilespmem:v12+s25+$0x0], $0xffff;
	v12 =	vmov s13;
	[tilespmem:s5+$0xFFFFFFA0] =	vst v13  }
0x4dc: {  	s14 =	simm.s32 $0x5;
	v24 =	vor.u32 v5, v20;
	[tilespmem:s16+$0x6010] =	vst v15;
	v12 =	vand.u32 $0x3C, v12;
	v15 =	vld.idx.msk [tilespmem:v16+s25+$0x0], $0xffff  }
0x4dd: {  	s18 =	simm.s32 $0x6;
	s15 =	simm.s32 $0x100;
	v13 =	vmov s14;
	v16 =	vld.idx.msk [tilespmem:v17+s25+$0x0], $0xffff;
	v12 =	vbroadcast v12, $0x0;
	v17 =	vor.u32 v7, v19  }
0x4de: {  	v26 =	vmov s18;
	s6 =	sand.u32 $0x300, s15;
	v25 =	vor.u32 v7, v21;
	v13 =	vand.u32 $0x3D, v13  }
0x4df: {  	s12 =	sadd.s32 s6, s0;
	v14 =	vbroadcast v13, $0x0;
	v13 =	vand.u32 $0x3E, v26;
	v26 =	vor.u32 v1, v12;
	v18 =	vld.idx.msk [tilespmem:v18+s25+$0x0], $0xffff  }
0x4e0: {  	v13 =	vbroadcast v13, $0x0;
	[tilespmem:s12+$0x6000] =	vst v23;
	v23 =	vor.u32 v5, v22  }
0x4e1: {  	s22 =	simm.s32 $0x180;
	v27 =	vor.u32 v1, v14;
	v24 =	vld.idx.msk [tilespmem:v24+s25+$0x0], $0xffff;
	[tilespmem:s5+$0xFFFFFFB0] =	vst v15  }
0x4e2: {  	s2 =	sand.u32 $0x380, s22;
	[tilespmem:s16+$0x6020] =	vst v16;
	v15 =	vor.u32 v1, v13;
	v16 =	vld.idx.msk [tilespmem:v17+s25+$0x0], $0xffff  }
0x4e3: {  	s2 =	sadd.s32 s2, s0;
	v17 =	vld.idx.msk [tilespmem:v25+s25+$0x0], $0xffff;
	v25 =	vor.u32 v8, v19  }
0x4e4: {  	v28 =	vor.u32 v8, v21;
	v26 =	vld.idx.msk [tilespmem:v26+s25+$0x0], $0xffff;
	[tilespmem:s2+$0x6000] =	vst v18  }
0x4e5: {  	v18 =	vor.u32 v6, v20;
	v23 =	vld.idx.msk [tilespmem:v23+s25+$0x0], $0xffff  }
0x4e6: {  	v29 =	vor.u32 v6, v22;
	v27 =	vld.idx.msk [tilespmem:v27+s25+$0x0], $0xffff;
	[tilespmem:s12+$0x6010] =	vst v24  }
0x4e7: {  	s6 =	simm.s32 $0x200;
	v30 =	vor.u32 v5, v12;
	v15 =	vld.idx.msk [tilespmem:v15+s25+$0x0], $0xffff;
	[tilespmem:s5+$0xFFFFFFC0] =	vst v16  }
0x4e8: {  	s7 =	simm.s32 $0x280;
	s0 =	sand.u32 $0x1C00, s6;
	s13 =	simm.s32 $0x17870;
	v16 =	vor.u32 v5, v14;
	[tilespmem:s16+$0x6030] =	vst v17;
	v17 =	vld.idx.msk [tilespmem:v25+s25+$0x0], $0xffff  }
0x4e9: {  	s8 =	simm.s32 $0x300;
	s6 =	sand.u32 $0x280, s7;
	s0 =	sadd.s32 $0x11600, s0;
	v24 =	vld.idx.msk [tilespmem:v28+s25+$0x0], $0xffff;
	v28 =	vor.u32 v5, v13;
	[tilespmem:s13+$0xFFFFFF90] =	vst v26  }
0x4ea: {  	s9 =	sand.u32 $0x300, s8;
	s11 =	sadd.s32 s6, s0;
	v25 =	vor.u32 v9, v19;
	v18 =	vld.idx.msk [tilespmem:v18+s25+$0x0], $0xffff;
	[tilespmem:s2+$0x6010] =	vst v23  }
0x4eb: {  	s6 =	sadd.s32 s9, s0;
	[tilespmem:s11+$0x6000] =	vst v27;
	v23 =	vor.u32 v7, v20;
	v26 =	vld.idx.msk [tilespmem:v29+s25+$0x0], $0xffff  }
0x4ec: {  	v27 =	vld.idx.msk [tilespmem:v30+s25+$0x0], $0xffff;
	v29 =	vor.u32 v7, v22;
	[tilespmem:s6+$0x6000] =	vst v15  }
0x4ed: {  	s10 =	simm.s32 $0x7;
	v16 =	vld.idx.msk [tilespmem:v16+s25+$0x0], $0xffff;
	[tilespmem:s5+$0xFFFFFFD0] =	vst v17;
	v17 =	vor.u32 v9, v21  }
0x4ee: {  	v31 =	vor.u32 v6, v14;
	v30 =	vmov s10;
	v28 =	vld.idx.msk [tilespmem:v28+s25+$0x0], $0xffff  }
0x4ef: {  	v15 =	vand.u32 $0x3F, v30;
	v25 =	vld.idx.msk [tilespmem:v25+s25+$0x0], $0xffff;
	[tilespmem:s12+$0x6020] =	vst v18;
	v18 =	vor.u32 v6, v12  }
0x4f0: {  	v15 =	vbroadcast v15, $0x0;
	v23 =	vld.idx.msk [tilespmem:v23+s25+$0x0], $0xffff;
	[tilespmem:s2+$0x6020] =	vst v26;
	v26 =	vor.u32 v10, v19  }
0x4f1: {  	v52 =	vor.u32 v8, v20;
	[tilespmem:s16+$0x6040] =	vst v24;
	v24 =	vld.idx.msk [tilespmem:v29+s25+$0x0], $0xffff  }
0x4f2: {  	s14 =	simm.s32 $0x8;
	v29 =	vor.u32 v1, v15;
	[tilespmem:s11+$0x6010] =	vst v16;
	v30 =	vld.idx.msk [tilespmem:v17+s25+$0x0], $0xffff  }
0x4f3: {  	s15 =	simm.s32 $0x9;
	v53 =	vor.u32 v8, v22;
	[tilespmem:s13+$0xFFFFFFA0] =	vst v27;
	v16 =	vmov s14;
	v27 =	vld.idx.msk [tilespmem:v31+s25+$0x0], $0xffff  }
0x4f4: {  	v16 =	vand.u32 $0x3C, v16;
	v17 =	vmov s15;
	v31 =	vor.u32 v7, v14;
	[tilespmem:s5+$0xFFFFFFE0] =	vst v25;
	v25 =	vld.idx.msk [tilespmem:v18+s25+$0x0], $0xffff  }
0x4f5: {  	s18 =	simm.s32 $0xA;
	v54 =	vor.u32 v10, v21;
	v16 =	vbroadcast v16, $0x0;
	v17 =	vand.u32 $0x3D, v17;
	[tilespmem:s12+$0x6030] =	vst v23;
	v26 =	vld.idx.msk [tilespmem:v26+s25+$0x0], $0xffff  }
0x4f6: {  	v18 =	vmov s18;
	v17 =	vbroadcast v17, $0x0;
	v23 =	vor.u32 v7, v12;
	v32 =	vld.idx.msk [tilespmem:v52+s25+$0x0], $0xffff  }
0x4f7: {  	v18 =	vand.u32 $0x3E, v18;
	v29 =	vld.idx.msk [tilespmem:v29+s25+$0x0], $0xffff;
	[tilespmem:s2+$0x6030] =	vst v24;
	v24 =	vor.u32 v1, v16  }
0x4f8: {  	v18 =	vbroadcast v18, $0x0;
	v55 =	vor.u32 v1, v17;
	[tilespmem:s11+$0x6020] =	vst v27;
	v27 =	vld.idx.msk [tilespmem:v53+s25+$0x0], $0xffff  }
0x4f9: {  	v56 =	vor.u32 v5, v15;
	[tilespmem:s16+$0x6050] =	vst v30;
	v31 =	vld.idx.msk [tilespmem:v31+s25+$0x0], $0xffff  }
0x4fa: {  	s22 =	simm.s32 $0x380;
	v30 =	vor.u32 v1, v18;
	[tilespmem:s13+$0xFFFFFFB0] =	vst v25;
	v25 =	vld.idx.msk [tilespmem:v54+s25+$0x0], $0xffff  }
0x4fb: {  	s7 =	sand.u32 $0x380, s22;
	v58 =	vor.u32 v9, v22;
	[tilespmem:s6+$0x6010] =	vst v28;
	v23 =	vld.idx.msk [tilespmem:v23+s25+$0x0], $0xffff  }
0x4fc: {  	s14 =	sadd.s32 s7, s0;
	v28 =	vor.u32 v8, v14;
	[tilespmem:s12+$0x6040] =	vst v32;
	v24 =	vld.idx.msk [tilespmem:v24+s25+$0x0], $0xffff  }
0x4fd: {  	v21 =	vor.u32 v11, v21;
	[tilespmem:s14+$0x6000] =	vst v29;
	v29 =	vld.idx.msk [tilespmem:v55+s25+$0x0], $0xffff  }
0x4fe: {  	v57 =	vor.u32 v9, v20;
	[tilespmem:s5+$0xFFFFFFF0] =	vst v26;
	v33 =	vld.idx.msk [tilespmem:v56+s25+$0x0], $0xffff  }
0x4ff: {  	[tilespmem:s2+$0x6040] =	vst v27;
	v27 =	vld.idx.msk [tilespmem:v30+s25+$0x0], $0xffff;
	v30 =	vor.u32 v8, v12  }
0x500: {  	s8 =	simm.s32 $0x400;
	[tilespmem:s11+$0x6030] =	vst v31;
	v31 =	vor.u32 v5, v16;
	v59 =	vld.idx.msk [tilespmem:v58+s25+$0x0], $0xffff  }
0x501: {  	s9 =	sand.u32 $0x1C00, s8;
	s10 =	simm.s32 $0x480;
	[tilespmem:s16+$0x6060] =	vst v25;
	v25 =	vor.u32 v6, v13;
	v28 =	vld.idx.msk [tilespmem:v28+s25+$0x0], $0xffff  }
0x502: {  	s8 =	sadd.s32 $0x11600, s9;
	s0 =	simm.s32 $0x17A70;
	s15 =	sand.u32 $0x280, s10;
	[tilespmem:s13+$0xFFFFFFC0] =	vst v23;
	v21 =	vld.idx.msk [tilespmem:v21+s25+$0x0], $0xffff;
	v23 =	vor.u32 v5, v17  }
0x503: {  	v19 =	vor.u32 v11, v19;
	s15 =	sadd.s32 s15, s8;
	[tilespmem:s0+$0xFFFFFF90] =	vst v24;
	v24 =	vld.idx.msk [tilespmem:v57+s25+$0x0], $0xffff  }
0x504: {  	[tilespmem:s15+$0x6000] =	vst v29;
	v29 =	vor.u32 v6, v15;
	v30 =	vld.idx.msk [tilespmem:v30+s25+$0x0], $0xffff  }
0x505: {  	v26 =	vor.u32 v10, v20;
	[tilespmem:s14+$0x6010] =	vst v33;
	v60 =	vld.idx.msk [tilespmem:v31+s25+$0x0], $0xffff  }
0x506: {  	v31 =	vor.u32 v9, v12;
	v25 =	vld.idx.msk [tilespmem:v25+s25+$0x0], $0xffff;
	[tilespmem:s2+$0x6050] =	vst v59  }
0x507: {  	v36 =	vor.u32 v9, v14;
	[tilespmem:s11+$0x6040] =	vst v28;
	v61 =	vld.idx.msk [tilespmem:v23+s25+$0x0], $0xffff  }
0x508: {  	s18 =	simm.s32 $0x500;
	v28 =	vor.u32 v5, v18;
	[tilespmem:s16+$0x6070] =	vst v21;
	v23 =	vld.idx.msk [tilespmem:v19+s25+$0x0], $0xffff  }
0x509: {  	s7 =	sand.u32 $0x300, s18;
	v21 =	vor.u32 v7, v13;
	v29 =	vld.idx.msk [tilespmem:v29+s25+$0x0], $0xffff;
	[tilespmem:s12+$0x6050] =	vst v24  }
0x50a: {  	s16 =	sadd.s32 s7, s8;
	v24 =	vor.u32 v10, v22;
	v26 =	vld.idx.msk [tilespmem:v26+s25+$0x0], $0xffff;
	[tilespmem:s13+$0xFFFFFFD0] =	vst v30  }
0x50b: {  	[tilespmem:s16+$0x6000] =	vst v27;
	v30 =	vor.u32 v7, v15;
	v27 =	vld.idx.msk [tilespmem:v31+s25+$0x0], $0xffff  }
0x50c: {  	v62 =	vor.u32 v11, v20;
	s22 =	simm.s32 $0xB;
	[tilespmem:s6+$0x6020] =	vst v25;
	v25 =	vld.idx.msk [tilespmem:v36+s25+$0x0], $0xffff  }
0x50d: {  	v37 =	vor.u32 v6, v17;
	v19 =	vmov s22;
	[tilespmem:s0+$0xFFFFFFA0] =	vst v60;
	v63 =	vld.idx.msk [tilespmem:v28+s25+$0x0], $0xffff  }
0x50e: {  	v19 =	vand.u32 $0x3F, v19;
	[tilespmem:s15+$0x6010] =	vst v61;
	v31 =	vld.idx.msk [tilespmem:v21+s25+$0x0], $0xffff  }
0x50f: {  	v20 =	vor.u32 v8, v15;
	v33 =	vor.u32 v6, v16;
	v19 =	vbroadcast v19, $0x0;
	[tilespmem:s14+$0x6020] =	vst v29;
	v29 =	vld.idx.msk [tilespmem:v24+s25+$0x0], $0xffff  }
0x510: {  	v32 =	vor.u32 v8, v13;
	v24 =	vor.u32 v10, v12;
	v30 =	vld.idx.msk [tilespmem:v30+s25+$0x0], $0xffff;
	[tilespmem:s12+$0x6060] =	vst v26  }
0x511: {  	v34 =	vor.u32 v1, v19;
	v26 =	vor.u32 v11, v22;
	v28 =	vld.idx.msk [tilespmem:v62+s25+$0x0], $0xffff;
	[tilespmem:s13+$0xFFFFFFE0] =	vst v27  }
0x512: {  	s9 =	simm.s32 $0x580;
	s10 =	simm.s32 $0xC;
	v21 =	vor.u32 v6, v18;
	v22 =	vor.u32 v8, v19;
	v27 =	vld.idx.msk [tilespmem:v37+s25+$0x0], $0xffff;
	[tilespmem:s16+$0x6010] =	vst v63  }
.LBB2_22:
0x513: {  	s18 =	sadd.s32 $0x1, s10  }
0x514: {  	v35 =	vmov s10;
	p0 =	slt.u32 s10, $0x3C;
	v33 =	vld.idx.msk [tilespmem:v33+s25+$0x0], $0xffff;
	v36 =	vor.u32 v10, v14;
	[tilespmem:s6+$0x6030] =	vst v31;
	s7 =	smov.u32 s10;
	s10 =	sadd.s32 $0x4, s10  }
0x515: {  	v37 =	vor.u32 v7, v17;
	v31 =	vand.u32 $0x3C, v35;
	v35 =	vmov s18;
	s18 =	sadd.s32 $0x2, s7;
	v24 =	vld.idx.msk [tilespmem:v24+s25+$0x0], $0xffff;
	[tilespmem:s2+$0x6060] =	vst v29  }
0x516: {  	v29 =	vbroadcast v31, $0x0;
	v31 =	vand.u32 $0x3D, v35;
	v35 =	vmov s18;
	[tilespmem:s14+$0x6030] =	vst v30;
	v26 =	vld.idx.msk [tilespmem:v26+s25+$0x0], $0xffff  }
0x517: {  	v30 =	vbroadcast v31, $0x0;
	v31 =	vand.u32 $0x3E, v35;
	v35 =	vor.u32 v7, v16;
	v34 =	vld.idx.msk [tilespmem:v34+s25+$0x0], $0xffff;
	[tilespmem:s12+$0x6070] =	vst v28;
	s12 =	smov.u32 s6;
	s6 =	smov.u32 s16  }
0x518: {  	v28 =	vor.u32 v1, v29;
	v31 =	vbroadcast v31, $0x0;
	v32 =	vld.idx.msk [tilespmem:v32+s25+$0x0], $0xffff;
	[tilespmem:s5+$0x0] =	vst v23;
	s5 =	smov.u32 s13;
	s13 =	smov.u32 s0  }
0x519: {  	v23 =	vor.u32 v1, v30;
	[tilespmem:s15+$0x6020] =	vst v27;
	v27 =	vld.idx.msk [tilespmem:v20+s25+$0x0], $0xffff;
	v20 =	vmov v22  }
0x51a: {  	v38 =	vor.u32 v5, v19;
	v22 =	vor.u32 v1, v31;
	v37 =	vld.idx.msk [tilespmem:v37+s25+$0x0], $0xffff;
	[tilespmem:s11+$0x6050] =	vst v25  }
0x51b: {  	s16 =	sand.u32 $0x380, s9;
	[tilespmem:s0+$0xFFFFFFB0] =	vst v33;
	v25 =	vld.idx.msk [tilespmem:v36+s25+$0x0], $0xffff  }
0x51c: {  	v33 =	vld.idx.msk [tilespmem:v35+s25+$0x0], $0xffff;
	v35 =	vor.u32 v8, v17;
	[tilespmem:s2+$0x6070] =	vst v26;
	s2 =	smov.u32 s14;
	s14 =	sadd.s32 s16, s8  }
0x51d: {  	v26 =	vld.idx.msk [tilespmem:v28+s25+$0x0], $0xffff;
	[tilespmem:s14+$0x6000] =	vst v34;
	v28 =	vor.u32 v11, v14;
	v14 =	vmov v17;
	v17 =	vmov v30  }
0x51e: {  	v30 =	vor.u32 v9, v13;
	v23 =	vld.idx.msk [tilespmem:v23+s25+$0x0], $0xffff;
	[tilespmem:s12+$0x6040] =	vst v32;
	v32 =	vor.u32 v9, v15  }
0x51f: {  	s9 =	sadd.s32 $0x200, s9;
	v34 =	vor.u32 v5, v29;
	v36 =	vld.idx.msk [tilespmem:v38+s25+$0x0], $0xffff;
	[tilespmem:s2+$0x6040] =	vst v27  }
0x520: {  	s8 =	sadd.s32 $0xFFFFFE80, s9;
	v27 =	vor.u32 v5, v17;
	v38 =	vor.u32 v8, v16;
	v22 =	vld.idx.msk [tilespmem:v22+s25+$0x0], $0xffff;
	[tilespmem:s15+$0x6030] =	vst v37  }
0x521: {  	s0 =	sadd.s32 $0x200, s0;
	s16 =	sadd.s32 $0xFFFFFF00, s9;
	s8 =	sand.u32 $0x1C00, s8;
	v37 =	vor.u32 v5, v31;
	v35 =	vld.idx.msk [tilespmem:v35+s25+$0x0], $0xffff;
	[tilespmem:s11+$0x6060] =	vst v25  }
0x522: {  	s18 =	sadd.s32 $0xFFFFFF80, s9;
	s16 =	sand.u32 $0x280, s16;
	s8 =	sadd.s32 $0x11600, s8;
	[tilespmem:s13+$0xFFFFFFC0] =	vst v33;
	v25 =	vld.idx.msk [tilespmem:v28+s25+$0x0], $0xffff  }
0x523: {  	s22 =	sadd.s32 s16, s8;
	s16 =	sand.u32 $0x300, s18;
	[tilespmem:s0+$0xFFFFFF90] =	vst v26;
	v26 =	vld.idx.msk [tilespmem:v30+s25+$0x0], $0xffff  }
0x524: {  	s16 =	sadd.s32 s16, s8;
	[tilespmem:s22+$0x6000] =	vst v23;
	v23 =	vor.u32 v6, v19;
	v28 =	vld.idx.msk [tilespmem:v32+s25+$0x0], $0xffff  }
0x525: {  	v30 =	vld.idx.msk [tilespmem:v38+s25+$0x0], $0xffff;
	[tilespmem:s5+$0xFFFFFFF0] =	vst v24;
	v24 =	vor.u32 v10, v13  }
0x526: {  	v33 =	vor.u32 v11, v12;
	v12 =	vmov v16;
	v16 =	vmov v29;
	v32 =	vld.idx.msk [tilespmem:v34+s25+$0x0], $0xffff;
	[tilespmem:s14+$0x6010] =	vst v36  }
0x527: {  	v29 =	vor.u32 v9, v12;
	v36 =	vor.u32 v6, v17;
	[tilespmem:s15+$0x6040] =	vst v35;
	v34 =	vld.idx.msk [tilespmem:v21+s25+$0x0], $0xffff  }
0x528: {  	v21 =	vor.u32 v6, v31;
	v27 =	vld.idx.msk [tilespmem:v27+s25+$0x0], $0xffff;
	[tilespmem:s11+$0x6070] =	vst v25;
	s11 =	smov.u32 s15;
	s15 =	smov.u32 s22  }
0x529: {  	v38 =	vor.u32 v10, v15;
	v25 =	vor.u32 v7, v18;
	v35 =	vld.idx.msk [tilespmem:v23+s25+$0x0], $0xffff;
	[tilespmem:s12+$0x6050] =	vst v26  }
0x52a: {  	v39 =	vld.idx.msk [tilespmem:v24+s25+$0x0], $0xffff;
	[tilespmem:s2+$0x6050] =	vst v28  }
0x52b: {  	v28 =	vor.u32 v7, v19;
	[tilespmem:s13+$0xFFFFFFD0] =	vst v30;
	v23 =	vld.idx.msk [tilespmem:v33+s25+$0x0], $0xffff  }
0x52c: {  	[tilespmem:s16+$0x6000] =	vst v22;
	v40 =	vld.idx.msk [tilespmem:v29+s25+$0x0], $0xffff;
	v22 =	vor.u32 v11, v13;
	v13 =	vmov v18;
	v18 =	vmov v31  }
0x52d: {  	s7 =	sadd.s32 $0x3, s7;
	v41 =	vor.u32 v9, v14;
	v37 =	vld.idx.msk [tilespmem:v37+s25+$0x0], $0xffff;
	[tilespmem:s6+$0x6020] =	vst v34  }
0x52e: {  	v26 =	vor.u32 v11, v15;
	v15 =	vmov v19;
	v24 =	vmov s7;
	[tilespmem:s15+$0x6010] =	vst v27;
	v31 =	vld.idx.msk [tilespmem:v25+s25+$0x0], $0xffff  }
.Ltmp10:
0x52f: {  	v33 =	vor.u32 v6, v16;
	v19 =	vand.u32 $0x3F, v24;
	[tilespmem:s14+$0x6020] =	vst v35;
	v29 =	vld.idx.msk [tilespmem:v38+s25+$0x0], $0xffff;
	(pc) =	sbr.rel @p0 .LBB2_22-.Ltmp10, $4  }
0x530: {  	v24 =	vor.u32 v10, v12;
	v19 =	vbroadcast v19, $0x0;
	v30 =	vld.idx.msk [tilespmem:v28+s25+$0x0], $0xffff;
	[tilespmem:s12+$0x6060] =	vst v39  }
0x531: {  	[tilespmem:s0+$0xFFFFFFA0] =	vst v32;
	v28 =	vld.idx.msk [tilespmem:v22+s25+$0x0], $0xffff  }
0x532: {  	v34 =	vor.u32 v1, v19;
	v22 =	vor.u32 v8, v19;
	[tilespmem:s13+$0xFFFFFFE0] =	vst v40;
	v25 =	vld.idx.msk [tilespmem:v41+s25+$0x0], $0xffff  }
0x533: {  	v32 =	vor.u32 v8, v13;
	v27 =	vld.idx.msk [tilespmem:v36+s25+$0x0], $0xffff;
	[tilespmem:s16+$0x6010] =	vst v37  }
0x534: {  	_ =	sdelay $0x3  }
0x535: {  	v34 =	vld.idx.msk [tilespmem:v34+s25+$0x0], $0xffff  }
0x536: {  	v35 =	vor.u32 v5, v19;
	_ =	sdelay $0x1  }
0x537: {  	[tilespmem:s6+$0x6030] =	vst v31;
	s7 =	sand.u32 $0x380, s9  }
0x538: {  	[tilespmem:s2+$0x6060] =	vst v29;
	s7 =	sadd.s32 s7, s8  }
0x539: {  	[tilespmem:s7+$0x6000] =	vst v34  }
0x53a: {  	[tilespmem:s5+$0x0] =	vst v23;
	v51 =	vld.idx.msk [tilespmem:v35+s25+$0x0], $0xffff  }
0x53b: {  	v52 =	vld.idx.msk [tilespmem:v33+s25+$0x0], $0xffff;
	v53 =	vor.u32 v6, v19;
	[tilespmem:s14+$0x6030] =	vst v30  }
0x53c: {  	v54 =	vor.u32 v7, v17;
	v21 =	vld.idx.msk [tilespmem:v21+s25+$0x0], $0xffff;
	[tilespmem:s12+$0x6070] =	vst v28  }
0x53d: {  	v55 =	vor.u32 v10, v14;
	v26 =	vld.idx.msk [tilespmem:v26+s25+$0x0], $0xffff;
	[tilespmem:s11+$0x6050] =	vst v25  }
0x53e: {  	v56 =	vor.u32 v7, v16;
	v32 =	vld.idx.msk [tilespmem:v32+s25+$0x0], $0xffff;
	[tilespmem:s15+$0x6020] =	vst v27  }
0x53f: {  	v57 =	vor.u32 v7, v18;
	v20 =	vld.idx.msk [tilespmem:v20+s25+$0x0], $0xffff;
	[tilespmem:s7+$0x6010] =	vst v51  }
0x540: {  	[tilespmem:s0+$0xFFFFFFB0] =	vst v52;
	v28 =	vld.idx.msk [tilespmem:v53+s25+$0x0], $0xffff  }
0x541: {  	v59 =	vor.u32 v7, v19;
	v58 =	vld.idx.msk [tilespmem:v54+s25+$0x0], $0xffff;
	[tilespmem:s16+$0x6020] =	vst v21  }
0x542: {  	v61 =	vor.u32 v9, v13;
	v23 =	vld.idx.msk [tilespmem:v55+s25+$0x0], $0xffff;
	[tilespmem:s2+$0x6070] =	vst v26  }
0x543: {  	v36 =	vor.u32 v9, v15;
	[tilespmem:s6+$0x6040] =	vst v32;
	v27 =	vld.idx.msk [tilespmem:v56+s25+$0x0], $0xffff  }
0x544: {  	v60 =	vor.u32 v8, v17;
	v63 =	vld.idx.msk [tilespmem:v57+s25+$0x0], $0xffff;
	[tilespmem:s14+$0x6040] =	vst v20  }
0x545: {  	v33 =	vor.u32 v8, v18;
	v32 =	vld.idx.msk [tilespmem:v24+s25+$0x0], $0xffff;
	[tilespmem:s7+$0x6020] =	vst v28  }
0x546: {  	v34 =	vor.u32 v8, v16;
	[tilespmem:s15+$0x6030] =	vst v58;
	v26 =	vld.idx.msk [tilespmem:v59+s25+$0x0], $0xffff  }
0x547: {  	v37 =	vld.idx.msk [tilespmem:v61+s25+$0x0], $0xffff;
	[tilespmem:s11+$0x6060] =	vst v23  }
0x548: {  	v62 =	vor.u32 v11, v14;
	v23 =	vld.idx.msk [tilespmem:v36+s25+$0x0], $0xffff;
	[tilespmem:s0+$0xFFFFFFC0] =	vst v27  }
0x549: {  	v12 =	vor.u32 v11, v12;
	v35 =	vld.idx.msk [tilespmem:v60+s25+$0x0], $0xffff;
	[tilespmem:s16+$0x6030] =	vst v63  }
0x54a: {  	v39 =	vor.u32 v9, v17;
	[tilespmem:s13+$0xFFFFFFF0] =	vst v32;
	v40 =	vld.idx.msk [tilespmem:v33+s25+$0x0], $0xffff  }
0x54b: {  	v42 =	vor.u32 v9, v18;
	v41 =	vld.idx.msk [tilespmem:v34+s25+$0x0], $0xffff;
	[tilespmem:s7+$0x6030] =	vst v26  }
0x54c: {  	v43 =	vor.u32 v9, v16;
	[tilespmem:s6+$0x6050] =	vst v37;
	v22 =	vld.idx.msk [tilespmem:v22+s25+$0x0], $0xffff  }
0x54d: {  	v44 =	vor.u32 v9, v19;
	v14 =	vld.idx.msk [tilespmem:v62+s25+$0x0], $0xffff;
	[tilespmem:s14+$0x6050] =	vst v23  }
0x54e: {  	v38 =	vor.u32 v10, v13;
	v12 =	vld.idx.msk [tilespmem:v12+s25+$0x0], $0xffff;
	[tilespmem:s15+$0x6040] =	vst v35  }
0x54f: {  	v45 =	vor.u32 v10, v15;
	v20 =	vld.idx.msk [tilespmem:v39+s25+$0x0], $0xffff;
	[tilespmem:s16+$0x6040] =	vst v40  }
0x550: {  	v48 =	vor.u32 v10, v17;
	[tilespmem:s0+$0xFFFFFFD0] =	vst v41;
	v49 =	vld.idx.msk [tilespmem:v42+s25+$0x0], $0xffff  }
0x551: {  	v51 =	vor.u32 v10, v18;
	v50 =	vld.idx.msk [tilespmem:v43+s25+$0x0], $0xffff;
	[tilespmem:s7+$0x6040] =	vst v22  }
0x552: {  	v52 =	vor.u32 v10, v16;
	[tilespmem:s11+$0x6070] =	vst v14;
	v53 =	vld.idx.msk [tilespmem:v44+s25+$0x0], $0xffff  }
0x553: {  	v54 =	vor.u32 v10, v19;
	v46 =	vld.idx.msk [tilespmem:v38+s25+$0x0], $0xffff;
	[tilespmem:s13+$0x0] =	vst v12  }
0x554: {  	v47 =	vor.u32 v11, v13;
	v14 =	vld.idx.msk [tilespmem:v45+s25+$0x0], $0xffff;
	[tilespmem:s15+$0x6050] =	vst v20  }
0x555: {  	v55 =	vor.u32 v11, v15;
	v20 =	vld.idx.msk [tilespmem:v48+s25+$0x0], $0xffff;
	[tilespmem:s16+$0x6050] =	vst v49  }
0x556: {  	v56 =	vor.u32 v11, v17;
	[tilespmem:s0+$0xFFFFFFE0] =	vst v50;
	v57 =	vld.idx.msk [tilespmem:v51+s25+$0x0], $0xffff  }
0x557: {  	v59 =	vor.u32 v11, v18;
	v58 =	vld.idx.msk [tilespmem:v52+s25+$0x0], $0xffff;
	[tilespmem:s7+$0x6050] =	vst v53  }
0x558: {  	v60 =	vor.u32 v11, v16;
	[tilespmem:s6+$0x6060] =	vst v46;
	v61 =	vld.idx.msk [tilespmem:v54+s25+$0x0], $0xffff  }
0x559: {  	v62 =	vor.u32 v11, v19;
	v13 =	vld.idx.msk [tilespmem:v47+s25+$0x0], $0xffff;
	[tilespmem:s14+$0x6060] =	vst v14  }
0x55a: {  	v15 =	vld.idx.msk [tilespmem:v55+s25+$0x0], $0xffff;
	[tilespmem:s15+$0x6060] =	vst v20  }
0x55b: {  	v17 =	vld.idx.msk [tilespmem:v56+s25+$0x0], $0xffff;
	[tilespmem:s16+$0x6060] =	vst v57  }
0x55c: {  	[tilespmem:s0+$0xFFFFFFF0] =	vst v58;
	v18 =	vld.idx.msk [tilespmem:v59+s25+$0x0], $0xffff  }
0x55d: {  	v14 =	vld.idx.msk [tilespmem:v60+s25+$0x0], $0xffff;
	[tilespmem:s7+$0x6060] =	vst v61  }
0x55e: {  	[tilespmem:s6+$0x6070] =	vst v13;
	v63 =	vld.idx.msk [tilespmem:v62+s25+$0x0], $0xffff  }
0x55f: {  	[tilespmem:s14+$0x6070] =	vst v15  }
0x560: {  	[tilespmem:s15+$0x6070] =	vst v17  }
0x561: {  	[tilespmem:s16+$0x6070] =	vst v18  }
0x562: {  	[tilespmem:s0+$0x0] =	vst v14  }
0x563: {  	[tilespmem:s7+$0x6070] =	vst v63  }
0x564: {  	s16 =	simm.s32 $0x17600;
	s0 =	rddreg [dreg:$0xc]  }
0x565: {  	[hbm4b:s0+s28] =	stream.strided.scatter [tilespmem:s16], [sflag:$0x8], $0x2000, s29, s28, $0x38;
	[tilespmem:$0x19600] =	vst v63  }
0x566: {  	_ =	swait.ge [sflag:s24], $0x2000  }
0x567: {  	[sflag:s24] =	ssyncset.done $0x0  }
0x568: {  	[sflag:s24] =	ssyncadd.s32 $0xFFFFE000  }
0x569: {  	_ =	swait.ge [sflag:s30], $0x2000  }
0x56a: {  	[sflag:s30] =	ssyncset.done $0x0  }
0x56b: {  	s18 =	simm.s32 $0x7;
	[sflag:s30] =	ssyncadd.s32 $0xFFFFE000  }
0x56c: {  	_ =	swait.ge [sflag:s18], $0x2000  }
0x56d: {  	[sflag:s18] =	ssyncset.done $0x0  }
0x56e: {  	s22 =	simm.s32 $0x8;
	[sflag:s18] =	ssyncadd.s32 $0xFFFFE000  }
0x56f: {  	_ =	swait.ge [sflag:s22], $0x2000  }
0x570: {  	s24 =	rddreg [dreg:$0xe]  }
0x571: {  	s30 =	rddreg [dreg:$0xd];
	s5 =	sadd.s32 $0x1, s24  }
0x572: {  	p0 =	sne.s32 s5, s30  }
.Ltmp11:
0x573: {  	_ = 	snop;
	(pc) =	sbr.rel @p0 .LBB2_1-.Ltmp11, $3  }
0x574: {  	_ =	sdelay $0x1  }
0x575: {  	[sflag:s22] =	ssyncset.done $0x0  }
0x576: {  	s6 =	simm.s32 $0x9;
	[sflag:s22] =	ssyncadd.s32 $0xFFFFE000  }
0x577: {  	_ =	sfence.sel $0x180000  }
0x578: {  	[bflag:$0x0] =	sbarrier.arrive $0xFFFF  }
0x579: {  	_ =	strace $0x90000047  }
0x57a: {  	s0 =	stileid.u32;
	[bflag:$0x2] =	sbarrier.arrive $0xFFFF  }
0x57b: {  	p0 =	sne.s32 s0, $0x0;
	s0 =	rddreg [dreg:$0x2]  }
0x57c: {  	s0 =	sadd.s32 @!p0 $0x100000, s0  }
0x57d: {  	[sflag:s0] =	ssyncadd.tile.s32 @!p0 $0x1;
	_ =	shalt  }
.Lfunc_end2:
_tile_overlayer_lowered:
.L_overlay_start_2:
0x57e: {  	(tag) =	ssettag $0x2  }
0x57f: {  	s0 =	rddreg [dreg:$0x0];
	s2 =	stileid.u32  }
0x580: {  	s1 =	rddreg [dreg:$0x1];
	p0 =	sne.s32 s2, $0x0  }
0x581: {  	s3 =	rddreg [dreg:$0x2];
	[bflag:$0x3] =	sbarrier.arrive $0xFFFF;
	s2 =	simm.s32 @!p0 $0x1C09  }
0x582: {  	[timem:s3], [sflag:s2] =	dma.local @!p0 [hbm:s0], s1  }
0x583: {  	s0 =	simm.s32 @!p0 $0x9  }
0x584: {  	_ =	swait.ge @!p0 [sflag:s0], s1  }
0x585: {  	s1 =	ssub.s32 @!p0 $0x0, s1;
	[sflag:s0] =	ssyncset.done @!p0 $0x0  }
0x586: {  	[sflag:s0] =	ssyncadd.s32 @!p0 s1  }
0x587: {  	[bflag:$0x3] =	sbarrier.arrive $0xFFFF  }
0x588: {  	_ =	shalt  }

</sc_bundles>
